<compile_context>
chip_gen: v7x
topology: tpu7x:2x2x1
jax: 0.10.2.dev20260603
libtpu: 0.0.44.dev20260713+nightly
codegen_flags: <defaults>
</compile_context>

<pallas_src>
import jax
import jax.numpy as jnp
from jax import lax
from jax.experimental import pallas as pl
from jax.experimental.pallas import tpu as pltpu
from jax.experimental.pallas import tpu_sc as plsc

N_NODES = 10000
N_EDGES = 320000
D_FEAT = 128
HIDDEN = 64
N_GRAPHS = 64

NC = 2
NS = 16
NW = NC * NS
CHUNK = 128
EPT = N_EDGES // NW
NCH = 80
TPT = NCH * CHUNK
RING = 8
ROWS_PER_TILE = 632
N_PAD = ROWS_PER_TILE * NS

_MESH = plsc.VectorSubcoreMesh(
    core_axis_name="c", subcore_axis_name="s", num_cores=NC, num_subcores=NS)


def _fill_dummy_tail(idx_v):
  lane = lax.iota(jnp.int32, 16)
  for i in range((TPT - EPT) // 16):
    off = i * 16
    idx_v[pl.ds(EPT + off, 16)] = N_NODES + (off + lane) % (N_PAD - N_NODES)


def _deg_body(ei, ones_v_hbm, zeros16, out, ones_v, dst_v, deg_sh, sem):
  cid = lax.axis_index("c")
  sid = lax.axis_index("s")
  wid = cid * NS + sid
  r0 = sid * ROWS_PER_TILE
  pltpu.sync_copy(zeros16.at[pl.ds(r0, ROWS_PER_TILE)],
                  deg_sh.at[pl.ds(r0, ROWS_PER_TILE)])
  pltpu.sync_copy(ones_v_hbm, ones_v)
  pltpu.sync_copy(ei.at[1, pl.ds(wid * EPT, EPT)], dst_v.at[pl.ds(0, EPT)])
  _fill_dummy_tail(dst_v)
  plsc.subcore_barrier()

  def _deg_desc(j):
    return pltpu.make_async_copy(
        ones_v, deg_sh.at[dst_v.at[pl.ds(j * CHUNK, CHUNK)]], sem)

  @pl.loop(0, NCH)
  def _(j):
    pltpu.async_copy(
        ones_v, deg_sh.at[dst_v.at[pl.ds(j * CHUNK, CHUNK)]], sem, add=True)

  @pl.loop(0, NCH)
  def _(j):
    _deg_desc(j).wait()

  plsc.subcore_barrier()
  pltpu.sync_copy(deg_sh.at[pl.ds(r0, ROWS_PER_TILE)],
                  out.at[cid, pl.ds(r0, ROWS_PER_TILE)])


_SC_PARAMS = pltpu.CompilerParams(use_tc_tiling_on_sc=False)

_deg_call = pl.kernel(
    _deg_body,
    out_type=jax.ShapeDtypeStruct((NC, N_PAD, 16), jnp.float32),
    mesh=_MESH,
    compiler_params=_SC_PARAMS,
    scratch_types=[
        pltpu.VMEM((CHUNK, 16), jnp.float32),
        pltpu.VMEM((TPT,), jnp.int32),
        pltpu.VMEM_SHARED((N_PAD, 16), jnp.float32),
        pltpu.SemaphoreType.DMA,
    ],
)


def _agg_body(h_hbm, ei, zeros64, out, src_v, dst_v, *bufs):
  rows = bufs[:RING]
  acc_sh = bufs[RING]
  (gsem0, gsem1, gsem2, gsem3, gsem4, gsem5, gsem6, gsem7,
   ssem0, ssem1, ssem2, ssem3, ssem4, ssem5, ssem6, ssem7) = bufs[RING + 1:]
  cid = lax.axis_index("c")
  sid = lax.axis_index("s")
  wid = cid * NS + sid
  r0 = sid * ROWS_PER_TILE
  pltpu.sync_copy(zeros64.at[pl.ds(r0, ROWS_PER_TILE)],
                  acc_sh.at[pl.ds(r0, ROWS_PER_TILE)])
  pltpu.sync_copy(ei.at[0, pl.ds(wid * EPT, EPT)], src_v.at[pl.ds(0, EPT)])
  pltpu.sync_copy(ei.at[1, pl.ds(wid * EPT, EPT)], dst_v.at[pl.ds(0, EPT)])
  _fill_dummy_tail(src_v)
  _fill_dummy_tail(dst_v)
  plsc.subcore_barrier()

  gsem = (gsem0, gsem1, gsem2, gsem3, gsem4, gsem5, gsem6, gsem7)
  ssem = (ssem0, ssem1, ssem2, ssem3, ssem4, ssem5, ssem6, ssem7)
  H = RING // 2

  def _gather(k, b):
    pltpu.async_copy(
        h_hbm.at[src_v.at[pl.ds(k * CHUNK, CHUNK)]], rows[b], gsem[b])

  def _scat_desc(k, b):
    return pltpu.make_async_copy(
        rows[b], acc_sh.at[dst_v.at[pl.ds(k * CHUNK, CHUNK)]], ssem[b])

  for b in range(H):
    _gather(b, b)

  @pl.loop(0, NCH, step=RING)
  def _(j):
    for b in range(RING):
      k = j + b

      @pl.when(k >= H)
      def _():
        _scat_desc(k - H, (b + H) % RING).wait()

      @pl.when(k + H < NCH)
      def _():
        _gather(k + H, (b + H) % RING)

      pltpu.make_async_copy(
          h_hbm.at[src_v.at[pl.ds(k * CHUNK, CHUNK)]], rows[b],
          gsem[b]).wait()
      pltpu.async_copy(
          rows[b], acc_sh.at[dst_v.at[pl.ds(k * CHUNK, CHUNK)]], ssem[b],
          add=True)

  for t in range(H):
    _scat_desc(NCH - H + t, (NCH - H + t) % RING).wait()
  plsc.subcore_barrier()
  pltpu.sync_copy(acc_sh.at[pl.ds(r0, ROWS_PER_TILE)],
                  out.at[cid, pl.ds(r0, ROWS_PER_TILE)])


_agg_call = pl.kernel(
    _agg_body,
    out_type=jax.ShapeDtypeStruct((NC, N_PAD, HIDDEN), jnp.float32),
    mesh=_MESH,
    compiler_params=_SC_PARAMS,
    scratch_types=[
        pltpu.VMEM((TPT,), jnp.int32),
        pltpu.VMEM((TPT,), jnp.int32),
    ] + [pltpu.VMEM((CHUNK, HIDDEN), jnp.float32)] * RING + [
        pltpu.VMEM_SHARED((N_PAD, HIDDEN), jnp.float32),
    ] + [pltpu.SemaphoreType.DMA] * (2 * RING),
)


NPP = N_PAD // 2
NDR = N_PAD // 8


def _disp(degp):
  d = degp[0] + degp[1]
  drep = jnp.broadcast_to(d[:, None, :], (NDR, 4, 128)).reshape(NPP, 128)
  q = lax.broadcasted_iota(jnp.int32, (NPP, 128), 0) % 4
  lane = lax.broadcasted_iota(jnp.int32, (NPP, 128), 1)
  dege = jnp.sum(jnp.where(lane == 32 * q, drep, 0.0), axis=1, keepdims=True)
  dego = jnp.sum(
      jnp.where(lane == 32 * q + 16, drep, 0.0), axis=1, keepdims=True)
  dise = lax.rsqrt(dege + 1.0)
  diso = lax.rsqrt(dego + 1.0)
  return jnp.where(lane < 64, dise, diso)


def _tc1_body(degp, xe_ref, xo_ref, w_ref, h_out):
  disp = _disp(degp)
  he = jnp.dot(xe_ref[...], w_ref[...], preferred_element_type=jnp.float32)
  ho = jnp.dot(xo_ref[...], w_ref[...], preferred_element_type=jnp.float32)
  hp = jnp.concatenate([he, ho], axis=1)
  hp = jnp.concatenate(
      [hp, jnp.zeros((NPP - N_NODES // 2, 128), jnp.float32)], axis=0)
  h_out[...] = hp * disp


def _tc2_body(part, hs_ref, degp, b_ref, w_ref, out_ref):
  disp = _disp(degp)
  s = part[0] + part[1] + hs_ref[...]
  h = jnp.maximum(disp * s + b_ref[...], 0.0)
  out_ref[...] = jnp.dot(
      h, w_ref[...], preferred_element_type=jnp.float32) * disp


def _tc3_body(part, hs_ref, degp, b_ref, be_ref, bo_ref, wout_ref, bout_ref,
              out_ref):
  disp = _disp(degp)
  s = part[0] + part[1] + hs_ref[...]
  h2 = jnp.maximum(disp * s + b_ref[...], 0.0)
  gids = lax.broadcasted_iota(jnp.int32, (N_GRAPHS, NPP), 0)
  ma = (gids == be_ref[...]).astype(jnp.float32)
  mb = (gids == bo_ref[...]).astype(jnp.float32)
  sums = (jnp.dot(ma, h2[:, :HIDDEN], preferred_element_type=jnp.float32)
          + jnp.dot(mb, h2[:, HIDDEN:], preferred_element_type=jnp.float32))
  cnt = (jnp.sum(ma, axis=1, keepdims=True)
         + jnp.sum(mb, axis=1, keepdims=True))
  g = sums / jnp.maximum(cnt, 1.0)
  out_ref[...] = jnp.dot(
      g, wout_ref[...], preferred_element_type=jnp.float32) + bout_ref[...]


def kernel(x, edge_index, batch, W1, b1, W2, b2, Wout, bout):
  ei = edge_index.astype(jnp.int32)
  zeros16 = jnp.zeros((N_PAD, 16), jnp.float32)
  zeros64 = jnp.zeros((N_PAD, HIDDEN), jnp.float32)
  ones_v = jnp.ones((CHUNK, 16), jnp.float32)
  batch_p = jnp.full((N_PAD,), N_GRAPHS, jnp.int32).at[:N_NODES].set(
      batch.astype(jnp.int32))
  b_even = batch_p[0::2].reshape(1, NPP)
  b_odd = batch_p[1::2].reshape(1, NPP)
  xe, xo = x[0::2], x[1::2]
  w2d = jnp.zeros((128, 128), jnp.float32)
  w2d = w2d.at[:HIDDEN, :HIDDEN].set(W2).at[HIDDEN:, HIDDEN:].set(W2)
  b1p = jnp.concatenate([b1, b1]).reshape(1, 128)
  b2p = jnp.concatenate([b2, b2]).reshape(1, 128)

  degp = _deg_call(ei, ones_v, zeros16).reshape(NC, NDR, 128)

  h1s = pl.pallas_call(
      _tc1_body,
      out_shape=jax.ShapeDtypeStruct((NPP, 128), jnp.float32),
  )(degp, xe, xo, W1)

  part1 = _agg_call(h1s.reshape(N_PAD, HIDDEN), ei, zeros64)

  h2s = pl.pallas_call(
      _tc2_body,
      out_shape=jax.ShapeDtypeStruct((NPP, 128), jnp.float32),
  )(part1.reshape(NC, NPP, 128), h1s, degp, b1p, w2d)

  part2 = _agg_call(h2s.reshape(N_PAD, HIDDEN), ei, zeros64)

  return pl.pallas_call(
      _tc3_body,
      out_shape=jax.ShapeDtypeStruct((N_GRAPHS, 2), jnp.float32),
  )(part2.reshape(NC, NPP, 128), h2s, degp, b2p, b_even, b_odd, Wout,
    bout.reshape(1, 2))

# --- scband reference (transcript-rebuilt; emitter-appended) ---
"""Pipeline reference for scband-gcn-60163901882497 (READ-ONLY COPY).

The authoritative reference and input builder live on the scoring server;
editing this copy changes nothing except your own understanding.
"""

import jax, jax.numpy as jnp
import numpy as np

NUM_NODES = 10000
NUM_EDGES = 320000
D_FEAT = 128
HIDDEN = 64
NUM_CLASSES = 2
NUM_GRAPHS = 64


def gcn_conv(x, edge_index, W, b, num_nodes):
    # PyG GCNConv: add self-loops, symmetric normalization D^-1/2 A D^-1/2, then linear + bias
    src = edge_index[0]
    dst = edge_index[1]
    loop = jnp.arange(num_nodes, dtype=src.dtype)
    src = jnp.concatenate([src, loop])
    dst = jnp.concatenate([dst, loop])
    deg = jnp.zeros((num_nodes,), dtype=x.dtype).at[dst].add(1.0)
    deg_inv_sqrt = jnp.where(deg > 0, jax.lax.rsqrt(deg), 0.0)
    norm = deg_inv_sqrt[src] * deg_inv_sqrt[dst]
    h = x @ W
    msg = h[src] * norm[:, None]
    out = jnp.zeros((num_nodes, W.shape[1]), dtype=x.dtype).at[dst].add(msg)
    return out + b


def global_mean_pool(x, batch, num_graphs):
    sums = jax.ops.segment_sum(x, batch, num_segments=num_graphs)
    counts = jax.ops.segment_sum(jnp.ones((x.shape[0],), dtype=x.dtype), batch, num_segments=num_graphs)
    return sums / jnp.maximum(counts, 1.0)[:, None]


def setup_inputs(seed: int = 0) -> dict:
    key = jax.random.key(seed)
    ks = jax.random.split(key, 10)
    x = jax.random.normal(ks[0], (NUM_NODES, D_FEAT), dtype=jnp.float32)
    edge_index = jax.random.randint(ks[1], (2, NUM_EDGES), 0, NUM_NODES, dtype=jnp.int64)
    batch = jnp.sort(jax.random.randint(ks[2], (NUM_NODES,), 0, NUM_GRAPHS, dtype=jnp.int64))
    W1 = jax.random.normal(ks[3], (D_FEAT, HIDDEN), dtype=jnp.float32) * (1.0 / np.sqrt(D_FEAT))
    b1 = jnp.zeros((HIDDEN,), dtype=jnp.float32)
    W2 = jax.random.normal(ks[4], (HIDDEN, HIDDEN), dtype=jnp.float32) * (1.0 / np.sqrt(HIDDEN))
    b2 = jnp.zeros((HIDDEN,), dtype=jnp.float32)
    Wout = jax.random.normal(ks[5], (HIDDEN, NUM_CLASSES), dtype=jnp.float32) * (1.0 / np.sqrt(HIDDEN))
    bout = jnp.zeros((NUM_CLASSES,), dtype=jnp.float32)
    return {"x": x, "edge_index": edge_index, "batch": batch, "W1": W1, "b1": b1, "W2": W2, "b2": b2, "Wout": Wout, "bout": bout}


def reference(x, edge_index, batch, W1, b1, W2, b2, Wout, bout):
    num_nodes = x.shape[0]
    h = gcn_conv(x, edge_index, W1, b1, num_nodes)
    h = jax.nn.relu(h)
    # dropout p=0.5 is identity in eval mode
    h = gcn_conv(h, edge_index, W2, b2, num_nodes)
    h = jax.nn.relu(h)
    g = global_mean_pool(h, batch, NUM_GRAPHS)
    # dropout p=0.5 is identity in eval mode
    out = g @ Wout + bout
    return out

if __name__ == "__main__":
    import jax
    _d = setup_inputs()
    print(jax.jit(kernel)(*tuple(_d.values())))

</pallas_src>

<mosaic_0001>
#map = affine_map<(d0, d1) -> (0, 0)>
#map1 = affine_map<(d0, d1) -> (0, 0, 0)>
module attributes {stable_mosaic.version = 14 : i64} {
  func.func @_deg_body(%arg0: i32, %arg1: i32, %arg2: memref<2x320000xi32, #tpu.memory_space<hbm>>, %arg3: memref<128x16xf32, #tpu.memory_space<hbm>>, %arg4: memref<10112x16xf32, #tpu.memory_space<hbm>>, %arg5: memref<2x10112x16xf32, #tpu.memory_space<hbm>>, %arg6: memref<128x16xf32, #tpu.memory_space<vmem>>, %arg7: memref<10240xi32, #tpu.memory_space<vmem>>, %arg8: memref<10112x16xf32, #tpu.memory_space<vmem_shared>>, %arg9: memref<!tpu.dma_semaphore, #tpu.memory_space<semaphore_mem>>) attributes {dimension_semantics = [#tpu.dimension_semantics<core_parallel>, #tpu.dimension_semantics<subcore_parallel>], iteration_bounds = array<i64: 2, 16>, scalar_prefetch = 0 : i64, scratch_operands = 4 : i64, tpu.core_type = #tpu.core_type<sc_vector_subcore>, window_params = [{transform_indices = #map}, {transform_indices = #map}, {transform_indices = #map}, {transform_indices = #map1}]} {
    %mul3A = arith.constant 16 : i32
    %mul3A_0 = arith.muli %arg0, %mul3A : i32
    %add3A = arith.addi %mul3A_0, %arg1 : i32
    %mul3A_1 = arith.constant 632 : i32
    %mul3A_2 = arith.muli %arg1, %mul3A_1 : i32
    "tpu.region"() ({
      %run_scoped3A_487 = tpu.sem_alloc : memref<!tpu.dma_semaphore, #tpu.memory_space<semaphore_mem>>
      %dma_start3A = arith.constant 0 : i32
      %dma_start3A_488 = tpu.memref_slice %arg8[%mul3A_2, %dma_start3A] : memref<10112x16xf32, #tpu.memory_space<vmem_shared>> -> memref<632x16xf32, #tpu.memory_space<vmem_shared>>
      %dma_start3A_489 = arith.constant 0 : i32
      %dma_start3A_490 = tpu.memref_slice %arg4[%mul3A_2, %dma_start3A_489] : memref<10112x16xf32, #tpu.memory_space<hbm>> -> memref<632x16xf32, #tpu.memory_space<hbm>>
      tpu.enqueue_dma source(%dma_start3A_490 : memref<632x16xf32, #tpu.memory_space<hbm>>) target(%dma_start3A_488 : memref<632x16xf32, #tpu.memory_space<vmem_shared>>) target_semaphore(%run_scoped3A_487 : memref<!tpu.dma_semaphore, #tpu.memory_space<semaphore_mem>>)
      %dma_wait3A = arith.constant 0 : i32
      %dma_wait3A_491 = tpu.memref_slice %arg8[%mul3A_2, %dma_wait3A] : memref<10112x16xf32, #tpu.memory_space<vmem_shared>> -> memref<632x16xf32, #tpu.memory_space<vmem_shared>>
      %dma_wait3A_492 = arith.constant 0 : i32
      %dma_wait3A_493 = tpu.memref_slice %arg4[%mul3A_2, %dma_wait3A_492] : memref<10112x16xf32, #tpu.memory_space<hbm>> -> memref<632x16xf32, #tpu.memory_space<hbm>>
      tpu.wait_dma2 semaphore(%run_scoped3A_487 : memref<!tpu.dma_semaphore, #tpu.memory_space<semaphore_mem>>) src(%dma_wait3A_493 : memref<632x16xf32, #tpu.memory_space<hbm>>) dst(%dma_wait3A_491 : memref<632x16xf32, #tpu.memory_space<vmem_shared>>)
      tpu.yield
    }) : () -> ()
    "tpu.region"() ({
      %run_scoped3A_487 = tpu.sem_alloc : memref<!tpu.dma_semaphore, #tpu.memory_space<semaphore_mem>>
      tpu.enqueue_dma source(%arg3 : memref<128x16xf32, #tpu.memory_space<hbm>>) target(%arg6 : memref<128x16xf32, #tpu.memory_space<vmem>>) target_semaphore(%run_scoped3A_487 : memref<!tpu.dma_semaphore, #tpu.memory_space<semaphore_mem>>)
      tpu.wait_dma2 semaphore(%run_scoped3A_487 : memref<!tpu.dma_semaphore, #tpu.memory_space<semaphore_mem>>) src(%arg3 : memref<128x16xf32, #tpu.memory_space<hbm>>) dst(%arg6 : memref<128x16xf32, #tpu.memory_space<vmem>>)
      tpu.yield
    }) : () -> ()
    %mul3A_3 = arith.constant 10000 : i32
    %mul3A_4 = arith.muli %add3A, %mul3A_3 : i32
    %run_scoped3A = arith.constant 1 : i32
    "tpu.region"() ({
      %run_scoped3A_487 = tpu.sem_alloc : memref<!tpu.dma_semaphore, #tpu.memory_space<semaphore_mem>>
      %dma_start3A = arith.constant 0 : i32
      %dma_start3A_488 = tpu.memref_slice %arg7[%dma_start3A] : memref<10240xi32, #tpu.memory_space<vmem>> -> memref<10000xi32, #tpu.memory_space<vmem>>
      %dma_start3A_489 = tpu.memref_slice %arg2[%run_scoped3A, %mul3A_4] : memref<2x320000xi32, #tpu.memory_space<hbm>> -> memref<1x10000xi32, #tpu.memory_space<hbm>>
      %dma_start3A_490 = tpu.memref_squeeze %dma_start3A_489 : memref<1x10000xi32, #tpu.memory_space<hbm>> -> memref<10000xi32, #tpu.memory_space<hbm>>
      %dma_start3A_491 = arith.constant 0 : i32
      %dma_start3A_492 = tpu.memref_slice %arg7[%dma_start3A_491] : memref<10240xi32, #tpu.memory_space<vmem>> -> memref<10000xi32, #tpu.memory_space<vmem>>
      %dma_start3A_493 = tpu.memref_slice %arg2[%run_scoped3A, %mul3A_4] : memref<2x320000xi32, #tpu.memory_space<hbm>> -> memref<1x10000xi32, #tpu.memory_space<hbm>>
      %dma_start3A_494 = tpu.memref_squeeze %dma_start3A_493 : memref<1x10000xi32, #tpu.memory_space<hbm>> -> memref<10000xi32, #tpu.memory_space<hbm>>
      tpu.enqueue_dma source(%dma_start3A_494 : memref<10000xi32, #tpu.memory_space<hbm>>) target(%dma_start3A_492 : memref<10000xi32, #tpu.memory_space<vmem>>) target_semaphore(%run_scoped3A_487 : memref<!tpu.dma_semaphore, #tpu.memory_space<semaphore_mem>>)
      %dma_wait3A = arith.constant 0 : i32
      %dma_wait3A_495 = tpu.memref_slice %arg7[%dma_wait3A] : memref<10240xi32, #tpu.memory_space<vmem>> -> memref<10000xi32, #tpu.memory_space<vmem>>
      %dma_wait3A_496 = tpu.memref_slice %arg2[%run_scoped3A, %mul3A_4] : memref<2x320000xi32, #tpu.memory_space<hbm>> -> memref<1x10000xi32, #tpu.memory_space<hbm>>
      %dma_wait3A_497 = tpu.memref_squeeze %dma_wait3A_496 : memref<1x10000xi32, #tpu.memory_space<hbm>> -> memref<10000xi32, #tpu.memory_space<hbm>>
      %dma_wait3A_498 = arith.constant 0 : i32
      %dma_wait3A_499 = tpu.memref_slice %arg7[%dma_wait3A_498] : memref<10240xi32, #tpu.memory_space<vmem>> -> memref<10000xi32, #tpu.memory_space<vmem>>
      %dma_wait3A_500 = tpu.memref_slice %arg2[%run_scoped3A, %mul3A_4] : memref<2x320000xi32, #tpu.memory_space<hbm>> -> memref<1x10000xi32, #tpu.memory_space<hbm>>
      %dma_wait3A_501 = tpu.memref_squeeze %dma_wait3A_500 : memref<1x10000xi32, #tpu.memory_space<hbm>> -> memref<10000xi32, #tpu.memory_space<hbm>>
      tpu.wait_dma2 semaphore(%run_scoped3A_487 : memref<!tpu.dma_semaphore, #tpu.memory_space<semaphore_mem>>) src(%dma_wait3A_501 : memref<10000xi32, #tpu.memory_space<hbm>>) dst(%dma_wait3A_499 : memref<10000xi32, #tpu.memory_space<vmem>>)
      tpu.yield
    }) : () -> ()
    %iota3A = tpu.iota {dimensions = array<i32: 0>} : vector<16xi32>
    %add3A_5 = arith.constant 0 : i32
    %add3A_6 = vector.broadcast %add3A_5 : i32 to vector<16xi32>
    %add3A_7 = arith.addi %add3A_6, %iota3A : vector<16xi32>
    %jit3A = arith.constant 112 : i32
    %eq3A = arith.constant 0 : i32
    %eq3A_8 = arith.cmpi eq, %jit3A, %eq3A : i32
    %jit3A_9 = arith.constant 1 : i32
    %select_n3A = arith.select %eq3A_8, %jit3A_9, %jit3A : i32
    %rem3A = vector.broadcast %select_n3A : i32 to vector<16xi32>
    %rem3A_10 = arith.remsi %add3A_7, %rem3A : vector<16xi32>
    %ne3A = arith.constant 0 : i32
    %ne3A_11 = vector.broadcast %ne3A : i32 to vector<16xi32>
    %ne3A_12 = arith.cmpi ne, %rem3A_10, %ne3A_11 : vector<16xi32>
    %lt3A = arith.constant 0 : i32
    %lt3A_13 = vector.broadcast %lt3A : i32 to vector<16xi32>
    %lt3A_14 = arith.cmpi slt, %rem3A_10, %lt3A_13 : vector<16xi32>
    %lt3A_15 = arith.constant 0 : i32
    %lt3A_16 = arith.cmpi slt, %select_n3A, %lt3A_15 : i32
    %ne3A_17 = vector.broadcast %lt3A_16 : i1 to vector<16xi1>
    %ne3A_18 = vector.broadcast %ne3A_17 : vector<16xi1> to vector<16xi1>
    %ne3A_19 = arith.xori %lt3A_14, %ne3A_18 : vector<16xi1>
    %and3A = arith.andi %ne3A_19, %ne3A_12 : vector<16xi1>
    %add3A_20 = vector.broadcast %select_n3A : i32 to vector<16xi32>
    %add3A_21 = arith.addi %rem3A_10, %add3A_20 : vector<16xi32>
    %select_n3A_22 = arith.select %and3A, %add3A_21, %rem3A_10 : vector<16xi1>, vector<16xi32>
    %add3A_23 = arith.constant 10000 : i32
    %add3A_24 = vector.broadcast %add3A_23 : i32 to vector<16xi32>
    %add3A_25 = arith.addi %add3A_24, %select_n3A_22 : vector<16xi32>
    %swap3A = arith.constant 10000 : index
    %swap3A_26 = tpu.vector_load %arg7[%swap3A] {strides = array<i32>} : memref<10240xi32, #tpu.memory_space<vmem>>, vector<16xi32>,
    %swap3A_27 = vector.shape_cast %swap3A_26 : vector<16xi32> to vector<16xi32>
    %swap3A_28 = vector.shape_cast %add3A_25 : vector<16xi32> to vector<16xi32>
    tpu.vector_store %arg7[%swap3A], %swap3A_28 {strides = array<i32>} : memref<10240xi32, #tpu.memory_space<vmem>>, vector<16xi32>,
    %add3A_29 = arith.constant 16 : i32
    %add3A_30 = vector.broadcast %add3A_29 : i32 to vector<16xi32>
    %add3A_31 = arith.addi %add3A_30, %iota3A : vector<16xi32>
    %jit3A_32 = arith.constant 112 : i32
    %eq3A_33 = arith.constant 0 : i32
    %eq3A_34 = arith.cmpi eq, %jit3A_32, %eq3A_33 : i32
    %jit3A_35 = arith.constant 1 : i32
    %select_n3A_36 = arith.select %eq3A_34, %jit3A_35, %jit3A_32 : i32
    %rem3A_37 = vector.broadcast %select_n3A_36 : i32 to vector<16xi32>
    %rem3A_38 = arith.remsi %add3A_31, %rem3A_37 : vector<16xi32>
    %ne3A_39 = arith.constant 0 : i32
    %ne3A_40 = vector.broadcast %ne3A_39 : i32 to vector<16xi32>
    %ne3A_41 = arith.cmpi ne, %rem3A_38, %ne3A_40 : vector<16xi32>
    %lt3A_42 = arith.constant 0 : i32
    %lt3A_43 = vector.broadcast %lt3A_42 : i32 to vector<16xi32>
    %lt3A_44 = arith.cmpi slt, %rem3A_38, %lt3A_43 : vector<16xi32>
    %lt3A_45 = arith.constant 0 : i32
    %lt3A_46 = arith.cmpi slt, %select_n3A_36, %lt3A_45 : i32
    %ne3A_47 = vector.broadcast %lt3A_46 : i1 to vector<16xi1>
    %ne3A_48 = vector.broadcast %ne3A_47 : vector<16xi1> to vector<16xi1>
    %ne3A_49 = arith.xori %lt3A_44, %ne3A_48 : vector<16xi1>
    %and3A_50 = arith.andi %ne3A_49, %ne3A_41 : vector<16xi1>
    %add3A_51 = vector.broadcast %select_n3A_36 : i32 to vector<16xi32>
    %add3A_52 = arith.addi %rem3A_38, %add3A_51 : vector<16xi32>
    %select_n3A_53 = arith.select %and3A_50, %add3A_52, %rem3A_38 : vector<16xi1>, vector<16xi32>
    %add3A_54 = arith.constant 10000 : i32
    %add3A_55 = vector.broadcast %add3A_54 : i32 to vector<16xi32>
    %add3A_56 = arith.addi %add3A_55, %select_n3A_53 : vector<16xi32>
    %swap3A_57 = arith.constant 10016 : index
    %swap3A_58 = tpu.vector_load %arg7[%swap3A_57] {strides = array<i32>} : memref<10240xi32, #tpu.memory_space<vmem>>, vector<16xi32>,
    %swap3A_59 = vector.shape_cast %swap3A_58 : vector<16xi32> to vector<16xi32>
    %swap3A_60 = vector.shape_cast %add3A_56 : vector<16xi32> to vector<16xi32>
    tpu.vector_store %arg7[%swap3A_57], %swap3A_60 {strides = array<i32>} : memref<10240xi32, #tpu.memory_space<vmem>>, vector<16xi32>,
    %add3A_61 = arith.constant 32 : i32
    %add3A_62 = vector.broadcast %add3A_61 : i32 to vector<16xi32>
    %add3A_63 = arith.addi %add3A_62, %iota3A : vector<16xi32>
    %jit3A_64 = arith.constant 112 : i32
    %eq3A_65 = arith.constant 0 : i32
    %eq3A_66 = arith.cmpi eq, %jit3A_64, %eq3A_65 : i32
    %jit3A_67 = arith.constant 1 : i32
    %select_n3A_68 = arith.select %eq3A_66, %jit3A_67, %jit3A_64 : i32
    %rem3A_69 = vector.broadcast %select_n3A_68 : i32 to vector<16xi32>
    %rem3A_70 = arith.remsi %add3A_63, %rem3A_69 : vector<16xi32>
    %ne3A_71 = arith.constant 0 : i32
    %ne3A_72 = vector.broadcast %ne3A_71 : i32 to vector<16xi32>
    %ne3A_73 = arith.cmpi ne, %rem3A_70, %ne3A_72 : vector<16xi32>
    %lt3A_74 = arith.constant 0 : i32
    %lt3A_75 = vector.broadcast %lt3A_74 : i32 to vector<16xi32>
    %lt3A_76 = arith.cmpi slt, %rem3A_70, %lt3A_75 : vector<16xi32>
    %lt3A_77 = arith.constant 0 : i32
    %lt3A_78 = arith.cmpi slt, %select_n3A_68, %lt3A_77 : i32
    %ne3A_79 = vector.broadcast %lt3A_78 : i1 to vector<16xi1>
    %ne3A_80 = vector.broadcast %ne3A_79 : vector<16xi1> to vector<16xi1>
    %ne3A_81 = arith.xori %lt3A_76, %ne3A_80 : vector<16xi1>
    %and3A_82 = arith.andi %ne3A_81, %ne3A_73 : vector<16xi1>
    %add3A_83 = vector.broadcast %select_n3A_68 : i32 to vector<16xi32>
    %add3A_84 = arith.addi %rem3A_70, %add3A_83 : vector<16xi32>
    %select_n3A_85 = arith.select %and3A_82, %add3A_84, %rem3A_70 : vector<16xi1>, vector<16xi32>
    %add3A_86 = arith.constant 10000 : i32
    %add3A_87 = vector.broadcast %add3A_86 : i32 to vector<16xi32>
    %add3A_88 = arith.addi %add3A_87, %select_n3A_85 : vector<16xi32>
    %swap3A_89 = arith.constant 10032 : index
    %swap3A_90 = tpu.vector_load %arg7[%swap3A_89] {strides = array<i32>} : memref<10240xi32, #tpu.memory_space<vmem>>, vector<16xi32>,
    %swap3A_91 = vector.shape_cast %swap3A_90 : vector<16xi32> to vector<16xi32>
    %swap3A_92 = vector.shape_cast %add3A_88 : vector<16xi32> to vector<16xi32>
    tpu.vector_store %arg7[%swap3A_89], %swap3A_92 {strides = array<i32>} : memref<10240xi32, #tpu.memory_space<vmem>>, vector<16xi32>,
    %add3A_93 = arith.constant 48 : i32
    %add3A_94 = vector.broadcast %add3A_93 : i32 to vector<16xi32>
    %add3A_95 = arith.addi %add3A_94, %iota3A : vector<16xi32>
    %jit3A_96 = arith.constant 112 : i32
    %eq3A_97 = arith.constant 0 : i32
    %eq3A_98 = arith.cmpi eq, %jit3A_96, %eq3A_97 : i32
    %jit3A_99 = arith.constant 1 : i32
    %select_n3A_100 = arith.select %eq3A_98, %jit3A_99, %jit3A_96 : i32
    %rem3A_101 = vector.broadcast %select_n3A_100 : i32 to vector<16xi32>
    %rem3A_102 = arith.remsi %add3A_95, %rem3A_101 : vector<16xi32>
    %ne3A_103 = arith.constant 0 : i32
    %ne3A_104 = vector.broadcast %ne3A_103 : i32 to vector<16xi32>
    %ne3A_105 = arith.cmpi ne, %rem3A_102, %ne3A_104 : vector<16xi32>
    %lt3A_106 = arith.constant 0 : i32
    %lt3A_107 = vector.broadcast %lt3A_106 : i32 to vector<16xi32>
    %lt3A_108 = arith.cmpi slt, %rem3A_102, %lt3A_107 : vector<16xi32>
    %lt3A_109 = arith.constant 0 : i32
    %lt3A_110 = arith.cmpi slt, %select_n3A_100, %lt3A_109 : i32
    %ne3A_111 = vector.broadcast %lt3A_110 : i1 to vector<16xi1>
    %ne3A_112 = vector.broadcast %ne3A_111 : vector<16xi1> to vector<16xi1>
    %ne3A_113 = arith.xori %lt3A_108, %ne3A_112 : vector<16xi1>
    %and3A_114 = arith.andi %ne3A_113, %ne3A_105 : vector<16xi1>
    %add3A_115 = vector.broadcast %select_n3A_100 : i32 to vector<16xi32>
    %add3A_116 = arith.addi %rem3A_102, %add3A_115 : vector<16xi32>
    %select_n3A_117 = arith.select %and3A_114, %add3A_116, %rem3A_102 : vector<16xi1>, vector<16xi32>
    %add3A_118 = arith.constant 10000 : i32
    %add3A_119 = vector.broadcast %add3A_118 : i32 to vector<16xi32>
    %add3A_120 = arith.addi %add3A_119, %select_n3A_117 : vector<16xi32>
    %swap3A_121 = arith.constant 10048 : index
    %swap3A_122 = tpu.vector_load %arg7[%swap3A_121] {strides = array<i32>} : memref<10240xi32, #tpu.memory_space<vmem>>, vector<16xi32>,
    %swap3A_123 = vector.shape_cast %swap3A_122 : vector<16xi32> to vector<16xi32>
    %swap3A_124 = vector.shape_cast %add3A_120 : vector<16xi32> to vector<16xi32>
    tpu.vector_store %arg7[%swap3A_121], %swap3A_124 {strides = array<i32>} : memref<10240xi32, #tpu.memory_space<vmem>>, vector<16xi32>,
    %add3A_125 = arith.constant 64 : i32
    %add3A_126 = vector.broadcast %add3A_125 : i32 to vector<16xi32>
    %add3A_127 = arith.addi %add3A_126, %iota3A : vector<16xi32>
    %jit3A_128 = arith.constant 112 : i32
    %eq3A_129 = arith.constant 0 : i32
    %eq3A_130 = arith.cmpi eq, %jit3A_128, %eq3A_129 : i32
    %jit3A_131 = arith.constant 1 : i32
    %select_n3A_132 = arith.select %eq3A_130, %jit3A_131, %jit3A_128 : i32
    %rem3A_133 = vector.broadcast %select_n3A_132 : i32 to vector<16xi32>
    %rem3A_134 = arith.remsi %add3A_127, %rem3A_133 : vector<16xi32>
    %ne3A_135 = arith.constant 0 : i32
    %ne3A_136 = vector.broadcast %ne3A_135 : i32 to vector<16xi32>
    %ne3A_137 = arith.cmpi ne, %rem3A_134, %ne3A_136 : vector<16xi32>
    %lt3A_138 = arith.constant 0 : i32
    %lt3A_139 = vector.broadcast %lt3A_138 : i32 to vector<16xi32>
    %lt3A_140 = arith.cmpi slt, %rem3A_134, %lt3A_139 : vector<16xi32>
    %lt3A_141 = arith.constant 0 : i32
    %lt3A_142 = arith.cmpi slt, %select_n3A_132, %lt3A_141 : i32
    %ne3A_143 = vector.broadcast %lt3A_142 : i1 to vector<16xi1>
    %ne3A_144 = vector.broadcast %ne3A_143 : vector<16xi1> to vector<16xi1>
    %ne3A_145 = arith.xori %lt3A_140, %ne3A_144 : vector<16xi1>
    %and3A_146 = arith.andi %ne3A_145, %ne3A_137 : vector<16xi1>
    %add3A_147 = vector.broadcast %select_n3A_132 : i32 to vector<16xi32>
    %add3A_148 = arith.addi %rem3A_134, %add3A_147 : vector<16xi32>
    %select_n3A_149 = arith.select %and3A_146, %add3A_148, %rem3A_134 : vector<16xi1>, vector<16xi32>
    %add3A_150 = arith.constant 10000 : i32
    %add3A_151 = vector.broadcast %add3A_150 : i32 to vector<16xi32>
    %add3A_152 = arith.addi %add3A_151, %select_n3A_149 : vector<16xi32>
    %swap3A_153 = arith.constant 10064 : index
    %swap3A_154 = tpu.vector_load %arg7[%swap3A_153] {strides = array<i32>} : memref<10240xi32, #tpu.memory_space<vmem>>, vector<16xi32>,
    %swap3A_155 = vector.shape_cast %swap3A_154 : vector<16xi32> to vector<16xi32>
    %swap3A_156 = vector.shape_cast %add3A_152 : vector<16xi32> to vector<16xi32>
    tpu.vector_store %arg7[%swap3A_153], %swap3A_156 {strides = array<i32>} : memref<10240xi32, #tpu.memory_space<vmem>>, vector<16xi32>,
    %add3A_157 = arith.constant 80 : i32
    %add3A_158 = vector.broadcast %add3A_157 : i32 to vector<16xi32>
    %add3A_159 = arith.addi %add3A_158, %iota3A : vector<16xi32>
    %jit3A_160 = arith.constant 112 : i32
    %eq3A_161 = arith.constant 0 : i32
    %eq3A_162 = arith.cmpi eq, %jit3A_160, %eq3A_161 : i32
    %jit3A_163 = arith.constant 1 : i32
    %select_n3A_164 = arith.select %eq3A_162, %jit3A_163, %jit3A_160 : i32
    %rem3A_165 = vector.broadcast %select_n3A_164 : i32 to vector<16xi32>
    %rem3A_166 = arith.remsi %add3A_159, %rem3A_165 : vector<16xi32>
    %ne3A_167 = arith.constant 0 : i32
    %ne3A_168 = vector.broadcast %ne3A_167 : i32 to vector<16xi32>
    %ne3A_169 = arith.cmpi ne, %rem3A_166, %ne3A_168 : vector<16xi32>
    %lt3A_170 = arith.constant 0 : i32
    %lt3A_171 = vector.broadcast %lt3A_170 : i32 to vector<16xi32>
    %lt3A_172 = arith.cmpi slt, %rem3A_166, %lt3A_171 : vector<16xi32>
    %lt3A_173 = arith.constant 0 : i32
    %lt3A_174 = arith.cmpi slt, %select_n3A_164, %lt3A_173 : i32
    %ne3A_175 = vector.broadcast %lt3A_174 : i1 to vector<16xi1>
    %ne3A_176 = vector.broadcast %ne3A_175 : vector<16xi1> to vector<16xi1>
    %ne3A_177 = arith.xori %lt3A_172, %ne3A_176 : vector<16xi1>
    %and3A_178 = arith.andi %ne3A_177, %ne3A_169 : vector<16xi1>
    %add3A_179 = vector.broadcast %select_n3A_164 : i32 to vector<16xi32>
    %add3A_180 = arith.addi %rem3A_166, %add3A_179 : vector<16xi32>
    %select_n3A_181 = arith.select %and3A_178, %add3A_180, %rem3A_166 : vector<16xi1>, vector<16xi32>
    %add3A_182 = arith.constant 10000 : i32
    %add3A_183 = vector.broadcast %add3A_182 : i32 to vector<16xi32>
    %add3A_184 = arith.addi %add3A_183, %select_n3A_181 : vector<16xi32>
    %swap3A_185 = arith.constant 10080 : index
    %swap3A_186 = tpu.vector_load %arg7[%swap3A_185] {strides = array<i32>} : memref<10240xi32, #tpu.memory_space<vmem>>, vector<16xi32>,
    %swap3A_187 = vector.shape_cast %swap3A_186 : vector<16xi32> to vector<16xi32>
    %swap3A_188 = vector.shape_cast %add3A_184 : vector<16xi32> to vector<16xi32>
    tpu.vector_store %arg7[%swap3A_185], %swap3A_188 {strides = array<i32>} : memref<10240xi32, #tpu.memory_space<vmem>>, vector<16xi32>,
    %add3A_189 = arith.constant 96 : i32
    %add3A_190 = vector.broadcast %add3A_189 : i32 to vector<16xi32>
    %add3A_191 = arith.addi %add3A_190, %iota3A : vector<16xi32>
    %jit3A_192 = arith.constant 112 : i32
    %eq3A_193 = arith.constant 0 : i32
    %eq3A_194 = arith.cmpi eq, %jit3A_192, %eq3A_193 : i32
    %jit3A_195 = arith.constant 1 : i32
    %select_n3A_196 = arith.select %eq3A_194, %jit3A_195, %jit3A_192 : i32
    %rem3A_197 = vector.broadcast %select_n3A_196 : i32 to vector<16xi32>
    %rem3A_198 = arith.remsi %add3A_191, %rem3A_197 : vector<16xi32>
    %ne3A_199 = arith.constant 0 : i32
    %ne3A_200 = vector.broadcast %ne3A_199 : i32 to vector<16xi32>
    %ne3A_201 = arith.cmpi ne, %rem3A_198, %ne3A_200 : vector<16xi32>
    %lt3A_202 = arith.constant 0 : i32
    %lt3A_203 = vector.broadcast %lt3A_202 : i32 to vector<16xi32>
    %lt3A_204 = arith.cmpi slt, %rem3A_198, %lt3A_203 : vector<16xi32>
    %lt3A_205 = arith.constant 0 : i32
    %lt3A_206 = arith.cmpi slt, %select_n3A_196, %lt3A_205 : i32
    %ne3A_207 = vector.broadcast %lt3A_206 : i1 to vector<16xi1>
    %ne3A_208 = vector.broadcast %ne3A_207 : vector<16xi1> to vector<16xi1>
    %ne3A_209 = arith.xori %lt3A_204, %ne3A_208 : vector<16xi1>
    %and3A_210 = arith.andi %ne3A_209, %ne3A_201 : vector<16xi1>
    %add3A_211 = vector.broadcast %select_n3A_196 : i32 to vector<16xi32>
    %add3A_212 = arith.addi %rem3A_198, %add3A_211 : vector<16xi32>
    %select_n3A_213 = arith.select %and3A_210, %add3A_212, %rem3A_198 : vector<16xi1>, vector<16xi32>
    %add3A_214 = arith.constant 10000 : i32
    %add3A_215 = vector.broadcast %add3A_214 : i32 to vector<16xi32>
    %add3A_216 = arith.addi %add3A_215, %select_n3A_213 : vector<16xi32>
    %swap3A_217 = arith.constant 10096 : index
    %swap3A_218 = tpu.vector_load %arg7[%swap3A_217] {strides = array<i32>} : memref<10240xi32, #tpu.memory_space<vmem>>, vector<16xi32>,
    %swap3A_219 = vector.shape_cast %swap3A_218 : vector<16xi32> to vector<16xi32>
    %swap3A_220 = vector.shape_cast %add3A_216 : vector<16xi32> to vector<16xi32>
    tpu.vector_store %arg7[%swap3A_217], %swap3A_220 {strides = array<i32>} : memref<10240xi32, #tpu.memory_space<vmem>>, vector<16xi32>,
    %add3A_221 = arith.constant 112 : i32
    %add3A_222 = vector.broadcast %add3A_221 : i32 to vector<16xi32>
    %add3A_223 = arith.addi %add3A_222, %iota3A : vector<16xi32>
    %jit3A_224 = arith.constant 112 : i32
    %eq3A_225 = arith.constant 0 : i32
    %eq3A_226 = arith.cmpi eq, %jit3A_224, %eq3A_225 : i32
    %jit3A_227 = arith.constant 1 : i32
    %select_n3A_228 = arith.select %eq3A_226, %jit3A_227, %jit3A_224 : i32
    %rem3A_229 = vector.broadcast %select_n3A_228 : i32 to vector<16xi32>
    %rem3A_230 = arith.remsi %add3A_223, %rem3A_229 : vector<16xi32>
    %ne3A_231 = arith.constant 0 : i32
    %ne3A_232 = vector.broadcast %ne3A_231 : i32 to vector<16xi32>
    %ne3A_233 = arith.cmpi ne, %rem3A_230, %ne3A_232 : vector<16xi32>
    %lt3A_234 = arith.constant 0 : i32
    %lt3A_235 = vector.broadcast %lt3A_234 : i32 to vector<16xi32>
    %lt3A_236 = arith.cmpi slt, %rem3A_230, %lt3A_235 : vector<16xi32>
    %lt3A_237 = arith.constant 0 : i32
    %lt3A_238 = arith.cmpi slt, %select_n3A_228, %lt3A_237 : i32
    %ne3A_239 = vector.broadcast %lt3A_238 : i1 to vector<16xi1>
    %ne3A_240 = vector.broadcast %ne3A_239 : vector<16xi1> to vector<16xi1>
    %ne3A_241 = arith.xori %lt3A_236, %ne3A_240 : vector<16xi1>
    %and3A_242 = arith.andi %ne3A_241, %ne3A_233 : vector<16xi1>
    %add3A_243 = vector.broadcast %select_n3A_228 : i32 to vector<16xi32>
    %add3A_244 = arith.addi %rem3A_230, %add3A_243 : vector<16xi32>
    %select_n3A_245 = arith.select %and3A_242, %add3A_244, %rem3A_230 : vector<16xi1>, vector<16xi32>
    %add3A_246 = arith.constant 10000 : i32
    %add3A_247 = vector.broadcast %add3A_246 : i32 to vector<16xi32>
    %add3A_248 = arith.addi %add3A_247, %select_n3A_245 : vector<16xi32>
    %swap3A_249 = arith.constant 10112 : index
    %swap3A_250 = tpu.vector_load %arg7[%swap3A_249] {strides = array<i32>} : memref<10240xi32, #tpu.memory_space<vmem>>, vector<16xi32>,
    %swap3A_251 = vector.shape_cast %swap3A_250 : vector<16xi32> to vector<16xi32>
    %swap3A_252 = vector.shape_cast %add3A_248 : vector<16xi32> to vector<16xi32>
    tpu.vector_store %arg7[%swap3A_249], %swap3A_252 {strides = array<i32>} : memref<10240xi32, #tpu.memory_space<vmem>>, vector<16xi32>,
    %add3A_253 = arith.constant 128 : i32
    %add3A_254 = vector.broadcast %add3A_253 : i32 to vector<16xi32>
    %add3A_255 = arith.addi %add3A_254, %iota3A : vector<16xi32>
    %jit3A_256 = arith.constant 112 : i32
    %eq3A_257 = arith.constant 0 : i32
    %eq3A_258 = arith.cmpi eq, %jit3A_256, %eq3A_257 : i32
    %jit3A_259 = arith.constant 1 : i32
    %select_n3A_260 = arith.select %eq3A_258, %jit3A_259, %jit3A_256 : i32
    %rem3A_261 = vector.broadcast %select_n3A_260 : i32 to vector<16xi32>
    %rem3A_262 = arith.remsi %add3A_255, %rem3A_261 : vector<16xi32>
    %ne3A_263 = arith.constant 0 : i32
    %ne3A_264 = vector.broadcast %ne3A_263 : i32 to vector<16xi32>
    %ne3A_265 = arith.cmpi ne, %rem3A_262, %ne3A_264 : vector<16xi32>
    %lt3A_266 = arith.constant 0 : i32
    %lt3A_267 = vector.broadcast %lt3A_266 : i32 to vector<16xi32>
    %lt3A_268 = arith.cmpi slt, %rem3A_262, %lt3A_267 : vector<16xi32>
    %lt3A_269 = arith.constant 0 : i32
    %lt3A_270 = arith.cmpi slt, %select_n3A_260, %lt3A_269 : i32
    %ne3A_271 = vector.broadcast %lt3A_270 : i1 to vector<16xi1>
    %ne3A_272 = vector.broadcast %ne3A_271 : vector<16xi1> to vector<16xi1>
    %ne3A_273 = arith.xori %lt3A_268, %ne3A_272 : vector<16xi1>
    %and3A_274 = arith.andi %ne3A_273, %ne3A_265 : vector<16xi1>
    %add3A_275 = vector.broadcast %select_n3A_260 : i32 to vector<16xi32>
    %add3A_276 = arith.addi %rem3A_262, %add3A_275 : vector<16xi32>
    %select_n3A_277 = arith.select %and3A_274, %add3A_276, %rem3A_262 : vector<16xi1>, vector<16xi32>
    %add3A_278 = arith.constant 10000 : i32
    %add3A_279 = vector.broadcast %add3A_278 : i32 to vector<16xi32>
    %add3A_280 = arith.addi %add3A_279, %select_n3A_277 : vector<16xi32>
    %swap3A_281 = arith.constant 10128 : index
    %swap3A_282 = tpu.vector_load %arg7[%swap3A_281] {strides = array<i32>} : memref<10240xi32, #tpu.memory_space<vmem>>, vector<16xi32>,
    %swap3A_283 = vector.shape_cast %swap3A_282 : vector<16xi32> to vector<16xi32>
    %swap3A_284 = vector.shape_cast %add3A_280 : vector<16xi32> to vector<16xi32>
    tpu.vector_store %arg7[%swap3A_281], %swap3A_284 {strides = array<i32>} : memref<10240xi32, #tpu.memory_space<vmem>>, vector<16xi32>,
    %add3A_285 = arith.constant 144 : i32
    %add3A_286 = vector.broadcast %add3A_285 : i32 to vector<16xi32>
    %add3A_287 = arith.addi %add3A_286, %iota3A : vector<16xi32>
    %jit3A_288 = arith.constant 112 : i32
    %eq3A_289 = arith.constant 0 : i32
    %eq3A_290 = arith.cmpi eq, %jit3A_288, %eq3A_289 : i32
    %jit3A_291 = arith.constant 1 : i32
    %select_n3A_292 = arith.select %eq3A_290, %jit3A_291, %jit3A_288 : i32
    %rem3A_293 = vector.broadcast %select_n3A_292 : i32 to vector<16xi32>
    %rem3A_294 = arith.remsi %add3A_287, %rem3A_293 : vector<16xi32>
    %ne3A_295 = arith.constant 0 : i32
    %ne3A_296 = vector.broadcast %ne3A_295 : i32 to vector<16xi32>
    %ne3A_297 = arith.cmpi ne, %rem3A_294, %ne3A_296 : vector<16xi32>
    %lt3A_298 = arith.constant 0 : i32
    %lt3A_299 = vector.broadcast %lt3A_298 : i32 to vector<16xi32>
    %lt3A_300 = arith.cmpi slt, %rem3A_294, %lt3A_299 : vector<16xi32>
    %lt3A_301 = arith.constant 0 : i32
    %lt3A_302 = arith.cmpi slt, %select_n3A_292, %lt3A_301 : i32
    %ne3A_303 = vector.broadcast %lt3A_302 : i1 to vector<16xi1>
    %ne3A_304 = vector.broadcast %ne3A_303 : vector<16xi1> to vector<16xi1>
    %ne3A_305 = arith.xori %lt3A_300, %ne3A_304 : vector<16xi1>
    %and3A_306 = arith.andi %ne3A_305, %ne3A_297 : vector<16xi1>
    %add3A_307 = vector.broadcast %select_n3A_292 : i32 to vector<16xi32>
    %add3A_308 = arith.addi %rem3A_294, %add3A_307 : vector<16xi32>
    %select_n3A_309 = arith.select %and3A_306, %add3A_308, %rem3A_294 : vector<16xi1>, vector<16xi32>
    %add3A_310 = arith.constant 10000 : i32
    %add3A_311 = vector.broadcast %add3A_310 : i32 to vector<16xi32>
    %add3A_312 = arith.addi %add3A_311, %select_n3A_309 : vector<16xi32>
    %swap3A_313 = arith.constant 10144 : index
    %swap3A_314 = tpu.vector_load %arg7[%swap3A_313] {strides = array<i32>} : memref<10240xi32, #tpu.memory_space<vmem>>, vector<16xi32>,
    %swap3A_315 = vector.shape_cast %swap3A_314 : vector<16xi32> to vector<16xi32>
    %swap3A_316 = vector.shape_cast %add3A_312 : vector<16xi32> to vector<16xi32>
    tpu.vector_store %arg7[%swap3A_313], %swap3A_316 {strides = array<i32>} : memref<10240xi32, #tpu.memory_space<vmem>>, vector<16xi32>,
    %add3A_317 = arith.constant 160 : i32
    %add3A_318 = vector.broadcast %add3A_317 : i32 to vector<16xi32>
    %add3A_319 = arith.addi %add3A_318, %iota3A : vector<16xi32>
    %jit3A_320 = arith.constant 112 : i32
    %eq3A_321 = arith.constant 0 : i32
    %eq3A_322 = arith.cmpi eq, %jit3A_320, %eq3A_321 : i32
    %jit3A_323 = arith.constant 1 : i32
    %select_n3A_324 = arith.select %eq3A_322, %jit3A_323, %jit3A_320 : i32
    %rem3A_325 = vector.broadcast %select_n3A_324 : i32 to vector<16xi32>
    %rem3A_326 = arith.remsi %add3A_319, %rem3A_325 : vector<16xi32>
    %ne3A_327 = arith.constant 0 : i32
    %ne3A_328 = vector.broadcast %ne3A_327 : i32 to vector<16xi32>
    %ne3A_329 = arith.cmpi ne, %rem3A_326, %ne3A_328 : vector<16xi32>
    %lt3A_330 = arith.constant 0 : i32
    %lt3A_331 = vector.broadcast %lt3A_330 : i32 to vector<16xi32>
    %lt3A_332 = arith.cmpi slt, %rem3A_326, %lt3A_331 : vector<16xi32>
    %lt3A_333 = arith.constant 0 : i32
    %lt3A_334 = arith.cmpi slt, %select_n3A_324, %lt3A_333 : i32
    %ne3A_335 = vector.broadcast %lt3A_334 : i1 to vector<16xi1>
    %ne3A_336 = vector.broadcast %ne3A_335 : vector<16xi1> to vector<16xi1>
    %ne3A_337 = arith.xori %lt3A_332, %ne3A_336 : vector<16xi1>
    %and3A_338 = arith.andi %ne3A_337, %ne3A_329 : vector<16xi1>
    %add3A_339 = vector.broadcast %select_n3A_324 : i32 to vector<16xi32>
    %add3A_340 = arith.addi %rem3A_326, %add3A_339 : vector<16xi32>
    %select_n3A_341 = arith.select %and3A_338, %add3A_340, %rem3A_326 : vector<16xi1>, vector<16xi32>
    %add3A_342 = arith.constant 10000 : i32
    %add3A_343 = vector.broadcast %add3A_342 : i32 to vector<16xi32>
    %add3A_344 = arith.addi %add3A_343, %select_n3A_341 : vector<16xi32>
    %swap3A_345 = arith.constant 10160 : index
    %swap3A_346 = tpu.vector_load %arg7[%swap3A_345] {strides = array<i32>} : memref<10240xi32, #tpu.memory_space<vmem>>, vector<16xi32>,
    %swap3A_347 = vector.shape_cast %swap3A_346 : vector<16xi32> to vector<16xi32>
    %swap3A_348 = vector.shape_cast %add3A_344 : vector<16xi32> to vector<16xi32>
    tpu.vector_store %arg7[%swap3A_345], %swap3A_348 {strides = array<i32>} : memref<10240xi32, #tpu.memory_space<vmem>>, vector<16xi32>,
    %add3A_349 = arith.constant 176 : i32
    %add3A_350 = vector.broadcast %add3A_349 : i32 to vector<16xi32>
    %add3A_351 = arith.addi %add3A_350, %iota3A : vector<16xi32>
    %jit3A_352 = arith.constant 112 : i32
    %eq3A_353 = arith.constant 0 : i32
    %eq3A_354 = arith.cmpi eq, %jit3A_352, %eq3A_353 : i32
    %jit3A_355 = arith.constant 1 : i32
    %select_n3A_356 = arith.select %eq3A_354, %jit3A_355, %jit3A_352 : i32
    %rem3A_357 = vector.broadcast %select_n3A_356 : i32 to vector<16xi32>
    %rem3A_358 = arith.remsi %add3A_351, %rem3A_357 : vector<16xi32>
    %ne3A_359 = arith.constant 0 : i32
    %ne3A_360 = vector.broadcast %ne3A_359 : i32 to vector<16xi32>
    %ne3A_361 = arith.cmpi ne, %rem3A_358, %ne3A_360 : vector<16xi32>
    %lt3A_362 = arith.constant 0 : i32
    %lt3A_363 = vector.broadcast %lt3A_362 : i32 to vector<16xi32>
    %lt3A_364 = arith.cmpi slt, %rem3A_358, %lt3A_363 : vector<16xi32>
    %lt3A_365 = arith.constant 0 : i32
    %lt3A_366 = arith.cmpi slt, %select_n3A_356, %lt3A_365 : i32
    %ne3A_367 = vector.broadcast %lt3A_366 : i1 to vector<16xi1>
    %ne3A_368 = vector.broadcast %ne3A_367 : vector<16xi1> to vector<16xi1>
    %ne3A_369 = arith.xori %lt3A_364, %ne3A_368 : vector<16xi1>
    %and3A_370 = arith.andi %ne3A_369, %ne3A_361 : vector<16xi1>
    %add3A_371 = vector.broadcast %select_n3A_356 : i32 to vector<16xi32>
    %add3A_372 = arith.addi %rem3A_358, %add3A_371 : vector<16xi32>
    %select_n3A_373 = arith.select %and3A_370, %add3A_372, %rem3A_358 : vector<16xi1>, vector<16xi32>
    %add3A_374 = arith.constant 10000 : i32
    %add3A_375 = vector.broadcast %add3A_374 : i32 to vector<16xi32>
    %add3A_376 = arith.addi %add3A_375, %select_n3A_373 : vector<16xi32>
    %swap3A_377 = arith.constant 10176 : index
    %swap3A_378 = tpu.vector_load %arg7[%swap3A_377] {strides = array<i32>} : memref<10240xi32, #tpu.memory_space<vmem>>, vector<16xi32>,
    %swap3A_379 = vector.shape_cast %swap3A_378 : vector<16xi32> to vector<16xi32>
    %swap3A_380 = vector.shape_cast %add3A_376 : vector<16xi32> to vector<16xi32>
    tpu.vector_store %arg7[%swap3A_377], %swap3A_380 {strides = array<i32>} : memref<10240xi32, #tpu.memory_space<vmem>>, vector<16xi32>,
    %add3A_381 = arith.constant 192 : i32
    %add3A_382 = vector.broadcast %add3A_381 : i32 to vector<16xi32>
    %add3A_383 = arith.addi %add3A_382, %iota3A : vector<16xi32>
    %jit3A_384 = arith.constant 112 : i32
    %eq3A_385 = arith.constant 0 : i32
    %eq3A_386 = arith.cmpi eq, %jit3A_384, %eq3A_385 : i32
    %jit3A_387 = arith.constant 1 : i32
    %select_n3A_388 = arith.select %eq3A_386, %jit3A_387, %jit3A_384 : i32
    %rem3A_389 = vector.broadcast %select_n3A_388 : i32 to vector<16xi32>
    %rem3A_390 = arith.remsi %add3A_383, %rem3A_389 : vector<16xi32>
    %ne3A_391 = arith.constant 0 : i32
    %ne3A_392 = vector.broadcast %ne3A_391 : i32 to vector<16xi32>
    %ne3A_393 = arith.cmpi ne, %rem3A_390, %ne3A_392 : vector<16xi32>
    %lt3A_394 = arith.constant 0 : i32
    %lt3A_395 = vector.broadcast %lt3A_394 : i32 to vector<16xi32>
    %lt3A_396 = arith.cmpi slt, %rem3A_390, %lt3A_395 : vector<16xi32>
    %lt3A_397 = arith.constant 0 : i32
    %lt3A_398 = arith.cmpi slt, %select_n3A_388, %lt3A_397 : i32
    %ne3A_399 = vector.broadcast %lt3A_398 : i1 to vector<16xi1>
    %ne3A_400 = vector.broadcast %ne3A_399 : vector<16xi1> to vector<16xi1>
    %ne3A_401 = arith.xori %lt3A_396, %ne3A_400 : vector<16xi1>
    %and3A_402 = arith.andi %ne3A_401, %ne3A_393 : vector<16xi1>
    %add3A_403 = vector.broadcast %select_n3A_388 : i32 to vector<16xi32>
    %add3A_404 = arith.addi %rem3A_390, %add3A_403 : vector<16xi32>
    %select_n3A_405 = arith.select %and3A_402, %add3A_404, %rem3A_390 : vector<16xi1>, vector<16xi32>
    %add3A_406 = arith.constant 10000 : i32
    %add3A_407 = vector.broadcast %add3A_406 : i32 to vector<16xi32>
    %add3A_408 = arith.addi %add3A_407, %select_n3A_405 : vector<16xi32>
    %swap3A_409 = arith.constant 10192 : index
    %swap3A_410 = tpu.vector_load %arg7[%swap3A_409] {strides = array<i32>} : memref<10240xi32, #tpu.memory_space<vmem>>, vector<16xi32>,
    %swap3A_411 = vector.shape_cast %swap3A_410 : vector<16xi32> to vector<16xi32>
    %swap3A_412 = vector.shape_cast %add3A_408 : vector<16xi32> to vector<16xi32>
    tpu.vector_store %arg7[%swap3A_409], %swap3A_412 {strides = array<i32>} : memref<10240xi32, #tpu.memory_space<vmem>>, vector<16xi32>,
    %add3A_413 = arith.constant 208 : i32
    %add3A_414 = vector.broadcast %add3A_413 : i32 to vector<16xi32>
    %add3A_415 = arith.addi %add3A_414, %iota3A : vector<16xi32>
    %jit3A_416 = arith.constant 112 : i32
    %eq3A_417 = arith.constant 0 : i32
    %eq3A_418 = arith.cmpi eq, %jit3A_416, %eq3A_417 : i32
    %jit3A_419 = arith.constant 1 : i32
    %select_n3A_420 = arith.select %eq3A_418, %jit3A_419, %jit3A_416 : i32
    %rem3A_421 = vector.broadcast %select_n3A_420 : i32 to vector<16xi32>
    %rem3A_422 = arith.remsi %add3A_415, %rem3A_421 : vector<16xi32>
    %ne3A_423 = arith.constant 0 : i32
    %ne3A_424 = vector.broadcast %ne3A_423 : i32 to vector<16xi32>
    %ne3A_425 = arith.cmpi ne, %rem3A_422, %ne3A_424 : vector<16xi32>
    %lt3A_426 = arith.constant 0 : i32
    %lt3A_427 = vector.broadcast %lt3A_426 : i32 to vector<16xi32>
    %lt3A_428 = arith.cmpi slt, %rem3A_422, %lt3A_427 : vector<16xi32>
    %lt3A_429 = arith.constant 0 : i32
    %lt3A_430 = arith.cmpi slt, %select_n3A_420, %lt3A_429 : i32
    %ne3A_431 = vector.broadcast %lt3A_430 : i1 to vector<16xi1>
    %ne3A_432 = vector.broadcast %ne3A_431 : vector<16xi1> to vector<16xi1>
    %ne3A_433 = arith.xori %lt3A_428, %ne3A_432 : vector<16xi1>
    %and3A_434 = arith.andi %ne3A_433, %ne3A_425 : vector<16xi1>
    %add3A_435 = vector.broadcast %select_n3A_420 : i32 to vector<16xi32>
    %add3A_436 = arith.addi %rem3A_422, %add3A_435 : vector<16xi32>
    %select_n3A_437 = arith.select %and3A_434, %add3A_436, %rem3A_422 : vector<16xi1>, vector<16xi32>
    %add3A_438 = arith.constant 10000 : i32
    %add3A_439 = vector.broadcast %add3A_438 : i32 to vector<16xi32>
    %add3A_440 = arith.addi %add3A_439, %select_n3A_437 : vector<16xi32>
    %swap3A_441 = arith.constant 10208 : index
    %swap3A_442 = tpu.vector_load %arg7[%swap3A_441] {strides = array<i32>} : memref<10240xi32, #tpu.memory_space<vmem>>, vector<16xi32>,
    %swap3A_443 = vector.shape_cast %swap3A_442 : vector<16xi32> to vector<16xi32>
    %swap3A_444 = vector.shape_cast %add3A_440 : vector<16xi32> to vector<16xi32>
    tpu.vector_store %arg7[%swap3A_441], %swap3A_444 {strides = array<i32>} : memref<10240xi32, #tpu.memory_space<vmem>>, vector<16xi32>,
    %add3A_445 = arith.constant 224 : i32
    %add3A_446 = vector.broadcast %add3A_445 : i32 to vector<16xi32>
    %add3A_447 = arith.addi %add3A_446, %iota3A : vector<16xi32>
    %jit3A_448 = arith.constant 112 : i32
    %eq3A_449 = arith.constant 0 : i32
    %eq3A_450 = arith.cmpi eq, %jit3A_448, %eq3A_449 : i32
    %jit3A_451 = arith.constant 1 : i32
    %select_n3A_452 = arith.select %eq3A_450, %jit3A_451, %jit3A_448 : i32
    %rem3A_453 = vector.broadcast %select_n3A_452 : i32 to vector<16xi32>
    %rem3A_454 = arith.remsi %add3A_447, %rem3A_453 : vector<16xi32>
    %ne3A_455 = arith.constant 0 : i32
    %ne3A_456 = vector.broadcast %ne3A_455 : i32 to vector<16xi32>
    %ne3A_457 = arith.cmpi ne, %rem3A_454, %ne3A_456 : vector<16xi32>
    %lt3A_458 = arith.constant 0 : i32
    %lt3A_459 = vector.broadcast %lt3A_458 : i32 to vector<16xi32>
    %lt3A_460 = arith.cmpi slt, %rem3A_454, %lt3A_459 : vector<16xi32>
    %lt3A_461 = arith.constant 0 : i32
    %lt3A_462 = arith.cmpi slt, %select_n3A_452, %lt3A_461 : i32
    %ne3A_463 = vector.broadcast %lt3A_462 : i1 to vector<16xi1>
    %ne3A_464 = vector.broadcast %ne3A_463 : vector<16xi1> to vector<16xi1>
    %ne3A_465 = arith.xori %lt3A_460, %ne3A_464 : vector<16xi1>
    %and3A_466 = arith.andi %ne3A_465, %ne3A_457 : vector<16xi1>
    %add3A_467 = vector.broadcast %select_n3A_452 : i32 to vector<16xi32>
    %add3A_468 = arith.addi %rem3A_454, %add3A_467 : vector<16xi32>
    %select_n3A_469 = arith.select %and3A_466, %add3A_468, %rem3A_454 : vector<16xi1>, vector<16xi32>
    %add3A_470 = arith.constant 10000 : i32
    %add3A_471 = vector.broadcast %add3A_470 : i32 to vector<16xi32>
    %add3A_472 = arith.addi %add3A_471, %select_n3A_469 : vector<16xi32>
    %swap3A_473 = arith.constant 10224 : index
    %swap3A_474 = tpu.vector_load %arg7[%swap3A_473] {strides = array<i32>} : memref<10240xi32, #tpu.memory_space<vmem>>, vector<16xi32>,
    %swap3A_475 = vector.shape_cast %swap3A_474 : vector<16xi32> to vector<16xi32>
    %swap3A_476 = vector.shape_cast %add3A_472 : vector<16xi32> to vector<16xi32>
    tpu.vector_store %arg7[%swap3A_473], %swap3A_476 {strides = array<i32>} : memref<10240xi32, #tpu.memory_space<vmem>>, vector<16xi32>,
    %barrier3A = arith.constant 0 : index
    tpu.barrier barrier_id(%barrier3A)
    %scan3A = arith.constant 0 : i32
    %scan3A_477 = arith.constant 80 : i32
    %scan3A_478 = arith.addi %scan3A, %scan3A_477 : i32
    %scan3A_479 = arith.constant 1 : i32
    scf.for %scan3A_487 = %scan3A to %scan3A_478 step %scan3A_479  : i32 {
      %mul3A_488 = arith.constant 1 : i32
      %mul3A_489 = arith.muli %scan3A_487, %mul3A_488 : i32
      %add3A_490 = arith.constant 0 : i32
      %add3A_491 = arith.addi %add3A_490, %mul3A_489 : i32
      %mul3A_492 = arith.constant 128 : i32
      %mul3A_493 = arith.muli %add3A_491, %mul3A_492 : i32
      %dma_start3A = tpu.memref_slice %arg7[%mul3A_493] : memref<10240xi32, #tpu.memory_space<vmem>> -> memref<128xi32, #tpu.memory_space<vmem>>
      %dma_start3A_494 = arith.constant 0 : i32
      %dma_start3A_495 = arith.constant 0 : i32
      %dma_start3A_496 = tpu.memref_slice %arg8[%dma_start3A_494, %dma_start3A_495] : memref<10112x16xf32, #tpu.memory_space<vmem_shared>> -> memref<10112x16xf32, #tpu.memory_space<vmem_shared>>
      tpu.enqueue_indirect_dma source(%arg6 : memref<128x16xf32, #tpu.memory_space<vmem>>) target(%dma_start3A_496 : memref<10112x16xf32, #tpu.memory_space<vmem_shared>>) offsets(%dma_start3A : memref<128xi32, #tpu.memory_space<vmem>>) semaphore(%arg9 : memref<!tpu.dma_semaphore, #tpu.memory_space<semaphore_mem>>) {add = true}
    }
    %scan3A_480 = arith.constant 80 : i32
    %scan3A_481 = arith.constant 0 : i32
    %scan3A_482 = arith.constant 80 : i32
    %scan3A_483 = arith.addi %scan3A_481, %scan3A_482 : i32
    %scan3A_484 = arith.constant 1 : i32
    scf.for %scan3A_487 = %scan3A_481 to %scan3A_483 step %scan3A_484  : i32 {
      %mul3A_488 = arith.constant 1 : i32
      %mul3A_489 = arith.muli %scan3A_487, %mul3A_488 : i32
      %add3A_490 = arith.constant 0 : i32
      %add3A_491 = arith.addi %add3A_490, %mul3A_489 : i32
      %mul3A_492 = arith.constant 128 : i32
      %mul3A_493 = arith.muli %add3A_491, %mul3A_492 : i32
      %dma_wait3A = tpu.memref_slice %arg7[%mul3A_493] : memref<10240xi32, #tpu.memory_space<vmem>> -> memref<128xi32, #tpu.memory_space<vmem>>
      %dma_wait3A_494 = arith.constant 0 : i32
      %dma_wait3A_495 = arith.constant 0 : i32
      %dma_wait3A_496 = tpu.memref_slice %arg8[%dma_wait3A_494, %dma_wait3A_495] : memref<10112x16xf32, #tpu.memory_space<vmem_shared>> -> memref<10112x16xf32, #tpu.memory_space<vmem_shared>>
      tpu.wait_indirect_dma semaphore(%arg9 : memref<!tpu.dma_semaphore, #tpu.memory_space<semaphore_mem>>) src(%arg6 : memref<128x16xf32, #tpu.memory_space<vmem>>) dst(%dma_wait3A_496 : memref<10112x16xf32, #tpu.memory_space<vmem_shared>>)
    }
    %scan3A_485 = arith.constant 80 : i32
    %barrier3A_486 = arith.constant 0 : index
    tpu.barrier barrier_id(%barrier3A_486)
    "tpu.region"() ({
      %run_scoped3A_487 = tpu.sem_alloc : memref<!tpu.dma_semaphore, #tpu.memory_space<semaphore_mem>>
      %dma_start3A = arith.constant 0 : i32
      %dma_start3A_488 = tpu.memref_slice %arg5[%arg0, %mul3A_2, %dma_start3A] : memref<2x10112x16xf32, #tpu.memory_space<hbm>> -> memref<1x632x16xf32, #tpu.memory_space<hbm>>
      %dma_start3A_489 = tpu.memref_squeeze %dma_start3A_488 : memref<1x632x16xf32, #tpu.memory_space<hbm>> -> memref<632x16xf32, #tpu.memory_space<hbm>>
      %dma_start3A_490 = arith.constant 0 : i32
      %dma_start3A_491 = tpu.memref_slice %arg8[%mul3A_2, %dma_start3A_490] : memref<10112x16xf32, #tpu.memory_space<vmem_shared>> -> memref<632x16xf32, #tpu.memory_space<vmem_shared>>
      tpu.enqueue_dma source(%dma_start3A_491 : memref<632x16xf32, #tpu.memory_space<vmem_shared>>) target(%dma_start3A_489 : memref<632x16xf32, #tpu.memory_space<hbm>>) target_semaphore(%run_scoped3A_487 : memref<!tpu.dma_semaphore, #tpu.memory_space<semaphore_mem>>)
      %dma_wait3A = arith.constant 0 : i32
      %dma_wait3A_492 = tpu.memref_slice %arg5[%arg0, %mul3A_2, %dma_wait3A] : memref<2x10112x16xf32, #tpu.memory_space<hbm>> -> memref<1x632x16xf32, #tpu.memory_space<hbm>>
      %dma_wait3A_493 = tpu.memref_squeeze %dma_wait3A_492 : memref<1x632x16xf32, #tpu.memory_space<hbm>> -> memref<632x16xf32, #tpu.memory_space<hbm>>
      %dma_wait3A_494 = arith.constant 0 : i32
      %dma_wait3A_495 = tpu.memref_slice %arg8[%mul3A_2, %dma_wait3A_494] : memref<10112x16xf32, #tpu.memory_space<vmem_shared>> -> memref<632x16xf32, #tpu.memory_space<vmem_shared>>
      tpu.wait_dma2 semaphore(%run_scoped3A_487 : memref<!tpu.dma_semaphore, #tpu.memory_space<semaphore_mem>>) src(%dma_wait3A_495 : memref<632x16xf32, #tpu.memory_space<vmem_shared>>) dst(%dma_wait3A_493 : memref<632x16xf32, #tpu.memory_space<hbm>>)
      tpu.yield
    }) : () -> ()
    return
  }
}

#map = affine_map<(d0, d1) -> (0, 0)>
#map1 = affine_map<(d0, d1) -> (0, 0, 0)>
module attributes {stable_mosaic.version = 14 : i64} {
  func.func @_agg_body(%arg0: i32, %arg1: i32, %arg2: memref<10112x64xf32, #tpu.memory_space<hbm>>, %arg3: memref<2x320000xi32, #tpu.memory_space<hbm>>, %arg4: memref<10112x64xf32, #tpu.memory_space<hbm>>, %arg5: memref<2x10112x64xf32, #tpu.memory_space<hbm>>, %arg6: memref<10240xi32, #tpu.memory_space<vmem>>, %arg7: memref<10240xi32, #tpu.memory_space<vmem>>, %arg8: memref<128x64xf32, #tpu.memory_space<vmem>>, %arg9: memref<128x64xf32, #tpu.memory_space<vmem>>, %arg10: memref<128x64xf32, #tpu.memory_space<vmem>>, %arg11: memref<128x64xf32, #tpu.memory_space<vmem>>, %arg12: memref<128x64xf32, #tpu.memory_space<vmem>>, %arg13: memref<128x64xf32, #tpu.memory_space<vmem>>, %arg14: memref<128x64xf32, #tpu.memory_space<vmem>>, %arg15: memref<128x64xf32, #tpu.memory_space<vmem>>, %arg16: memref<10112x64xf32, #tpu.memory_space<vmem_shared>>, %arg17: memref<!tpu.dma_semaphore, #tpu.memory_space<semaphore_mem>>, %arg18: memref<!tpu.dma_semaphore, #tpu.memory_space<semaphore_mem>>, %arg19: memref<!tpu.dma_semaphore, #tpu.memory_space<semaphore_mem>>, %arg20: memref<!tpu.dma_semaphore, #tpu.memory_space<semaphore_mem>>, %arg21: memref<!tpu.dma_semaphore, #tpu.memory_space<semaphore_mem>>, %arg22: memref<!tpu.dma_semaphore, #tpu.memory_space<semaphore_mem>>, %arg23: memref<!tpu.dma_semaphore, #tpu.memory_space<semaphore_mem>>, %arg24: memref<!tpu.dma_semaphore, #tpu.memory_space<semaphore_mem>>, %arg25: memref<!tpu.dma_semaphore, #tpu.memory_space<semaphore_mem>>, %arg26: memref<!tpu.dma_semaphore, #tpu.memory_space<semaphore_mem>>, %arg27: memref<!tpu.dma_semaphore, #tpu.memory_space<semaphore_mem>>, %arg28: memref<!tpu.dma_semaphore, #tpu.memory_space<semaphore_mem>>, %arg29: memref<!tpu.dma_semaphore, #tpu.memory_space<semaphore_mem>>, %arg30: memref<!tpu.dma_semaphore, #tpu.memory_space<semaphore_mem>>, %arg31: memref<!tpu.dma_semaphore, #tpu.memory_space<semaphore_mem>>, %arg32: memref<!tpu.dma_semaphore, #tpu.memory_space<semaphore_mem>>) attributes {dimension_semantics = [#tpu.dimension_semantics<core_parallel>, #tpu.dimension_semantics<subcore_parallel>], iteration_bounds = array<i64: 2, 16>, scalar_prefetch = 0 : i64, scratch_operands = 27 : i64, tpu.core_type = #tpu.core_type<sc_vector_subcore>, window_params = [{transform_indices = #map}, {transform_indices = #map}, {transform_indices = #map}, {transform_indices = #map1}]} {
    %mul3A = arith.constant 16 : i32
    %mul3A_0 = arith.muli %arg0, %mul3A : i32
    %add3A = arith.addi %mul3A_0, %arg1 : i32
    %mul3A_1 = arith.constant 632 : i32
    %mul3A_2 = arith.muli %arg1, %mul3A_1 : i32
    "tpu.region"() ({
      %run_scoped3A_1004 = tpu.sem_alloc : memref<!tpu.dma_semaphore, #tpu.memory_space<semaphore_mem>>
      %dma_start3A_1005 = arith.constant 0 : i32
      %dma_start3A_1006 = tpu.memref_slice %arg16[%mul3A_2, %dma_start3A_1005] : memref<10112x64xf32, #tpu.memory_space<vmem_shared>> -> memref<632x64xf32, #tpu.memory_space<vmem_shared>>
      %dma_start3A_1007 = arith.constant 0 : i32
      %dma_start3A_1008 = tpu.memref_slice %arg4[%mul3A_2, %dma_start3A_1007] : memref<10112x64xf32, #tpu.memory_space<hbm>> -> memref<632x64xf32, #tpu.memory_space<hbm>>
      tpu.enqueue_dma source(%dma_start3A_1008 : memref<632x64xf32, #tpu.memory_space<hbm>>) target(%dma_start3A_1006 : memref<632x64xf32, #tpu.memory_space<vmem_shared>>) target_semaphore(%run_scoped3A_1004 : memref<!tpu.dma_semaphore, #tpu.memory_space<semaphore_mem>>)
      %dma_wait3A_1009 = arith.constant 0 : i32
      %dma_wait3A_1010 = tpu.memref_slice %arg16[%mul3A_2, %dma_wait3A_1009] : memref<10112x64xf32, #tpu.memory_space<vmem_shared>> -> memref<632x64xf32, #tpu.memory_space<vmem_shared>>
      %dma_wait3A_1011 = arith.constant 0 : i32
      %dma_wait3A_1012 = tpu.memref_slice %arg4[%mul3A_2, %dma_wait3A_1011] : memref<10112x64xf32, #tpu.memory_space<hbm>> -> memref<632x64xf32, #tpu.memory_space<hbm>>
      tpu.wait_dma2 semaphore(%run_scoped3A_1004 : memref<!tpu.dma_semaphore, #tpu.memory_space<semaphore_mem>>) src(%dma_wait3A_1012 : memref<632x64xf32, #tpu.memory_space<hbm>>) dst(%dma_wait3A_1010 : memref<632x64xf32, #tpu.memory_space<vmem_shared>>)
      tpu.yield
    }) : () -> ()
    %mul3A_3 = arith.constant 10000 : i32
    %mul3A_4 = arith.muli %add3A, %mul3A_3 : i32
    %run_scoped3A = arith.constant 0 : i32
    "tpu.region"() ({
      %run_scoped3A_1004 = tpu.sem_alloc : memref<!tpu.dma_semaphore, #tpu.memory_space<semaphore_mem>>
      %dma_start3A_1005 = arith.constant 0 : i32
      %dma_start3A_1006 = tpu.memref_slice %arg6[%dma_start3A_1005] : memref<10240xi32, #tpu.memory_space<vmem>> -> memref<10000xi32, #tpu.memory_space<vmem>>
      %dma_start3A_1007 = tpu.memref_slice %arg3[%run_scoped3A, %mul3A_4] : memref<2x320000xi32, #tpu.memory_space<hbm>> -> memref<1x10000xi32, #tpu.memory_space<hbm>>
      %dma_start3A_1008 = tpu.memref_squeeze %dma_start3A_1007 : memref<1x10000xi32, #tpu.memory_space<hbm>> -> memref<10000xi32, #tpu.memory_space<hbm>>
      %dma_start3A_1009 = arith.constant 0 : i32
      %dma_start3A_1010 = tpu.memref_slice %arg6[%dma_start3A_1009] : memref<10240xi32, #tpu.memory_space<vmem>> -> memref<10000xi32, #tpu.memory_space<vmem>>
      %dma_start3A_1011 = tpu.memref_slice %arg3[%run_scoped3A, %mul3A_4] : memref<2x320000xi32, #tpu.memory_space<hbm>> -> memref<1x10000xi32, #tpu.memory_space<hbm>>
      %dma_start3A_1012 = tpu.memref_squeeze %dma_start3A_1011 : memref<1x10000xi32, #tpu.memory_space<hbm>> -> memref<10000xi32, #tpu.memory_space<hbm>>
      tpu.enqueue_dma source(%dma_start3A_1012 : memref<10000xi32, #tpu.memory_space<hbm>>) target(%dma_start3A_1010 : memref<10000xi32, #tpu.memory_space<vmem>>) target_semaphore(%run_scoped3A_1004 : memref<!tpu.dma_semaphore, #tpu.memory_space<semaphore_mem>>)
      %dma_wait3A_1013 = arith.constant 0 : i32
      %dma_wait3A_1014 = tpu.memref_slice %arg6[%dma_wait3A_1013] : memref<10240xi32, #tpu.memory_space<vmem>> -> memref<10000xi32, #tpu.memory_space<vmem>>
      %dma_wait3A_1015 = tpu.memref_slice %arg3[%run_scoped3A, %mul3A_4] : memref<2x320000xi32, #tpu.memory_space<hbm>> -> memref<1x10000xi32, #tpu.memory_space<hbm>>
      %dma_wait3A_1016 = tpu.memref_squeeze %dma_wait3A_1015 : memref<1x10000xi32, #tpu.memory_space<hbm>> -> memref<10000xi32, #tpu.memory_space<hbm>>
      %dma_wait3A_1017 = arith.constant 0 : i32
      %dma_wait3A_1018 = tpu.memref_slice %arg6[%dma_wait3A_1017] : memref<10240xi32, #tpu.memory_space<vmem>> -> memref<10000xi32, #tpu.memory_space<vmem>>
      %dma_wait3A_1019 = tpu.memref_slice %arg3[%run_scoped3A, %mul3A_4] : memref<2x320000xi32, #tpu.memory_space<hbm>> -> memref<1x10000xi32, #tpu.memory_space<hbm>>
      %dma_wait3A_1020 = tpu.memref_squeeze %dma_wait3A_1019 : memref<1x10000xi32, #tpu.memory_space<hbm>> -> memref<10000xi32, #tpu.memory_space<hbm>>
      tpu.wait_dma2 semaphore(%run_scoped3A_1004 : memref<!tpu.dma_semaphore, #tpu.memory_space<semaphore_mem>>) src(%dma_wait3A_1020 : memref<10000xi32, #tpu.memory_space<hbm>>) dst(%dma_wait3A_1018 : memref<10000xi32, #tpu.memory_space<vmem>>)
      tpu.yield
    }) : () -> ()
    %mul3A_5 = arith.constant 10000 : i32
    %mul3A_6 = arith.muli %add3A, %mul3A_5 : i32
    %run_scoped3A_7 = arith.constant 1 : i32
    "tpu.region"() ({
      %run_scoped3A_1004 = tpu.sem_alloc : memref<!tpu.dma_semaphore, #tpu.memory_space<semaphore_mem>>
      %dma_start3A_1005 = arith.constant 0 : i32
      %dma_start3A_1006 = tpu.memref_slice %arg7[%dma_start3A_1005] : memref<10240xi32, #tpu.memory_space<vmem>> -> memref<10000xi32, #tpu.memory_space<vmem>>
      %dma_start3A_1007 = tpu.memref_slice %arg3[%run_scoped3A_7, %mul3A_6] : memref<2x320000xi32, #tpu.memory_space<hbm>> -> memref<1x10000xi32, #tpu.memory_space<hbm>>
      %dma_start3A_1008 = tpu.memref_squeeze %dma_start3A_1007 : memref<1x10000xi32, #tpu.memory_space<hbm>> -> memref<10000xi32, #tpu.memory_space<hbm>>
      %dma_start3A_1009 = arith.constant 0 : i32
      %dma_start3A_1010 = tpu.memref_slice %arg7[%dma_start3A_1009] : memref<10240xi32, #tpu.memory_space<vmem>> -> memref<10000xi32, #tpu.memory_space<vmem>>
      %dma_start3A_1011 = tpu.memref_slice %arg3[%run_scoped3A_7, %mul3A_6] : memref<2x320000xi32, #tpu.memory_space<hbm>> -> memref<1x10000xi32, #tpu.memory_space<hbm>>
      %dma_start3A_1012 = tpu.memref_squeeze %dma_start3A_1011 : memref<1x10000xi32, #tpu.memory_space<hbm>> -> memref<10000xi32, #tpu.memory_space<hbm>>
      tpu.enqueue_dma source(%dma_start3A_1012 : memref<10000xi32, #tpu.memory_space<hbm>>) target(%dma_start3A_1010 : memref<10000xi32, #tpu.memory_space<vmem>>) target_semaphore(%run_scoped3A_1004 : memref<!tpu.dma_semaphore, #tpu.memory_space<semaphore_mem>>)
      %dma_wait3A_1013 = arith.constant 0 : i32
      %dma_wait3A_1014 = tpu.memref_slice %arg7[%dma_wait3A_1013] : memref<10240xi32, #tpu.memory_space<vmem>> -> memref<10000xi32, #tpu.memory_space<vmem>>
      %dma_wait3A_1015 = tpu.memref_slice %arg3[%run_scoped3A_7, %mul3A_6] : memref<2x320000xi32, #tpu.memory_space<hbm>> -> memref<1x10000xi32, #tpu.memory_space<hbm>>
      %dma_wait3A_1016 = tpu.memref_squeeze %dma_wait3A_1015 : memref<1x10000xi32, #tpu.memory_space<hbm>> -> memref<10000xi32, #tpu.memory_space<hbm>>
      %dma_wait3A_1017 = arith.constant 0 : i32
      %dma_wait3A_1018 = tpu.memref_slice %arg7[%dma_wait3A_1017] : memref<10240xi32, #tpu.memory_space<vmem>> -> memref<10000xi32, #tpu.memory_space<vmem>>
      %dma_wait3A_1019 = tpu.memref_slice %arg3[%run_scoped3A_7, %mul3A_6] : memref<2x320000xi32, #tpu.memory_space<hbm>> -> memref<1x10000xi32, #tpu.memory_space<hbm>>
      %dma_wait3A_1020 = tpu.memref_squeeze %dma_wait3A_1019 : memref<1x10000xi32, #tpu.memory_space<hbm>> -> memref<10000xi32, #tpu.memory_space<hbm>>
      tpu.wait_dma2 semaphore(%run_scoped3A_1004 : memref<!tpu.dma_semaphore, #tpu.memory_space<semaphore_mem>>) src(%dma_wait3A_1020 : memref<10000xi32, #tpu.memory_space<hbm>>) dst(%dma_wait3A_1018 : memref<10000xi32, #tpu.memory_space<vmem>>)
      tpu.yield
    }) : () -> ()
    %iota3A = tpu.iota {dimensions = array<i32: 0>} : vector<16xi32>
    %add3A_8 = arith.constant 0 : i32
    %add3A_9 = vector.broadcast %add3A_8 : i32 to vector<16xi32>
    %add3A_10 = arith.addi %add3A_9, %iota3A : vector<16xi32>
    %jit3A = arith.constant 112 : i32
    %eq3A = arith.constant 0 : i32
    %eq3A_11 = arith.cmpi eq, %jit3A, %eq3A : i32
    %jit3A_12 = arith.constant 1 : i32
    %select_n3A = arith.select %eq3A_11, %jit3A_12, %jit3A : i32
    %rem3A = vector.broadcast %select_n3A : i32 to vector<16xi32>
    %rem3A_13 = arith.remsi %add3A_10, %rem3A : vector<16xi32>
    %ne3A = arith.constant 0 : i32
    %ne3A_14 = vector.broadcast %ne3A : i32 to vector<16xi32>
    %ne3A_15 = arith.cmpi ne, %rem3A_13, %ne3A_14 : vector<16xi32>
    %lt3A = arith.constant 0 : i32
    %lt3A_16 = vector.broadcast %lt3A : i32 to vector<16xi32>
    %lt3A_17 = arith.cmpi slt, %rem3A_13, %lt3A_16 : vector<16xi32>
    %lt3A_18 = arith.constant 0 : i32
    %lt3A_19 = arith.cmpi slt, %select_n3A, %lt3A_18 : i32
    %ne3A_20 = vector.broadcast %lt3A_19 : i1 to vector<16xi1>
    %ne3A_21 = vector.broadcast %ne3A_20 : vector<16xi1> to vector<16xi1>
    %ne3A_22 = arith.xori %lt3A_17, %ne3A_21 : vector<16xi1>
    %and3A = arith.andi %ne3A_22, %ne3A_15 : vector<16xi1>
    %add3A_23 = vector.broadcast %select_n3A : i32 to vector<16xi32>
    %add3A_24 = arith.addi %rem3A_13, %add3A_23 : vector<16xi32>
    %select_n3A_25 = arith.select %and3A, %add3A_24, %rem3A_13 : vector<16xi1>, vector<16xi32>
    %add3A_26 = arith.constant 10000 : i32
    %add3A_27 = vector.broadcast %add3A_26 : i32 to vector<16xi32>
    %add3A_28 = arith.addi %add3A_27, %select_n3A_25 : vector<16xi32>
    %swap3A = arith.constant 10000 : index
    %swap3A_29 = tpu.vector_load %arg6[%swap3A] {strides = array<i32>} : memref<10240xi32, #tpu.memory_space<vmem>>, vector<16xi32>,
    %swap3A_30 = vector.shape_cast %swap3A_29 : vector<16xi32> to vector<16xi32>
    %swap3A_31 = vector.shape_cast %add3A_28 : vector<16xi32> to vector<16xi32>
    tpu.vector_store %arg6[%swap3A], %swap3A_31 {strides = array<i32>} : memref<10240xi32, #tpu.memory_space<vmem>>, vector<16xi32>,
    %add3A_32 = arith.constant 16 : i32
    %add3A_33 = vector.broadcast %add3A_32 : i32 to vector<16xi32>
    %add3A_34 = arith.addi %add3A_33, %iota3A : vector<16xi32>
    %jit3A_35 = arith.constant 112 : i32
    %eq3A_36 = arith.constant 0 : i32
    %eq3A_37 = arith.cmpi eq, %jit3A_35, %eq3A_36 : i32
    %jit3A_38 = arith.constant 1 : i32
    %select_n3A_39 = arith.select %eq3A_37, %jit3A_38, %jit3A_35 : i32
    %rem3A_40 = vector.broadcast %select_n3A_39 : i32 to vector<16xi32>
    %rem3A_41 = arith.remsi %add3A_34, %rem3A_40 : vector<16xi32>
    %ne3A_42 = arith.constant 0 : i32
    %ne3A_43 = vector.broadcast %ne3A_42 : i32 to vector<16xi32>
    %ne3A_44 = arith.cmpi ne, %rem3A_41, %ne3A_43 : vector<16xi32>
    %lt3A_45 = arith.constant 0 : i32
    %lt3A_46 = vector.broadcast %lt3A_45 : i32 to vector<16xi32>
    %lt3A_47 = arith.cmpi slt, %rem3A_41, %lt3A_46 : vector<16xi32>
    %lt3A_48 = arith.constant 0 : i32
    %lt3A_49 = arith.cmpi slt, %select_n3A_39, %lt3A_48 : i32
    %ne3A_50 = vector.broadcast %lt3A_49 : i1 to vector<16xi1>
    %ne3A_51 = vector.broadcast %ne3A_50 : vector<16xi1> to vector<16xi1>
    %ne3A_52 = arith.xori %lt3A_47, %ne3A_51 : vector<16xi1>
    %and3A_53 = arith.andi %ne3A_52, %ne3A_44 : vector<16xi1>
    %add3A_54 = vector.broadcast %select_n3A_39 : i32 to vector<16xi32>
    %add3A_55 = arith.addi %rem3A_41, %add3A_54 : vector<16xi32>
    %select_n3A_56 = arith.select %and3A_53, %add3A_55, %rem3A_41 : vector<16xi1>, vector<16xi32>
    %add3A_57 = arith.constant 10000 : i32
    %add3A_58 = vector.broadcast %add3A_57 : i32 to vector<16xi32>
    %add3A_59 = arith.addi %add3A_58, %select_n3A_56 : vector<16xi32>
    %swap3A_60 = arith.constant 10016 : index
    %swap3A_61 = tpu.vector_load %arg6[%swap3A_60] {strides = array<i32>} : memref<10240xi32, #tpu.memory_space<vmem>>, vector<16xi32>,
    %swap3A_62 = vector.shape_cast %swap3A_61 : vector<16xi32> to vector<16xi32>
    %swap3A_63 = vector.shape_cast %add3A_59 : vector<16xi32> to vector<16xi32>
    tpu.vector_store %arg6[%swap3A_60], %swap3A_63 {strides = array<i32>} : memref<10240xi32, #tpu.memory_space<vmem>>, vector<16xi32>,
    %add3A_64 = arith.constant 32 : i32
    %add3A_65 = vector.broadcast %add3A_64 : i32 to vector<16xi32>
    %add3A_66 = arith.addi %add3A_65, %iota3A : vector<16xi32>
    %jit3A_67 = arith.constant 112 : i32
    %eq3A_68 = arith.constant 0 : i32
    %eq3A_69 = arith.cmpi eq, %jit3A_67, %eq3A_68 : i32
    %jit3A_70 = arith.constant 1 : i32
    %select_n3A_71 = arith.select %eq3A_69, %jit3A_70, %jit3A_67 : i32
    %rem3A_72 = vector.broadcast %select_n3A_71 : i32 to vector<16xi32>
    %rem3A_73 = arith.remsi %add3A_66, %rem3A_72 : vector<16xi32>
    %ne3A_74 = arith.constant 0 : i32
    %ne3A_75 = vector.broadcast %ne3A_74 : i32 to vector<16xi32>
    %ne3A_76 = arith.cmpi ne, %rem3A_73, %ne3A_75 : vector<16xi32>
    %lt3A_77 = arith.constant 0 : i32
    %lt3A_78 = vector.broadcast %lt3A_77 : i32 to vector<16xi32>
    %lt3A_79 = arith.cmpi slt, %rem3A_73, %lt3A_78 : vector<16xi32>
    %lt3A_80 = arith.constant 0 : i32
    %lt3A_81 = arith.cmpi slt, %select_n3A_71, %lt3A_80 : i32
    %ne3A_82 = vector.broadcast %lt3A_81 : i1 to vector<16xi1>
    %ne3A_83 = vector.broadcast %ne3A_82 : vector<16xi1> to vector<16xi1>
    %ne3A_84 = arith.xori %lt3A_79, %ne3A_83 : vector<16xi1>
    %and3A_85 = arith.andi %ne3A_84, %ne3A_76 : vector<16xi1>
    %add3A_86 = vector.broadcast %select_n3A_71 : i32 to vector<16xi32>
    %add3A_87 = arith.addi %rem3A_73, %add3A_86 : vector<16xi32>
    %select_n3A_88 = arith.select %and3A_85, %add3A_87, %rem3A_73 : vector<16xi1>, vector<16xi32>
    %add3A_89 = arith.constant 10000 : i32
    %add3A_90 = vector.broadcast %add3A_89 : i32 to vector<16xi32>
    %add3A_91 = arith.addi %add3A_90, %select_n3A_88 : vector<16xi32>
    %swap3A_92 = arith.constant 10032 : index
    %swap3A_93 = tpu.vector_load %arg6[%swap3A_92] {strides = array<i32>} : memref<10240xi32, #tpu.memory_space<vmem>>, vector<16xi32>,
    %swap3A_94 = vector.shape_cast %swap3A_93 : vector<16xi32> to vector<16xi32>
    %swap3A_95 = vector.shape_cast %add3A_91 : vector<16xi32> to vector<16xi32>
    tpu.vector_store %arg6[%swap3A_92], %swap3A_95 {strides = array<i32>} : memref<10240xi32, #tpu.memory_space<vmem>>, vector<16xi32>,
    %add3A_96 = arith.constant 48 : i32
    %add3A_97 = vector.broadcast %add3A_96 : i32 to vector<16xi32>
    %add3A_98 = arith.addi %add3A_97, %iota3A : vector<16xi32>
    %jit3A_99 = arith.constant 112 : i32
    %eq3A_100 = arith.constant 0 : i32
    %eq3A_101 = arith.cmpi eq, %jit3A_99, %eq3A_100 : i32
    %jit3A_102 = arith.constant 1 : i32
    %select_n3A_103 = arith.select %eq3A_101, %jit3A_102, %jit3A_99 : i32
    %rem3A_104 = vector.broadcast %select_n3A_103 : i32 to vector<16xi32>
    %rem3A_105 = arith.remsi %add3A_98, %rem3A_104 : vector<16xi32>
    %ne3A_106 = arith.constant 0 : i32
    %ne3A_107 = vector.broadcast %ne3A_106 : i32 to vector<16xi32>
    %ne3A_108 = arith.cmpi ne, %rem3A_105, %ne3A_107 : vector<16xi32>
    %lt3A_109 = arith.constant 0 : i32
    %lt3A_110 = vector.broadcast %lt3A_109 : i32 to vector<16xi32>
    %lt3A_111 = arith.cmpi slt, %rem3A_105, %lt3A_110 : vector<16xi32>
    %lt3A_112 = arith.constant 0 : i32
    %lt3A_113 = arith.cmpi slt, %select_n3A_103, %lt3A_112 : i32
    %ne3A_114 = vector.broadcast %lt3A_113 : i1 to vector<16xi1>
    %ne3A_115 = vector.broadcast %ne3A_114 : vector<16xi1> to vector<16xi1>
    %ne3A_116 = arith.xori %lt3A_111, %ne3A_115 : vector<16xi1>
    %and3A_117 = arith.andi %ne3A_116, %ne3A_108 : vector<16xi1>
    %add3A_118 = vector.broadcast %select_n3A_103 : i32 to vector<16xi32>
    %add3A_119 = arith.addi %rem3A_105, %add3A_118 : vector<16xi32>
    %select_n3A_120 = arith.select %and3A_117, %add3A_119, %rem3A_105 : vector<16xi1>, vector<16xi32>
    %add3A_121 = arith.constant 10000 : i32
    %add3A_122 = vector.broadcast %add3A_121 : i32 to vector<16xi32>
    %add3A_123 = arith.addi %add3A_122, %select_n3A_120 : vector<16xi32>
    %swap3A_124 = arith.constant 10048 : index
    %swap3A_125 = tpu.vector_load %arg6[%swap3A_124] {strides = array<i32>} : memref<10240xi32, #tpu.memory_space<vmem>>, vector<16xi32>,
    %swap3A_126 = vector.shape_cast %swap3A_125 : vector<16xi32> to vector<16xi32>
    %swap3A_127 = vector.shape_cast %add3A_123 : vector<16xi32> to vector<16xi32>
    tpu.vector_store %arg6[%swap3A_124], %swap3A_127 {strides = array<i32>} : memref<10240xi32, #tpu.memory_space<vmem>>, vector<16xi32>,
    %add3A_128 = arith.constant 64 : i32
    %add3A_129 = vector.broadcast %add3A_128 : i32 to vector<16xi32>
    %add3A_130 = arith.addi %add3A_129, %iota3A : vector<16xi32>
    %jit3A_131 = arith.constant 112 : i32
    %eq3A_132 = arith.constant 0 : i32
    %eq3A_133 = arith.cmpi eq, %jit3A_131, %eq3A_132 : i32
    %jit3A_134 = arith.constant 1 : i32
    %select_n3A_135 = arith.select %eq3A_133, %jit3A_134, %jit3A_131 : i32
    %rem3A_136 = vector.broadcast %select_n3A_135 : i32 to vector<16xi32>
    %rem3A_137 = arith.remsi %add3A_130, %rem3A_136 : vector<16xi32>
    %ne3A_138 = arith.constant 0 : i32
    %ne3A_139 = vector.broadcast %ne3A_138 : i32 to vector<16xi32>
    %ne3A_140 = arith.cmpi ne, %rem3A_137, %ne3A_139 : vector<16xi32>
    %lt3A_141 = arith.constant 0 : i32
    %lt3A_142 = vector.broadcast %lt3A_141 : i32 to vector<16xi32>
    %lt3A_143 = arith.cmpi slt, %rem3A_137, %lt3A_142 : vector<16xi32>
    %lt3A_144 = arith.constant 0 : i32
    %lt3A_145 = arith.cmpi slt, %select_n3A_135, %lt3A_144 : i32
    %ne3A_146 = vector.broadcast %lt3A_145 : i1 to vector<16xi1>
    %ne3A_147 = vector.broadcast %ne3A_146 : vector<16xi1> to vector<16xi1>
    %ne3A_148 = arith.xori %lt3A_143, %ne3A_147 : vector<16xi1>
    %and3A_149 = arith.andi %ne3A_148, %ne3A_140 : vector<16xi1>
    %add3A_150 = vector.broadcast %select_n3A_135 : i32 to vector<16xi32>
    %add3A_151 = arith.addi %rem3A_137, %add3A_150 : vector<16xi32>
    %select_n3A_152 = arith.select %and3A_149, %add3A_151, %rem3A_137 : vector<16xi1>, vector<16xi32>
    %add3A_153 = arith.constant 10000 : i32
    %add3A_154 = vector.broadcast %add3A_153 : i32 to vector<16xi32>
    %add3A_155 = arith.addi %add3A_154, %select_n3A_152 : vector<16xi32>
    %swap3A_156 = arith.constant 10064 : index
    %swap3A_157 = tpu.vector_load %arg6[%swap3A_156] {strides = array<i32>} : memref<10240xi32, #tpu.memory_space<vmem>>, vector<16xi32>,
    %swap3A_158 = vector.shape_cast %swap3A_157 : vector<16xi32> to vector<16xi32>
    %swap3A_159 = vector.shape_cast %add3A_155 : vector<16xi32> to vector<16xi32>
    tpu.vector_store %arg6[%swap3A_156], %swap3A_159 {strides = array<i32>} : memref<10240xi32, #tpu.memory_space<vmem>>, vector<16xi32>,
    %add3A_160 = arith.constant 80 : i32
    %add3A_161 = vector.broadcast %add3A_160 : i32 to vector<16xi32>
    %add3A_162 = arith.addi %add3A_161, %iota3A : vector<16xi32>
    %jit3A_163 = arith.constant 112 : i32
    %eq3A_164 = arith.constant 0 : i32
    %eq3A_165 = arith.cmpi eq, %jit3A_163, %eq3A_164 : i32
    %jit3A_166 = arith.constant 1 : i32
    %select_n3A_167 = arith.select %eq3A_165, %jit3A_166, %jit3A_163 : i32
    %rem3A_168 = vector.broadcast %select_n3A_167 : i32 to vector<16xi32>
    %rem3A_169 = arith.remsi %add3A_162, %rem3A_168 : vector<16xi32>
    %ne3A_170 = arith.constant 0 : i32
    %ne3A_171 = vector.broadcast %ne3A_170 : i32 to vector<16xi32>
    %ne3A_172 = arith.cmpi ne, %rem3A_169, %ne3A_171 : vector<16xi32>
    %lt3A_173 = arith.constant 0 : i32
    %lt3A_174 = vector.broadcast %lt3A_173 : i32 to vector<16xi32>
    %lt3A_175 = arith.cmpi slt, %rem3A_169, %lt3A_174 : vector<16xi32>
    %lt3A_176 = arith.constant 0 : i32
    %lt3A_177 = arith.cmpi slt, %select_n3A_167, %lt3A_176 : i32
    %ne3A_178 = vector.broadcast %lt3A_177 : i1 to vector<16xi1>
    %ne3A_179 = vector.broadcast %ne3A_178 : vector<16xi1> to vector<16xi1>
    %ne3A_180 = arith.xori %lt3A_175, %ne3A_179 : vector<16xi1>
    %and3A_181 = arith.andi %ne3A_180, %ne3A_172 : vector<16xi1>
    %add3A_182 = vector.broadcast %select_n3A_167 : i32 to vector<16xi32>
    %add3A_183 = arith.addi %rem3A_169, %add3A_182 : vector<16xi32>
    %select_n3A_184 = arith.select %and3A_181, %add3A_183, %rem3A_169 : vector<16xi1>, vector<16xi32>
    %add3A_185 = arith.constant 10000 : i32
    %add3A_186 = vector.broadcast %add3A_185 : i32 to vector<16xi32>
    %add3A_187 = arith.addi %add3A_186, %select_n3A_184 : vector<16xi32>
    %swap3A_188 = arith.constant 10080 : index
    %swap3A_189 = tpu.vector_load %arg6[%swap3A_188] {strides = array<i32>} : memref<10240xi32, #tpu.memory_space<vmem>>, vector<16xi32>,
    %swap3A_190 = vector.shape_cast %swap3A_189 : vector<16xi32> to vector<16xi32>
    %swap3A_191 = vector.shape_cast %add3A_187 : vector<16xi32> to vector<16xi32>
    tpu.vector_store %arg6[%swap3A_188], %swap3A_191 {strides = array<i32>} : memref<10240xi32, #tpu.memory_space<vmem>>, vector<16xi32>,
    %add3A_192 = arith.constant 96 : i32
    %add3A_193 = vector.broadcast %add3A_192 : i32 to vector<16xi32>
    %add3A_194 = arith.addi %add3A_193, %iota3A : vector<16xi32>
    %jit3A_195 = arith.constant 112 : i32
    %eq3A_196 = arith.constant 0 : i32
    %eq3A_197 = arith.cmpi eq, %jit3A_195, %eq3A_196 : i32
    %jit3A_198 = arith.constant 1 : i32
    %select_n3A_199 = arith.select %eq3A_197, %jit3A_198, %jit3A_195 : i32
    %rem3A_200 = vector.broadcast %select_n3A_199 : i32 to vector<16xi32>
    %rem3A_201 = arith.remsi %add3A_194, %rem3A_200 : vector<16xi32>
    %ne3A_202 = arith.constant 0 : i32
    %ne3A_203 = vector.broadcast %ne3A_202 : i32 to vector<16xi32>
    %ne3A_204 = arith.cmpi ne, %rem3A_201, %ne3A_203 : vector<16xi32>
    %lt3A_205 = arith.constant 0 : i32
    %lt3A_206 = vector.broadcast %lt3A_205 : i32 to vector<16xi32>
    %lt3A_207 = arith.cmpi slt, %rem3A_201, %lt3A_206 : vector<16xi32>
    %lt3A_208 = arith.constant 0 : i32
    %lt3A_209 = arith.cmpi slt, %select_n3A_199, %lt3A_208 : i32
    %ne3A_210 = vector.broadcast %lt3A_209 : i1 to vector<16xi1>
    %ne3A_211 = vector.broadcast %ne3A_210 : vector<16xi1> to vector<16xi1>
    %ne3A_212 = arith.xori %lt3A_207, %ne3A_211 : vector<16xi1>
    %and3A_213 = arith.andi %ne3A_212, %ne3A_204 : vector<16xi1>
    %add3A_214 = vector.broadcast %select_n3A_199 : i32 to vector<16xi32>
    %add3A_215 = arith.addi %rem3A_201, %add3A_214 : vector<16xi32>
    %select_n3A_216 = arith.select %and3A_213, %add3A_215, %rem3A_201 : vector<16xi1>, vector<16xi32>
    %add3A_217 = arith.constant 10000 : i32
    %add3A_218 = vector.broadcast %add3A_217 : i32 to vector<16xi32>
    %add3A_219 = arith.addi %add3A_218, %select_n3A_216 : vector<16xi32>
    %swap3A_220 = arith.constant 10096 : index
    %swap3A_221 = tpu.vector_load %arg6[%swap3A_220] {strides = array<i32>} : memref<10240xi32, #tpu.memory_space<vmem>>, vector<16xi32>,
    %swap3A_222 = vector.shape_cast %swap3A_221 : vector<16xi32> to vector<16xi32>
    %swap3A_223 = vector.shape_cast %add3A_219 : vector<16xi32> to vector<16xi32>
    tpu.vector_store %arg6[%swap3A_220], %swap3A_223 {strides = array<i32>} : memref<10240xi32, #tpu.memory_space<vmem>>, vector<16xi32>,
    %add3A_224 = arith.constant 112 : i32
    %add3A_225 = vector.broadcast %add3A_224 : i32 to vector<16xi32>
    %add3A_226 = arith.addi %add3A_225, %iota3A : vector<16xi32>
    %jit3A_227 = arith.constant 112 : i32
    %eq3A_228 = arith.constant 0 : i32
    %eq3A_229 = arith.cmpi eq, %jit3A_227, %eq3A_228 : i32
    %jit3A_230 = arith.constant 1 : i32
    %select_n3A_231 = arith.select %eq3A_229, %jit3A_230, %jit3A_227 : i32
    %rem3A_232 = vector.broadcast %select_n3A_231 : i32 to vector<16xi32>
    %rem3A_233 = arith.remsi %add3A_226, %rem3A_232 : vector<16xi32>
    %ne3A_234 = arith.constant 0 : i32
    %ne3A_235 = vector.broadcast %ne3A_234 : i32 to vector<16xi32>
    %ne3A_236 = arith.cmpi ne, %rem3A_233, %ne3A_235 : vector<16xi32>
    %lt3A_237 = arith.constant 0 : i32
    %lt3A_238 = vector.broadcast %lt3A_237 : i32 to vector<16xi32>
    %lt3A_239 = arith.cmpi slt, %rem3A_233, %lt3A_238 : vector<16xi32>
    %lt3A_240 = arith.constant 0 : i32
    %lt3A_241 = arith.cmpi slt, %select_n3A_231, %lt3A_240 : i32
    %ne3A_242 = vector.broadcast %lt3A_241 : i1 to vector<16xi1>
    %ne3A_243 = vector.broadcast %ne3A_242 : vector<16xi1> to vector<16xi1>
    %ne3A_244 = arith.xori %lt3A_239, %ne3A_243 : vector<16xi1>
    %and3A_245 = arith.andi %ne3A_244, %ne3A_236 : vector<16xi1>
    %add3A_246 = vector.broadcast %select_n3A_231 : i32 to vector<16xi32>
    %add3A_247 = arith.addi %rem3A_233, %add3A_246 : vector<16xi32>
    %select_n3A_248 = arith.select %and3A_245, %add3A_247, %rem3A_233 : vector<16xi1>, vector<16xi32>
    %add3A_249 = arith.constant 10000 : i32
    %add3A_250 = vector.broadcast %add3A_249 : i32 to vector<16xi32>
    %add3A_251 = arith.addi %add3A_250, %select_n3A_248 : vector<16xi32>
    %swap3A_252 = arith.constant 10112 : index
    %swap3A_253 = tpu.vector_load %arg6[%swap3A_252] {strides = array<i32>} : memref<10240xi32, #tpu.memory_space<vmem>>, vector<16xi32>,
    %swap3A_254 = vector.shape_cast %swap3A_253 : vector<16xi32> to vector<16xi32>
    %swap3A_255 = vector.shape_cast %add3A_251 : vector<16xi32> to vector<16xi32>
    tpu.vector_store %arg6[%swap3A_252], %swap3A_255 {strides = array<i32>} : memref<10240xi32, #tpu.memory_space<vmem>>, vector<16xi32>,
    %add3A_256 = arith.constant 128 : i32
    %add3A_257 = vector.broadcast %add3A_256 : i32 to vector<16xi32>
    %add3A_258 = arith.addi %add3A_257, %iota3A : vector<16xi32>
    %jit3A_259 = arith.constant 112 : i32
    %eq3A_260 = arith.constant 0 : i32
    %eq3A_261 = arith.cmpi eq, %jit3A_259, %eq3A_260 : i32
    %jit3A_262 = arith.constant 1 : i32
    %select_n3A_263 = arith.select %eq3A_261, %jit3A_262, %jit3A_259 : i32
    %rem3A_264 = vector.broadcast %select_n3A_263 : i32 to vector<16xi32>
    %rem3A_265 = arith.remsi %add3A_258, %rem3A_264 : vector<16xi32>
    %ne3A_266 = arith.constant 0 : i32
    %ne3A_267 = vector.broadcast %ne3A_266 : i32 to vector<16xi32>
    %ne3A_268 = arith.cmpi ne, %rem3A_265, %ne3A_267 : vector<16xi32>
    %lt3A_269 = arith.constant 0 : i32
    %lt3A_270 = vector.broadcast %lt3A_269 : i32 to vector<16xi32>
    %lt3A_271 = arith.cmpi slt, %rem3A_265, %lt3A_270 : vector<16xi32>
    %lt3A_272 = arith.constant 0 : i32
    %lt3A_273 = arith.cmpi slt, %select_n3A_263, %lt3A_272 : i32
    %ne3A_274 = vector.broadcast %lt3A_273 : i1 to vector<16xi1>
    %ne3A_275 = vector.broadcast %ne3A_274 : vector<16xi1> to vector<16xi1>
    %ne3A_276 = arith.xori %lt3A_271, %ne3A_275 : vector<16xi1>
    %and3A_277 = arith.andi %ne3A_276, %ne3A_268 : vector<16xi1>
    %add3A_278 = vector.broadcast %select_n3A_263 : i32 to vector<16xi32>
    %add3A_279 = arith.addi %rem3A_265, %add3A_278 : vector<16xi32>
    %select_n3A_280 = arith.select %and3A_277, %add3A_279, %rem3A_265 : vector<16xi1>, vector<16xi32>
    %add3A_281 = arith.constant 10000 : i32
    %add3A_282 = vector.broadcast %add3A_281 : i32 to vector<16xi32>
    %add3A_283 = arith.addi %add3A_282, %select_n3A_280 : vector<16xi32>
    %swap3A_284 = arith.constant 10128 : index
    %swap3A_285 = tpu.vector_load %arg6[%swap3A_284] {strides = array<i32>} : memref<10240xi32, #tpu.memory_space<vmem>>, vector<16xi32>,
    %swap3A_286 = vector.shape_cast %swap3A_285 : vector<16xi32> to vector<16xi32>
    %swap3A_287 = vector.shape_cast %add3A_283 : vector<16xi32> to vector<16xi32>
    tpu.vector_store %arg6[%swap3A_284], %swap3A_287 {strides = array<i32>} : memref<10240xi32, #tpu.memory_space<vmem>>, vector<16xi32>,
    %add3A_288 = arith.constant 144 : i32
    %add3A_289 = vector.broadcast %add3A_288 : i32 to vector<16xi32>
    %add3A_290 = arith.addi %add3A_289, %iota3A : vector<16xi32>
    %jit3A_291 = arith.constant 112 : i32
    %eq3A_292 = arith.constant 0 : i32
    %eq3A_293 = arith.cmpi eq, %jit3A_291, %eq3A_292 : i32
    %jit3A_294 = arith.constant 1 : i32
    %select_n3A_295 = arith.select %eq3A_293, %jit3A_294, %jit3A_291 : i32
    %rem3A_296 = vector.broadcast %select_n3A_295 : i32 to vector<16xi32>
    %rem3A_297 = arith.remsi %add3A_290, %rem3A_296 : vector<16xi32>
    %ne3A_298 = arith.constant 0 : i32
    %ne3A_299 = vector.broadcast %ne3A_298 : i32 to vector<16xi32>
    %ne3A_300 = arith.cmpi ne, %rem3A_297, %ne3A_299 : vector<16xi32>
    %lt3A_301 = arith.constant 0 : i32
    %lt3A_302 = vector.broadcast %lt3A_301 : i32 to vector<16xi32>
    %lt3A_303 = arith.cmpi slt, %rem3A_297, %lt3A_302 : vector<16xi32>
    %lt3A_304 = arith.constant 0 : i32
    %lt3A_305 = arith.cmpi slt, %select_n3A_295, %lt3A_304 : i32
    %ne3A_306 = vector.broadcast %lt3A_305 : i1 to vector<16xi1>
    %ne3A_307 = vector.broadcast %ne3A_306 : vector<16xi1> to vector<16xi1>
    %ne3A_308 = arith.xori %lt3A_303, %ne3A_307 : vector<16xi1>
    %and3A_309 = arith.andi %ne3A_308, %ne3A_300 : vector<16xi1>
    %add3A_310 = vector.broadcast %select_n3A_295 : i32 to vector<16xi32>
    %add3A_311 = arith.addi %rem3A_297, %add3A_310 : vector<16xi32>
    %select_n3A_312 = arith.select %and3A_309, %add3A_311, %rem3A_297 : vector<16xi1>, vector<16xi32>
    %add3A_313 = arith.constant 10000 : i32
    %add3A_314 = vector.broadcast %add3A_313 : i32 to vector<16xi32>
    %add3A_315 = arith.addi %add3A_314, %select_n3A_312 : vector<16xi32>
    %swap3A_316 = arith.constant 10144 : index
    %swap3A_317 = tpu.vector_load %arg6[%swap3A_316] {strides = array<i32>} : memref<10240xi32, #tpu.memory_space<vmem>>, vector<16xi32>,
    %swap3A_318 = vector.shape_cast %swap3A_317 : vector<16xi32> to vector<16xi32>
    %swap3A_319 = vector.shape_cast %add3A_315 : vector<16xi32> to vector<16xi32>
    tpu.vector_store %arg6[%swap3A_316], %swap3A_319 {strides = array<i32>} : memref<10240xi32, #tpu.memory_space<vmem>>, vector<16xi32>,
    %add3A_320 = arith.constant 160 : i32
    %add3A_321 = vector.broadcast %add3A_320 : i32 to vector<16xi32>
    %add3A_322 = arith.addi %add3A_321, %iota3A : vector<16xi32>
    %jit3A_323 = arith.constant 112 : i32
    %eq3A_324 = arith.constant 0 : i32
    %eq3A_325 = arith.cmpi eq, %jit3A_323, %eq3A_324 : i32
    %jit3A_326 = arith.constant 1 : i32
    %select_n3A_327 = arith.select %eq3A_325, %jit3A_326, %jit3A_323 : i32
    %rem3A_328 = vector.broadcast %select_n3A_327 : i32 to vector<16xi32>
    %rem3A_329 = arith.remsi %add3A_322, %rem3A_328 : vector<16xi32>
    %ne3A_330 = arith.constant 0 : i32
    %ne3A_331 = vector.broadcast %ne3A_330 : i32 to vector<16xi32>
    %ne3A_332 = arith.cmpi ne, %rem3A_329, %ne3A_331 : vector<16xi32>
    %lt3A_333 = arith.constant 0 : i32
    %lt3A_334 = vector.broadcast %lt3A_333 : i32 to vector<16xi32>
    %lt3A_335 = arith.cmpi slt, %rem3A_329, %lt3A_334 : vector<16xi32>
    %lt3A_336 = arith.constant 0 : i32
    %lt3A_337 = arith.cmpi slt, %select_n3A_327, %lt3A_336 : i32
    %ne3A_338 = vector.broadcast %lt3A_337 : i1 to vector<16xi1>
    %ne3A_339 = vector.broadcast %ne3A_338 : vector<16xi1> to vector<16xi1>
    %ne3A_340 = arith.xori %lt3A_335, %ne3A_339 : vector<16xi1>
    %and3A_341 = arith.andi %ne3A_340, %ne3A_332 : vector<16xi1>
    %add3A_342 = vector.broadcast %select_n3A_327 : i32 to vector<16xi32>
    %add3A_343 = arith.addi %rem3A_329, %add3A_342 : vector<16xi32>
    %select_n3A_344 = arith.select %and3A_341, %add3A_343, %rem3A_329 : vector<16xi1>, vector<16xi32>
    %add3A_345 = arith.constant 10000 : i32
    %add3A_346 = vector.broadcast %add3A_345 : i32 to vector<16xi32>
    %add3A_347 = arith.addi %add3A_346, %select_n3A_344 : vector<16xi32>
    %swap3A_348 = arith.constant 10160 : index
    %swap3A_349 = tpu.vector_load %arg6[%swap3A_348] {strides = array<i32>} : memref<10240xi32, #tpu.memory_space<vmem>>, vector<16xi32>,
    %swap3A_350 = vector.shape_cast %swap3A_349 : vector<16xi32> to vector<16xi32>
    %swap3A_351 = vector.shape_cast %add3A_347 : vector<16xi32> to vector<16xi32>
    tpu.vector_store %arg6[%swap3A_348], %swap3A_351 {strides = array<i32>} : memref<10240xi32, #tpu.memory_space<vmem>>, vector<16xi32>,
    %add3A_352 = arith.constant 176 : i32
    %add3A_353 = vector.broadcast %add3A_352 : i32 to vector<16xi32>
    %add3A_354 = arith.addi %add3A_353, %iota3A : vector<16xi32>
    %jit3A_355 = arith.constant 112 : i32
    %eq3A_356 = arith.constant 0 : i32
    %eq3A_357 = arith.cmpi eq, %jit3A_355, %eq3A_356 : i32
    %jit3A_358 = arith.constant 1 : i32
    %select_n3A_359 = arith.select %eq3A_357, %jit3A_358, %jit3A_355 : i32
    %rem3A_360 = vector.broadcast %select_n3A_359 : i32 to vector<16xi32>
    %rem3A_361 = arith.remsi %add3A_354, %rem3A_360 : vector<16xi32>
    %ne3A_362 = arith.constant 0 : i32
    %ne3A_363 = vector.broadcast %ne3A_362 : i32 to vector<16xi32>
    %ne3A_364 = arith.cmpi ne, %rem3A_361, %ne3A_363 : vector<16xi32>
    %lt3A_365 = arith.constant 0 : i32
    %lt3A_366 = vector.broadcast %lt3A_365 : i32 to vector<16xi32>
    %lt3A_367 = arith.cmpi slt, %rem3A_361, %lt3A_366 : vector<16xi32>
    %lt3A_368 = arith.constant 0 : i32
    %lt3A_369 = arith.cmpi slt, %select_n3A_359, %lt3A_368 : i32
    %ne3A_370 = vector.broadcast %lt3A_369 : i1 to vector<16xi1>
    %ne3A_371 = vector.broadcast %ne3A_370 : vector<16xi1> to vector<16xi1>
    %ne3A_372 = arith.xori %lt3A_367, %ne3A_371 : vector<16xi1>
    %and3A_373 = arith.andi %ne3A_372, %ne3A_364 : vector<16xi1>
    %add3A_374 = vector.broadcast %select_n3A_359 : i32 to vector<16xi32>
    %add3A_375 = arith.addi %rem3A_361, %add3A_374 : vector<16xi32>
    %select_n3A_376 = arith.select %and3A_373, %add3A_375, %rem3A_361 : vector<16xi1>, vector<16xi32>
    %add3A_377 = arith.constant 10000 : i32
    %add3A_378 = vector.broadcast %add3A_377 : i32 to vector<16xi32>
    %add3A_379 = arith.addi %add3A_378, %select_n3A_376 : vector<16xi32>
    %swap3A_380 = arith.constant 10176 : index
    %swap3A_381 = tpu.vector_load %arg6[%swap3A_380] {strides = array<i32>} : memref<10240xi32, #tpu.memory_space<vmem>>, vector<16xi32>,
    %swap3A_382 = vector.shape_cast %swap3A_381 : vector<16xi32> to vector<16xi32>
    %swap3A_383 = vector.shape_cast %add3A_379 : vector<16xi32> to vector<16xi32>
    tpu.vector_store %arg6[%swap3A_380], %swap3A_383 {strides = array<i32>} : memref<10240xi32, #tpu.memory_space<vmem>>, vector<16xi32>,
    %add3A_384 = arith.constant 192 : i32
    %add3A_385 = vector.broadcast %add3A_384 : i32 to vector<16xi32>
    %add3A_386 = arith.addi %add3A_385, %iota3A : vector<16xi32>
    %jit3A_387 = arith.constant 112 : i32
    %eq3A_388 = arith.constant 0 : i32
    %eq3A_389 = arith.cmpi eq, %jit3A_387, %eq3A_388 : i32
    %jit3A_390 = arith.constant 1 : i32
    %select_n3A_391 = arith.select %eq3A_389, %jit3A_390, %jit3A_387 : i32
    %rem3A_392 = vector.broadcast %select_n3A_391 : i32 to vector<16xi32>
    %rem3A_393 = arith.remsi %add3A_386, %rem3A_392 : vector<16xi32>
    %ne3A_394 = arith.constant 0 : i32
    %ne3A_395 = vector.broadcast %ne3A_394 : i32 to vector<16xi32>
    %ne3A_396 = arith.cmpi ne, %rem3A_393, %ne3A_395 : vector<16xi32>
    %lt3A_397 = arith.constant 0 : i32
    %lt3A_398 = vector.broadcast %lt3A_397 : i32 to vector<16xi32>
    %lt3A_399 = arith.cmpi slt, %rem3A_393, %lt3A_398 : vector<16xi32>
    %lt3A_400 = arith.constant 0 : i32
    %lt3A_401 = arith.cmpi slt, %select_n3A_391, %lt3A_400 : i32
    %ne3A_402 = vector.broadcast %lt3A_401 : i1 to vector<16xi1>
    %ne3A_403 = vector.broadcast %ne3A_402 : vector<16xi1> to vector<16xi1>
    %ne3A_404 = arith.xori %lt3A_399, %ne3A_403 : vector<16xi1>
    %and3A_405 = arith.andi %ne3A_404, %ne3A_396 : vector<16xi1>
    %add3A_406 = vector.broadcast %select_n3A_391 : i32 to vector<16xi32>
    %add3A_407 = arith.addi %rem3A_393, %add3A_406 : vector<16xi32>
    %select_n3A_408 = arith.select %and3A_405, %add3A_407, %rem3A_393 : vector<16xi1>, vector<16xi32>
    %add3A_409 = arith.constant 10000 : i32
    %add3A_410 = vector.broadcast %add3A_409 : i32 to vector<16xi32>
    %add3A_411 = arith.addi %add3A_410, %select_n3A_408 : vector<16xi32>
    %swap3A_412 = arith.constant 10192 : index
    %swap3A_413 = tpu.vector_load %arg6[%swap3A_412] {strides = array<i32>} : memref<10240xi32, #tpu.memory_space<vmem>>, vector<16xi32>,
    %swap3A_414 = vector.shape_cast %swap3A_413 : vector<16xi32> to vector<16xi32>
    %swap3A_415 = vector.shape_cast %add3A_411 : vector<16xi32> to vector<16xi32>
    tpu.vector_store %arg6[%swap3A_412], %swap3A_415 {strides = array<i32>} : memref<10240xi32, #tpu.memory_space<vmem>>, vector<16xi32>,
    %add3A_416 = arith.constant 208 : i32
    %add3A_417 = vector.broadcast %add3A_416 : i32 to vector<16xi32>
    %add3A_418 = arith.addi %add3A_417, %iota3A : vector<16xi32>
    %jit3A_419 = arith.constant 112 : i32
    %eq3A_420 = arith.constant 0 : i32
    %eq3A_421 = arith.cmpi eq, %jit3A_419, %eq3A_420 : i32
    %jit3A_422 = arith.constant 1 : i32
    %select_n3A_423 = arith.select %eq3A_421, %jit3A_422, %jit3A_419 : i32
    %rem3A_424 = vector.broadcast %select_n3A_423 : i32 to vector<16xi32>
    %rem3A_425 = arith.remsi %add3A_418, %rem3A_424 : vector<16xi32>
    %ne3A_426 = arith.constant 0 : i32
    %ne3A_427 = vector.broadcast %ne3A_426 : i32 to vector<16xi32>
    %ne3A_428 = arith.cmpi ne, %rem3A_425, %ne3A_427 : vector<16xi32>
    %lt3A_429 = arith.constant 0 : i32
    %lt3A_430 = vector.broadcast %lt3A_429 : i32 to vector<16xi32>
    %lt3A_431 = arith.cmpi slt, %rem3A_425, %lt3A_430 : vector<16xi32>
    %lt3A_432 = arith.constant 0 : i32
    %lt3A_433 = arith.cmpi slt, %select_n3A_423, %lt3A_432 : i32
    %ne3A_434 = vector.broadcast %lt3A_433 : i1 to vector<16xi1>
    %ne3A_435 = vector.broadcast %ne3A_434 : vector<16xi1> to vector<16xi1>
    %ne3A_436 = arith.xori %lt3A_431, %ne3A_435 : vector<16xi1>
    %and3A_437 = arith.andi %ne3A_436, %ne3A_428 : vector<16xi1>
    %add3A_438 = vector.broadcast %select_n3A_423 : i32 to vector<16xi32>
    %add3A_439 = arith.addi %rem3A_425, %add3A_438 : vector<16xi32>
    %select_n3A_440 = arith.select %and3A_437, %add3A_439, %rem3A_425 : vector<16xi1>, vector<16xi32>
    %add3A_441 = arith.constant 10000 : i32
    %add3A_442 = vector.broadcast %add3A_441 : i32 to vector<16xi32>
    %add3A_443 = arith.addi %add3A_442, %select_n3A_440 : vector<16xi32>
    %swap3A_444 = arith.constant 10208 : index
    %swap3A_445 = tpu.vector_load %arg6[%swap3A_444] {strides = array<i32>} : memref<10240xi32, #tpu.memory_space<vmem>>, vector<16xi32>,
    %swap3A_446 = vector.shape_cast %swap3A_445 : vector<16xi32> to vector<16xi32>
    %swap3A_447 = vector.shape_cast %add3A_443 : vector<16xi32> to vector<16xi32>
    tpu.vector_store %arg6[%swap3A_444], %swap3A_447 {strides = array<i32>} : memref<10240xi32, #tpu.memory_space<vmem>>, vector<16xi32>,
    %add3A_448 = arith.constant 224 : i32
    %add3A_449 = vector.broadcast %add3A_448 : i32 to vector<16xi32>
    %add3A_450 = arith.addi %add3A_449, %iota3A : vector<16xi32>
    %jit3A_451 = arith.constant 112 : i32
    %eq3A_452 = arith.constant 0 : i32
    %eq3A_453 = arith.cmpi eq, %jit3A_451, %eq3A_452 : i32
    %jit3A_454 = arith.constant 1 : i32
    %select_n3A_455 = arith.select %eq3A_453, %jit3A_454, %jit3A_451 : i32
    %rem3A_456 = vector.broadcast %select_n3A_455 : i32 to vector<16xi32>
    %rem3A_457 = arith.remsi %add3A_450, %rem3A_456 : vector<16xi32>
    %ne3A_458 = arith.constant 0 : i32
    %ne3A_459 = vector.broadcast %ne3A_458 : i32 to vector<16xi32>
    %ne3A_460 = arith.cmpi ne, %rem3A_457, %ne3A_459 : vector<16xi32>
    %lt3A_461 = arith.constant 0 : i32
    %lt3A_462 = vector.broadcast %lt3A_461 : i32 to vector<16xi32>
    %lt3A_463 = arith.cmpi slt, %rem3A_457, %lt3A_462 : vector<16xi32>
    %lt3A_464 = arith.constant 0 : i32
    %lt3A_465 = arith.cmpi slt, %select_n3A_455, %lt3A_464 : i32
    %ne3A_466 = vector.broadcast %lt3A_465 : i1 to vector<16xi1>
    %ne3A_467 = vector.broadcast %ne3A_466 : vector<16xi1> to vector<16xi1>
    %ne3A_468 = arith.xori %lt3A_463, %ne3A_467 : vector<16xi1>
    %and3A_469 = arith.andi %ne3A_468, %ne3A_460 : vector<16xi1>
    %add3A_470 = vector.broadcast %select_n3A_455 : i32 to vector<16xi32>
    %add3A_471 = arith.addi %rem3A_457, %add3A_470 : vector<16xi32>
    %select_n3A_472 = arith.select %and3A_469, %add3A_471, %rem3A_457 : vector<16xi1>, vector<16xi32>
    %add3A_473 = arith.constant 10000 : i32
    %add3A_474 = vector.broadcast %add3A_473 : i32 to vector<16xi32>
    %add3A_475 = arith.addi %add3A_474, %select_n3A_472 : vector<16xi32>
    %swap3A_476 = arith.constant 10224 : index
    %swap3A_477 = tpu.vector_load %arg6[%swap3A_476] {strides = array<i32>} : memref<10240xi32, #tpu.memory_space<vmem>>, vector<16xi32>,
    %swap3A_478 = vector.shape_cast %swap3A_477 : vector<16xi32> to vector<16xi32>
    %swap3A_479 = vector.shape_cast %add3A_475 : vector<16xi32> to vector<16xi32>
    tpu.vector_store %arg6[%swap3A_476], %swap3A_479 {strides = array<i32>} : memref<10240xi32, #tpu.memory_space<vmem>>, vector<16xi32>,
    %iota3A_480 = tpu.iota {dimensions = array<i32: 0>} : vector<16xi32>
    %add3A_481 = arith.constant 0 : i32
    %add3A_482 = vector.broadcast %add3A_481 : i32 to vector<16xi32>
    %add3A_483 = arith.addi %add3A_482, %iota3A_480 : vector<16xi32>
    %jit3A_484 = arith.constant 112 : i32
    %eq3A_485 = arith.constant 0 : i32
    %eq3A_486 = arith.cmpi eq, %jit3A_484, %eq3A_485 : i32
    %jit3A_487 = arith.constant 1 : i32
    %select_n3A_488 = arith.select %eq3A_486, %jit3A_487, %jit3A_484 : i32
    %rem3A_489 = vector.broadcast %select_n3A_488 : i32 to vector<16xi32>
    %rem3A_490 = arith.remsi %add3A_483, %rem3A_489 : vector<16xi32>
    %ne3A_491 = arith.constant 0 : i32
    %ne3A_492 = vector.broadcast %ne3A_491 : i32 to vector<16xi32>
    %ne3A_493 = arith.cmpi ne, %rem3A_490, %ne3A_492 : vector<16xi32>
    %lt3A_494 = arith.constant 0 : i32
    %lt3A_495 = vector.broadcast %lt3A_494 : i32 to vector<16xi32>
    %lt3A_496 = arith.cmpi slt, %rem3A_490, %lt3A_495 : vector<16xi32>
    %lt3A_497 = arith.constant 0 : i32
    %lt3A_498 = arith.cmpi slt, %select_n3A_488, %lt3A_497 : i32
    %ne3A_499 = vector.broadcast %lt3A_498 : i1 to vector<16xi1>
    %ne3A_500 = vector.broadcast %ne3A_499 : vector<16xi1> to vector<16xi1>
    %ne3A_501 = arith.xori %lt3A_496, %ne3A_500 : vector<16xi1>
    %and3A_502 = arith.andi %ne3A_501, %ne3A_493 : vector<16xi1>
    %add3A_503 = vector.broadcast %select_n3A_488 : i32 to vector<16xi32>
    %add3A_504 = arith.addi %rem3A_490, %add3A_503 : vector<16xi32>
    %select_n3A_505 = arith.select %and3A_502, %add3A_504, %rem3A_490 : vector<16xi1>, vector<16xi32>
    %add3A_506 = arith.constant 10000 : i32
    %add3A_507 = vector.broadcast %add3A_506 : i32 to vector<16xi32>
    %add3A_508 = arith.addi %add3A_507, %select_n3A_505 : vector<16xi32>
    %swap3A_509 = arith.constant 10000 : index
    %swap3A_510 = tpu.vector_load %arg7[%swap3A_509] {strides = array<i32>} : memref<10240xi32, #tpu.memory_space<vmem>>, vector<16xi32>,
    %swap3A_511 = vector.shape_cast %swap3A_510 : vector<16xi32> to vector<16xi32>
    %swap3A_512 = vector.shape_cast %add3A_508 : vector<16xi32> to vector<16xi32>
    tpu.vector_store %arg7[%swap3A_509], %swap3A_512 {strides = array<i32>} : memref<10240xi32, #tpu.memory_space<vmem>>, vector<16xi32>,
    %add3A_513 = arith.constant 16 : i32
    %add3A_514 = vector.broadcast %add3A_513 : i32 to vector<16xi32>
    %add3A_515 = arith.addi %add3A_514, %iota3A_480 : vector<16xi32>
    %jit3A_516 = arith.constant 112 : i32
    %eq3A_517 = arith.constant 0 : i32
    %eq3A_518 = arith.cmpi eq, %jit3A_516, %eq3A_517 : i32
    %jit3A_519 = arith.constant 1 : i32
    %select_n3A_520 = arith.select %eq3A_518, %jit3A_519, %jit3A_516 : i32
    %rem3A_521 = vector.broadcast %select_n3A_520 : i32 to vector<16xi32>
    %rem3A_522 = arith.remsi %add3A_515, %rem3A_521 : vector<16xi32>
    %ne3A_523 = arith.constant 0 : i32
    %ne3A_524 = vector.broadcast %ne3A_523 : i32 to vector<16xi32>
    %ne3A_525 = arith.cmpi ne, %rem3A_522, %ne3A_524 : vector<16xi32>
    %lt3A_526 = arith.constant 0 : i32
    %lt3A_527 = vector.broadcast %lt3A_526 : i32 to vector<16xi32>
    %lt3A_528 = arith.cmpi slt, %rem3A_522, %lt3A_527 : vector<16xi32>
    %lt3A_529 = arith.constant 0 : i32
    %lt3A_530 = arith.cmpi slt, %select_n3A_520, %lt3A_529 : i32
    %ne3A_531 = vector.broadcast %lt3A_530 : i1 to vector<16xi1>
    %ne3A_532 = vector.broadcast %ne3A_531 : vector<16xi1> to vector<16xi1>
    %ne3A_533 = arith.xori %lt3A_528, %ne3A_532 : vector<16xi1>
    %and3A_534 = arith.andi %ne3A_533, %ne3A_525 : vector<16xi1>
    %add3A_535 = vector.broadcast %select_n3A_520 : i32 to vector<16xi32>
    %add3A_536 = arith.addi %rem3A_522, %add3A_535 : vector<16xi32>
    %select_n3A_537 = arith.select %and3A_534, %add3A_536, %rem3A_522 : vector<16xi1>, vector<16xi32>
    %add3A_538 = arith.constant 10000 : i32
    %add3A_539 = vector.broadcast %add3A_538 : i32 to vector<16xi32>
    %add3A_540 = arith.addi %add3A_539, %select_n3A_537 : vector<16xi32>
    %swap3A_541 = arith.constant 10016 : index
    %swap3A_542 = tpu.vector_load %arg7[%swap3A_541] {strides = array<i32>} : memref<10240xi32, #tpu.memory_space<vmem>>, vector<16xi32>,
    %swap3A_543 = vector.shape_cast %swap3A_542 : vector<16xi32> to vector<16xi32>
    %swap3A_544 = vector.shape_cast %add3A_540 : vector<16xi32> to vector<16xi32>
    tpu.vector_store %arg7[%swap3A_541], %swap3A_544 {strides = array<i32>} : memref<10240xi32, #tpu.memory_space<vmem>>, vector<16xi32>,
    %add3A_545 = arith.constant 32 : i32
    %add3A_546 = vector.broadcast %add3A_545 : i32 to vector<16xi32>
    %add3A_547 = arith.addi %add3A_546, %iota3A_480 : vector<16xi32>
    %jit3A_548 = arith.constant 112 : i32
    %eq3A_549 = arith.constant 0 : i32
    %eq3A_550 = arith.cmpi eq, %jit3A_548, %eq3A_549 : i32
    %jit3A_551 = arith.constant 1 : i32
    %select_n3A_552 = arith.select %eq3A_550, %jit3A_551, %jit3A_548 : i32
    %rem3A_553 = vector.broadcast %select_n3A_552 : i32 to vector<16xi32>
    %rem3A_554 = arith.remsi %add3A_547, %rem3A_553 : vector<16xi32>
    %ne3A_555 = arith.constant 0 : i32
    %ne3A_556 = vector.broadcast %ne3A_555 : i32 to vector<16xi32>
    %ne3A_557 = arith.cmpi ne, %rem3A_554, %ne3A_556 : vector<16xi32>
    %lt3A_558 = arith.constant 0 : i32
    %lt3A_559 = vector.broadcast %lt3A_558 : i32 to vector<16xi32>
    %lt3A_560 = arith.cmpi slt, %rem3A_554, %lt3A_559 : vector<16xi32>
    %lt3A_561 = arith.constant 0 : i32
    %lt3A_562 = arith.cmpi slt, %select_n3A_552, %lt3A_561 : i32
    %ne3A_563 = vector.broadcast %lt3A_562 : i1 to vector<16xi1>
    %ne3A_564 = vector.broadcast %ne3A_563 : vector<16xi1> to vector<16xi1>
    %ne3A_565 = arith.xori %lt3A_560, %ne3A_564 : vector<16xi1>
    %and3A_566 = arith.andi %ne3A_565, %ne3A_557 : vector<16xi1>
    %add3A_567 = vector.broadcast %select_n3A_552 : i32 to vector<16xi32>
    %add3A_568 = arith.addi %rem3A_554, %add3A_567 : vector<16xi32>
    %select_n3A_569 = arith.select %and3A_566, %add3A_568, %rem3A_554 : vector<16xi1>, vector<16xi32>
    %add3A_570 = arith.constant 10000 : i32
    %add3A_571 = vector.broadcast %add3A_570 : i32 to vector<16xi32>
    %add3A_572 = arith.addi %add3A_571, %select_n3A_569 : vector<16xi32>
    %swap3A_573 = arith.constant 10032 : index
    %swap3A_574 = tpu.vector_load %arg7[%swap3A_573] {strides = array<i32>} : memref<10240xi32, #tpu.memory_space<vmem>>, vector<16xi32>,
    %swap3A_575 = vector.shape_cast %swap3A_574 : vector<16xi32> to vector<16xi32>
    %swap3A_576 = vector.shape_cast %add3A_572 : vector<16xi32> to vector<16xi32>
    tpu.vector_store %arg7[%swap3A_573], %swap3A_576 {strides = array<i32>} : memref<10240xi32, #tpu.memory_space<vmem>>, vector<16xi32>,
    %add3A_577 = arith.constant 48 : i32
    %add3A_578 = vector.broadcast %add3A_577 : i32 to vector<16xi32>
    %add3A_579 = arith.addi %add3A_578, %iota3A_480 : vector<16xi32>
    %jit3A_580 = arith.constant 112 : i32
    %eq3A_581 = arith.constant 0 : i32
    %eq3A_582 = arith.cmpi eq, %jit3A_580, %eq3A_581 : i32
    %jit3A_583 = arith.constant 1 : i32
    %select_n3A_584 = arith.select %eq3A_582, %jit3A_583, %jit3A_580 : i32
    %rem3A_585 = vector.broadcast %select_n3A_584 : i32 to vector<16xi32>
    %rem3A_586 = arith.remsi %add3A_579, %rem3A_585 : vector<16xi32>
    %ne3A_587 = arith.constant 0 : i32
    %ne3A_588 = vector.broadcast %ne3A_587 : i32 to vector<16xi32>
    %ne3A_589 = arith.cmpi ne, %rem3A_586, %ne3A_588 : vector<16xi32>
    %lt3A_590 = arith.constant 0 : i32
    %lt3A_591 = vector.broadcast %lt3A_590 : i32 to vector<16xi32>
    %lt3A_592 = arith.cmpi slt, %rem3A_586, %lt3A_591 : vector<16xi32>
    %lt3A_593 = arith.constant 0 : i32
    %lt3A_594 = arith.cmpi slt, %select_n3A_584, %lt3A_593 : i32
    %ne3A_595 = vector.broadcast %lt3A_594 : i1 to vector<16xi1>
    %ne3A_596 = vector.broadcast %ne3A_595 : vector<16xi1> to vector<16xi1>
    %ne3A_597 = arith.xori %lt3A_592, %ne3A_596 : vector<16xi1>
    %and3A_598 = arith.andi %ne3A_597, %ne3A_589 : vector<16xi1>
    %add3A_599 = vector.broadcast %select_n3A_584 : i32 to vector<16xi32>
    %add3A_600 = arith.addi %rem3A_586, %add3A_599 : vector<16xi32>
    %select_n3A_601 = arith.select %and3A_598, %add3A_600, %rem3A_586 : vector<16xi1>, vector<16xi32>
    %add3A_602 = arith.constant 10000 : i32
    %add3A_603 = vector.broadcast %add3A_602 : i32 to vector<16xi32>
    %add3A_604 = arith.addi %add3A_603, %select_n3A_601 : vector<16xi32>
    %swap3A_605 = arith.constant 10048 : index
    %swap3A_606 = tpu.vector_load %arg7[%swap3A_605] {strides = array<i32>} : memref<10240xi32, #tpu.memory_space<vmem>>, vector<16xi32>,
    %swap3A_607 = vector.shape_cast %swap3A_606 : vector<16xi32> to vector<16xi32>
    %swap3A_608 = vector.shape_cast %add3A_604 : vector<16xi32> to vector<16xi32>
    tpu.vector_store %arg7[%swap3A_605], %swap3A_608 {strides = array<i32>} : memref<10240xi32, #tpu.memory_space<vmem>>, vector<16xi32>,
    %add3A_609 = arith.constant 64 : i32
    %add3A_610 = vector.broadcast %add3A_609 : i32 to vector<16xi32>
    %add3A_611 = arith.addi %add3A_610, %iota3A_480 : vector<16xi32>
    %jit3A_612 = arith.constant 112 : i32
    %eq3A_613 = arith.constant 0 : i32
    %eq3A_614 = arith.cmpi eq, %jit3A_612, %eq3A_613 : i32
    %jit3A_615 = arith.constant 1 : i32
    %select_n3A_616 = arith.select %eq3A_614, %jit3A_615, %jit3A_612 : i32
    %rem3A_617 = vector.broadcast %select_n3A_616 : i32 to vector<16xi32>
    %rem3A_618 = arith.remsi %add3A_611, %rem3A_617 : vector<16xi32>
    %ne3A_619 = arith.constant 0 : i32
    %ne3A_620 = vector.broadcast %ne3A_619 : i32 to vector<16xi32>
    %ne3A_621 = arith.cmpi ne, %rem3A_618, %ne3A_620 : vector<16xi32>
    %lt3A_622 = arith.constant 0 : i32
    %lt3A_623 = vector.broadcast %lt3A_622 : i32 to vector<16xi32>
    %lt3A_624 = arith.cmpi slt, %rem3A_618, %lt3A_623 : vector<16xi32>
    %lt3A_625 = arith.constant 0 : i32
    %lt3A_626 = arith.cmpi slt, %select_n3A_616, %lt3A_625 : i32
    %ne3A_627 = vector.broadcast %lt3A_626 : i1 to vector<16xi1>
    %ne3A_628 = vector.broadcast %ne3A_627 : vector<16xi1> to vector<16xi1>
    %ne3A_629 = arith.xori %lt3A_624, %ne3A_628 : vector<16xi1>
    %and3A_630 = arith.andi %ne3A_629, %ne3A_621 : vector<16xi1>
    %add3A_631 = vector.broadcast %select_n3A_616 : i32 to vector<16xi32>
    %add3A_632 = arith.addi %rem3A_618, %add3A_631 : vector<16xi32>
    %select_n3A_633 = arith.select %and3A_630, %add3A_632, %rem3A_618 : vector<16xi1>, vector<16xi32>
    %add3A_634 = arith.constant 10000 : i32
    %add3A_635 = vector.broadcast %add3A_634 : i32 to vector<16xi32>
    %add3A_636 = arith.addi %add3A_635, %select_n3A_633 : vector<16xi32>
    %swap3A_637 = arith.constant 10064 : index
    %swap3A_638 = tpu.vector_load %arg7[%swap3A_637] {strides = array<i32>} : memref<10240xi32, #tpu.memory_space<vmem>>, vector<16xi32>,
    %swap3A_639 = vector.shape_cast %swap3A_638 : vector<16xi32> to vector<16xi32>
    %swap3A_640 = vector.shape_cast %add3A_636 : vector<16xi32> to vector<16xi32>
    tpu.vector_store %arg7[%swap3A_637], %swap3A_640 {strides = array<i32>} : memref<10240xi32, #tpu.memory_space<vmem>>, vector<16xi32>,
    %add3A_641 = arith.constant 80 : i32
    %add3A_642 = vector.broadcast %add3A_641 : i32 to vector<16xi32>
    %add3A_643 = arith.addi %add3A_642, %iota3A_480 : vector<16xi32>
    %jit3A_644 = arith.constant 112 : i32
    %eq3A_645 = arith.constant 0 : i32
    %eq3A_646 = arith.cmpi eq, %jit3A_644, %eq3A_645 : i32
    %jit3A_647 = arith.constant 1 : i32
    %select_n3A_648 = arith.select %eq3A_646, %jit3A_647, %jit3A_644 : i32
    %rem3A_649 = vector.broadcast %select_n3A_648 : i32 to vector<16xi32>
    %rem3A_650 = arith.remsi %add3A_643, %rem3A_649 : vector<16xi32>
    %ne3A_651 = arith.constant 0 : i32
    %ne3A_652 = vector.broadcast %ne3A_651 : i32 to vector<16xi32>
    %ne3A_653 = arith.cmpi ne, %rem3A_650, %ne3A_652 : vector<16xi32>
    %lt3A_654 = arith.constant 0 : i32
    %lt3A_655 = vector.broadcast %lt3A_654 : i32 to vector<16xi32>
    %lt3A_656 = arith.cmpi slt, %rem3A_650, %lt3A_655 : vector<16xi32>
    %lt3A_657 = arith.constant 0 : i32
    %lt3A_658 = arith.cmpi slt, %select_n3A_648, %lt3A_657 : i32
    %ne3A_659 = vector.broadcast %lt3A_658 : i1 to vector<16xi1>
    %ne3A_660 = vector.broadcast %ne3A_659 : vector<16xi1> to vector<16xi1>
    %ne3A_661 = arith.xori %lt3A_656, %ne3A_660 : vector<16xi1>
    %and3A_662 = arith.andi %ne3A_661, %ne3A_653 : vector<16xi1>
    %add3A_663 = vector.broadcast %select_n3A_648 : i32 to vector<16xi32>
    %add3A_664 = arith.addi %rem3A_650, %add3A_663 : vector<16xi32>
    %select_n3A_665 = arith.select %and3A_662, %add3A_664, %rem3A_650 : vector<16xi1>, vector<16xi32>
    %add3A_666 = arith.constant 10000 : i32
    %add3A_667 = vector.broadcast %add3A_666 : i32 to vector<16xi32>
    %add3A_668 = arith.addi %add3A_667, %select_n3A_665 : vector<16xi32>
    %swap3A_669 = arith.constant 10080 : index
    %swap3A_670 = tpu.vector_load %arg7[%swap3A_669] {strides = array<i32>} : memref<10240xi32, #tpu.memory_space<vmem>>, vector<16xi32>,
    %swap3A_671 = vector.shape_cast %swap3A_670 : vector<16xi32> to vector<16xi32>
    %swap3A_672 = vector.shape_cast %add3A_668 : vector<16xi32> to vector<16xi32>
    tpu.vector_store %arg7[%swap3A_669], %swap3A_672 {strides = array<i32>} : memref<10240xi32, #tpu.memory_space<vmem>>, vector<16xi32>,
    %add3A_673 = arith.constant 96 : i32
    %add3A_674 = vector.broadcast %add3A_673 : i32 to vector<16xi32>
    %add3A_675 = arith.addi %add3A_674, %iota3A_480 : vector<16xi32>
    %jit3A_676 = arith.constant 112 : i32
    %eq3A_677 = arith.constant 0 : i32
    %eq3A_678 = arith.cmpi eq, %jit3A_676, %eq3A_677 : i32
    %jit3A_679 = arith.constant 1 : i32
    %select_n3A_680 = arith.select %eq3A_678, %jit3A_679, %jit3A_676 : i32
    %rem3A_681 = vector.broadcast %select_n3A_680 : i32 to vector<16xi32>
    %rem3A_682 = arith.remsi %add3A_675, %rem3A_681 : vector<16xi32>
    %ne3A_683 = arith.constant 0 : i32
    %ne3A_684 = vector.broadcast %ne3A_683 : i32 to vector<16xi32>
    %ne3A_685 = arith.cmpi ne, %rem3A_682, %ne3A_684 : vector<16xi32>
    %lt3A_686 = arith.constant 0 : i32
    %lt3A_687 = vector.broadcast %lt3A_686 : i32 to vector<16xi32>
    %lt3A_688 = arith.cmpi slt, %rem3A_682, %lt3A_687 : vector<16xi32>
    %lt3A_689 = arith.constant 0 : i32
    %lt3A_690 = arith.cmpi slt, %select_n3A_680, %lt3A_689 : i32
    %ne3A_691 = vector.broadcast %lt3A_690 : i1 to vector<16xi1>
    %ne3A_692 = vector.broadcast %ne3A_691 : vector<16xi1> to vector<16xi1>
    %ne3A_693 = arith.xori %lt3A_688, %ne3A_692 : vector<16xi1>
    %and3A_694 = arith.andi %ne3A_693, %ne3A_685 : vector<16xi1>
    %add3A_695 = vector.broadcast %select_n3A_680 : i32 to vector<16xi32>
    %add3A_696 = arith.addi %rem3A_682, %add3A_695 : vector<16xi32>
    %select_n3A_697 = arith.select %and3A_694, %add3A_696, %rem3A_682 : vector<16xi1>, vector<16xi32>
    %add3A_698 = arith.constant 10000 : i32
    %add3A_699 = vector.broadcast %add3A_698 : i32 to vector<16xi32>
    %add3A_700 = arith.addi %add3A_699, %select_n3A_697 : vector<16xi32>
    %swap3A_701 = arith.constant 10096 : index
    %swap3A_702 = tpu.vector_load %arg7[%swap3A_701] {strides = array<i32>} : memref<10240xi32, #tpu.memory_space<vmem>>, vector<16xi32>,
    %swap3A_703 = vector.shape_cast %swap3A_702 : vector<16xi32> to vector<16xi32>
    %swap3A_704 = vector.shape_cast %add3A_700 : vector<16xi32> to vector<16xi32>
    tpu.vector_store %arg7[%swap3A_701], %swap3A_704 {strides = array<i32>} : memref<10240xi32, #tpu.memory_space<vmem>>, vector<16xi32>,
    %add3A_705 = arith.constant 112 : i32
    %add3A_706 = vector.broadcast %add3A_705 : i32 to vector<16xi32>
    %add3A_707 = arith.addi %add3A_706, %iota3A_480 : vector<16xi32>
    %jit3A_708 = arith.constant 112 : i32
    %eq3A_709 = arith.constant 0 : i32
    %eq3A_710 = arith.cmpi eq, %jit3A_708, %eq3A_709 : i32
    %jit3A_711 = arith.constant 1 : i32
    %select_n3A_712 = arith.select %eq3A_710, %jit3A_711, %jit3A_708 : i32
    %rem3A_713 = vector.broadcast %select_n3A_712 : i32 to vector<16xi32>
    %rem3A_714 = arith.remsi %add3A_707, %rem3A_713 : vector<16xi32>
    %ne3A_715 = arith.constant 0 : i32
    %ne3A_716 = vector.broadcast %ne3A_715 : i32 to vector<16xi32>
    %ne3A_717 = arith.cmpi ne, %rem3A_714, %ne3A_716 : vector<16xi32>
    %lt3A_718 = arith.constant 0 : i32
    %lt3A_719 = vector.broadcast %lt3A_718 : i32 to vector<16xi32>
    %lt3A_720 = arith.cmpi slt, %rem3A_714, %lt3A_719 : vector<16xi32>
    %lt3A_721 = arith.constant 0 : i32
    %lt3A_722 = arith.cmpi slt, %select_n3A_712, %lt3A_721 : i32
    %ne3A_723 = vector.broadcast %lt3A_722 : i1 to vector<16xi1>
    %ne3A_724 = vector.broadcast %ne3A_723 : vector<16xi1> to vector<16xi1>
    %ne3A_725 = arith.xori %lt3A_720, %ne3A_724 : vector<16xi1>
    %and3A_726 = arith.andi %ne3A_725, %ne3A_717 : vector<16xi1>
    %add3A_727 = vector.broadcast %select_n3A_712 : i32 to vector<16xi32>
    %add3A_728 = arith.addi %rem3A_714, %add3A_727 : vector<16xi32>
    %select_n3A_729 = arith.select %and3A_726, %add3A_728, %rem3A_714 : vector<16xi1>, vector<16xi32>
    %add3A_730 = arith.constant 10000 : i32
    %add3A_731 = vector.broadcast %add3A_730 : i32 to vector<16xi32>
    %add3A_732 = arith.addi %add3A_731, %select_n3A_729 : vector<16xi32>
    %swap3A_733 = arith.constant 10112 : index
    %swap3A_734 = tpu.vector_load %arg7[%swap3A_733] {strides = array<i32>} : memref<10240xi32, #tpu.memory_space<vmem>>, vector<16xi32>,
    %swap3A_735 = vector.shape_cast %swap3A_734 : vector<16xi32> to vector<16xi32>
    %swap3A_736 = vector.shape_cast %add3A_732 : vector<16xi32> to vector<16xi32>
    tpu.vector_store %arg7[%swap3A_733], %swap3A_736 {strides = array<i32>} : memref<10240xi32, #tpu.memory_space<vmem>>, vector<16xi32>,
    %add3A_737 = arith.constant 128 : i32
    %add3A_738 = vector.broadcast %add3A_737 : i32 to vector<16xi32>
    %add3A_739 = arith.addi %add3A_738, %iota3A_480 : vector<16xi32>
    %jit3A_740 = arith.constant 112 : i32
    %eq3A_741 = arith.constant 0 : i32
    %eq3A_742 = arith.cmpi eq, %jit3A_740, %eq3A_741 : i32
    %jit3A_743 = arith.constant 1 : i32
    %select_n3A_744 = arith.select %eq3A_742, %jit3A_743, %jit3A_740 : i32
    %rem3A_745 = vector.broadcast %select_n3A_744 : i32 to vector<16xi32>
    %rem3A_746 = arith.remsi %add3A_739, %rem3A_745 : vector<16xi32>
    %ne3A_747 = arith.constant 0 : i32
    %ne3A_748 = vector.broadcast %ne3A_747 : i32 to vector<16xi32>
    %ne3A_749 = arith.cmpi ne, %rem3A_746, %ne3A_748 : vector<16xi32>
    %lt3A_750 = arith.constant 0 : i32
    %lt3A_751 = vector.broadcast %lt3A_750 : i32 to vector<16xi32>
    %lt3A_752 = arith.cmpi slt, %rem3A_746, %lt3A_751 : vector<16xi32>
    %lt3A_753 = arith.constant 0 : i32
    %lt3A_754 = arith.cmpi slt, %select_n3A_744, %lt3A_753 : i32
    %ne3A_755 = vector.broadcast %lt3A_754 : i1 to vector<16xi1>
    %ne3A_756 = vector.broadcast %ne3A_755 : vector<16xi1> to vector<16xi1>
    %ne3A_757 = arith.xori %lt3A_752, %ne3A_756 : vector<16xi1>
    %and3A_758 = arith.andi %ne3A_757, %ne3A_749 : vector<16xi1>
    %add3A_759 = vector.broadcast %select_n3A_744 : i32 to vector<16xi32>
    %add3A_760 = arith.addi %rem3A_746, %add3A_759 : vector<16xi32>
    %select_n3A_761 = arith.select %and3A_758, %add3A_760, %rem3A_746 : vector<16xi1>, vector<16xi32>
    %add3A_762 = arith.constant 10000 : i32
    %add3A_763 = vector.broadcast %add3A_762 : i32 to vector<16xi32>
    %add3A_764 = arith.addi %add3A_763, %select_n3A_761 : vector<16xi32>
    %swap3A_765 = arith.constant 10128 : index
    %swap3A_766 = tpu.vector_load %arg7[%swap3A_765] {strides = array<i32>} : memref<10240xi32, #tpu.memory_space<vmem>>, vector<16xi32>,
    %swap3A_767 = vector.shape_cast %swap3A_766 : vector<16xi32> to vector<16xi32>
    %swap3A_768 = vector.shape_cast %add3A_764 : vector<16xi32> to vector<16xi32>
    tpu.vector_store %arg7[%swap3A_765], %swap3A_768 {strides = array<i32>} : memref<10240xi32, #tpu.memory_space<vmem>>, vector<16xi32>,
    %add3A_769 = arith.constant 144 : i32
    %add3A_770 = vector.broadcast %add3A_769 : i32 to vector<16xi32>
    %add3A_771 = arith.addi %add3A_770, %iota3A_480 : vector<16xi32>
    %jit3A_772 = arith.constant 112 : i32
    %eq3A_773 = arith.constant 0 : i32
    %eq3A_774 = arith.cmpi eq, %jit3A_772, %eq3A_773 : i32
    %jit3A_775 = arith.constant 1 : i32
    %select_n3A_776 = arith.select %eq3A_774, %jit3A_775, %jit3A_772 : i32
    %rem3A_777 = vector.broadcast %select_n3A_776 : i32 to vector<16xi32>
    %rem3A_778 = arith.remsi %add3A_771, %rem3A_777 : vector<16xi32>
    %ne3A_779 = arith.constant 0 : i32
    %ne3A_780 = vector.broadcast %ne3A_779 : i32 to vector<16xi32>
    %ne3A_781 = arith.cmpi ne, %rem3A_778, %ne3A_780 : vector<16xi32>
    %lt3A_782 = arith.constant 0 : i32
    %lt3A_783 = vector.broadcast %lt3A_782 : i32 to vector<16xi32>
    %lt3A_784 = arith.cmpi slt, %rem3A_778, %lt3A_783 : vector<16xi32>
    %lt3A_785 = arith.constant 0 : i32
    %lt3A_786 = arith.cmpi slt, %select_n3A_776, %lt3A_785 : i32
    %ne3A_787 = vector.broadcast %lt3A_786 : i1 to vector<16xi1>
    %ne3A_788 = vector.broadcast %ne3A_787 : vector<16xi1> to vector<16xi1>
    %ne3A_789 = arith.xori %lt3A_784, %ne3A_788 : vector<16xi1>
    %and3A_790 = arith.andi %ne3A_789, %ne3A_781 : vector<16xi1>
    %add3A_791 = vector.broadcast %select_n3A_776 : i32 to vector<16xi32>
    %add3A_792 = arith.addi %rem3A_778, %add3A_791 : vector<16xi32>
    %select_n3A_793 = arith.select %and3A_790, %add3A_792, %rem3A_778 : vector<16xi1>, vector<16xi32>
    %add3A_794 = arith.constant 10000 : i32
    %add3A_795 = vector.broadcast %add3A_794 : i32 to vector<16xi32>
    %add3A_796 = arith.addi %add3A_795, %select_n3A_793 : vector<16xi32>
    %swap3A_797 = arith.constant 10144 : index
    %swap3A_798 = tpu.vector_load %arg7[%swap3A_797] {strides = array<i32>} : memref<10240xi32, #tpu.memory_space<vmem>>, vector<16xi32>,
    %swap3A_799 = vector.shape_cast %swap3A_798 : vector<16xi32> to vector<16xi32>
    %swap3A_800 = vector.shape_cast %add3A_796 : vector<16xi32> to vector<16xi32>
    tpu.vector_store %arg7[%swap3A_797], %swap3A_800 {strides = array<i32>} : memref<10240xi32, #tpu.memory_space<vmem>>, vector<16xi32>,
    %add3A_801 = arith.constant 160 : i32
    %add3A_802 = vector.broadcast %add3A_801 : i32 to vector<16xi32>
    %add3A_803 = arith.addi %add3A_802, %iota3A_480 : vector<16xi32>
    %jit3A_804 = arith.constant 112 : i32
    %eq3A_805 = arith.constant 0 : i32
    %eq3A_806 = arith.cmpi eq, %jit3A_804, %eq3A_805 : i32
    %jit3A_807 = arith.constant 1 : i32
    %select_n3A_808 = arith.select %eq3A_806, %jit3A_807, %jit3A_804 : i32
    %rem3A_809 = vector.broadcast %select_n3A_808 : i32 to vector<16xi32>
    %rem3A_810 = arith.remsi %add3A_803, %rem3A_809 : vector<16xi32>
    %ne3A_811 = arith.constant 0 : i32
    %ne3A_812 = vector.broadcast %ne3A_811 : i32 to vector<16xi32>
    %ne3A_813 = arith.cmpi ne, %rem3A_810, %ne3A_812 : vector<16xi32>
    %lt3A_814 = arith.constant 0 : i32
    %lt3A_815 = vector.broadcast %lt3A_814 : i32 to vector<16xi32>
    %lt3A_816 = arith.cmpi slt, %rem3A_810, %lt3A_815 : vector<16xi32>
    %lt3A_817 = arith.constant 0 : i32
    %lt3A_818 = arith.cmpi slt, %select_n3A_808, %lt3A_817 : i32
    %ne3A_819 = vector.broadcast %lt3A_818 : i1 to vector<16xi1>
    %ne3A_820 = vector.broadcast %ne3A_819 : vector<16xi1> to vector<16xi1>
    %ne3A_821 = arith.xori %lt3A_816, %ne3A_820 : vector<16xi1>
    %and3A_822 = arith.andi %ne3A_821, %ne3A_813 : vector<16xi1>
    %add3A_823 = vector.broadcast %select_n3A_808 : i32 to vector<16xi32>
    %add3A_824 = arith.addi %rem3A_810, %add3A_823 : vector<16xi32>
    %select_n3A_825 = arith.select %and3A_822, %add3A_824, %rem3A_810 : vector<16xi1>, vector<16xi32>
    %add3A_826 = arith.constant 10000 : i32
    %add3A_827 = vector.broadcast %add3A_826 : i32 to vector<16xi32>
    %add3A_828 = arith.addi %add3A_827, %select_n3A_825 : vector<16xi32>
    %swap3A_829 = arith.constant 10160 : index
    %swap3A_830 = tpu.vector_load %arg7[%swap3A_829] {strides = array<i32>} : memref<10240xi32, #tpu.memory_space<vmem>>, vector<16xi32>,
    %swap3A_831 = vector.shape_cast %swap3A_830 : vector<16xi32> to vector<16xi32>
    %swap3A_832 = vector.shape_cast %add3A_828 : vector<16xi32> to vector<16xi32>
    tpu.vector_store %arg7[%swap3A_829], %swap3A_832 {strides = array<i32>} : memref<10240xi32, #tpu.memory_space<vmem>>, vector<16xi32>,
    %add3A_833 = arith.constant 176 : i32
    %add3A_834 = vector.broadcast %add3A_833 : i32 to vector<16xi32>
    %add3A_835 = arith.addi %add3A_834, %iota3A_480 : vector<16xi32>
    %jit3A_836 = arith.constant 112 : i32
    %eq3A_837 = arith.constant 0 : i32
    %eq3A_838 = arith.cmpi eq, %jit3A_836, %eq3A_837 : i32
    %jit3A_839 = arith.constant 1 : i32
    %select_n3A_840 = arith.select %eq3A_838, %jit3A_839, %jit3A_836 : i32
    %rem3A_841 = vector.broadcast %select_n3A_840 : i32 to vector<16xi32>
    %rem3A_842 = arith.remsi %add3A_835, %rem3A_841 : vector<16xi32>
    %ne3A_843 = arith.constant 0 : i32
    %ne3A_844 = vector.broadcast %ne3A_843 : i32 to vector<16xi32>
    %ne3A_845 = arith.cmpi ne, %rem3A_842, %ne3A_844 : vector<16xi32>
    %lt3A_846 = arith.constant 0 : i32
    %lt3A_847 = vector.broadcast %lt3A_846 : i32 to vector<16xi32>
    %lt3A_848 = arith.cmpi slt, %rem3A_842, %lt3A_847 : vector<16xi32>
    %lt3A_849 = arith.constant 0 : i32
    %lt3A_850 = arith.cmpi slt, %select_n3A_840, %lt3A_849 : i32
    %ne3A_851 = vector.broadcast %lt3A_850 : i1 to vector<16xi1>
    %ne3A_852 = vector.broadcast %ne3A_851 : vector<16xi1> to vector<16xi1>
    %ne3A_853 = arith.xori %lt3A_848, %ne3A_852 : vector<16xi1>
    %and3A_854 = arith.andi %ne3A_853, %ne3A_845 : vector<16xi1>
    %add3A_855 = vector.broadcast %select_n3A_840 : i32 to vector<16xi32>
    %add3A_856 = arith.addi %rem3A_842, %add3A_855 : vector<16xi32>
    %select_n3A_857 = arith.select %and3A_854, %add3A_856, %rem3A_842 : vector<16xi1>, vector<16xi32>
    %add3A_858 = arith.constant 10000 : i32
    %add3A_859 = vector.broadcast %add3A_858 : i32 to vector<16xi32>
    %add3A_860 = arith.addi %add3A_859, %select_n3A_857 : vector<16xi32>
    %swap3A_861 = arith.constant 10176 : index
    %swap3A_862 = tpu.vector_load %arg7[%swap3A_861] {strides = array<i32>} : memref<10240xi32, #tpu.memory_space<vmem>>, vector<16xi32>,
    %swap3A_863 = vector.shape_cast %swap3A_862 : vector<16xi32> to vector<16xi32>
    %swap3A_864 = vector.shape_cast %add3A_860 : vector<16xi32> to vector<16xi32>
    tpu.vector_store %arg7[%swap3A_861], %swap3A_864 {strides = array<i32>} : memref<10240xi32, #tpu.memory_space<vmem>>, vector<16xi32>,
    %add3A_865 = arith.constant 192 : i32
    %add3A_866 = vector.broadcast %add3A_865 : i32 to vector<16xi32>
    %add3A_867 = arith.addi %add3A_866, %iota3A_480 : vector<16xi32>
    %jit3A_868 = arith.constant 112 : i32
    %eq3A_869 = arith.constant 0 : i32
    %eq3A_870 = arith.cmpi eq, %jit3A_868, %eq3A_869 : i32
    %jit3A_871 = arith.constant 1 : i32
    %select_n3A_872 = arith.select %eq3A_870, %jit3A_871, %jit3A_868 : i32
    %rem3A_873 = vector.broadcast %select_n3A_872 : i32 to vector<16xi32>
    %rem3A_874 = arith.remsi %add3A_867, %rem3A_873 : vector<16xi32>
    %ne3A_875 = arith.constant 0 : i32
    %ne3A_876 = vector.broadcast %ne3A_875 : i32 to vector<16xi32>
    %ne3A_877 = arith.cmpi ne, %rem3A_874, %ne3A_876 : vector<16xi32>
    %lt3A_878 = arith.constant 0 : i32
    %lt3A_879 = vector.broadcast %lt3A_878 : i32 to vector<16xi32>
    %lt3A_880 = arith.cmpi slt, %rem3A_874, %lt3A_879 : vector<16xi32>
    %lt3A_881 = arith.constant 0 : i32
    %lt3A_882 = arith.cmpi slt, %select_n3A_872, %lt3A_881 : i32
    %ne3A_883 = vector.broadcast %lt3A_882 : i1 to vector<16xi1>
    %ne3A_884 = vector.broadcast %ne3A_883 : vector<16xi1> to vector<16xi1>
    %ne3A_885 = arith.xori %lt3A_880, %ne3A_884 : vector<16xi1>
    %and3A_886 = arith.andi %ne3A_885, %ne3A_877 : vector<16xi1>
    %add3A_887 = vector.broadcast %select_n3A_872 : i32 to vector<16xi32>
    %add3A_888 = arith.addi %rem3A_874, %add3A_887 : vector<16xi32>
    %select_n3A_889 = arith.select %and3A_886, %add3A_888, %rem3A_874 : vector<16xi1>, vector<16xi32>
    %add3A_890 = arith.constant 10000 : i32
    %add3A_891 = vector.broadcast %add3A_890 : i32 to vector<16xi32>
    %add3A_892 = arith.addi %add3A_891, %select_n3A_889 : vector<16xi32>
    %swap3A_893 = arith.constant 10192 : index
    %swap3A_894 = tpu.vector_load %arg7[%swap3A_893] {strides = array<i32>} : memref<10240xi32, #tpu.memory_space<vmem>>, vector<16xi32>,
    %swap3A_895 = vector.shape_cast %swap3A_894 : vector<16xi32> to vector<16xi32>
    %swap3A_896 = vector.shape_cast %add3A_892 : vector<16xi32> to vector<16xi32>
    tpu.vector_store %arg7[%swap3A_893], %swap3A_896 {strides = array<i32>} : memref<10240xi32, #tpu.memory_space<vmem>>, vector<16xi32>,
    %add3A_897 = arith.constant 208 : i32
    %add3A_898 = vector.broadcast %add3A_897 : i32 to vector<16xi32>
    %add3A_899 = arith.addi %add3A_898, %iota3A_480 : vector<16xi32>
    %jit3A_900 = arith.constant 112 : i32
    %eq3A_901 = arith.constant 0 : i32
    %eq3A_902 = arith.cmpi eq, %jit3A_900, %eq3A_901 : i32
    %jit3A_903 = arith.constant 1 : i32
    %select_n3A_904 = arith.select %eq3A_902, %jit3A_903, %jit3A_900 : i32
    %rem3A_905 = vector.broadcast %select_n3A_904 : i32 to vector<16xi32>
    %rem3A_906 = arith.remsi %add3A_899, %rem3A_905 : vector<16xi32>
    %ne3A_907 = arith.constant 0 : i32
    %ne3A_908 = vector.broadcast %ne3A_907 : i32 to vector<16xi32>
    %ne3A_909 = arith.cmpi ne, %rem3A_906, %ne3A_908 : vector<16xi32>
    %lt3A_910 = arith.constant 0 : i32
    %lt3A_911 = vector.broadcast %lt3A_910 : i32 to vector<16xi32>
    %lt3A_912 = arith.cmpi slt, %rem3A_906, %lt3A_911 : vector<16xi32>
    %lt3A_913 = arith.constant 0 : i32
    %lt3A_914 = arith.cmpi slt, %select_n3A_904, %lt3A_913 : i32
    %ne3A_915 = vector.broadcast %lt3A_914 : i1 to vector<16xi1>
    %ne3A_916 = vector.broadcast %ne3A_915 : vector<16xi1> to vector<16xi1>
    %ne3A_917 = arith.xori %lt3A_912, %ne3A_916 : vector<16xi1>
    %and3A_918 = arith.andi %ne3A_917, %ne3A_909 : vector<16xi1>
    %add3A_919 = vector.broadcast %select_n3A_904 : i32 to vector<16xi32>
    %add3A_920 = arith.addi %rem3A_906, %add3A_919 : vector<16xi32>
    %select_n3A_921 = arith.select %and3A_918, %add3A_920, %rem3A_906 : vector<16xi1>, vector<16xi32>
    %add3A_922 = arith.constant 10000 : i32
    %add3A_923 = vector.broadcast %add3A_922 : i32 to vector<16xi32>
    %add3A_924 = arith.addi %add3A_923, %select_n3A_921 : vector<16xi32>
    %swap3A_925 = arith.constant 10208 : index
    %swap3A_926 = tpu.vector_load %arg7[%swap3A_925] {strides = array<i32>} : memref<10240xi32, #tpu.memory_space<vmem>>, vector<16xi32>,
    %swap3A_927 = vector.shape_cast %swap3A_926 : vector<16xi32> to vector<16xi32>
    %swap3A_928 = vector.shape_cast %add3A_924 : vector<16xi32> to vector<16xi32>
    tpu.vector_store %arg7[%swap3A_925], %swap3A_928 {strides = array<i32>} : memref<10240xi32, #tpu.memory_space<vmem>>, vector<16xi32>,
    %add3A_929 = arith.constant 224 : i32
    %add3A_930 = vector.broadcast %add3A_929 : i32 to vector<16xi32>
    %add3A_931 = arith.addi %add3A_930, %iota3A_480 : vector<16xi32>
    %jit3A_932 = arith.constant 112 : i32
    %eq3A_933 = arith.constant 0 : i32
    %eq3A_934 = arith.cmpi eq, %jit3A_932, %eq3A_933 : i32
    %jit3A_935 = arith.constant 1 : i32
    %select_n3A_936 = arith.select %eq3A_934, %jit3A_935, %jit3A_932 : i32
    %rem3A_937 = vector.broadcast %select_n3A_936 : i32 to vector<16xi32>
    %rem3A_938 = arith.remsi %add3A_931, %rem3A_937 : vector<16xi32>
    %ne3A_939 = arith.constant 0 : i32
    %ne3A_940 = vector.broadcast %ne3A_939 : i32 to vector<16xi32>
    %ne3A_941 = arith.cmpi ne, %rem3A_938, %ne3A_940 : vector<16xi32>
    %lt3A_942 = arith.constant 0 : i32
    %lt3A_943 = vector.broadcast %lt3A_942 : i32 to vector<16xi32>
    %lt3A_944 = arith.cmpi slt, %rem3A_938, %lt3A_943 : vector<16xi32>
    %lt3A_945 = arith.constant 0 : i32
    %lt3A_946 = arith.cmpi slt, %select_n3A_936, %lt3A_945 : i32
    %ne3A_947 = vector.broadcast %lt3A_946 : i1 to vector<16xi1>
    %ne3A_948 = vector.broadcast %ne3A_947 : vector<16xi1> to vector<16xi1>
    %ne3A_949 = arith.xori %lt3A_944, %ne3A_948 : vector<16xi1>
    %and3A_950 = arith.andi %ne3A_949, %ne3A_941 : vector<16xi1>
    %add3A_951 = vector.broadcast %select_n3A_936 : i32 to vector<16xi32>
    %add3A_952 = arith.addi %rem3A_938, %add3A_951 : vector<16xi32>
    %select_n3A_953 = arith.select %and3A_950, %add3A_952, %rem3A_938 : vector<16xi1>, vector<16xi32>
    %add3A_954 = arith.constant 10000 : i32
    %add3A_955 = vector.broadcast %add3A_954 : i32 to vector<16xi32>
    %add3A_956 = arith.addi %add3A_955, %select_n3A_953 : vector<16xi32>
    %swap3A_957 = arith.constant 10224 : index
    %swap3A_958 = tpu.vector_load %arg7[%swap3A_957] {strides = array<i32>} : memref<10240xi32, #tpu.memory_space<vmem>>, vector<16xi32>,
    %swap3A_959 = vector.shape_cast %swap3A_958 : vector<16xi32> to vector<16xi32>
    %swap3A_960 = vector.shape_cast %add3A_956 : vector<16xi32> to vector<16xi32>
    tpu.vector_store %arg7[%swap3A_957], %swap3A_960 {strides = array<i32>} : memref<10240xi32, #tpu.memory_space<vmem>>, vector<16xi32>,
    %barrier3A = arith.constant 0 : index
    tpu.barrier barrier_id(%barrier3A)
    %dma_start3A = arith.constant 0 : i32
    %dma_start3A_961 = tpu.memref_slice %arg6[%dma_start3A] : memref<10240xi32, #tpu.memory_space<vmem>> -> memref<128xi32, #tpu.memory_space<vmem>>
    %dma_start3A_962 = arith.constant 0 : i32
    %dma_start3A_963 = arith.constant 0 : i32
    %dma_start3A_964 = tpu.memref_slice %arg2[%dma_start3A_962, %dma_start3A_963] : memref<10112x64xf32, #tpu.memory_space<hbm>> -> memref<10112x64xf32, #tpu.memory_space<hbm>>
    tpu.enqueue_indirect_dma source(%dma_start3A_964 : memref<10112x64xf32, #tpu.memory_space<hbm>>) target(%arg8 : memref<128x64xf32, #tpu.memory_space<vmem>>) offsets(%dma_start3A_961 : memref<128xi32, #tpu.memory_space<vmem>>) semaphore(%arg17 : memref<!tpu.dma_semaphore, #tpu.memory_space<semaphore_mem>>)
    %dma_start3A_965 = arith.constant 128 : i32
    %dma_start3A_966 = tpu.memref_slice %arg6[%dma_start3A_965] : memref<10240xi32, #tpu.memory_space<vmem>> -> memref<128xi32, #tpu.memory_space<vmem>>
    %dma_start3A_967 = arith.constant 0 : i32
    %dma_start3A_968 = arith.constant 0 : i32
    %dma_start3A_969 = tpu.memref_slice %arg2[%dma_start3A_967, %dma_start3A_968] : memref<10112x64xf32, #tpu.memory_space<hbm>> -> memref<10112x64xf32, #tpu.memory_space<hbm>>
    tpu.enqueue_indirect_dma source(%dma_start3A_969 : memref<10112x64xf32, #tpu.memory_space<hbm>>) target(%arg9 : memref<128x64xf32, #tpu.memory_space<vmem>>) offsets(%dma_start3A_966 : memref<128xi32, #tpu.memory_space<vmem>>) semaphore(%arg18 : memref<!tpu.dma_semaphore, #tpu.memory_space<semaphore_mem>>)
    %dma_start3A_970 = arith.constant 256 : i32
    %dma_start3A_971 = tpu.memref_slice %arg6[%dma_start3A_970] : memref<10240xi32, #tpu.memory_space<vmem>> -> memref<128xi32, #tpu.memory_space<vmem>>
    %dma_start3A_972 = arith.constant 0 : i32
    %dma_start3A_973 = arith.constant 0 : i32
    %dma_start3A_974 = tpu.memref_slice %arg2[%dma_start3A_972, %dma_start3A_973] : memref<10112x64xf32, #tpu.memory_space<hbm>> -> memref<10112x64xf32, #tpu.memory_space<hbm>>
    tpu.enqueue_indirect_dma source(%dma_start3A_974 : memref<10112x64xf32, #tpu.memory_space<hbm>>) target(%arg10 : memref<128x64xf32, #tpu.memory_space<vmem>>) offsets(%dma_start3A_971 : memref<128xi32, #tpu.memory_space<vmem>>) semaphore(%arg19 : memref<!tpu.dma_semaphore, #tpu.memory_space<semaphore_mem>>)
    %dma_start3A_975 = arith.constant 384 : i32
    %dma_start3A_976 = tpu.memref_slice %arg6[%dma_start3A_975] : memref<10240xi32, #tpu.memory_space<vmem>> -> memref<128xi32, #tpu.memory_space<vmem>>
    %dma_start3A_977 = arith.constant 0 : i32
    %dma_start3A_978 = arith.constant 0 : i32
    %dma_start3A_979 = tpu.memref_slice %arg2[%dma_start3A_977, %dma_start3A_978] : memref<10112x64xf32, #tpu.memory_space<hbm>> -> memref<10112x64xf32, #tpu.memory_space<hbm>>
    tpu.enqueue_indirect_dma source(%dma_start3A_979 : memref<10112x64xf32, #tpu.memory_space<hbm>>) target(%arg11 : memref<128x64xf32, #tpu.memory_space<vmem>>) offsets(%dma_start3A_976 : memref<128xi32, #tpu.memory_space<vmem>>) semaphore(%arg20 : memref<!tpu.dma_semaphore, #tpu.memory_space<semaphore_mem>>)
    %scan3A = arith.constant 0 : i32
    %scan3A_980 = arith.constant 10 : i32
    %scan3A_981 = arith.addi %scan3A, %scan3A_980 : i32
    %scan3A_982 = arith.constant 1 : i32
    scf.for %scan3A_1004 = %scan3A to %scan3A_981 step %scan3A_982  : i32 {
      %mul3A_1005 = arith.constant 8 : i32
      %mul3A_1006 = arith.muli %scan3A_1004, %mul3A_1005 : i32
      %add3A_1007 = arith.constant 0 : i32
      %add3A_1008 = arith.addi %add3A_1007, %mul3A_1006 : i32
      %add3A_1009 = arith.constant 0 : i32
      %add3A_1010 = arith.addi %add3A_1008, %add3A_1009 : i32
      %ge3A = arith.constant 4 : i32
      %ge3A_1011 = arith.cmpi sge, %add3A_1010, %ge3A : i32
      %convert_element_type3A = arith.extui %ge3A_1011 : i1 to i32
      %cond3A = arith.constant 0 : i32
      %cond3A_1012 = arith.cmpi ne, %convert_element_type3A, %cond3A : i32
      scf.if %cond3A_1012 {
        %sub3A = arith.constant 4 : i32
        %sub3A_1214 = arith.subi %add3A_1010, %sub3A : i32
        %mul3A_1215 = arith.constant 128 : i32
        %mul3A_1216 = arith.muli %sub3A_1214, %mul3A_1215 : i32
        %dma_wait3A_1217 = tpu.memref_slice %arg7[%mul3A_1216] : memref<10240xi32, #tpu.memory_space<vmem>> -> memref<128xi32, #tpu.memory_space<vmem>>
        %dma_wait3A_1218 = arith.constant 0 : i32
        %dma_wait3A_1219 = arith.constant 0 : i32
        %dma_wait3A_1220 = tpu.memref_slice %arg16[%dma_wait3A_1218, %dma_wait3A_1219] : memref<10112x64xf32, #tpu.memory_space<vmem_shared>> -> memref<10112x64xf32, #tpu.memory_space<vmem_shared>>
        tpu.wait_indirect_dma semaphore(%arg29 : memref<!tpu.dma_semaphore, #tpu.memory_space<semaphore_mem>>) src(%arg12 : memref<128x64xf32, #tpu.memory_space<vmem>>) dst(%dma_wait3A_1220 : memref<10112x64xf32, #tpu.memory_space<vmem_shared>>)
      } else {
      }
      %add3A_1013 = arith.constant 4 : i32
      %add3A_1014 = arith.addi %add3A_1010, %add3A_1013 : i32
      %lt3A_1015 = arith.constant 80 : i32
      %lt3A_1016 = arith.cmpi slt, %add3A_1014, %lt3A_1015 : i32
      %convert_element_type3A_1017 = arith.extui %lt3A_1016 : i1 to i32
      %cond3A_1018 = arith.constant 0 : i32
      %cond3A_1019 = arith.cmpi ne, %convert_element_type3A_1017, %cond3A_1018 : i32
      scf.if %cond3A_1019 {
        %add3A_1214 = arith.constant 4 : i32
        %add3A_1215 = arith.addi %add3A_1010, %add3A_1214 : i32
        %mul3A_1216 = arith.constant 128 : i32
        %mul3A_1217 = arith.muli %add3A_1215, %mul3A_1216 : i32
        %dma_start3A_1218 = tpu.memref_slice %arg6[%mul3A_1217] : memref<10240xi32, #tpu.memory_space<vmem>> -> memref<128xi32, #tpu.memory_space<vmem>>
        %dma_start3A_1219 = arith.constant 0 : i32
        %dma_start3A_1220 = arith.constant 0 : i32
        %dma_start3A_1221 = tpu.memref_slice %arg2[%dma_start3A_1219, %dma_start3A_1220] : memref<10112x64xf32, #tpu.memory_space<hbm>> -> memref<10112x64xf32, #tpu.memory_space<hbm>>
        tpu.enqueue_indirect_dma source(%dma_start3A_1221 : memref<10112x64xf32, #tpu.memory_space<hbm>>) target(%arg12 : memref<128x64xf32, #tpu.memory_space<vmem>>) offsets(%dma_start3A_1218 : memref<128xi32, #tpu.memory_space<vmem>>) semaphore(%arg21 : memref<!tpu.dma_semaphore, #tpu.memory_space<semaphore_mem>>)
      } else {
      }
      %mul3A_1020 = arith.constant 128 : i32
      %mul3A_1021 = arith.muli %add3A_1010, %mul3A_1020 : i32
      %dma_wait3A_1022 = tpu.memref_slice %arg6[%mul3A_1021] : memref<10240xi32, #tpu.memory_space<vmem>> -> memref<128xi32, #tpu.memory_space<vmem>>
      %dma_wait3A_1023 = arith.constant 0 : i32
      %dma_wait3A_1024 = arith.constant 0 : i32
      %dma_wait3A_1025 = tpu.memref_slice %arg2[%dma_wait3A_1023, %dma_wait3A_1024] : memref<10112x64xf32, #tpu.memory_space<hbm>> -> memref<10112x64xf32, #tpu.memory_space<hbm>>
      tpu.wait_indirect_dma semaphore(%arg17 : memref<!tpu.dma_semaphore, #tpu.memory_space<semaphore_mem>>) src(%dma_wait3A_1025 : memref<10112x64xf32, #tpu.memory_space<hbm>>) dst(%arg8 : memref<128x64xf32, #tpu.memory_space<vmem>>)
      %mul3A_1026 = arith.constant 128 : i32
      %mul3A_1027 = arith.muli %add3A_1010, %mul3A_1026 : i32
      %dma_start3A_1028 = tpu.memref_slice %arg7[%mul3A_1027] : memref<10240xi32, #tpu.memory_space<vmem>> -> memref<128xi32, #tpu.memory_space<vmem>>
      %dma_start3A_1029 = arith.constant 0 : i32
      %dma_start3A_1030 = arith.constant 0 : i32
      %dma_start3A_1031 = tpu.memref_slice %arg16[%dma_start3A_1029, %dma_start3A_1030] : memref<10112x64xf32, #tpu.memory_space<vmem_shared>> -> memref<10112x64xf32, #tpu.memory_space<vmem_shared>>
      tpu.enqueue_indirect_dma source(%arg8 : memref<128x64xf32, #tpu.memory_space<vmem>>) target(%dma_start3A_1031 : memref<10112x64xf32, #tpu.memory_space<vmem_shared>>) offsets(%dma_start3A_1028 : memref<128xi32, #tpu.memory_space<vmem>>) semaphore(%arg25 : memref<!tpu.dma_semaphore, #tpu.memory_space<semaphore_mem>>) {add = true}
      %add3A_1032 = arith.constant 1 : i32
      %add3A_1033 = arith.addi %add3A_1008, %add3A_1032 : i32
      %ge3A_1034 = arith.constant 4 : i32
      %ge3A_1035 = arith.cmpi sge, %add3A_1033, %ge3A_1034 : i32
      %convert_element_type3A_1036 = arith.extui %ge3A_1035 : i1 to i32
      %cond3A_1037 = arith.constant 0 : i32
      %cond3A_1038 = arith.cmpi ne, %convert_element_type3A_1036, %cond3A_1037 : i32
      scf.if %cond3A_1038 {
        %sub3A = arith.constant 4 : i32
        %sub3A_1214 = arith.subi %add3A_1033, %sub3A : i32
        %mul3A_1215 = arith.constant 128 : i32
        %mul3A_1216 = arith.muli %sub3A_1214, %mul3A_1215 : i32
        %dma_wait3A_1217 = tpu.memref_slice %arg7[%mul3A_1216] : memref<10240xi32, #tpu.memory_space<vmem>> -> memref<128xi32, #tpu.memory_space<vmem>>
        %dma_wait3A_1218 = arith.constant 0 : i32
        %dma_wait3A_1219 = arith.constant 0 : i32
        %dma_wait3A_1220 = tpu.memref_slice %arg16[%dma_wait3A_1218, %dma_wait3A_1219] : memref<10112x64xf32, #tpu.memory_space<vmem_shared>> -> memref<10112x64xf32, #tpu.memory_space<vmem_shared>>
        tpu.wait_indirect_dma semaphore(%arg30 : memref<!tpu.dma_semaphore, #tpu.memory_space<semaphore_mem>>) src(%arg13 : memref<128x64xf32, #tpu.memory_space<vmem>>) dst(%dma_wait3A_1220 : memref<10112x64xf32, #tpu.memory_space<vmem_shared>>)
      } else {
      }
      %add3A_1039 = arith.constant 4 : i32
      %add3A_1040 = arith.addi %add3A_1033, %add3A_1039 : i32
      %lt3A_1041 = arith.constant 80 : i32
      %lt3A_1042 = arith.cmpi slt, %add3A_1040, %lt3A_1041 : i32
      %convert_element_type3A_1043 = arith.extui %lt3A_1042 : i1 to i32
      %cond3A_1044 = arith.constant 0 : i32
      %cond3A_1045 = arith.cmpi ne, %convert_element_type3A_1043, %cond3A_1044 : i32
      scf.if %cond3A_1045 {
        %add3A_1214 = arith.constant 4 : i32
        %add3A_1215 = arith.addi %add3A_1033, %add3A_1214 : i32
        %mul3A_1216 = arith.constant 128 : i32
        %mul3A_1217 = arith.muli %add3A_1215, %mul3A_1216 : i32
        %dma_start3A_1218 = tpu.memref_slice %arg6[%mul3A_1217] : memref<10240xi32, #tpu.memory_space<vmem>> -> memref<128xi32, #tpu.memory_space<vmem>>
        %dma_start3A_1219 = arith.constant 0 : i32
        %dma_start3A_1220 = arith.constant 0 : i32
        %dma_start3A_1221 = tpu.memref_slice %arg2[%dma_start3A_1219, %dma_start3A_1220] : memref<10112x64xf32, #tpu.memory_space<hbm>> -> memref<10112x64xf32, #tpu.memory_space<hbm>>
        tpu.enqueue_indirect_dma source(%dma_start3A_1221 : memref<10112x64xf32, #tpu.memory_space<hbm>>) target(%arg13 : memref<128x64xf32, #tpu.memory_space<vmem>>) offsets(%dma_start3A_1218 : memref<128xi32, #tpu.memory_space<vmem>>) semaphore(%arg22 : memref<!tpu.dma_semaphore, #tpu.memory_space<semaphore_mem>>)
      } else {
      }
      %mul3A_1046 = arith.constant 128 : i32
      %mul3A_1047 = arith.muli %add3A_1033, %mul3A_1046 : i32
      %dma_wait3A_1048 = tpu.memref_slice %arg6[%mul3A_1047] : memref<10240xi32, #tpu.memory_space<vmem>> -> memref<128xi32, #tpu.memory_space<vmem>>
      %dma_wait3A_1049 = arith.constant 0 : i32
      %dma_wait3A_1050 = arith.constant 0 : i32
      %dma_wait3A_1051 = tpu.memref_slice %arg2[%dma_wait3A_1049, %dma_wait3A_1050] : memref<10112x64xf32, #tpu.memory_space<hbm>> -> memref<10112x64xf32, #tpu.memory_space<hbm>>
      tpu.wait_indirect_dma semaphore(%arg18 : memref<!tpu.dma_semaphore, #tpu.memory_space<semaphore_mem>>) src(%dma_wait3A_1051 : memref<10112x64xf32, #tpu.memory_space<hbm>>) dst(%arg9 : memref<128x64xf32, #tpu.memory_space<vmem>>)
      %mul3A_1052 = arith.constant 128 : i32
      %mul3A_1053 = arith.muli %add3A_1033, %mul3A_1052 : i32
      %dma_start3A_1054 = tpu.memref_slice %arg7[%mul3A_1053] : memref<10240xi32, #tpu.memory_space<vmem>> -> memref<128xi32, #tpu.memory_space<vmem>>
      %dma_start3A_1055 = arith.constant 0 : i32
      %dma_start3A_1056 = arith.constant 0 : i32
      %dma_start3A_1057 = tpu.memref_slice %arg16[%dma_start3A_1055, %dma_start3A_1056] : memref<10112x64xf32, #tpu.memory_space<vmem_shared>> -> memref<10112x64xf32, #tpu.memory_space<vmem_shared>>
      tpu.enqueue_indirect_dma source(%arg9 : memref<128x64xf32, #tpu.memory_space<vmem>>) target(%dma_start3A_1057 : memref<10112x64xf32, #tpu.memory_space<vmem_shared>>) offsets(%dma_start3A_1054 : memref<128xi32, #tpu.memory_space<vmem>>) semaphore(%arg26 : memref<!tpu.dma_semaphore, #tpu.memory_space<semaphore_mem>>) {add = true}
      %add3A_1058 = arith.constant 2 : i32
      %add3A_1059 = arith.addi %add3A_1008, %add3A_1058 : i32
      %ge3A_1060 = arith.constant 4 : i32
      %ge3A_1061 = arith.cmpi sge, %add3A_1059, %ge3A_1060 : i32
      %convert_element_type3A_1062 = arith.extui %ge3A_1061 : i1 to i32
      %cond3A_1063 = arith.constant 0 : i32
      %cond3A_1064 = arith.cmpi ne, %convert_element_type3A_1062, %cond3A_1063 : i32
      scf.if %cond3A_1064 {
        %sub3A = arith.constant 4 : i32
        %sub3A_1214 = arith.subi %add3A_1059, %sub3A : i32
        %mul3A_1215 = arith.constant 128 : i32
        %mul3A_1216 = arith.muli %sub3A_1214, %mul3A_1215 : i32
        %dma_wait3A_1217 = tpu.memref_slice %arg7[%mul3A_1216] : memref<10240xi32, #tpu.memory_space<vmem>> -> memref<128xi32, #tpu.memory_space<vmem>>
        %dma_wait3A_1218 = arith.constant 0 : i32
        %dma_wait3A_1219 = arith.constant 0 : i32
        %dma_wait3A_1220 = tpu.memref_slice %arg16[%dma_wait3A_1218, %dma_wait3A_1219] : memref<10112x64xf32, #tpu.memory_space<vmem_shared>> -> memref<10112x64xf32, #tpu.memory_space<vmem_shared>>
        tpu.wait_indirect_dma semaphore(%arg31 : memref<!tpu.dma_semaphore, #tpu.memory_space<semaphore_mem>>) src(%arg14 : memref<128x64xf32, #tpu.memory_space<vmem>>) dst(%dma_wait3A_1220 : memref<10112x64xf32, #tpu.memory_space<vmem_shared>>)
      } else {
      }
      %add3A_1065 = arith.constant 4 : i32
      %add3A_1066 = arith.addi %add3A_1059, %add3A_1065 : i32
      %lt3A_1067 = arith.constant 80 : i32
      %lt3A_1068 = arith.cmpi slt, %add3A_1066, %lt3A_1067 : i32
      %convert_element_type3A_1069 = arith.extui %lt3A_1068 : i1 to i32
      %cond3A_1070 = arith.constant 0 : i32
      %cond3A_1071 = arith.cmpi ne, %convert_element_type3A_1069, %cond3A_1070 : i32
      scf.if %cond3A_1071 {
        %add3A_1214 = arith.constant 4 : i32
        %add3A_1215 = arith.addi %add3A_1059, %add3A_1214 : i32
        %mul3A_1216 = arith.constant 128 : i32
        %mul3A_1217 = arith.muli %add3A_1215, %mul3A_1216 : i32
        %dma_start3A_1218 = tpu.memref_slice %arg6[%mul3A_1217] : memref<10240xi32, #tpu.memory_space<vmem>> -> memref<128xi32, #tpu.memory_space<vmem>>
        %dma_start3A_1219 = arith.constant 0 : i32
        %dma_start3A_1220 = arith.constant 0 : i32
        %dma_start3A_1221 = tpu.memref_slice %arg2[%dma_start3A_1219, %dma_start3A_1220] : memref<10112x64xf32, #tpu.memory_space<hbm>> -> memref<10112x64xf32, #tpu.memory_space<hbm>>
        tpu.enqueue_indirect_dma source(%dma_start3A_1221 : memref<10112x64xf32, #tpu.memory_space<hbm>>) target(%arg14 : memref<128x64xf32, #tpu.memory_space<vmem>>) offsets(%dma_start3A_1218 : memref<128xi32, #tpu.memory_space<vmem>>) semaphore(%arg23 : memref<!tpu.dma_semaphore, #tpu.memory_space<semaphore_mem>>)
      } else {
      }
      %mul3A_1072 = arith.constant 128 : i32
      %mul3A_1073 = arith.muli %add3A_1059, %mul3A_1072 : i32
      %dma_wait3A_1074 = tpu.memref_slice %arg6[%mul3A_1073] : memref<10240xi32, #tpu.memory_space<vmem>> -> memref<128xi32, #tpu.memory_space<vmem>>
      %dma_wait3A_1075 = arith.constant 0 : i32
      %dma_wait3A_1076 = arith.constant 0 : i32
      %dma_wait3A_1077 = tpu.memref_slice %arg2[%dma_wait3A_1075, %dma_wait3A_1076] : memref<10112x64xf32, #tpu.memory_space<hbm>> -> memref<10112x64xf32, #tpu.memory_space<hbm>>
      tpu.wait_indirect_dma semaphore(%arg19 : memref<!tpu.dma_semaphore, #tpu.memory_space<semaphore_mem>>) src(%dma_wait3A_1077 : memref<10112x64xf32, #tpu.memory_space<hbm>>) dst(%arg10 : memref<128x64xf32, #tpu.memory_space<vmem>>)
      %mul3A_1078 = arith.constant 128 : i32
      %mul3A_1079 = arith.muli %add3A_1059, %mul3A_1078 : i32
      %dma_start3A_1080 = tpu.memref_slice %arg7[%mul3A_1079] : memref<10240xi32, #tpu.memory_space<vmem>> -> memref<128xi32, #tpu.memory_space<vmem>>
      %dma_start3A_1081 = arith.constant 0 : i32
      %dma_start3A_1082 = arith.constant 0 : i32
      %dma_start3A_1083 = tpu.memref_slice %arg16[%dma_start3A_1081, %dma_start3A_1082] : memref<10112x64xf32, #tpu.memory_space<vmem_shared>> -> memref<10112x64xf32, #tpu.memory_space<vmem_shared>>
      tpu.enqueue_indirect_dma source(%arg10 : memref<128x64xf32, #tpu.memory_space<vmem>>) target(%dma_start3A_1083 : memref<10112x64xf32, #tpu.memory_space<vmem_shared>>) offsets(%dma_start3A_1080 : memref<128xi32, #tpu.memory_space<vmem>>) semaphore(%arg27 : memref<!tpu.dma_semaphore, #tpu.memory_space<semaphore_mem>>) {add = true}
      %add3A_1084 = arith.constant 3 : i32
      %add3A_1085 = arith.addi %add3A_1008, %add3A_1084 : i32
      %ge3A_1086 = arith.constant 4 : i32
      %ge3A_1087 = arith.cmpi sge, %add3A_1085, %ge3A_1086 : i32
      %convert_element_type3A_1088 = arith.extui %ge3A_1087 : i1 to i32
      %cond3A_1089 = arith.constant 0 : i32
      %cond3A_1090 = arith.cmpi ne, %convert_element_type3A_1088, %cond3A_1089 : i32
      scf.if %cond3A_1090 {
        %sub3A = arith.constant 4 : i32
        %sub3A_1214 = arith.subi %add3A_1085, %sub3A : i32
        %mul3A_1215 = arith.constant 128 : i32
        %mul3A_1216 = arith.muli %sub3A_1214, %mul3A_1215 : i32
        %dma_wait3A_1217 = tpu.memref_slice %arg7[%mul3A_1216] : memref<10240xi32, #tpu.memory_space<vmem>> -> memref<128xi32, #tpu.memory_space<vmem>>
        %dma_wait3A_1218 = arith.constant 0 : i32
        %dma_wait3A_1219 = arith.constant 0 : i32
        %dma_wait3A_1220 = tpu.memref_slice %arg16[%dma_wait3A_1218, %dma_wait3A_1219] : memref<10112x64xf32, #tpu.memory_space<vmem_shared>> -> memref<10112x64xf32, #tpu.memory_space<vmem_shared>>
        tpu.wait_indirect_dma semaphore(%arg32 : memref<!tpu.dma_semaphore, #tpu.memory_space<semaphore_mem>>) src(%arg15 : memref<128x64xf32, #tpu.memory_space<vmem>>) dst(%dma_wait3A_1220 : memref<10112x64xf32, #tpu.memory_space<vmem_shared>>)
      } else {
      }
      %add3A_1091 = arith.constant 4 : i32
      %add3A_1092 = arith.addi %add3A_1085, %add3A_1091 : i32
      %lt3A_1093 = arith.constant 80 : i32
      %lt3A_1094 = arith.cmpi slt, %add3A_1092, %lt3A_1093 : i32
      %convert_element_type3A_1095 = arith.extui %lt3A_1094 : i1 to i32
      %cond3A_1096 = arith.constant 0 : i32
      %cond3A_1097 = arith.cmpi ne, %convert_element_type3A_1095, %cond3A_1096 : i32
      scf.if %cond3A_1097 {
        %add3A_1214 = arith.constant 4 : i32
        %add3A_1215 = arith.addi %add3A_1085, %add3A_1214 : i32
        %mul3A_1216 = arith.constant 128 : i32
        %mul3A_1217 = arith.muli %add3A_1215, %mul3A_1216 : i32
        %dma_start3A_1218 = tpu.memref_slice %arg6[%mul3A_1217] : memref<10240xi32, #tpu.memory_space<vmem>> -> memref<128xi32, #tpu.memory_space<vmem>>
        %dma_start3A_1219 = arith.constant 0 : i32
        %dma_start3A_1220 = arith.constant 0 : i32
        %dma_start3A_1221 = tpu.memref_slice %arg2[%dma_start3A_1219, %dma_start3A_1220] : memref<10112x64xf32, #tpu.memory_space<hbm>> -> memref<10112x64xf32, #tpu.memory_space<hbm>>
        tpu.enqueue_indirect_dma source(%dma_start3A_1221 : memref<10112x64xf32, #tpu.memory_space<hbm>>) target(%arg15 : memref<128x64xf32, #tpu.memory_space<vmem>>) offsets(%dma_start3A_1218 : memref<128xi32, #tpu.memory_space<vmem>>) semaphore(%arg24 : memref<!tpu.dma_semaphore, #tpu.memory_space<semaphore_mem>>)
      } else {
      }
      %mul3A_1098 = arith.constant 128 : i32
      %mul3A_1099 = arith.muli %add3A_1085, %mul3A_1098 : i32
      %dma_wait3A_1100 = tpu.memref_slice %arg6[%mul3A_1099] : memref<10240xi32, #tpu.memory_space<vmem>> -> memref<128xi32, #tpu.memory_space<vmem>>
      %dma_wait3A_1101 = arith.constant 0 : i32
      %dma_wait3A_1102 = arith.constant 0 : i32
      %dma_wait3A_1103 = tpu.memref_slice %arg2[%dma_wait3A_1101, %dma_wait3A_1102] : memref<10112x64xf32, #tpu.memory_space<hbm>> -> memref<10112x64xf32, #tpu.memory_space<hbm>>
      tpu.wait_indirect_dma semaphore(%arg20 : memref<!tpu.dma_semaphore, #tpu.memory_space<semaphore_mem>>) src(%dma_wait3A_1103 : memref<10112x64xf32, #tpu.memory_space<hbm>>) dst(%arg11 : memref<128x64xf32, #tpu.memory_space<vmem>>)
      %mul3A_1104 = arith.constant 128 : i32
      %mul3A_1105 = arith.muli %add3A_1085, %mul3A_1104 : i32
      %dma_start3A_1106 = tpu.memref_slice %arg7[%mul3A_1105] : memref<10240xi32, #tpu.memory_space<vmem>> -> memref<128xi32, #tpu.memory_space<vmem>>
      %dma_start3A_1107 = arith.constant 0 : i32
      %dma_start3A_1108 = arith.constant 0 : i32
      %dma_start3A_1109 = tpu.memref_slice %arg16[%dma_start3A_1107, %dma_start3A_1108] : memref<10112x64xf32, #tpu.memory_space<vmem_shared>> -> memref<10112x64xf32, #tpu.memory_space<vmem_shared>>
      tpu.enqueue_indirect_dma source(%arg11 : memref<128x64xf32, #tpu.memory_space<vmem>>) target(%dma_start3A_1109 : memref<10112x64xf32, #tpu.memory_space<vmem_shared>>) offsets(%dma_start3A_1106 : memref<128xi32, #tpu.memory_space<vmem>>) semaphore(%arg28 : memref<!tpu.dma_semaphore, #tpu.memory_space<semaphore_mem>>) {add = true}
      %add3A_1110 = arith.constant 4 : i32
      %add3A_1111 = arith.addi %add3A_1008, %add3A_1110 : i32
      %ge3A_1112 = arith.constant 4 : i32
      %ge3A_1113 = arith.cmpi sge, %add3A_1111, %ge3A_1112 : i32
      %convert_element_type3A_1114 = arith.extui %ge3A_1113 : i1 to i32
      %cond3A_1115 = arith.constant 0 : i32
      %cond3A_1116 = arith.cmpi ne, %convert_element_type3A_1114, %cond3A_1115 : i32
      scf.if %cond3A_1116 {
        %sub3A = arith.constant 4 : i32
        %sub3A_1214 = arith.subi %add3A_1111, %sub3A : i32
        %mul3A_1215 = arith.constant 128 : i32
        %mul3A_1216 = arith.muli %sub3A_1214, %mul3A_1215 : i32
        %dma_wait3A_1217 = tpu.memref_slice %arg7[%mul3A_1216] : memref<10240xi32, #tpu.memory_space<vmem>> -> memref<128xi32, #tpu.memory_space<vmem>>
        %dma_wait3A_1218 = arith.constant 0 : i32
        %dma_wait3A_1219 = arith.constant 0 : i32
        %dma_wait3A_1220 = tpu.memref_slice %arg16[%dma_wait3A_1218, %dma_wait3A_1219] : memref<10112x64xf32, #tpu.memory_space<vmem_shared>> -> memref<10112x64xf32, #tpu.memory_space<vmem_shared>>
        tpu.wait_indirect_dma semaphore(%arg25 : memref<!tpu.dma_semaphore, #tpu.memory_space<semaphore_mem>>) src(%arg8 : memref<128x64xf32, #tpu.memory_space<vmem>>) dst(%dma_wait3A_1220 : memref<10112x64xf32, #tpu.memory_space<vmem_shared>>)
      } else {
      }
      %add3A_1117 = arith.constant 4 : i32
      %add3A_1118 = arith.addi %add3A_1111, %add3A_1117 : i32
      %lt3A_1119 = arith.constant 80 : i32
      %lt3A_1120 = arith.cmpi slt, %add3A_1118, %lt3A_1119 : i32
      %convert_element_type3A_1121 = arith.extui %lt3A_1120 : i1 to i32
      %cond3A_1122 = arith.constant 0 : i32
      %cond3A_1123 = arith.cmpi ne, %convert_element_type3A_1121, %cond3A_1122 : i32
      scf.if %cond3A_1123 {
        %add3A_1214 = arith.constant 4 : i32
        %add3A_1215 = arith.addi %add3A_1111, %add3A_1214 : i32
        %mul3A_1216 = arith.constant 128 : i32
        %mul3A_1217 = arith.muli %add3A_1215, %mul3A_1216 : i32
        %dma_start3A_1218 = tpu.memref_slice %arg6[%mul3A_1217] : memref<10240xi32, #tpu.memory_space<vmem>> -> memref<128xi32, #tpu.memory_space<vmem>>
        %dma_start3A_1219 = arith.constant 0 : i32
        %dma_start3A_1220 = arith.constant 0 : i32
        %dma_start3A_1221 = tpu.memref_slice %arg2[%dma_start3A_1219, %dma_start3A_1220] : memref<10112x64xf32, #tpu.memory_space<hbm>> -> memref<10112x64xf32, #tpu.memory_space<hbm>>
        tpu.enqueue_indirect_dma source(%dma_start3A_1221 : memref<10112x64xf32, #tpu.memory_space<hbm>>) target(%arg8 : memref<128x64xf32, #tpu.memory_space<vmem>>) offsets(%dma_start3A_1218 : memref<128xi32, #tpu.memory_space<vmem>>) semaphore(%arg17 : memref<!tpu.dma_semaphore, #tpu.memory_space<semaphore_mem>>)
      } else {
      }
      %mul3A_1124 = arith.constant 128 : i32
      %mul3A_1125 = arith.muli %add3A_1111, %mul3A_1124 : i32
      %dma_wait3A_1126 = tpu.memref_slice %arg6[%mul3A_1125] : memref<10240xi32, #tpu.memory_space<vmem>> -> memref<128xi32, #tpu.memory_space<vmem>>
      %dma_wait3A_1127 = arith.constant 0 : i32
      %dma_wait3A_1128 = arith.constant 0 : i32
      %dma_wait3A_1129 = tpu.memref_slice %arg2[%dma_wait3A_1127, %dma_wait3A_1128] : memref<10112x64xf32, #tpu.memory_space<hbm>> -> memref<10112x64xf32, #tpu.memory_space<hbm>>
      tpu.wait_indirect_dma semaphore(%arg21 : memref<!tpu.dma_semaphore, #tpu.memory_space<semaphore_mem>>) src(%dma_wait3A_1129 : memref<10112x64xf32, #tpu.memory_space<hbm>>) dst(%arg12 : memref<128x64xf32, #tpu.memory_space<vmem>>)
      %mul3A_1130 = arith.constant 128 : i32
      %mul3A_1131 = arith.muli %add3A_1111, %mul3A_1130 : i32
      %dma_start3A_1132 = tpu.memref_slice %arg7[%mul3A_1131] : memref<10240xi32, #tpu.memory_space<vmem>> -> memref<128xi32, #tpu.memory_space<vmem>>
      %dma_start3A_1133 = arith.constant 0 : i32
      %dma_start3A_1134 = arith.constant 0 : i32
      %dma_start3A_1135 = tpu.memref_slice %arg16[%dma_start3A_1133, %dma_start3A_1134] : memref<10112x64xf32, #tpu.memory_space<vmem_shared>> -> memref<10112x64xf32, #tpu.memory_space<vmem_shared>>
      tpu.enqueue_indirect_dma source(%arg12 : memref<128x64xf32, #tpu.memory_space<vmem>>) target(%dma_start3A_1135 : memref<10112x64xf32, #tpu.memory_space<vmem_shared>>) offsets(%dma_start3A_1132 : memref<128xi32, #tpu.memory_space<vmem>>) semaphore(%arg29 : memref<!tpu.dma_semaphore, #tpu.memory_space<semaphore_mem>>) {add = true}
      %add3A_1136 = arith.constant 5 : i32
      %add3A_1137 = arith.addi %add3A_1008, %add3A_1136 : i32
      %ge3A_1138 = arith.constant 4 : i32
      %ge3A_1139 = arith.cmpi sge, %add3A_1137, %ge3A_1138 : i32
      %convert_element_type3A_1140 = arith.extui %ge3A_1139 : i1 to i32
      %cond3A_1141 = arith.constant 0 : i32
      %cond3A_1142 = arith.cmpi ne, %convert_element_type3A_1140, %cond3A_1141 : i32
      scf.if %cond3A_1142 {
        %sub3A = arith.constant 4 : i32
        %sub3A_1214 = arith.subi %add3A_1137, %sub3A : i32
        %mul3A_1215 = arith.constant 128 : i32
        %mul3A_1216 = arith.muli %sub3A_1214, %mul3A_1215 : i32
        %dma_wait3A_1217 = tpu.memref_slice %arg7[%mul3A_1216] : memref<10240xi32, #tpu.memory_space<vmem>> -> memref<128xi32, #tpu.memory_space<vmem>>
        %dma_wait3A_1218 = arith.constant 0 : i32
        %dma_wait3A_1219 = arith.constant 0 : i32
        %dma_wait3A_1220 = tpu.memref_slice %arg16[%dma_wait3A_1218, %dma_wait3A_1219] : memref<10112x64xf32, #tpu.memory_space<vmem_shared>> -> memref<10112x64xf32, #tpu.memory_space<vmem_shared>>
        tpu.wait_indirect_dma semaphore(%arg26 : memref<!tpu.dma_semaphore, #tpu.memory_space<semaphore_mem>>) src(%arg9 : memref<128x64xf32, #tpu.memory_space<vmem>>) dst(%dma_wait3A_1220 : memref<10112x64xf32, #tpu.memory_space<vmem_shared>>)
      } else {
      }
      %add3A_1143 = arith.constant 4 : i32
      %add3A_1144 = arith.addi %add3A_1137, %add3A_1143 : i32
      %lt3A_1145 = arith.constant 80 : i32
      %lt3A_1146 = arith.cmpi slt, %add3A_1144, %lt3A_1145 : i32
      %convert_element_type3A_1147 = arith.extui %lt3A_1146 : i1 to i32
      %cond3A_1148 = arith.constant 0 : i32
      %cond3A_1149 = arith.cmpi ne, %convert_element_type3A_1147, %cond3A_1148 : i32
      scf.if %cond3A_1149 {
        %add3A_1214 = arith.constant 4 : i32
        %add3A_1215 = arith.addi %add3A_1137, %add3A_1214 : i32
        %mul3A_1216 = arith.constant 128 : i32
        %mul3A_1217 = arith.muli %add3A_1215, %mul3A_1216 : i32
        %dma_start3A_1218 = tpu.memref_slice %arg6[%mul3A_1217] : memref<10240xi32, #tpu.memory_space<vmem>> -> memref<128xi32, #tpu.memory_space<vmem>>
        %dma_start3A_1219 = arith.constant 0 : i32
        %dma_start3A_1220 = arith.constant 0 : i32
        %dma_start3A_1221 = tpu.memref_slice %arg2[%dma_start3A_1219, %dma_start3A_1220] : memref<10112x64xf32, #tpu.memory_space<hbm>> -> memref<10112x64xf32, #tpu.memory_space<hbm>>
        tpu.enqueue_indirect_dma source(%dma_start3A_1221 : memref<10112x64xf32, #tpu.memory_space<hbm>>) target(%arg9 : memref<128x64xf32, #tpu.memory_space<vmem>>) offsets(%dma_start3A_1218 : memref<128xi32, #tpu.memory_space<vmem>>) semaphore(%arg18 : memref<!tpu.dma_semaphore, #tpu.memory_space<semaphore_mem>>)
      } else {
      }
      %mul3A_1150 = arith.constant 128 : i32
      %mul3A_1151 = arith.muli %add3A_1137, %mul3A_1150 : i32
      %dma_wait3A_1152 = tpu.memref_slice %arg6[%mul3A_1151] : memref<10240xi32, #tpu.memory_space<vmem>> -> memref<128xi32, #tpu.memory_space<vmem>>
      %dma_wait3A_1153 = arith.constant 0 : i32
      %dma_wait3A_1154 = arith.constant 0 : i32
      %dma_wait3A_1155 = tpu.memref_slice %arg2[%dma_wait3A_1153, %dma_wait3A_1154] : memref<10112x64xf32, #tpu.memory_space<hbm>> -> memref<10112x64xf32, #tpu.memory_space<hbm>>
      tpu.wait_indirect_dma semaphore(%arg22 : memref<!tpu.dma_semaphore, #tpu.memory_space<semaphore_mem>>) src(%dma_wait3A_1155 : memref<10112x64xf32, #tpu.memory_space<hbm>>) dst(%arg13 : memref<128x64xf32, #tpu.memory_space<vmem>>)
      %mul3A_1156 = arith.constant 128 : i32
      %mul3A_1157 = arith.muli %add3A_1137, %mul3A_1156 : i32
      %dma_start3A_1158 = tpu.memref_slice %arg7[%mul3A_1157] : memref<10240xi32, #tpu.memory_space<vmem>> -> memref<128xi32, #tpu.memory_space<vmem>>
      %dma_start3A_1159 = arith.constant 0 : i32
      %dma_start3A_1160 = arith.constant 0 : i32
      %dma_start3A_1161 = tpu.memref_slice %arg16[%dma_start3A_1159, %dma_start3A_1160] : memref<10112x64xf32, #tpu.memory_space<vmem_shared>> -> memref<10112x64xf32, #tpu.memory_space<vmem_shared>>
      tpu.enqueue_indirect_dma source(%arg13 : memref<128x64xf32, #tpu.memory_space<vmem>>) target(%dma_start3A_1161 : memref<10112x64xf32, #tpu.memory_space<vmem_shared>>) offsets(%dma_start3A_1158 : memref<128xi32, #tpu.memory_space<vmem>>) semaphore(%arg30 : memref<!tpu.dma_semaphore, #tpu.memory_space<semaphore_mem>>) {add = true}
      %add3A_1162 = arith.constant 6 : i32
      %add3A_1163 = arith.addi %add3A_1008, %add3A_1162 : i32
      %ge3A_1164 = arith.constant 4 : i32
      %ge3A_1165 = arith.cmpi sge, %add3A_1163, %ge3A_1164 : i32
      %convert_element_type3A_1166 = arith.extui %ge3A_1165 : i1 to i32
      %cond3A_1167 = arith.constant 0 : i32
      %cond3A_1168 = arith.cmpi ne, %convert_element_type3A_1166, %cond3A_1167 : i32
      scf.if %cond3A_1168 {
        %sub3A = arith.constant 4 : i32
        %sub3A_1214 = arith.subi %add3A_1163, %sub3A : i32
        %mul3A_1215 = arith.constant 128 : i32
        %mul3A_1216 = arith.muli %sub3A_1214, %mul3A_1215 : i32
        %dma_wait3A_1217 = tpu.memref_slice %arg7[%mul3A_1216] : memref<10240xi32, #tpu.memory_space<vmem>> -> memref<128xi32, #tpu.memory_space<vmem>>
        %dma_wait3A_1218 = arith.constant 0 : i32
        %dma_wait3A_1219 = arith.constant 0 : i32
        %dma_wait3A_1220 = tpu.memref_slice %arg16[%dma_wait3A_1218, %dma_wait3A_1219] : memref<10112x64xf32, #tpu.memory_space<vmem_shared>> -> memref<10112x64xf32, #tpu.memory_space<vmem_shared>>
        tpu.wait_indirect_dma semaphore(%arg27 : memref<!tpu.dma_semaphore, #tpu.memory_space<semaphore_mem>>) src(%arg10 : memref<128x64xf32, #tpu.memory_space<vmem>>) dst(%dma_wait3A_1220 : memref<10112x64xf32, #tpu.memory_space<vmem_shared>>)
      } else {
      }
      %add3A_1169 = arith.constant 4 : i32
      %add3A_1170 = arith.addi %add3A_1163, %add3A_1169 : i32
      %lt3A_1171 = arith.constant 80 : i32
      %lt3A_1172 = arith.cmpi slt, %add3A_1170, %lt3A_1171 : i32
      %convert_element_type3A_1173 = arith.extui %lt3A_1172 : i1 to i32
      %cond3A_1174 = arith.constant 0 : i32
      %cond3A_1175 = arith.cmpi ne, %convert_element_type3A_1173, %cond3A_1174 : i32
      scf.if %cond3A_1175 {
        %add3A_1214 = arith.constant 4 : i32
        %add3A_1215 = arith.addi %add3A_1163, %add3A_1214 : i32
        %mul3A_1216 = arith.constant 128 : i32
        %mul3A_1217 = arith.muli %add3A_1215, %mul3A_1216 : i32
        %dma_start3A_1218 = tpu.memref_slice %arg6[%mul3A_1217] : memref<10240xi32, #tpu.memory_space<vmem>> -> memref<128xi32, #tpu.memory_space<vmem>>
        %dma_start3A_1219 = arith.constant 0 : i32
        %dma_start3A_1220 = arith.constant 0 : i32
        %dma_start3A_1221 = tpu.memref_slice %arg2[%dma_start3A_1219, %dma_start3A_1220] : memref<10112x64xf32, #tpu.memory_space<hbm>> -> memref<10112x64xf32, #tpu.memory_space<hbm>>
        tpu.enqueue_indirect_dma source(%dma_start3A_1221 : memref<10112x64xf32, #tpu.memory_space<hbm>>) target(%arg10 : memref<128x64xf32, #tpu.memory_space<vmem>>) offsets(%dma_start3A_1218 : memref<128xi32, #tpu.memory_space<vmem>>) semaphore(%arg19 : memref<!tpu.dma_semaphore, #tpu.memory_space<semaphore_mem>>)
      } else {
      }
      %mul3A_1176 = arith.constant 128 : i32
      %mul3A_1177 = arith.muli %add3A_1163, %mul3A_1176 : i32
      %dma_wait3A_1178 = tpu.memref_slice %arg6[%mul3A_1177] : memref<10240xi32, #tpu.memory_space<vmem>> -> memref<128xi32, #tpu.memory_space<vmem>>
      %dma_wait3A_1179 = arith.constant 0 : i32
      %dma_wait3A_1180 = arith.constant 0 : i32
      %dma_wait3A_1181 = tpu.memref_slice %arg2[%dma_wait3A_1179, %dma_wait3A_1180] : memref<10112x64xf32, #tpu.memory_space<hbm>> -> memref<10112x64xf32, #tpu.memory_space<hbm>>
      tpu.wait_indirect_dma semaphore(%arg23 : memref<!tpu.dma_semaphore, #tpu.memory_space<semaphore_mem>>) src(%dma_wait3A_1181 : memref<10112x64xf32, #tpu.memory_space<hbm>>) dst(%arg14 : memref<128x64xf32, #tpu.memory_space<vmem>>)
      %mul3A_1182 = arith.constant 128 : i32
      %mul3A_1183 = arith.muli %add3A_1163, %mul3A_1182 : i32
      %dma_start3A_1184 = tpu.memref_slice %arg7[%mul3A_1183] : memref<10240xi32, #tpu.memory_space<vmem>> -> memref<128xi32, #tpu.memory_space<vmem>>
      %dma_start3A_1185 = arith.constant 0 : i32
      %dma_start3A_1186 = arith.constant 0 : i32
      %dma_start3A_1187 = tpu.memref_slice %arg16[%dma_start3A_1185, %dma_start3A_1186] : memref<10112x64xf32, #tpu.memory_space<vmem_shared>> -> memref<10112x64xf32, #tpu.memory_space<vmem_shared>>
      tpu.enqueue_indirect_dma source(%arg14 : memref<128x64xf32, #tpu.memory_space<vmem>>) target(%dma_start3A_1187 : memref<10112x64xf32, #tpu.memory_space<vmem_shared>>) offsets(%dma_start3A_1184 : memref<128xi32, #tpu.memory_space<vmem>>) semaphore(%arg31 : memref<!tpu.dma_semaphore, #tpu.memory_space<semaphore_mem>>) {add = true}
      %add3A_1188 = arith.constant 7 : i32
      %add3A_1189 = arith.addi %add3A_1008, %add3A_1188 : i32
      %ge3A_1190 = arith.constant 4 : i32
      %ge3A_1191 = arith.cmpi sge, %add3A_1189, %ge3A_1190 : i32
      %convert_element_type3A_1192 = arith.extui %ge3A_1191 : i1 to i32
      %cond3A_1193 = arith.constant 0 : i32
      %cond3A_1194 = arith.cmpi ne, %convert_element_type3A_1192, %cond3A_1193 : i32
      scf.if %cond3A_1194 {
        %sub3A = arith.constant 4 : i32
        %sub3A_1214 = arith.subi %add3A_1189, %sub3A : i32
        %mul3A_1215 = arith.constant 128 : i32
        %mul3A_1216 = arith.muli %sub3A_1214, %mul3A_1215 : i32
        %dma_wait3A_1217 = tpu.memref_slice %arg7[%mul3A_1216] : memref<10240xi32, #tpu.memory_space<vmem>> -> memref<128xi32, #tpu.memory_space<vmem>>
        %dma_wait3A_1218 = arith.constant 0 : i32
        %dma_wait3A_1219 = arith.constant 0 : i32
        %dma_wait3A_1220 = tpu.memref_slice %arg16[%dma_wait3A_1218, %dma_wait3A_1219] : memref<10112x64xf32, #tpu.memory_space<vmem_shared>> -> memref<10112x64xf32, #tpu.memory_space<vmem_shared>>
        tpu.wait_indirect_dma semaphore(%arg28 : memref<!tpu.dma_semaphore, #tpu.memory_space<semaphore_mem>>) src(%arg11 : memref<128x64xf32, #tpu.memory_space<vmem>>) dst(%dma_wait3A_1220 : memref<10112x64xf32, #tpu.memory_space<vmem_shared>>)
      } else {
      }
      %add3A_1195 = arith.constant 4 : i32
      %add3A_1196 = arith.addi %add3A_1189, %add3A_1195 : i32
      %lt3A_1197 = arith.constant 80 : i32
      %lt3A_1198 = arith.cmpi slt, %add3A_1196, %lt3A_1197 : i32
      %convert_element_type3A_1199 = arith.extui %lt3A_1198 : i1 to i32
      %cond3A_1200 = arith.constant 0 : i32
      %cond3A_1201 = arith.cmpi ne, %convert_element_type3A_1199, %cond3A_1200 : i32
      scf.if %cond3A_1201 {
        %add3A_1214 = arith.constant 4 : i32
        %add3A_1215 = arith.addi %add3A_1189, %add3A_1214 : i32
        %mul3A_1216 = arith.constant 128 : i32
        %mul3A_1217 = arith.muli %add3A_1215, %mul3A_1216 : i32
        %dma_start3A_1218 = tpu.memref_slice %arg6[%mul3A_1217] : memref<10240xi32, #tpu.memory_space<vmem>> -> memref<128xi32, #tpu.memory_space<vmem>>
        %dma_start3A_1219 = arith.constant 0 : i32
        %dma_start3A_1220 = arith.constant 0 : i32
        %dma_start3A_1221 = tpu.memref_slice %arg2[%dma_start3A_1219, %dma_start3A_1220] : memref<10112x64xf32, #tpu.memory_space<hbm>> -> memref<10112x64xf32, #tpu.memory_space<hbm>>
        tpu.enqueue_indirect_dma source(%dma_start3A_1221 : memref<10112x64xf32, #tpu.memory_space<hbm>>) target(%arg11 : memref<128x64xf32, #tpu.memory_space<vmem>>) offsets(%dma_start3A_1218 : memref<128xi32, #tpu.memory_space<vmem>>) semaphore(%arg20 : memref<!tpu.dma_semaphore, #tpu.memory_space<semaphore_mem>>)
      } else {
      }
      %mul3A_1202 = arith.constant 128 : i32
      %mul3A_1203 = arith.muli %add3A_1189, %mul3A_1202 : i32
      %dma_wait3A_1204 = tpu.memref_slice %arg6[%mul3A_1203] : memref<10240xi32, #tpu.memory_space<vmem>> -> memref<128xi32, #tpu.memory_space<vmem>>
      %dma_wait3A_1205 = arith.constant 0 : i32
      %dma_wait3A_1206 = arith.constant 0 : i32
      %dma_wait3A_1207 = tpu.memref_slice %arg2[%dma_wait3A_1205, %dma_wait3A_1206] : memref<10112x64xf32, #tpu.memory_space<hbm>> -> memref<10112x64xf32, #tpu.memory_space<hbm>>
      tpu.wait_indirect_dma semaphore(%arg24 : memref<!tpu.dma_semaphore, #tpu.memory_space<semaphore_mem>>) src(%dma_wait3A_1207 : memref<10112x64xf32, #tpu.memory_space<hbm>>) dst(%arg15 : memref<128x64xf32, #tpu.memory_space<vmem>>)
      %mul3A_1208 = arith.constant 128 : i32
      %mul3A_1209 = arith.muli %add3A_1189, %mul3A_1208 : i32
      %dma_start3A_1210 = tpu.memref_slice %arg7[%mul3A_1209] : memref<10240xi32, #tpu.memory_space<vmem>> -> memref<128xi32, #tpu.memory_space<vmem>>
      %dma_start3A_1211 = arith.constant 0 : i32
      %dma_start3A_1212 = arith.constant 0 : i32
      %dma_start3A_1213 = tpu.memref_slice %arg16[%dma_start3A_1211, %dma_start3A_1212] : memref<10112x64xf32, #tpu.memory_space<vmem_shared>> -> memref<10112x64xf32, #tpu.memory_space<vmem_shared>>
      tpu.enqueue_indirect_dma source(%arg15 : memref<128x64xf32, #tpu.memory_space<vmem>>) target(%dma_start3A_1213 : memref<10112x64xf32, #tpu.memory_space<vmem_shared>>) offsets(%dma_start3A_1210 : memref<128xi32, #tpu.memory_space<vmem>>) semaphore(%arg32 : memref<!tpu.dma_semaphore, #tpu.memory_space<semaphore_mem>>) {add = true}
    }
    %scan3A_983 = arith.constant 10 : i32
    %dma_wait3A = arith.constant 9728 : i32
    %dma_wait3A_984 = tpu.memref_slice %arg7[%dma_wait3A] : memref<10240xi32, #tpu.memory_space<vmem>> -> memref<128xi32, #tpu.memory_space<vmem>>
    %dma_wait3A_985 = arith.constant 0 : i32
    %dma_wait3A_986 = arith.constant 0 : i32
    %dma_wait3A_987 = tpu.memref_slice %arg16[%dma_wait3A_985, %dma_wait3A_986] : memref<10112x64xf32, #tpu.memory_space<vmem_shared>> -> memref<10112x64xf32, #tpu.memory_space<vmem_shared>>
    tpu.wait_indirect_dma semaphore(%arg29 : memref<!tpu.dma_semaphore, #tpu.memory_space<semaphore_mem>>) src(%arg12 : memref<128x64xf32, #tpu.memory_space<vmem>>) dst(%dma_wait3A_987 : memref<10112x64xf32, #tpu.memory_space<vmem_shared>>)
    %dma_wait3A_988 = arith.constant 9856 : i32
    %dma_wait3A_989 = tpu.memref_slice %arg7[%dma_wait3A_988] : memref<10240xi32, #tpu.memory_space<vmem>> -> memref<128xi32, #tpu.memory_space<vmem>>
    %dma_wait3A_990 = arith.constant 0 : i32
    %dma_wait3A_991 = arith.constant 0 : i32
    %dma_wait3A_992 = tpu.memref_slice %arg16[%dma_wait3A_990, %dma_wait3A_991] : memref<10112x64xf32, #tpu.memory_space<vmem_shared>> -> memref<10112x64xf32, #tpu.memory_space<vmem_shared>>
    tpu.wait_indirect_dma semaphore(%arg30 : memref<!tpu.dma_semaphore, #tpu.memory_space<semaphore_mem>>) src(%arg13 : memref<128x64xf32, #tpu.memory_space<vmem>>) dst(%dma_wait3A_992 : memref<10112x64xf32, #tpu.memory_space<vmem_shared>>)
    %dma_wait3A_993 = arith.constant 9984 : i32
    %dma_wait3A_994 = tpu.memref_slice %arg7[%dma_wait3A_993] : memref<10240xi32, #tpu.memory_space<vmem>> -> memref<128xi32, #tpu.memory_space<vmem>>
    %dma_wait3A_995 = arith.constant 0 : i32
    %dma_wait3A_996 = arith.constant 0 : i32
    %dma_wait3A_997 = tpu.memref_slice %arg16[%dma_wait3A_995, %dma_wait3A_996] : memref<10112x64xf32, #tpu.memory_space<vmem_shared>> -> memref<10112x64xf32, #tpu.memory_space<vmem_shared>>
    tpu.wait_indirect_dma semaphore(%arg31 : memref<!tpu.dma_semaphore, #tpu.memory_space<semaphore_mem>>) src(%arg14 : memref<128x64xf32, #tpu.memory_space<vmem>>) dst(%dma_wait3A_997 : memref<10112x64xf32, #tpu.memory_space<vmem_shared>>)
    %dma_wait3A_998 = arith.constant 10112 : i32
    %dma_wait3A_999 = tpu.memref_slice %arg7[%dma_wait3A_998] : memref<10240xi32, #tpu.memory_space<vmem>> -> memref<128xi32, #tpu.memory_space<vmem>>
    %dma_wait3A_1000 = arith.constant 0 : i32
    %dma_wait3A_1001 = arith.constant 0 : i32
    %dma_wait3A_1002 = tpu.memref_slice %arg16[%dma_wait3A_1000, %dma_wait3A_1001] : memref<10112x64xf32, #tpu.memory_space<vmem_shared>> -> memref<10112x64xf32, #tpu.memory_space<vmem_shared>>
    tpu.wait_indirect_dma semaphore(%arg32 : memref<!tpu.dma_semaphore, #tpu.memory_space<semaphore_mem>>) src(%arg15 : memref<128x64xf32, #tpu.memory_space<vmem>>) dst(%dma_wait3A_1002 : memref<10112x64xf32, #tpu.memory_space<vmem_shared>>)
    %barrier3A_1003 = arith.constant 0 : index
    tpu.barrier barrier_id(%barrier3A_1003)
    "tpu.region"() ({
      %run_scoped3A_1004 = tpu.sem_alloc : memref<!tpu.dma_semaphore, #tpu.memory_space<semaphore_mem>>
      %dma_start3A_1005 = arith.constant 0 : i32
      %dma_start3A_1006 = tpu.memref_slice %arg5[%arg0, %mul3A_2, %dma_start3A_1005] : memref<2x10112x64xf32, #tpu.memory_space<hbm>> -> memref<1x632x64xf32, #tpu.memory_space<hbm>>
      %dma_start3A_1007 = tpu.memref_squeeze %dma_start3A_1006 : memref<1x632x64xf32, #tpu.memory_space<hbm>> -> memref<632x64xf32, #tpu.memory_space<hbm>>
      %dma_start3A_1008 = arith.constant 0 : i32
      %dma_start3A_1009 = tpu.memref_slice %arg16[%mul3A_2, %dma_start3A_1008] : memref<10112x64xf32, #tpu.memory_space<vmem_shared>> -> memref<632x64xf32, #tpu.memory_space<vmem_shared>>
      tpu.enqueue_dma source(%dma_start3A_1009 : memref<632x64xf32, #tpu.memory_space<vmem_shared>>) target(%dma_start3A_1007 : memref<632x64xf32, #tpu.memory_space<hbm>>) target_semaphore(%run_scoped3A_1004 : memref<!tpu.dma_semaphore, #tpu.memory_space<semaphore_mem>>)
      %dma_wait3A_1010 = arith.constant 0 : i32
      %dma_wait3A_1011 = tpu.memref_slice %arg5[%arg0, %mul3A_2, %dma_wait3A_1010] : memref<2x10112x64xf32, #tpu.memory_space<hbm>> -> memref<1x632x64xf32, #tpu.memory_space<hbm>>
      %dma_wait3A_1012 = tpu.memref_squeeze %dma_wait3A_1011 : memref<1x632x64xf32, #tpu.memory_space<hbm>> -> memref<632x64xf32, #tpu.memory_space<hbm>>
      %dma_wait3A_1013 = arith.constant 0 : i32
      %dma_wait3A_1014 = tpu.memref_slice %arg16[%mul3A_2, %dma_wait3A_1013] : memref<10112x64xf32, #tpu.memory_space<vmem_shared>> -> memref<632x64xf32, #tpu.memory_space<vmem_shared>>
      tpu.wait_dma2 semaphore(%run_scoped3A_1004 : memref<!tpu.dma_semaphore, #tpu.memory_space<semaphore_mem>>) src(%dma_wait3A_1014 : memref<632x64xf32, #tpu.memory_space<vmem_shared>>) dst(%dma_wait3A_1012 : memref<632x64xf32, #tpu.memory_space<hbm>>)
      tpu.yield
    }) : () -> ()
    return
  }
}

#map = affine_map<(d0, d1) -> (0, 0)>
#map1 = affine_map<(d0, d1) -> (0, 0, 0)>
module attributes {stable_mosaic.version = 14 : i64} {
  func.func @_agg_body(%arg0: i32, %arg1: i32, %arg2: memref<10112x64xf32, #tpu.memory_space<hbm>>, %arg3: memref<2x320000xi32, #tpu.memory_space<hbm>>, %arg4: memref<10112x64xf32, #tpu.memory_space<hbm>>, %arg5: memref<2x10112x64xf32, #tpu.memory_space<hbm>>, %arg6: memref<10240xi32, #tpu.memory_space<vmem>>, %arg7: memref<10240xi32, #tpu.memory_space<vmem>>, %arg8: memref<128x64xf32, #tpu.memory_space<vmem>>, %arg9: memref<128x64xf32, #tpu.memory_space<vmem>>, %arg10: memref<128x64xf32, #tpu.memory_space<vmem>>, %arg11: memref<128x64xf32, #tpu.memory_space<vmem>>, %arg12: memref<128x64xf32, #tpu.memory_space<vmem>>, %arg13: memref<128x64xf32, #tpu.memory_space<vmem>>, %arg14: memref<128x64xf32, #tpu.memory_space<vmem>>, %arg15: memref<128x64xf32, #tpu.memory_space<vmem>>, %arg16: memref<10112x64xf32, #tpu.memory_space<vmem_shared>>, %arg17: memref<!tpu.dma_semaphore, #tpu.memory_space<semaphore_mem>>, %arg18: memref<!tpu.dma_semaphore, #tpu.memory_space<semaphore_mem>>, %arg19: memref<!tpu.dma_semaphore, #tpu.memory_space<semaphore_mem>>, %arg20: memref<!tpu.dma_semaphore, #tpu.memory_space<semaphore_mem>>, %arg21: memref<!tpu.dma_semaphore, #tpu.memory_space<semaphore_mem>>, %arg22: memref<!tpu.dma_semaphore, #tpu.memory_space<semaphore_mem>>, %arg23: memref<!tpu.dma_semaphore, #tpu.memory_space<semaphore_mem>>, %arg24: memref<!tpu.dma_semaphore, #tpu.memory_space<semaphore_mem>>, %arg25: memref<!tpu.dma_semaphore, #tpu.memory_space<semaphore_mem>>, %arg26: memref<!tpu.dma_semaphore, #tpu.memory_space<semaphore_mem>>, %arg27: memref<!tpu.dma_semaphore, #tpu.memory_space<semaphore_mem>>, %arg28: memref<!tpu.dma_semaphore, #tpu.memory_space<semaphore_mem>>, %arg29: memref<!tpu.dma_semaphore, #tpu.memory_space<semaphore_mem>>, %arg30: memref<!tpu.dma_semaphore, #tpu.memory_space<semaphore_mem>>, %arg31: memref<!tpu.dma_semaphore, #tpu.memory_space<semaphore_mem>>, %arg32: memref<!tpu.dma_semaphore, #tpu.memory_space<semaphore_mem>>) attributes {dimension_semantics = [#tpu.dimension_semantics<core_parallel>, #tpu.dimension_semantics<subcore_parallel>], iteration_bounds = array<i64: 2, 16>, scalar_prefetch = 0 : i64, scratch_operands = 27 : i64, tpu.core_type = #tpu.core_type<sc_vector_subcore>, window_params = [{transform_indices = #map}, {transform_indices = #map}, {transform_indices = #map}, {transform_indices = #map1}]} {
    %mul3A = arith.constant 16 : i32
    %mul3A_0 = arith.muli %arg0, %mul3A : i32
    %add3A = arith.addi %mul3A_0, %arg1 : i32
    %mul3A_1 = arith.constant 632 : i32
    %mul3A_2 = arith.muli %arg1, %mul3A_1 : i32
    "tpu.region"() ({
      %run_scoped3A_1004 = tpu.sem_alloc : memref<!tpu.dma_semaphore, #tpu.memory_space<semaphore_mem>>
      %dma_start3A_1005 = arith.constant 0 : i32
      %dma_start3A_1006 = tpu.memref_slice %arg16[%mul3A_2, %dma_start3A_1005] : memref<10112x64xf32, #tpu.memory_space<vmem_shared>> -> memref<632x64xf32, #tpu.memory_space<vmem_shared>>
      %dma_start3A_1007 = arith.constant 0 : i32
      %dma_start3A_1008 = tpu.memref_slice %arg4[%mul3A_2, %dma_start3A_1007] : memref<10112x64xf32, #tpu.memory_space<hbm>> -> memref<632x64xf32, #tpu.memory_space<hbm>>
      tpu.enqueue_dma source(%dma_start3A_1008 : memref<632x64xf32, #tpu.memory_space<hbm>>) target(%dma_start3A_1006 : memref<632x64xf32, #tpu.memory_space<vmem_shared>>) target_semaphore(%run_scoped3A_1004 : memref<!tpu.dma_semaphore, #tpu.memory_space<semaphore_mem>>)
      %dma_wait3A_1009 = arith.constant 0 : i32
      %dma_wait3A_1010 = tpu.memref_slice %arg16[%mul3A_2, %dma_wait3A_1009] : memref<10112x64xf32, #tpu.memory_space<vmem_shared>> -> memref<632x64xf32, #tpu.memory_space<vmem_shared>>
      %dma_wait3A_1011 = arith.constant 0 : i32
      %dma_wait3A_1012 = tpu.memref_slice %arg4[%mul3A_2, %dma_wait3A_1011] : memref<10112x64xf32, #tpu.memory_space<hbm>> -> memref<632x64xf32, #tpu.memory_space<hbm>>
      tpu.wait_dma2 semaphore(%run_scoped3A_1004 : memref<!tpu.dma_semaphore, #tpu.memory_space<semaphore_mem>>) src(%dma_wait3A_1012 : memref<632x64xf32, #tpu.memory_space<hbm>>) dst(%dma_wait3A_1010 : memref<632x64xf32, #tpu.memory_space<vmem_shared>>)
      tpu.yield
    }) : () -> ()
    %mul3A_3 = arith.constant 10000 : i32
    %mul3A_4 = arith.muli %add3A, %mul3A_3 : i32
    %run_scoped3A = arith.constant 0 : i32
    "tpu.region"() ({
      %run_scoped3A_1004 = tpu.sem_alloc : memref<!tpu.dma_semaphore, #tpu.memory_space<semaphore_mem>>
      %dma_start3A_1005 = arith.constant 0 : i32
      %dma_start3A_1006 = tpu.memref_slice %arg6[%dma_start3A_1005] : memref<10240xi32, #tpu.memory_space<vmem>> -> memref<10000xi32, #tpu.memory_space<vmem>>
      %dma_start3A_1007 = tpu.memref_slice %arg3[%run_scoped3A, %mul3A_4] : memref<2x320000xi32, #tpu.memory_space<hbm>> -> memref<1x10000xi32, #tpu.memory_space<hbm>>
      %dma_start3A_1008 = tpu.memref_squeeze %dma_start3A_1007 : memref<1x10000xi32, #tpu.memory_space<hbm>> -> memref<10000xi32, #tpu.memory_space<hbm>>
      %dma_start3A_1009 = arith.constant 0 : i32
      %dma_start3A_1010 = tpu.memref_slice %arg6[%dma_start3A_1009] : memref<10240xi32, #tpu.memory_space<vmem>> -> memref<10000xi32, #tpu.memory_space<vmem>>
      %dma_start3A_1011 = tpu.memref_slice %arg3[%run_scoped3A, %mul3A_4] : memref<2x320000xi32, #tpu.memory_space<hbm>> -> memref<1x10000xi32, #tpu.memory_space<hbm>>
      %dma_start3A_1012 = tpu.memref_squeeze %dma_start3A_1011 : memref<1x10000xi32, #tpu.memory_space<hbm>> -> memref<10000xi32, #tpu.memory_space<hbm>>
      tpu.enqueue_dma source(%dma_start3A_1012 : memref<10000xi32, #tpu.memory_space<hbm>>) target(%dma_start3A_1010 : memref<10000xi32, #tpu.memory_space<vmem>>) target_semaphore(%run_scoped3A_1004 : memref<!tpu.dma_semaphore, #tpu.memory_space<semaphore_mem>>)
      %dma_wait3A_1013 = arith.constant 0 : i32
      %dma_wait3A_1014 = tpu.memref_slice %arg6[%dma_wait3A_1013] : memref<10240xi32, #tpu.memory_space<vmem>> -> memref<10000xi32, #tpu.memory_space<vmem>>
      %dma_wait3A_1015 = tpu.memref_slice %arg3[%run_scoped3A, %mul3A_4] : memref<2x320000xi32, #tpu.memory_space<hbm>> -> memref<1x10000xi32, #tpu.memory_space<hbm>>
      %dma_wait3A_1016 = tpu.memref_squeeze %dma_wait3A_1015 : memref<1x10000xi32, #tpu.memory_space<hbm>> -> memref<10000xi32, #tpu.memory_space<hbm>>
      %dma_wait3A_1017 = arith.constant 0 : i32
      %dma_wait3A_1018 = tpu.memref_slice %arg6[%dma_wait3A_1017] : memref<10240xi32, #tpu.memory_space<vmem>> -> memref<10000xi32, #tpu.memory_space<vmem>>
      %dma_wait3A_1019 = tpu.memref_slice %arg3[%run_scoped3A, %mul3A_4] : memref<2x320000xi32, #tpu.memory_space<hbm>> -> memref<1x10000xi32, #tpu.memory_space<hbm>>
      %dma_wait3A_1020 = tpu.memref_squeeze %dma_wait3A_1019 : memref<1x10000xi32, #tpu.memory_space<hbm>> -> memref<10000xi32, #tpu.memory_space<hbm>>
      tpu.wait_dma2 semaphore(%run_scoped3A_1004 : memref<!tpu.dma_semaphore, #tpu.memory_space<semaphore_mem>>) src(%dma_wait3A_1020 : memref<10000xi32, #tpu.memory_space<hbm>>) dst(%dma_wait3A_1018 : memref<10000xi32, #tpu.memory_space<vmem>>)
      tpu.yield
    }) : () -> ()
    %mul3A_5 = arith.constant 10000 : i32
    %mul3A_6 = arith.muli %add3A, %mul3A_5 : i32
    %run_scoped3A_7 = arith.constant 1 : i32
    "tpu.region"() ({
      %run_scoped3A_1004 = tpu.sem_alloc : memref<!tpu.dma_semaphore, #tpu.memory_space<semaphore_mem>>
      %dma_start3A_1005 = arith.constant 0 : i32
      %dma_start3A_1006 = tpu.memref_slice %arg7[%dma_start3A_1005] : memref<10240xi32, #tpu.memory_space<vmem>> -> memref<10000xi32, #tpu.memory_space<vmem>>
      %dma_start3A_1007 = tpu.memref_slice %arg3[%run_scoped3A_7, %mul3A_6] : memref<2x320000xi32, #tpu.memory_space<hbm>> -> memref<1x10000xi32, #tpu.memory_space<hbm>>
      %dma_start3A_1008 = tpu.memref_squeeze %dma_start3A_1007 : memref<1x10000xi32, #tpu.memory_space<hbm>> -> memref<10000xi32, #tpu.memory_space<hbm>>
      %dma_start3A_1009 = arith.constant 0 : i32
      %dma_start3A_1010 = tpu.memref_slice %arg7[%dma_start3A_1009] : memref<10240xi32, #tpu.memory_space<vmem>> -> memref<10000xi32, #tpu.memory_space<vmem>>
      %dma_start3A_1011 = tpu.memref_slice %arg3[%run_scoped3A_7, %mul3A_6] : memref<2x320000xi32, #tpu.memory_space<hbm>> -> memref<1x10000xi32, #tpu.memory_space<hbm>>
      %dma_start3A_1012 = tpu.memref_squeeze %dma_start3A_1011 : memref<1x10000xi32, #tpu.memory_space<hbm>> -> memref<10000xi32, #tpu.memory_space<hbm>>
      tpu.enqueue_dma source(%dma_start3A_1012 : memref<10000xi32, #tpu.memory_space<hbm>>) target(%dma_start3A_1010 : memref<10000xi32, #tpu.memory_space<vmem>>) target_semaphore(%run_scoped3A_1004 : memref<!tpu.dma_semaphore, #tpu.memory_space<semaphore_mem>>)
      %dma_wait3A_1013 = arith.constant 0 : i32
      %dma_wait3A_1014 = tpu.memref_slice %arg7[%dma_wait3A_1013] : memref<10240xi32, #tpu.memory_space<vmem>> -> memref<10000xi32, #tpu.memory_space<vmem>>
      %dma_wait3A_1015 = tpu.memref_slice %arg3[%run_scoped3A_7, %mul3A_6] : memref<2x320000xi32, #tpu.memory_space<hbm>> -> memref<1x10000xi32, #tpu.memory_space<hbm>>
      %dma_wait3A_1016 = tpu.memref_squeeze %dma_wait3A_1015 : memref<1x10000xi32, #tpu.memory_space<hbm>> -> memref<10000xi32, #tpu.memory_space<hbm>>
      %dma_wait3A_1017 = arith.constant 0 : i32
      %dma_wait3A_1018 = tpu.memref_slice %arg7[%dma_wait3A_1017] : memref<10240xi32, #tpu.memory_space<vmem>> -> memref<10000xi32, #tpu.memory_space<vmem>>
      %dma_wait3A_1019 = tpu.memref_slice %arg3[%run_scoped3A_7, %mul3A_6] : memref<2x320000xi32, #tpu.memory_space<hbm>> -> memref<1x10000xi32, #tpu.memory_space<hbm>>
      %dma_wait3A_1020 = tpu.memref_squeeze %dma_wait3A_1019 : memref<1x10000xi32, #tpu.memory_space<hbm>> -> memref<10000xi32, #tpu.memory_space<hbm>>
      tpu.wait_dma2 semaphore(%run_scoped3A_1004 : memref<!tpu.dma_semaphore, #tpu.memory_space<semaphore_mem>>) src(%dma_wait3A_1020 : memref<10000xi32, #tpu.memory_space<hbm>>) dst(%dma_wait3A_1018 : memref<10000xi32, #tpu.memory_space<vmem>>)
      tpu.yield
    }) : () -> ()
    %iota3A = tpu.iota {dimensions = array<i32: 0>} : vector<16xi32>
    %add3A_8 = arith.constant 0 : i32
    %add3A_9 = vector.broadcast %add3A_8 : i32 to vector<16xi32>
    %add3A_10 = arith.addi %add3A_9, %iota3A : vector<16xi32>
    %jit3A = arith.constant 112 : i32
    %eq3A = arith.constant 0 : i32
    %eq3A_11 = arith.cmpi eq, %jit3A, %eq3A : i32
    %jit3A_12 = arith.constant 1 : i32
    %select_n3A = arith.select %eq3A_11, %jit3A_12, %jit3A : i32
    %rem3A = vector.broadcast %select_n3A : i32 to vector<16xi32>
    %rem3A_13 = arith.remsi %add3A_10, %rem3A : vector<16xi32>
    %ne3A = arith.constant 0 : i32
    %ne3A_14 = vector.broadcast %ne3A : i32 to vector<16xi32>
    %ne3A_15 = arith.cmpi ne, %rem3A_13, %ne3A_14 : vector<16xi32>
    %lt3A = arith.constant 0 : i32
    %lt3A_16 = vector.broadcast %lt3A : i32 to vector<16xi32>
    %lt3A_17 = arith.cmpi slt, %rem3A_13, %lt3A_16 : vector<16xi32>
    %lt3A_18 = arith.constant 0 : i32
    %lt3A_19 = arith.cmpi slt, %select_n3A, %lt3A_18 : i32
    %ne3A_20 = vector.broadcast %lt3A_19 : i1 to vector<16xi1>
    %ne3A_21 = vector.broadcast %ne3A_20 : vector<16xi1> to vector<16xi1>
    %ne3A_22 = arith.xori %lt3A_17, %ne3A_21 : vector<16xi1>
    %and3A = arith.andi %ne3A_22, %ne3A_15 : vector<16xi1>
    %add3A_23 = vector.broadcast %select_n3A : i32 to vector<16xi32>
    %add3A_24 = arith.addi %rem3A_13, %add3A_23 : vector<16xi32>
    %select_n3A_25 = arith.select %and3A, %add3A_24, %rem3A_13 : vector<16xi1>, vector<16xi32>
    %add3A_26 = arith.constant 10000 : i32
    %add3A_27 = vector.broadcast %add3A_26 : i32 to vector<16xi32>
    %add3A_28 = arith.addi %add3A_27, %select_n3A_25 : vector<16xi32>
    %swap3A = arith.constant 10000 : index
    %swap3A_29 = tpu.vector_load %arg6[%swap3A] {strides = array<i32>} : memref<10240xi32, #tpu.memory_space<vmem>>, vector<16xi32>,
    %swap3A_30 = vector.shape_cast %swap3A_29 : vector<16xi32> to vector<16xi32>
    %swap3A_31 = vector.shape_cast %add3A_28 : vector<16xi32> to vector<16xi32>
    tpu.vector_store %arg6[%swap3A], %swap3A_31 {strides = array<i32>} : memref<10240xi32, #tpu.memory_space<vmem>>, vector<16xi32>,
    %add3A_32 = arith.constant 16 : i32
    %add3A_33 = vector.broadcast %add3A_32 : i32 to vector<16xi32>
    %add3A_34 = arith.addi %add3A_33, %iota3A : vector<16xi32>
    %jit3A_35 = arith.constant 112 : i32
    %eq3A_36 = arith.constant 0 : i32
    %eq3A_37 = arith.cmpi eq, %jit3A_35, %eq3A_36 : i32
    %jit3A_38 = arith.constant 1 : i32
    %select_n3A_39 = arith.select %eq3A_37, %jit3A_38, %jit3A_35 : i32
    %rem3A_40 = vector.broadcast %select_n3A_39 : i32 to vector<16xi32>
    %rem3A_41 = arith.remsi %add3A_34, %rem3A_40 : vector<16xi32>
    %ne3A_42 = arith.constant 0 : i32
    %ne3A_43 = vector.broadcast %ne3A_42 : i32 to vector<16xi32>
    %ne3A_44 = arith.cmpi ne, %rem3A_41, %ne3A_43 : vector<16xi32>
    %lt3A_45 = arith.constant 0 : i32
    %lt3A_46 = vector.broadcast %lt3A_45 : i32 to vector<16xi32>
    %lt3A_47 = arith.cmpi slt, %rem3A_41, %lt3A_46 : vector<16xi32>
    %lt3A_48 = arith.constant 0 : i32
    %lt3A_49 = arith.cmpi slt, %select_n3A_39, %lt3A_48 : i32
    %ne3A_50 = vector.broadcast %lt3A_49 : i1 to vector<16xi1>
    %ne3A_51 = vector.broadcast %ne3A_50 : vector<16xi1> to vector<16xi1>
    %ne3A_52 = arith.xori %lt3A_47, %ne3A_51 : vector<16xi1>
    %and3A_53 = arith.andi %ne3A_52, %ne3A_44 : vector<16xi1>
    %add3A_54 = vector.broadcast %select_n3A_39 : i32 to vector<16xi32>
    %add3A_55 = arith.addi %rem3A_41, %add3A_54 : vector<16xi32>
    %select_n3A_56 = arith.select %and3A_53, %add3A_55, %rem3A_41 : vector<16xi1>, vector<16xi32>
    %add3A_57 = arith.constant 10000 : i32
    %add3A_58 = vector.broadcast %add3A_57 : i32 to vector<16xi32>
    %add3A_59 = arith.addi %add3A_58, %select_n3A_56 : vector<16xi32>
    %swap3A_60 = arith.constant 10016 : index
    %swap3A_61 = tpu.vector_load %arg6[%swap3A_60] {strides = array<i32>} : memref<10240xi32, #tpu.memory_space<vmem>>, vector<16xi32>,
    %swap3A_62 = vector.shape_cast %swap3A_61 : vector<16xi32> to vector<16xi32>
    %swap3A_63 = vector.shape_cast %add3A_59 : vector<16xi32> to vector<16xi32>
    tpu.vector_store %arg6[%swap3A_60], %swap3A_63 {strides = array<i32>} : memref<10240xi32, #tpu.memory_space<vmem>>, vector<16xi32>,
    %add3A_64 = arith.constant 32 : i32
    %add3A_65 = vector.broadcast %add3A_64 : i32 to vector<16xi32>
    %add3A_66 = arith.addi %add3A_65, %iota3A : vector<16xi32>
    %jit3A_67 = arith.constant 112 : i32
    %eq3A_68 = arith.constant 0 : i32
    %eq3A_69 = arith.cmpi eq, %jit3A_67, %eq3A_68 : i32
    %jit3A_70 = arith.constant 1 : i32
    %select_n3A_71 = arith.select %eq3A_69, %jit3A_70, %jit3A_67 : i32
    %rem3A_72 = vector.broadcast %select_n3A_71 : i32 to vector<16xi32>
    %rem3A_73 = arith.remsi %add3A_66, %rem3A_72 : vector<16xi32>
    %ne3A_74 = arith.constant 0 : i32
    %ne3A_75 = vector.broadcast %ne3A_74 : i32 to vector<16xi32>
    %ne3A_76 = arith.cmpi ne, %rem3A_73, %ne3A_75 : vector<16xi32>
    %lt3A_77 = arith.constant 0 : i32
    %lt3A_78 = vector.broadcast %lt3A_77 : i32 to vector<16xi32>
    %lt3A_79 = arith.cmpi slt, %rem3A_73, %lt3A_78 : vector<16xi32>
    %lt3A_80 = arith.constant 0 : i32
    %lt3A_81 = arith.cmpi slt, %select_n3A_71, %lt3A_80 : i32
    %ne3A_82 = vector.broadcast %lt3A_81 : i1 to vector<16xi1>
    %ne3A_83 = vector.broadcast %ne3A_82 : vector<16xi1> to vector<16xi1>
    %ne3A_84 = arith.xori %lt3A_79, %ne3A_83 : vector<16xi1>
    %and3A_85 = arith.andi %ne3A_84, %ne3A_76 : vector<16xi1>
    %add3A_86 = vector.broadcast %select_n3A_71 : i32 to vector<16xi32>
    %add3A_87 = arith.addi %rem3A_73, %add3A_86 : vector<16xi32>
    %select_n3A_88 = arith.select %and3A_85, %add3A_87, %rem3A_73 : vector<16xi1>, vector<16xi32>
    %add3A_89 = arith.constant 10000 : i32
    %add3A_90 = vector.broadcast %add3A_89 : i32 to vector<16xi32>
    %add3A_91 = arith.addi %add3A_90, %select_n3A_88 : vector<16xi32>
    %swap3A_92 = arith.constant 10032 : index
    %swap3A_93 = tpu.vector_load %arg6[%swap3A_92] {strides = array<i32>} : memref<10240xi32, #tpu.memory_space<vmem>>, vector<16xi32>,
    %swap3A_94 = vector.shape_cast %swap3A_93 : vector<16xi32> to vector<16xi32>
    %swap3A_95 = vector.shape_cast %add3A_91 : vector<16xi32> to vector<16xi32>
    tpu.vector_store %arg6[%swap3A_92], %swap3A_95 {strides = array<i32>} : memref<10240xi32, #tpu.memory_space<vmem>>, vector<16xi32>,
    %add3A_96 = arith.constant 48 : i32
    %add3A_97 = vector.broadcast %add3A_96 : i32 to vector<16xi32>
    %add3A_98 = arith.addi %add3A_97, %iota3A : vector<16xi32>
    %jit3A_99 = arith.constant 112 : i32
    %eq3A_100 = arith.constant 0 : i32
    %eq3A_101 = arith.cmpi eq, %jit3A_99, %eq3A_100 : i32
    %jit3A_102 = arith.constant 1 : i32
    %select_n3A_103 = arith.select %eq3A_101, %jit3A_102, %jit3A_99 : i32
    %rem3A_104 = vector.broadcast %select_n3A_103 : i32 to vector<16xi32>
    %rem3A_105 = arith.remsi %add3A_98, %rem3A_104 : vector<16xi32>
    %ne3A_106 = arith.constant 0 : i32
    %ne3A_107 = vector.broadcast %ne3A_106 : i32 to vector<16xi32>
    %ne3A_108 = arith.cmpi ne, %rem3A_105, %ne3A_107 : vector<16xi32>
    %lt3A_109 = arith.constant 0 : i32
    %lt3A_110 = vector.broadcast %lt3A_109 : i32 to vector<16xi32>
    %lt3A_111 = arith.cmpi slt, %rem3A_105, %lt3A_110 : vector<16xi32>
    %lt3A_112 = arith.constant 0 : i32
    %lt3A_113 = arith.cmpi slt, %select_n3A_103, %lt3A_112 : i32
    %ne3A_114 = vector.broadcast %lt3A_113 : i1 to vector<16xi1>
    %ne3A_115 = vector.broadcast %ne3A_114 : vector<16xi1> to vector<16xi1>
    %ne3A_116 = arith.xori %lt3A_111, %ne3A_115 : vector<16xi1>
    %and3A_117 = arith.andi %ne3A_116, %ne3A_108 : vector<16xi1>
    %add3A_118 = vector.broadcast %select_n3A_103 : i32 to vector<16xi32>
    %add3A_119 = arith.addi %rem3A_105, %add3A_118 : vector<16xi32>
    %select_n3A_120 = arith.select %and3A_117, %add3A_119, %rem3A_105 : vector<16xi1>, vector<16xi32>
    %add3A_121 = arith.constant 10000 : i32
    %add3A_122 = vector.broadcast %add3A_121 : i32 to vector<16xi32>
    %add3A_123 = arith.addi %add3A_122, %select_n3A_120 : vector<16xi32>
    %swap3A_124 = arith.constant 10048 : index
    %swap3A_125 = tpu.vector_load %arg6[%swap3A_124] {strides = array<i32>} : memref<10240xi32, #tpu.memory_space<vmem>>, vector<16xi32>,
    %swap3A_126 = vector.shape_cast %swap3A_125 : vector<16xi32> to vector<16xi32>
    %swap3A_127 = vector.shape_cast %add3A_123 : vector<16xi32> to vector<16xi32>
    tpu.vector_store %arg6[%swap3A_124], %swap3A_127 {strides = array<i32>} : memref<10240xi32, #tpu.memory_space<vmem>>, vector<16xi32>,
    %add3A_128 = arith.constant 64 : i32
    %add3A_129 = vector.broadcast %add3A_128 : i32 to vector<16xi32>
    %add3A_130 = arith.addi %add3A_129, %iota3A : vector<16xi32>
    %jit3A_131 = arith.constant 112 : i32
    %eq3A_132 = arith.constant 0 : i32
    %eq3A_133 = arith.cmpi eq, %jit3A_131, %eq3A_132 : i32
    %jit3A_134 = arith.constant 1 : i32
    %select_n3A_135 = arith.select %eq3A_133, %jit3A_134, %jit3A_131 : i32
    %rem3A_136 = vector.broadcast %select_n3A_135 : i32 to vector<16xi32>
    %rem3A_137 = arith.remsi %add3A_130, %rem3A_136 : vector<16xi32>
    %ne3A_138 = arith.constant 0 : i32
    %ne3A_139 = vector.broadcast %ne3A_138 : i32 to vector<16xi32>
    %ne3A_140 = arith.cmpi ne, %rem3A_137, %ne3A_139 : vector<16xi32>
    %lt3A_141 = arith.constant 0 : i32
    %lt3A_142 = vector.broadcast %lt3A_141 : i32 to vector<16xi32>
    %lt3A_143 = arith.cmpi slt, %rem3A_137, %lt3A_142 : vector<16xi32>
    %lt3A_144 = arith.constant 0 : i32
    %lt3A_145 = arith.cmpi slt, %select_n3A_135, %lt3A_144 : i32
    %ne3A_146 = vector.broadcast %lt3A_145 : i1 to vector<16xi1>
    %ne3A_147 = vector.broadcast %ne3A_146 : vector<16xi1> to vector<16xi1>
    %ne3A_148 = arith.xori %lt3A_143, %ne3A_147 : vector<16xi1>
    %and3A_149 = arith.andi %ne3A_148, %ne3A_140 : vector<16xi1>
    %add3A_150 = vector.broadcast %select_n3A_135 : i32 to vector<16xi32>
    %add3A_151 = arith.addi %rem3A_137, %add3A_150 : vector<16xi32>
    %select_n3A_152 = arith.select %and3A_149, %add3A_151, %rem3A_137 : vector<16xi1>, vector<16xi32>
    %add3A_153 = arith.constant 10000 : i32
    %add3A_154 = vector.broadcast %add3A_153 : i32 to vector<16xi32>
    %add3A_155 = arith.addi %add3A_154, %select_n3A_152 : vector<16xi32>
    %swap3A_156 = arith.constant 10064 : index
    %swap3A_157 = tpu.vector_load %arg6[%swap3A_156] {strides = array<i32>} : memref<10240xi32, #tpu.memory_space<vmem>>, vector<16xi32>,
    %swap3A_158 = vector.shape_cast %swap3A_157 : vector<16xi32> to vector<16xi32>
    %swap3A_159 = vector.shape_cast %add3A_155 : vector<16xi32> to vector<16xi32>
    tpu.vector_store %arg6[%swap3A_156], %swap3A_159 {strides = array<i32>} : memref<10240xi32, #tpu.memory_space<vmem>>, vector<16xi32>,
    %add3A_160 = arith.constant 80 : i32
    %add3A_161 = vector.broadcast %add3A_160 : i32 to vector<16xi32>
    %add3A_162 = arith.addi %add3A_161, %iota3A : vector<16xi32>
    %jit3A_163 = arith.constant 112 : i32
    %eq3A_164 = arith.constant 0 : i32
    %eq3A_165 = arith.cmpi eq, %jit3A_163, %eq3A_164 : i32
    %jit3A_166 = arith.constant 1 : i32
    %select_n3A_167 = arith.select %eq3A_165, %jit3A_166, %jit3A_163 : i32
    %rem3A_168 = vector.broadcast %select_n3A_167 : i32 to vector<16xi32>
    %rem3A_169 = arith.remsi %add3A_162, %rem3A_168 : vector<16xi32>
    %ne3A_170 = arith.constant 0 : i32
    %ne3A_171 = vector.broadcast %ne3A_170 : i32 to vector<16xi32>
    %ne3A_172 = arith.cmpi ne, %rem3A_169, %ne3A_171 : vector<16xi32>
    %lt3A_173 = arith.constant 0 : i32
    %lt3A_174 = vector.broadcast %lt3A_173 : i32 to vector<16xi32>
    %lt3A_175 = arith.cmpi slt, %rem3A_169, %lt3A_174 : vector<16xi32>
    %lt3A_176 = arith.constant 0 : i32
    %lt3A_177 = arith.cmpi slt, %select_n3A_167, %lt3A_176 : i32
    %ne3A_178 = vector.broadcast %lt3A_177 : i1 to vector<16xi1>
    %ne3A_179 = vector.broadcast %ne3A_178 : vector<16xi1> to vector<16xi1>
    %ne3A_180 = arith.xori %lt3A_175, %ne3A_179 : vector<16xi1>
    %and3A_181 = arith.andi %ne3A_180, %ne3A_172 : vector<16xi1>
    %add3A_182 = vector.broadcast %select_n3A_167 : i32 to vector<16xi32>
    %add3A_183 = arith.addi %rem3A_169, %add3A_182 : vector<16xi32>
    %select_n3A_184 = arith.select %and3A_181, %add3A_183, %rem3A_169 : vector<16xi1>, vector<16xi32>
    %add3A_185 = arith.constant 10000 : i32
    %add3A_186 = vector.broadcast %add3A_185 : i32 to vector<16xi32>
    %add3A_187 = arith.addi %add3A_186, %select_n3A_184 : vector<16xi32>
    %swap3A_188 = arith.constant 10080 : index
    %swap3A_189 = tpu.vector_load %arg6[%swap3A_188] {strides = array<i32>} : memref<10240xi32, #tpu.memory_space<vmem>>, vector<16xi32>,
    %swap3A_190 = vector.shape_cast %swap3A_189 : vector<16xi32> to vector<16xi32>
    %swap3A_191 = vector.shape_cast %add3A_187 : vector<16xi32> to vector<16xi32>
    tpu.vector_store %arg6[%swap3A_188], %swap3A_191 {strides = array<i32>} : memref<10240xi32, #tpu.memory_space<vmem>>, vector<16xi32>,
    %add3A_192 = arith.constant 96 : i32
    %add3A_193 = vector.broadcast %add3A_192 : i32 to vector<16xi32>
    %add3A_194 = arith.addi %add3A_193, %iota3A : vector<16xi32>
    %jit3A_195 = arith.constant 112 : i32
    %eq3A_196 = arith.constant 0 : i32
    %eq3A_197 = arith.cmpi eq, %jit3A_195, %eq3A_196 : i32
    %jit3A_198 = arith.constant 1 : i32
    %select_n3A_199 = arith.select %eq3A_197, %jit3A_198, %jit3A_195 : i32
    %rem3A_200 = vector.broadcast %select_n3A_199 : i32 to vector<16xi32>
    %rem3A_201 = arith.remsi %add3A_194, %rem3A_200 : vector<16xi32>
    %ne3A_202 = arith.constant 0 : i32
    %ne3A_203 = vector.broadcast %ne3A_202 : i32 to vector<16xi32>
    %ne3A_204 = arith.cmpi ne, %rem3A_201, %ne3A_203 : vector<16xi32>
    %lt3A_205 = arith.constant 0 : i32
    %lt3A_206 = vector.broadcast %lt3A_205 : i32 to vector<16xi32>
    %lt3A_207 = arith.cmpi slt, %rem3A_201, %lt3A_206 : vector<16xi32>
    %lt3A_208 = arith.constant 0 : i32
    %lt3A_209 = arith.cmpi slt, %select_n3A_199, %lt3A_208 : i32
    %ne3A_210 = vector.broadcast %lt3A_209 : i1 to vector<16xi1>
    %ne3A_211 = vector.broadcast %ne3A_210 : vector<16xi1> to vector<16xi1>
    %ne3A_212 = arith.xori %lt3A_207, %ne3A_211 : vector<16xi1>
    %and3A_213 = arith.andi %ne3A_212, %ne3A_204 : vector<16xi1>
    %add3A_214 = vector.broadcast %select_n3A_199 : i32 to vector<16xi32>
    %add3A_215 = arith.addi %rem3A_201, %add3A_214 : vector<16xi32>
    %select_n3A_216 = arith.select %and3A_213, %add3A_215, %rem3A_201 : vector<16xi1>, vector<16xi32>
    %add3A_217 = arith.constant 10000 : i32
    %add3A_218 = vector.broadcast %add3A_217 : i32 to vector<16xi32>
    %add3A_219 = arith.addi %add3A_218, %select_n3A_216 : vector<16xi32>
    %swap3A_220 = arith.constant 10096 : index
    %swap3A_221 = tpu.vector_load %arg6[%swap3A_220] {strides = array<i32>} : memref<10240xi32, #tpu.memory_space<vmem>>, vector<16xi32>,
    %swap3A_222 = vector.shape_cast %swap3A_221 : vector<16xi32> to vector<16xi32>
    %swap3A_223 = vector.shape_cast %add3A_219 : vector<16xi32> to vector<16xi32>
    tpu.vector_store %arg6[%swap3A_220], %swap3A_223 {strides = array<i32>} : memref<10240xi32, #tpu.memory_space<vmem>>, vector<16xi32>,
    %add3A_224 = arith.constant 112 : i32
    %add3A_225 = vector.broadcast %add3A_224 : i32 to vector<16xi32>
    %add3A_226 = arith.addi %add3A_225, %iota3A : vector<16xi32>
    %jit3A_227 = arith.constant 112 : i32
    %eq3A_228 = arith.constant 0 : i32
    %eq3A_229 = arith.cmpi eq, %jit3A_227, %eq3A_228 : i32
    %jit3A_230 = arith.constant 1 : i32
    %select_n3A_231 = arith.select %eq3A_229, %jit3A_230, %jit3A_227 : i32
    %rem3A_232 = vector.broadcast %select_n3A_231 : i32 to vector<16xi32>
    %rem3A_233 = arith.remsi %add3A_226, %rem3A_232 : vector<16xi32>
    %ne3A_234 = arith.constant 0 : i32
    %ne3A_235 = vector.broadcast %ne3A_234 : i32 to vector<16xi32>
    %ne3A_236 = arith.cmpi ne, %rem3A_233, %ne3A_235 : vector<16xi32>
    %lt3A_237 = arith.constant 0 : i32
    %lt3A_238 = vector.broadcast %lt3A_237 : i32 to vector<16xi32>
    %lt3A_239 = arith.cmpi slt, %rem3A_233, %lt3A_238 : vector<16xi32>
    %lt3A_240 = arith.constant 0 : i32
    %lt3A_241 = arith.cmpi slt, %select_n3A_231, %lt3A_240 : i32
    %ne3A_242 = vector.broadcast %lt3A_241 : i1 to vector<16xi1>
    %ne3A_243 = vector.broadcast %ne3A_242 : vector<16xi1> to vector<16xi1>
    %ne3A_244 = arith.xori %lt3A_239, %ne3A_243 : vector<16xi1>
    %and3A_245 = arith.andi %ne3A_244, %ne3A_236 : vector<16xi1>
    %add3A_246 = vector.broadcast %select_n3A_231 : i32 to vector<16xi32>
    %add3A_247 = arith.addi %rem3A_233, %add3A_246 : vector<16xi32>
    %select_n3A_248 = arith.select %and3A_245, %add3A_247, %rem3A_233 : vector<16xi1>, vector<16xi32>
    %add3A_249 = arith.constant 10000 : i32
    %add3A_250 = vector.broadcast %add3A_249 : i32 to vector<16xi32>
    %add3A_251 = arith.addi %add3A_250, %select_n3A_248 : vector<16xi32>
    %swap3A_252 = arith.constant 10112 : index
    %swap3A_253 = tpu.vector_load %arg6[%swap3A_252] {strides = array<i32>} : memref<10240xi32, #tpu.memory_space<vmem>>, vector<16xi32>,
    %swap3A_254 = vector.shape_cast %swap3A_253 : vector<16xi32> to vector<16xi32>
    %swap3A_255 = vector.shape_cast %add3A_251 : vector<16xi32> to vector<16xi32>
    tpu.vector_store %arg6[%swap3A_252], %swap3A_255 {strides = array<i32>} : memref<10240xi32, #tpu.memory_space<vmem>>, vector<16xi32>,
    %add3A_256 = arith.constant 128 : i32
    %add3A_257 = vector.broadcast %add3A_256 : i32 to vector<16xi32>
    %add3A_258 = arith.addi %add3A_257, %iota3A : vector<16xi32>
    %jit3A_259 = arith.constant 112 : i32
    %eq3A_260 = arith.constant 0 : i32
    %eq3A_261 = arith.cmpi eq, %jit3A_259, %eq3A_260 : i32
    %jit3A_262 = arith.constant 1 : i32
    %select_n3A_263 = arith.select %eq3A_261, %jit3A_262, %jit3A_259 : i32
    %rem3A_264 = vector.broadcast %select_n3A_263 : i32 to vector<16xi32>
    %rem3A_265 = arith.remsi %add3A_258, %rem3A_264 : vector<16xi32>
    %ne3A_266 = arith.constant 0 : i32
    %ne3A_267 = vector.broadcast %ne3A_266 : i32 to vector<16xi32>
    %ne3A_268 = arith.cmpi ne, %rem3A_265, %ne3A_267 : vector<16xi32>
    %lt3A_269 = arith.constant 0 : i32
    %lt3A_270 = vector.broadcast %lt3A_269 : i32 to vector<16xi32>
    %lt3A_271 = arith.cmpi slt, %rem3A_265, %lt3A_270 : vector<16xi32>
    %lt3A_272 = arith.constant 0 : i32
    %lt3A_273 = arith.cmpi slt, %select_n3A_263, %lt3A_272 : i32
    %ne3A_274 = vector.broadcast %lt3A_273 : i1 to vector<16xi1>
    %ne3A_275 = vector.broadcast %ne3A_274 : vector<16xi1> to vector<16xi1>
    %ne3A_276 = arith.xori %lt3A_271, %ne3A_275 : vector<16xi1>
    %and3A_277 = arith.andi %ne3A_276, %ne3A_268 : vector<16xi1>
    %add3A_278 = vector.broadcast %select_n3A_263 : i32 to vector<16xi32>
    %add3A_279 = arith.addi %rem3A_265, %add3A_278 : vector<16xi32>
    %select_n3A_280 = arith.select %and3A_277, %add3A_279, %rem3A_265 : vector<16xi1>, vector<16xi32>
    %add3A_281 = arith.constant 10000 : i32
    %add3A_282 = vector.broadcast %add3A_281 : i32 to vector<16xi32>
    %add3A_283 = arith.addi %add3A_282, %select_n3A_280 : vector<16xi32>
    %swap3A_284 = arith.constant 10128 : index
    %swap3A_285 = tpu.vector_load %arg6[%swap3A_284] {strides = array<i32>} : memref<10240xi32, #tpu.memory_space<vmem>>, vector<16xi32>,
    %swap3A_286 = vector.shape_cast %swap3A_285 : vector<16xi32> to vector<16xi32>
    %swap3A_287 = vector.shape_cast %add3A_283 : vector<16xi32> to vector<16xi32>
    tpu.vector_store %arg6[%swap3A_284], %swap3A_287 {strides = array<i32>} : memref<10240xi32, #tpu.memory_space<vmem>>, vector<16xi32>,
    %add3A_288 = arith.constant 144 : i32
    %add3A_289 = vector.broadcast %add3A_288 : i32 to vector<16xi32>
    %add3A_290 = arith.addi %add3A_289, %iota3A : vector<16xi32>
    %jit3A_291 = arith.constant 112 : i32
    %eq3A_292 = arith.constant 0 : i32
    %eq3A_293 = arith.cmpi eq, %jit3A_291, %eq3A_292 : i32
    %jit3A_294 = arith.constant 1 : i32
    %select_n3A_295 = arith.select %eq3A_293, %jit3A_294, %jit3A_291 : i32
    %rem3A_296 = vector.broadcast %select_n3A_295 : i32 to vector<16xi32>
    %rem3A_297 = arith.remsi %add3A_290, %rem3A_296 : vector<16xi32>
    %ne3A_298 = arith.constant 0 : i32
    %ne3A_299 = vector.broadcast %ne3A_298 : i32 to vector<16xi32>
    %ne3A_300 = arith.cmpi ne, %rem3A_297, %ne3A_299 : vector<16xi32>
    %lt3A_301 = arith.constant 0 : i32
    %lt3A_302 = vector.broadcast %lt3A_301 : i32 to vector<16xi32>
    %lt3A_303 = arith.cmpi slt, %rem3A_297, %lt3A_302 : vector<16xi32>
    %lt3A_304 = arith.constant 0 : i32
    %lt3A_305 = arith.cmpi slt, %select_n3A_295, %lt3A_304 : i32
    %ne3A_306 = vector.broadcast %lt3A_305 : i1 to vector<16xi1>
    %ne3A_307 = vector.broadcast %ne3A_306 : vector<16xi1> to vector<16xi1>
    %ne3A_308 = arith.xori %lt3A_303, %ne3A_307 : vector<16xi1>
    %and3A_309 = arith.andi %ne3A_308, %ne3A_300 : vector<16xi1>
    %add3A_310 = vector.broadcast %select_n3A_295 : i32 to vector<16xi32>
    %add3A_311 = arith.addi %rem3A_297, %add3A_310 : vector<16xi32>
    %select_n3A_312 = arith.select %and3A_309, %add3A_311, %rem3A_297 : vector<16xi1>, vector<16xi32>
    %add3A_313 = arith.constant 10000 : i32
    %add3A_314 = vector.broadcast %add3A_313 : i32 to vector<16xi32>
    %add3A_315 = arith.addi %add3A_314, %select_n3A_312 : vector<16xi32>
    %swap3A_316 = arith.constant 10144 : index
    %swap3A_317 = tpu.vector_load %arg6[%swap3A_316] {strides = array<i32>} : memref<10240xi32, #tpu.memory_space<vmem>>, vector<16xi32>,
    %swap3A_318 = vector.shape_cast %swap3A_317 : vector<16xi32> to vector<16xi32>
    %swap3A_319 = vector.shape_cast %add3A_315 : vector<16xi32> to vector<16xi32>
    tpu.vector_store %arg6[%swap3A_316], %swap3A_319 {strides = array<i32>} : memref<10240xi32, #tpu.memory_space<vmem>>, vector<16xi32>,
    %add3A_320 = arith.constant 160 : i32
    %add3A_321 = vector.broadcast %add3A_320 : i32 to vector<16xi32>
    %add3A_322 = arith.addi %add3A_321, %iota3A : vector<16xi32>
    %jit3A_323 = arith.constant 112 : i32
    %eq3A_324 = arith.constant 0 : i32
    %eq3A_325 = arith.cmpi eq, %jit3A_323, %eq3A_324 : i32
    %jit3A_326 = arith.constant 1 : i32
    %select_n3A_327 = arith.select %eq3A_325, %jit3A_326, %jit3A_323 : i32
    %rem3A_328 = vector.broadcast %select_n3A_327 : i32 to vector<16xi32>
    %rem3A_329 = arith.remsi %add3A_322, %rem3A_328 : vector<16xi32>
    %ne3A_330 = arith.constant 0 : i32
    %ne3A_331 = vector.broadcast %ne3A_330 : i32 to vector<16xi32>
    %ne3A_332 = arith.cmpi ne, %rem3A_329, %ne3A_331 : vector<16xi32>
    %lt3A_333 = arith.constant 0 : i32
    %lt3A_334 = vector.broadcast %lt3A_333 : i32 to vector<16xi32>
    %lt3A_335 = arith.cmpi slt, %rem3A_329, %lt3A_334 : vector<16xi32>
    %lt3A_336 = arith.constant 0 : i32
    %lt3A_337 = arith.cmpi slt, %select_n3A_327, %lt3A_336 : i32
    %ne3A_338 = vector.broadcast %lt3A_337 : i1 to vector<16xi1>
    %ne3A_339 = vector.broadcast %ne3A_338 : vector<16xi1> to vector<16xi1>
    %ne3A_340 = arith.xori %lt3A_335, %ne3A_339 : vector<16xi1>
    %and3A_341 = arith.andi %ne3A_340, %ne3A_332 : vector<16xi1>
    %add3A_342 = vector.broadcast %select_n3A_327 : i32 to vector<16xi32>
    %add3A_343 = arith.addi %rem3A_329, %add3A_342 : vector<16xi32>
    %select_n3A_344 = arith.select %and3A_341, %add3A_343, %rem3A_329 : vector<16xi1>, vector<16xi32>
    %add3A_345 = arith.constant 10000 : i32
    %add3A_346 = vector.broadcast %add3A_345 : i32 to vector<16xi32>
    %add3A_347 = arith.addi %add3A_346, %select_n3A_344 : vector<16xi32>
    %swap3A_348 = arith.constant 10160 : index
    %swap3A_349 = tpu.vector_load %arg6[%swap3A_348] {strides = array<i32>} : memref<10240xi32, #tpu.memory_space<vmem>>, vector<16xi32>,
    %swap3A_350 = vector.shape_cast %swap3A_349 : vector<16xi32> to vector<16xi32>
    %swap3A_351 = vector.shape_cast %add3A_347 : vector<16xi32> to vector<16xi32>
    tpu.vector_store %arg6[%swap3A_348], %swap3A_351 {strides = array<i32>} : memref<10240xi32, #tpu.memory_space<vmem>>, vector<16xi32>,
    %add3A_352 = arith.constant 176 : i32
    %add3A_353 = vector.broadcast %add3A_352 : i32 to vector<16xi32>
    %add3A_354 = arith.addi %add3A_353, %iota3A : vector<16xi32>
    %jit3A_355 = arith.constant 112 : i32
    %eq3A_356 = arith.constant 0 : i32
    %eq3A_357 = arith.cmpi eq, %jit3A_355, %eq3A_356 : i32
    %jit3A_358 = arith.constant 1 : i32
    %select_n3A_359 = arith.select %eq3A_357, %jit3A_358, %jit3A_355 : i32
    %rem3A_360 = vector.broadcast %select_n3A_359 : i32 to vector<16xi32>
    %rem3A_361 = arith.remsi %add3A_354, %rem3A_360 : vector<16xi32>
    %ne3A_362 = arith.constant 0 : i32
    %ne3A_363 = vector.broadcast %ne3A_362 : i32 to vector<16xi32>
    %ne3A_364 = arith.cmpi ne, %rem3A_361, %ne3A_363 : vector<16xi32>
    %lt3A_365 = arith.constant 0 : i32
    %lt3A_366 = vector.broadcast %lt3A_365 : i32 to vector<16xi32>
    %lt3A_367 = arith.cmpi slt, %rem3A_361, %lt3A_366 : vector<16xi32>
    %lt3A_368 = arith.constant 0 : i32
    %lt3A_369 = arith.cmpi slt, %select_n3A_359, %lt3A_368 : i32
    %ne3A_370 = vector.broadcast %lt3A_369 : i1 to vector<16xi1>
    %ne3A_371 = vector.broadcast %ne3A_370 : vector<16xi1> to vector<16xi1>
    %ne3A_372 = arith.xori %lt3A_367, %ne3A_371 : vector<16xi1>
    %and3A_373 = arith.andi %ne3A_372, %ne3A_364 : vector<16xi1>
    %add3A_374 = vector.broadcast %select_n3A_359 : i32 to vector<16xi32>
    %add3A_375 = arith.addi %rem3A_361, %add3A_374 : vector<16xi32>
    %select_n3A_376 = arith.select %and3A_373, %add3A_375, %rem3A_361 : vector<16xi1>, vector<16xi32>
    %add3A_377 = arith.constant 10000 : i32
    %add3A_378 = vector.broadcast %add3A_377 : i32 to vector<16xi32>
    %add3A_379 = arith.addi %add3A_378, %select_n3A_376 : vector<16xi32>
    %swap3A_380 = arith.constant 10176 : index
    %swap3A_381 = tpu.vector_load %arg6[%swap3A_380] {strides = array<i32>} : memref<10240xi32, #tpu.memory_space<vmem>>, vector<16xi32>,
    %swap3A_382 = vector.shape_cast %swap3A_381 : vector<16xi32> to vector<16xi32>
    %swap3A_383 = vector.shape_cast %add3A_379 : vector<16xi32> to vector<16xi32>
    tpu.vector_store %arg6[%swap3A_380], %swap3A_383 {strides = array<i32>} : memref<10240xi32, #tpu.memory_space<vmem>>, vector<16xi32>,
    %add3A_384 = arith.constant 192 : i32
    %add3A_385 = vector.broadcast %add3A_384 : i32 to vector<16xi32>
    %add3A_386 = arith.addi %add3A_385, %iota3A : vector<16xi32>
    %jit3A_387 = arith.constant 112 : i32
    %eq3A_388 = arith.constant 0 : i32
    %eq3A_389 = arith.cmpi eq, %jit3A_387, %eq3A_388 : i32
    %jit3A_390 = arith.constant 1 : i32
    %select_n3A_391 = arith.select %eq3A_389, %jit3A_390, %jit3A_387 : i32
    %rem3A_392 = vector.broadcast %select_n3A_391 : i32 to vector<16xi32>
    %rem3A_393 = arith.remsi %add3A_386, %rem3A_392 : vector<16xi32>
    %ne3A_394 = arith.constant 0 : i32
    %ne3A_395 = vector.broadcast %ne3A_394 : i32 to vector<16xi32>
    %ne3A_396 = arith.cmpi ne, %rem3A_393, %ne3A_395 : vector<16xi32>
    %lt3A_397 = arith.constant 0 : i32
    %lt3A_398 = vector.broadcast %lt3A_397 : i32 to vector<16xi32>
    %lt3A_399 = arith.cmpi slt, %rem3A_393, %lt3A_398 : vector<16xi32>
    %lt3A_400 = arith.constant 0 : i32
    %lt3A_401 = arith.cmpi slt, %select_n3A_391, %lt3A_400 : i32
    %ne3A_402 = vector.broadcast %lt3A_401 : i1 to vector<16xi1>
    %ne3A_403 = vector.broadcast %ne3A_402 : vector<16xi1> to vector<16xi1>
    %ne3A_404 = arith.xori %lt3A_399, %ne3A_403 : vector<16xi1>
    %and3A_405 = arith.andi %ne3A_404, %ne3A_396 : vector<16xi1>
    %add3A_406 = vector.broadcast %select_n3A_391 : i32 to vector<16xi32>
    %add3A_407 = arith.addi %rem3A_393, %add3A_406 : vector<16xi32>
    %select_n3A_408 = arith.select %and3A_405, %add3A_407, %rem3A_393 : vector<16xi1>, vector<16xi32>
    %add3A_409 = arith.constant 10000 : i32
    %add3A_410 = vector.broadcast %add3A_409 : i32 to vector<16xi32>
    %add3A_411 = arith.addi %add3A_410, %select_n3A_408 : vector<16xi32>
    %swap3A_412 = arith.constant 10192 : index
    %swap3A_413 = tpu.vector_load %arg6[%swap3A_412] {strides = array<i32>} : memref<10240xi32, #tpu.memory_space<vmem>>, vector<16xi32>,
    %swap3A_414 = vector.shape_cast %swap3A_413 : vector<16xi32> to vector<16xi32>
    %swap3A_415 = vector.shape_cast %add3A_411 : vector<16xi32> to vector<16xi32>
    tpu.vector_store %arg6[%swap3A_412], %swap3A_415 {strides = array<i32>} : memref<10240xi32, #tpu.memory_space<vmem>>, vector<16xi32>,
    %add3A_416 = arith.constant 208 : i32
    %add3A_417 = vector.broadcast %add3A_416 : i32 to vector<16xi32>
    %add3A_418 = arith.addi %add3A_417, %iota3A : vector<16xi32>
    %jit3A_419 = arith.constant 112 : i32
    %eq3A_420 = arith.constant 0 : i32
    %eq3A_421 = arith.cmpi eq, %jit3A_419, %eq3A_420 : i32
    %jit3A_422 = arith.constant 1 : i32
    %select_n3A_423 = arith.select %eq3A_421, %jit3A_422, %jit3A_419 : i32
    %rem3A_424 = vector.broadcast %select_n3A_423 : i32 to vector<16xi32>
    %rem3A_425 = arith.remsi %add3A_418, %rem3A_424 : vector<16xi32>
    %ne3A_426 = arith.constant 0 : i32
    %ne3A_427 = vector.broadcast %ne3A_426 : i32 to vector<16xi32>
    %ne3A_428 = arith.cmpi ne, %rem3A_425, %ne3A_427 : vector<16xi32>
    %lt3A_429 = arith.constant 0 : i32
    %lt3A_430 = vector.broadcast %lt3A_429 : i32 to vector<16xi32>
    %lt3A_431 = arith.cmpi slt, %rem3A_425, %lt3A_430 : vector<16xi32>
    %lt3A_432 = arith.constant 0 : i32
    %lt3A_433 = arith.cmpi slt, %select_n3A_423, %lt3A_432 : i32
    %ne3A_434 = vector.broadcast %lt3A_433 : i1 to vector<16xi1>
    %ne3A_435 = vector.broadcast %ne3A_434 : vector<16xi1> to vector<16xi1>
    %ne3A_436 = arith.xori %lt3A_431, %ne3A_435 : vector<16xi1>
    %and3A_437 = arith.andi %ne3A_436, %ne3A_428 : vector<16xi1>
    %add3A_438 = vector.broadcast %select_n3A_423 : i32 to vector<16xi32>
    %add3A_439 = arith.addi %rem3A_425, %add3A_438 : vector<16xi32>
    %select_n3A_440 = arith.select %and3A_437, %add3A_439, %rem3A_425 : vector<16xi1>, vector<16xi32>
    %add3A_441 = arith.constant 10000 : i32
    %add3A_442 = vector.broadcast %add3A_441 : i32 to vector<16xi32>
    %add3A_443 = arith.addi %add3A_442, %select_n3A_440 : vector<16xi32>
    %swap3A_444 = arith.constant 10208 : index
    %swap3A_445 = tpu.vector_load %arg6[%swap3A_444] {strides = array<i32>} : memref<10240xi32, #tpu.memory_space<vmem>>, vector<16xi32>,
    %swap3A_446 = vector.shape_cast %swap3A_445 : vector<16xi32> to vector<16xi32>
    %swap3A_447 = vector.shape_cast %add3A_443 : vector<16xi32> to vector<16xi32>
    tpu.vector_store %arg6[%swap3A_444], %swap3A_447 {strides = array<i32>} : memref<10240xi32, #tpu.memory_space<vmem>>, vector<16xi32>,
    %add3A_448 = arith.constant 224 : i32
    %add3A_449 = vector.broadcast %add3A_448 : i32 to vector<16xi32>
    %add3A_450 = arith.addi %add3A_449, %iota3A : vector<16xi32>
    %jit3A_451 = arith.constant 112 : i32
    %eq3A_452 = arith.constant 0 : i32
    %eq3A_453 = arith.cmpi eq, %jit3A_451, %eq3A_452 : i32
    %jit3A_454 = arith.constant 1 : i32
    %select_n3A_455 = arith.select %eq3A_453, %jit3A_454, %jit3A_451 : i32
    %rem3A_456 = vector.broadcast %select_n3A_455 : i32 to vector<16xi32>
    %rem3A_457 = arith.remsi %add3A_450, %rem3A_456 : vector<16xi32>
    %ne3A_458 = arith.constant 0 : i32
    %ne3A_459 = vector.broadcast %ne3A_458 : i32 to vector<16xi32>
    %ne3A_460 = arith.cmpi ne, %rem3A_457, %ne3A_459 : vector<16xi32>
    %lt3A_461 = arith.constant 0 : i32
    %lt3A_462 = vector.broadcast %lt3A_461 : i32 to vector<16xi32>
    %lt3A_463 = arith.cmpi slt, %rem3A_457, %lt3A_462 : vector<16xi32>
    %lt3A_464 = arith.constant 0 : i32
    %lt3A_465 = arith.cmpi slt, %select_n3A_455, %lt3A_464 : i32
    %ne3A_466 = vector.broadcast %lt3A_465 : i1 to vector<16xi1>
    %ne3A_467 = vector.broadcast %ne3A_466 : vector<16xi1> to vector<16xi1>
    %ne3A_468 = arith.xori %lt3A_463, %ne3A_467 : vector<16xi1>
    %and3A_469 = arith.andi %ne3A_468, %ne3A_460 : vector<16xi1>
    %add3A_470 = vector.broadcast %select_n3A_455 : i32 to vector<16xi32>
    %add3A_471 = arith.addi %rem3A_457, %add3A_470 : vector<16xi32>
    %select_n3A_472 = arith.select %and3A_469, %add3A_471, %rem3A_457 : vector<16xi1>, vector<16xi32>
    %add3A_473 = arith.constant 10000 : i32
    %add3A_474 = vector.broadcast %add3A_473 : i32 to vector<16xi32>
    %add3A_475 = arith.addi %add3A_474, %select_n3A_472 : vector<16xi32>
    %swap3A_476 = arith.constant 10224 : index
    %swap3A_477 = tpu.vector_load %arg6[%swap3A_476] {strides = array<i32>} : memref<10240xi32, #tpu.memory_space<vmem>>, vector<16xi32>,
    %swap3A_478 = vector.shape_cast %swap3A_477 : vector<16xi32> to vector<16xi32>
    %swap3A_479 = vector.shape_cast %add3A_475 : vector<16xi32> to vector<16xi32>
    tpu.vector_store %arg6[%swap3A_476], %swap3A_479 {strides = array<i32>} : memref<10240xi32, #tpu.memory_space<vmem>>, vector<16xi32>,
    %iota3A_480 = tpu.iota {dimensions = array<i32: 0>} : vector<16xi32>
    %add3A_481 = arith.constant 0 : i32
    %add3A_482 = vector.broadcast %add3A_481 : i32 to vector<16xi32>
    %add3A_483 = arith.addi %add3A_482, %iota3A_480 : vector<16xi32>
    %jit3A_484 = arith.constant 112 : i32
    %eq3A_485 = arith.constant 0 : i32
    %eq3A_486 = arith.cmpi eq, %jit3A_484, %eq3A_485 : i32
    %jit3A_487 = arith.constant 1 : i32
    %select_n3A_488 = arith.select %eq3A_486, %jit3A_487, %jit3A_484 : i32
    %rem3A_489 = vector.broadcast %select_n3A_488 : i32 to vector<16xi32>
    %rem3A_490 = arith.remsi %add3A_483, %rem3A_489 : vector<16xi32>
    %ne3A_491 = arith.constant 0 : i32
    %ne3A_492 = vector.broadcast %ne3A_491 : i32 to vector<16xi32>
    %ne3A_493 = arith.cmpi ne, %rem3A_490, %ne3A_492 : vector<16xi32>
    %lt3A_494 = arith.constant 0 : i32
    %lt3A_495 = vector.broadcast %lt3A_494 : i32 to vector<16xi32>
    %lt3A_496 = arith.cmpi slt, %rem3A_490, %lt3A_495 : vector<16xi32>
    %lt3A_497 = arith.constant 0 : i32
    %lt3A_498 = arith.cmpi slt, %select_n3A_488, %lt3A_497 : i32
    %ne3A_499 = vector.broadcast %lt3A_498 : i1 to vector<16xi1>
    %ne3A_500 = vector.broadcast %ne3A_499 : vector<16xi1> to vector<16xi1>
    %ne3A_501 = arith.xori %lt3A_496, %ne3A_500 : vector<16xi1>
    %and3A_502 = arith.andi %ne3A_501, %ne3A_493 : vector<16xi1>
    %add3A_503 = vector.broadcast %select_n3A_488 : i32 to vector<16xi32>
    %add3A_504 = arith.addi %rem3A_490, %add3A_503 : vector<16xi32>
    %select_n3A_505 = arith.select %and3A_502, %add3A_504, %rem3A_490 : vector<16xi1>, vector<16xi32>
    %add3A_506 = arith.constant 10000 : i32
    %add3A_507 = vector.broadcast %add3A_506 : i32 to vector<16xi32>
    %add3A_508 = arith.addi %add3A_507, %select_n3A_505 : vector<16xi32>
    %swap3A_509 = arith.constant 10000 : index
    %swap3A_510 = tpu.vector_load %arg7[%swap3A_509] {strides = array<i32>} : memref<10240xi32, #tpu.memory_space<vmem>>, vector<16xi32>,
    %swap3A_511 = vector.shape_cast %swap3A_510 : vector<16xi32> to vector<16xi32>
    %swap3A_512 = vector.shape_cast %add3A_508 : vector<16xi32> to vector<16xi32>
    tpu.vector_store %arg7[%swap3A_509], %swap3A_512 {strides = array<i32>} : memref<10240xi32, #tpu.memory_space<vmem>>, vector<16xi32>,
    %add3A_513 = arith.constant 16 : i32
    %add3A_514 = vector.broadcast %add3A_513 : i32 to vector<16xi32>
    %add3A_515 = arith.addi %add3A_514, %iota3A_480 : vector<16xi32>
    %jit3A_516 = arith.constant 112 : i32
    %eq3A_517 = arith.constant 0 : i32
    %eq3A_518 = arith.cmpi eq, %jit3A_516, %eq3A_517 : i32
    %jit3A_519 = arith.constant 1 : i32
    %select_n3A_520 = arith.select %eq3A_518, %jit3A_519, %jit3A_516 : i32
    %rem3A_521 = vector.broadcast %select_n3A_520 : i32 to vector<16xi32>
    %rem3A_522 = arith.remsi %add3A_515, %rem3A_521 : vector<16xi32>
    %ne3A_523 = arith.constant 0 : i32
    %ne3A_524 = vector.broadcast %ne3A_523 : i32 to vector<16xi32>
    %ne3A_525 = arith.cmpi ne, %rem3A_522, %ne3A_524 : vector<16xi32>
    %lt3A_526 = arith.constant 0 : i32
    %lt3A_527 = vector.broadcast %lt3A_526 : i32 to vector<16xi32>
    %lt3A_528 = arith.cmpi slt, %rem3A_522, %lt3A_527 : vector<16xi32>
    %lt3A_529 = arith.constant 0 : i32
    %lt3A_530 = arith.cmpi slt, %select_n3A_520, %lt3A_529 : i32
    %ne3A_531 = vector.broadcast %lt3A_530 : i1 to vector<16xi1>
    %ne3A_532 = vector.broadcast %ne3A_531 : vector<16xi1> to vector<16xi1>
    %ne3A_533 = arith.xori %lt3A_528, %ne3A_532 : vector<16xi1>
    %and3A_534 = arith.andi %ne3A_533, %ne3A_525 : vector<16xi1>
    %add3A_535 = vector.broadcast %select_n3A_520 : i32 to vector<16xi32>
    %add3A_536 = arith.addi %rem3A_522, %add3A_535 : vector<16xi32>
    %select_n3A_537 = arith.select %and3A_534, %add3A_536, %rem3A_522 : vector<16xi1>, vector<16xi32>
    %add3A_538 = arith.constant 10000 : i32
    %add3A_539 = vector.broadcast %add3A_538 : i32 to vector<16xi32>
    %add3A_540 = arith.addi %add3A_539, %select_n3A_537 : vector<16xi32>
    %swap3A_541 = arith.constant 10016 : index
    %swap3A_542 = tpu.vector_load %arg7[%swap3A_541] {strides = array<i32>} : memref<10240xi32, #tpu.memory_space<vmem>>, vector<16xi32>,
    %swap3A_543 = vector.shape_cast %swap3A_542 : vector<16xi32> to vector<16xi32>
    %swap3A_544 = vector.shape_cast %add3A_540 : vector<16xi32> to vector<16xi32>
    tpu.vector_store %arg7[%swap3A_541], %swap3A_544 {strides = array<i32>} : memref<10240xi32, #tpu.memory_space<vmem>>, vector<16xi32>,
    %add3A_545 = arith.constant 32 : i32
    %add3A_546 = vector.broadcast %add3A_545 : i32 to vector<16xi32>
    %add3A_547 = arith.addi %add3A_546, %iota3A_480 : vector<16xi32>
    %jit3A_548 = arith.constant 112 : i32
    %eq3A_549 = arith.constant 0 : i32
    %eq3A_550 = arith.cmpi eq, %jit3A_548, %eq3A_549 : i32
    %jit3A_551 = arith.constant 1 : i32
    %select_n3A_552 = arith.select %eq3A_550, %jit3A_551, %jit3A_548 : i32
    %rem3A_553 = vector.broadcast %select_n3A_552 : i32 to vector<16xi32>
    %rem3A_554 = arith.remsi %add3A_547, %rem3A_553 : vector<16xi32>
    %ne3A_555 = arith.constant 0 : i32
    %ne3A_556 = vector.broadcast %ne3A_555 : i32 to vector<16xi32>
    %ne3A_557 = arith.cmpi ne, %rem3A_554, %ne3A_556 : vector<16xi32>
    %lt3A_558 = arith.constant 0 : i32
    %lt3A_559 = vector.broadcast %lt3A_558 : i32 to vector<16xi32>
    %lt3A_560 = arith.cmpi slt, %rem3A_554, %lt3A_559 : vector<16xi32>
    %lt3A_561 = arith.constant 0 : i32
    %lt3A_562 = arith.cmpi slt, %select_n3A_552, %lt3A_561 : i32
    %ne3A_563 = vector.broadcast %lt3A_562 : i1 to vector<16xi1>
    %ne3A_564 = vector.broadcast %ne3A_563 : vector<16xi1> to vector<16xi1>
    %ne3A_565 = arith.xori %lt3A_560, %ne3A_564 : vector<16xi1>
    %and3A_566 = arith.andi %ne3A_565, %ne3A_557 : vector<16xi1>
    %add3A_567 = vector.broadcast %select_n3A_552 : i32 to vector<16xi32>
    %add3A_568 = arith.addi %rem3A_554, %add3A_567 : vector<16xi32>
    %select_n3A_569 = arith.select %and3A_566, %add3A_568, %rem3A_554 : vector<16xi1>, vector<16xi32>
    %add3A_570 = arith.constant 10000 : i32
    %add3A_571 = vector.broadcast %add3A_570 : i32 to vector<16xi32>
    %add3A_572 = arith.addi %add3A_571, %select_n3A_569 : vector<16xi32>
    %swap3A_573 = arith.constant 10032 : index
    %swap3A_574 = tpu.vector_load %arg7[%swap3A_573] {strides = array<i32>} : memref<10240xi32, #tpu.memory_space<vmem>>, vector<16xi32>,
    %swap3A_575 = vector.shape_cast %swap3A_574 : vector<16xi32> to vector<16xi32>
    %swap3A_576 = vector.shape_cast %add3A_572 : vector<16xi32> to vector<16xi32>
    tpu.vector_store %arg7[%swap3A_573], %swap3A_576 {strides = array<i32>} : memref<10240xi32, #tpu.memory_space<vmem>>, vector<16xi32>,
    %add3A_577 = arith.constant 48 : i32
    %add3A_578 = vector.broadcast %add3A_577 : i32 to vector<16xi32>
    %add3A_579 = arith.addi %add3A_578, %iota3A_480 : vector<16xi32>
    %jit3A_580 = arith.constant 112 : i32
    %eq3A_581 = arith.constant 0 : i32
    %eq3A_582 = arith.cmpi eq, %jit3A_580, %eq3A_581 : i32
    %jit3A_583 = arith.constant 1 : i32
    %select_n3A_584 = arith.select %eq3A_582, %jit3A_583, %jit3A_580 : i32
    %rem3A_585 = vector.broadcast %select_n3A_584 : i32 to vector<16xi32>
    %rem3A_586 = arith.remsi %add3A_579, %rem3A_585 : vector<16xi32>
    %ne3A_587 = arith.constant 0 : i32
    %ne3A_588 = vector.broadcast %ne3A_587 : i32 to vector<16xi32>
    %ne3A_589 = arith.cmpi ne, %rem3A_586, %ne3A_588 : vector<16xi32>
    %lt3A_590 = arith.constant 0 : i32
    %lt3A_591 = vector.broadcast %lt3A_590 : i32 to vector<16xi32>
    %lt3A_592 = arith.cmpi slt, %rem3A_586, %lt3A_591 : vector<16xi32>
    %lt3A_593 = arith.constant 0 : i32
    %lt3A_594 = arith.cmpi slt, %select_n3A_584, %lt3A_593 : i32
    %ne3A_595 = vector.broadcast %lt3A_594 : i1 to vector<16xi1>
    %ne3A_596 = vector.broadcast %ne3A_595 : vector<16xi1> to vector<16xi1>
    %ne3A_597 = arith.xori %lt3A_592, %ne3A_596 : vector<16xi1>
    %and3A_598 = arith.andi %ne3A_597, %ne3A_589 : vector<16xi1>
    %add3A_599 = vector.broadcast %select_n3A_584 : i32 to vector<16xi32>
    %add3A_600 = arith.addi %rem3A_586, %add3A_599 : vector<16xi32>
    %select_n3A_601 = arith.select %and3A_598, %add3A_600, %rem3A_586 : vector<16xi1>, vector<16xi32>
    %add3A_602 = arith.constant 10000 : i32
    %add3A_603 = vector.broadcast %add3A_602 : i32 to vector<16xi32>
    %add3A_604 = arith.addi %add3A_603, %select_n3A_601 : vector<16xi32>
    %swap3A_605 = arith.constant 10048 : index
    %swap3A_606 = tpu.vector_load %arg7[%swap3A_605] {strides = array<i32>} : memref<10240xi32, #tpu.memory_space<vmem>>, vector<16xi32>,
    %swap3A_607 = vector.shape_cast %swap3A_606 : vector<16xi32> to vector<16xi32>
    %swap3A_608 = vector.shape_cast %add3A_604 : vector<16xi32> to vector<16xi32>
    tpu.vector_store %arg7[%swap3A_605], %swap3A_608 {strides = array<i32>} : memref<10240xi32, #tpu.memory_space<vmem>>, vector<16xi32>,
    %add3A_609 = arith.constant 64 : i32
    %add3A_610 = vector.broadcast %add3A_609 : i32 to vector<16xi32>
    %add3A_611 = arith.addi %add3A_610, %iota3A_480 : vector<16xi32>
    %jit3A_612 = arith.constant 112 : i32
    %eq3A_613 = arith.constant 0 : i32
    %eq3A_614 = arith.cmpi eq, %jit3A_612, %eq3A_613 : i32
    %jit3A_615 = arith.constant 1 : i32
    %select_n3A_616 = arith.select %eq3A_614, %jit3A_615, %jit3A_612 : i32
    %rem3A_617 = vector.broadcast %select_n3A_616 : i32 to vector<16xi32>
    %rem3A_618 = arith.remsi %add3A_611, %rem3A_617 : vector<16xi32>
    %ne3A_619 = arith.constant 0 : i32
    %ne3A_620 = vector.broadcast %ne3A_619 : i32 to vector<16xi32>
    %ne3A_621 = arith.cmpi ne, %rem3A_618, %ne3A_620 : vector<16xi32>
    %lt3A_622 = arith.constant 0 : i32
    %lt3A_623 = vector.broadcast %lt3A_622 : i32 to vector<16xi32>
    %lt3A_624 = arith.cmpi slt, %rem3A_618, %lt3A_623 : vector<16xi32>
    %lt3A_625 = arith.constant 0 : i32
    %lt3A_626 = arith.cmpi slt, %select_n3A_616, %lt3A_625 : i32
    %ne3A_627 = vector.broadcast %lt3A_626 : i1 to vector<16xi1>
    %ne3A_628 = vector.broadcast %ne3A_627 : vector<16xi1> to vector<16xi1>
    %ne3A_629 = arith.xori %lt3A_624, %ne3A_628 : vector<16xi1>
    %and3A_630 = arith.andi %ne3A_629, %ne3A_621 : vector<16xi1>
    %add3A_631 = vector.broadcast %select_n3A_616 : i32 to vector<16xi32>
    %add3A_632 = arith.addi %rem3A_618, %add3A_631 : vector<16xi32>
    %select_n3A_633 = arith.select %and3A_630, %add3A_632, %rem3A_618 : vector<16xi1>, vector<16xi32>
    %add3A_634 = arith.constant 10000 : i32
    %add3A_635 = vector.broadcast %add3A_634 : i32 to vector<16xi32>
    %add3A_636 = arith.addi %add3A_635, %select_n3A_633 : vector<16xi32>
    %swap3A_637 = arith.constant 10064 : index
    %swap3A_638 = tpu.vector_load %arg7[%swap3A_637] {strides = array<i32>} : memref<10240xi32, #tpu.memory_space<vmem>>, vector<16xi32>,
    %swap3A_639 = vector.shape_cast %swap3A_638 : vector<16xi32> to vector<16xi32>
    %swap3A_640 = vector.shape_cast %add3A_636 : vector<16xi32> to vector<16xi32>
    tpu.vector_store %arg7[%swap3A_637], %swap3A_640 {strides = array<i32>} : memref<10240xi32, #tpu.memory_space<vmem>>, vector<16xi32>,
    %add3A_641 = arith.constant 80 : i32
    %add3A_642 = vector.broadcast %add3A_641 : i32 to vector<16xi32>
    %add3A_643 = arith.addi %add3A_642, %iota3A_480 : vector<16xi32>
    %jit3A_644 = arith.constant 112 : i32
    %eq3A_645 = arith.constant 0 : i32
    %eq3A_646 = arith.cmpi eq, %jit3A_644, %eq3A_645 : i32
    %jit3A_647 = arith.constant 1 : i32
    %select_n3A_648 = arith.select %eq3A_646, %jit3A_647, %jit3A_644 : i32
    %rem3A_649 = vector.broadcast %select_n3A_648 : i32 to vector<16xi32>
    %rem3A_650 = arith.remsi %add3A_643, %rem3A_649 : vector<16xi32>
    %ne3A_651 = arith.constant 0 : i32
    %ne3A_652 = vector.broadcast %ne3A_651 : i32 to vector<16xi32>
    %ne3A_653 = arith.cmpi ne, %rem3A_650, %ne3A_652 : vector<16xi32>
    %lt3A_654 = arith.constant 0 : i32
    %lt3A_655 = vector.broadcast %lt3A_654 : i32 to vector<16xi32>
    %lt3A_656 = arith.cmpi slt, %rem3A_650, %lt3A_655 : vector<16xi32>
    %lt3A_657 = arith.constant 0 : i32
    %lt3A_658 = arith.cmpi slt, %select_n3A_648, %lt3A_657 : i32
    %ne3A_659 = vector.broadcast %lt3A_658 : i1 to vector<16xi1>
    %ne3A_660 = vector.broadcast %ne3A_659 : vector<16xi1> to vector<16xi1>
    %ne3A_661 = arith.xori %lt3A_656, %ne3A_660 : vector<16xi1>
    %and3A_662 = arith.andi %ne3A_661, %ne3A_653 : vector<16xi1>
    %add3A_663 = vector.broadcast %select_n3A_648 : i32 to vector<16xi32>
    %add3A_664 = arith.addi %rem3A_650, %add3A_663 : vector<16xi32>
    %select_n3A_665 = arith.select %and3A_662, %add3A_664, %rem3A_650 : vector<16xi1>, vector<16xi32>
    %add3A_666 = arith.constant 10000 : i32
    %add3A_667 = vector.broadcast %add3A_666 : i32 to vector<16xi32>
    %add3A_668 = arith.addi %add3A_667, %select_n3A_665 : vector<16xi32>
    %swap3A_669 = arith.constant 10080 : index
    %swap3A_670 = tpu.vector_load %arg7[%swap3A_669] {strides = array<i32>} : memref<10240xi32, #tpu.memory_space<vmem>>, vector<16xi32>,
    %swap3A_671 = vector.shape_cast %swap3A_670 : vector<16xi32> to vector<16xi32>
    %swap3A_672 = vector.shape_cast %add3A_668 : vector<16xi32> to vector<16xi32>
    tpu.vector_store %arg7[%swap3A_669], %swap3A_672 {strides = array<i32>} : memref<10240xi32, #tpu.memory_space<vmem>>, vector<16xi32>,
    %add3A_673 = arith.constant 96 : i32
    %add3A_674 = vector.broadcast %add3A_673 : i32 to vector<16xi32>
    %add3A_675 = arith.addi %add3A_674, %iota3A_480 : vector<16xi32>
    %jit3A_676 = arith.constant 112 : i32
    %eq3A_677 = arith.constant 0 : i32
    %eq3A_678 = arith.cmpi eq, %jit3A_676, %eq3A_677 : i32
    %jit3A_679 = arith.constant 1 : i32
    %select_n3A_680 = arith.select %eq3A_678, %jit3A_679, %jit3A_676 : i32
    %rem3A_681 = vector.broadcast %select_n3A_680 : i32 to vector<16xi32>
    %rem3A_682 = arith.remsi %add3A_675, %rem3A_681 : vector<16xi32>
    %ne3A_683 = arith.constant 0 : i32
    %ne3A_684 = vector.broadcast %ne3A_683 : i32 to vector<16xi32>
    %ne3A_685 = arith.cmpi ne, %rem3A_682, %ne3A_684 : vector<16xi32>
    %lt3A_686 = arith.constant 0 : i32
    %lt3A_687 = vector.broadcast %lt3A_686 : i32 to vector<16xi32>
    %lt3A_688 = arith.cmpi slt, %rem3A_682, %lt3A_687 : vector<16xi32>
    %lt3A_689 = arith.constant 0 : i32
    %lt3A_690 = arith.cmpi slt, %select_n3A_680, %lt3A_689 : i32
    %ne3A_691 = vector.broadcast %lt3A_690 : i1 to vector<16xi1>
    %ne3A_692 = vector.broadcast %ne3A_691 : vector<16xi1> to vector<16xi1>
    %ne3A_693 = arith.xori %lt3A_688, %ne3A_692 : vector<16xi1>
    %and3A_694 = arith.andi %ne3A_693, %ne3A_685 : vector<16xi1>
    %add3A_695 = vector.broadcast %select_n3A_680 : i32 to vector<16xi32>
    %add3A_696 = arith.addi %rem3A_682, %add3A_695 : vector<16xi32>
    %select_n3A_697 = arith.select %and3A_694, %add3A_696, %rem3A_682 : vector<16xi1>, vector<16xi32>
    %add3A_698 = arith.constant 10000 : i32
    %add3A_699 = vector.broadcast %add3A_698 : i32 to vector<16xi32>
    %add3A_700 = arith.addi %add3A_699, %select_n3A_697 : vector<16xi32>
    %swap3A_701 = arith.constant 10096 : index
    %swap3A_702 = tpu.vector_load %arg7[%swap3A_701] {strides = array<i32>} : memref<10240xi32, #tpu.memory_space<vmem>>, vector<16xi32>,
    %swap3A_703 = vector.shape_cast %swap3A_702 : vector<16xi32> to vector<16xi32>
    %swap3A_704 = vector.shape_cast %add3A_700 : vector<16xi32> to vector<16xi32>
    tpu.vector_store %arg7[%swap3A_701], %swap3A_704 {strides = array<i32>} : memref<10240xi32, #tpu.memory_space<vmem>>, vector<16xi32>,
    %add3A_705 = arith.constant 112 : i32
    %add3A_706 = vector.broadcast %add3A_705 : i32 to vector<16xi32>
    %add3A_707 = arith.addi %add3A_706, %iota3A_480 : vector<16xi32>
    %jit3A_708 = arith.constant 112 : i32
    %eq3A_709 = arith.constant 0 : i32
    %eq3A_710 = arith.cmpi eq, %jit3A_708, %eq3A_709 : i32
    %jit3A_711 = arith.constant 1 : i32
    %select_n3A_712 = arith.select %eq3A_710, %jit3A_711, %jit3A_708 : i32
    %rem3A_713 = vector.broadcast %select_n3A_712 : i32 to vector<16xi32>
    %rem3A_714 = arith.remsi %add3A_707, %rem3A_713 : vector<16xi32>
    %ne3A_715 = arith.constant 0 : i32
    %ne3A_716 = vector.broadcast %ne3A_715 : i32 to vector<16xi32>
    %ne3A_717 = arith.cmpi ne, %rem3A_714, %ne3A_716 : vector<16xi32>
    %lt3A_718 = arith.constant 0 : i32
    %lt3A_719 = vector.broadcast %lt3A_718 : i32 to vector<16xi32>
    %lt3A_720 = arith.cmpi slt, %rem3A_714, %lt3A_719 : vector<16xi32>
    %lt3A_721 = arith.constant 0 : i32
    %lt3A_722 = arith.cmpi slt, %select_n3A_712, %lt3A_721 : i32
    %ne3A_723 = vector.broadcast %lt3A_722 : i1 to vector<16xi1>
    %ne3A_724 = vector.broadcast %ne3A_723 : vector<16xi1> to vector<16xi1>
    %ne3A_725 = arith.xori %lt3A_720, %ne3A_724 : vector<16xi1>
    %and3A_726 = arith.andi %ne3A_725, %ne3A_717 : vector<16xi1>
    %add3A_727 = vector.broadcast %select_n3A_712 : i32 to vector<16xi32>
    %add3A_728 = arith.addi %rem3A_714, %add3A_727 : vector<16xi32>
    %select_n3A_729 = arith.select %and3A_726, %add3A_728, %rem3A_714 : vector<16xi1>, vector<16xi32>
    %add3A_730 = arith.constant 10000 : i32
    %add3A_731 = vector.broadcast %add3A_730 : i32 to vector<16xi32>
    %add3A_732 = arith.addi %add3A_731, %select_n3A_729 : vector<16xi32>
    %swap3A_733 = arith.constant 10112 : index
    %swap3A_734 = tpu.vector_load %arg7[%swap3A_733] {strides = array<i32>} : memref<10240xi32, #tpu.memory_space<vmem>>, vector<16xi32>,
    %swap3A_735 = vector.shape_cast %swap3A_734 : vector<16xi32> to vector<16xi32>
    %swap3A_736 = vector.shape_cast %add3A_732 : vector<16xi32> to vector<16xi32>
    tpu.vector_store %arg7[%swap3A_733], %swap3A_736 {strides = array<i32>} : memref<10240xi32, #tpu.memory_space<vmem>>, vector<16xi32>,
    %add3A_737 = arith.constant 128 : i32
    %add3A_738 = vector.broadcast %add3A_737 : i32 to vector<16xi32>
    %add3A_739 = arith.addi %add3A_738, %iota3A_480 : vector<16xi32>
    %jit3A_740 = arith.constant 112 : i32
    %eq3A_741 = arith.constant 0 : i32
    %eq3A_742 = arith.cmpi eq, %jit3A_740, %eq3A_741 : i32
    %jit3A_743 = arith.constant 1 : i32
    %select_n3A_744 = arith.select %eq3A_742, %jit3A_743, %jit3A_740 : i32
    %rem3A_745 = vector.broadcast %select_n3A_744 : i32 to vector<16xi32>
    %rem3A_746 = arith.remsi %add3A_739, %rem3A_745 : vector<16xi32>
    %ne3A_747 = arith.constant 0 : i32
    %ne3A_748 = vector.broadcast %ne3A_747 : i32 to vector<16xi32>
    %ne3A_749 = arith.cmpi ne, %rem3A_746, %ne3A_748 : vector<16xi32>
    %lt3A_750 = arith.constant 0 : i32
    %lt3A_751 = vector.broadcast %lt3A_750 : i32 to vector<16xi32>
    %lt3A_752 = arith.cmpi slt, %rem3A_746, %lt3A_751 : vector<16xi32>
    %lt3A_753 = arith.constant 0 : i32
    %lt3A_754 = arith.cmpi slt, %select_n3A_744, %lt3A_753 : i32
    %ne3A_755 = vector.broadcast %lt3A_754 : i1 to vector<16xi1>
    %ne3A_756 = vector.broadcast %ne3A_755 : vector<16xi1> to vector<16xi1>
    %ne3A_757 = arith.xori %lt3A_752, %ne3A_756 : vector<16xi1>
    %and3A_758 = arith.andi %ne3A_757, %ne3A_749 : vector<16xi1>
    %add3A_759 = vector.broadcast %select_n3A_744 : i32 to vector<16xi32>
    %add3A_760 = arith.addi %rem3A_746, %add3A_759 : vector<16xi32>
    %select_n3A_761 = arith.select %and3A_758, %add3A_760, %rem3A_746 : vector<16xi1>, vector<16xi32>
    %add3A_762 = arith.constant 10000 : i32
    %add3A_763 = vector.broadcast %add3A_762 : i32 to vector<16xi32>
    %add3A_764 = arith.addi %add3A_763, %select_n3A_761 : vector<16xi32>
    %swap3A_765 = arith.constant 10128 : index
    %swap3A_766 = tpu.vector_load %arg7[%swap3A_765] {strides = array<i32>} : memref<10240xi32, #tpu.memory_space<vmem>>, vector<16xi32>,
    %swap3A_767 = vector.shape_cast %swap3A_766 : vector<16xi32> to vector<16xi32>
    %swap3A_768 = vector.shape_cast %add3A_764 : vector<16xi32> to vector<16xi32>
    tpu.vector_store %arg7[%swap3A_765], %swap3A_768 {strides = array<i32>} : memref<10240xi32, #tpu.memory_space<vmem>>, vector<16xi32>,
    %add3A_769 = arith.constant 144 : i32
    %add3A_770 = vector.broadcast %add3A_769 : i32 to vector<16xi32>
    %add3A_771 = arith.addi %add3A_770, %iota3A_480 : vector<16xi32>
    %jit3A_772 = arith.constant 112 : i32
    %eq3A_773 = arith.constant 0 : i32
    %eq3A_774 = arith.cmpi eq, %jit3A_772, %eq3A_773 : i32
    %jit3A_775 = arith.constant 1 : i32
    %select_n3A_776 = arith.select %eq3A_774, %jit3A_775, %jit3A_772 : i32
    %rem3A_777 = vector.broadcast %select_n3A_776 : i32 to vector<16xi32>
    %rem3A_778 = arith.remsi %add3A_771, %rem3A_777 : vector<16xi32>
    %ne3A_779 = arith.constant 0 : i32
    %ne3A_780 = vector.broadcast %ne3A_779 : i32 to vector<16xi32>
    %ne3A_781 = arith.cmpi ne, %rem3A_778, %ne3A_780 : vector<16xi32>
    %lt3A_782 = arith.constant 0 : i32
    %lt3A_783 = vector.broadcast %lt3A_782 : i32 to vector<16xi32>
    %lt3A_784 = arith.cmpi slt, %rem3A_778, %lt3A_783 : vector<16xi32>
    %lt3A_785 = arith.constant 0 : i32
    %lt3A_786 = arith.cmpi slt, %select_n3A_776, %lt3A_785 : i32
    %ne3A_787 = vector.broadcast %lt3A_786 : i1 to vector<16xi1>
    %ne3A_788 = vector.broadcast %ne3A_787 : vector<16xi1> to vector<16xi1>
    %ne3A_789 = arith.xori %lt3A_784, %ne3A_788 : vector<16xi1>
    %and3A_790 = arith.andi %ne3A_789, %ne3A_781 : vector<16xi1>
    %add3A_791 = vector.broadcast %select_n3A_776 : i32 to vector<16xi32>
    %add3A_792 = arith.addi %rem3A_778, %add3A_791 : vector<16xi32>
    %select_n3A_793 = arith.select %and3A_790, %add3A_792, %rem3A_778 : vector<16xi1>, vector<16xi32>
    %add3A_794 = arith.constant 10000 : i32
    %add3A_795 = vector.broadcast %add3A_794 : i32 to vector<16xi32>
    %add3A_796 = arith.addi %add3A_795, %select_n3A_793 : vector<16xi32>
    %swap3A_797 = arith.constant 10144 : index
    %swap3A_798 = tpu.vector_load %arg7[%swap3A_797] {strides = array<i32>} : memref<10240xi32, #tpu.memory_space<vmem>>, vector<16xi32>,
    %swap3A_799 = vector.shape_cast %swap3A_798 : vector<16xi32> to vector<16xi32>
    %swap3A_800 = vector.shape_cast %add3A_796 : vector<16xi32> to vector<16xi32>
    tpu.vector_store %arg7[%swap3A_797], %swap3A_800 {strides = array<i32>} : memref<10240xi32, #tpu.memory_space<vmem>>, vector<16xi32>,
    %add3A_801 = arith.constant 160 : i32
    %add3A_802 = vector.broadcast %add3A_801 : i32 to vector<16xi32>
    %add3A_803 = arith.addi %add3A_802, %iota3A_480 : vector<16xi32>
    %jit3A_804 = arith.constant 112 : i32
    %eq3A_805 = arith.constant 0 : i32
    %eq3A_806 = arith.cmpi eq, %jit3A_804, %eq3A_805 : i32
    %jit3A_807 = arith.constant 1 : i32
    %select_n3A_808 = arith.select %eq3A_806, %jit3A_807, %jit3A_804 : i32
    %rem3A_809 = vector.broadcast %select_n3A_808 : i32 to vector<16xi32>
    %rem3A_810 = arith.remsi %add3A_803, %rem3A_809 : vector<16xi32>
    %ne3A_811 = arith.constant 0 : i32
    %ne3A_812 = vector.broadcast %ne3A_811 : i32 to vector<16xi32>
    %ne3A_813 = arith.cmpi ne, %rem3A_810, %ne3A_812 : vector<16xi32>
    %lt3A_814 = arith.constant 0 : i32
    %lt3A_815 = vector.broadcast %lt3A_814 : i32 to vector<16xi32>
    %lt3A_816 = arith.cmpi slt, %rem3A_810, %lt3A_815 : vector<16xi32>
    %lt3A_817 = arith.constant 0 : i32
    %lt3A_818 = arith.cmpi slt, %select_n3A_808, %lt3A_817 : i32
    %ne3A_819 = vector.broadcast %lt3A_818 : i1 to vector<16xi1>
    %ne3A_820 = vector.broadcast %ne3A_819 : vector<16xi1> to vector<16xi1>
    %ne3A_821 = arith.xori %lt3A_816, %ne3A_820 : vector<16xi1>
    %and3A_822 = arith.andi %ne3A_821, %ne3A_813 : vector<16xi1>
    %add3A_823 = vector.broadcast %select_n3A_808 : i32 to vector<16xi32>
    %add3A_824 = arith.addi %rem3A_810, %add3A_823 : vector<16xi32>
    %select_n3A_825 = arith.select %and3A_822, %add3A_824, %rem3A_810 : vector<16xi1>, vector<16xi32>
    %add3A_826 = arith.constant 10000 : i32
    %add3A_827 = vector.broadcast %add3A_826 : i32 to vector<16xi32>
    %add3A_828 = arith.addi %add3A_827, %select_n3A_825 : vector<16xi32>
    %swap3A_829 = arith.constant 10160 : index
    %swap3A_830 = tpu.vector_load %arg7[%swap3A_829] {strides = array<i32>} : memref<10240xi32, #tpu.memory_space<vmem>>, vector<16xi32>,
    %swap3A_831 = vector.shape_cast %swap3A_830 : vector<16xi32> to vector<16xi32>
    %swap3A_832 = vector.shape_cast %add3A_828 : vector<16xi32> to vector<16xi32>
    tpu.vector_store %arg7[%swap3A_829], %swap3A_832 {strides = array<i32>} : memref<10240xi32, #tpu.memory_space<vmem>>, vector<16xi32>,
    %add3A_833 = arith.constant 176 : i32
    %add3A_834 = vector.broadcast %add3A_833 : i32 to vector<16xi32>
    %add3A_835 = arith.addi %add3A_834, %iota3A_480 : vector<16xi32>
    %jit3A_836 = arith.constant 112 : i32
    %eq3A_837 = arith.constant 0 : i32
    %eq3A_838 = arith.cmpi eq, %jit3A_836, %eq3A_837 : i32
    %jit3A_839 = arith.constant 1 : i32
    %select_n3A_840 = arith.select %eq3A_838, %jit3A_839, %jit3A_836 : i32
    %rem3A_841 = vector.broadcast %select_n3A_840 : i32 to vector<16xi32>
    %rem3A_842 = arith.remsi %add3A_835, %rem3A_841 : vector<16xi32>
    %ne3A_843 = arith.constant 0 : i32
    %ne3A_844 = vector.broadcast %ne3A_843 : i32 to vector<16xi32>
    %ne3A_845 = arith.cmpi ne, %rem3A_842, %ne3A_844 : vector<16xi32>
    %lt3A_846 = arith.constant 0 : i32
    %lt3A_847 = vector.broadcast %lt3A_846 : i32 to vector<16xi32>
    %lt3A_848 = arith.cmpi slt, %rem3A_842, %lt3A_847 : vector<16xi32>
    %lt3A_849 = arith.constant 0 : i32
    %lt3A_850 = arith.cmpi slt, %select_n3A_840, %lt3A_849 : i32
    %ne3A_851 = vector.broadcast %lt3A_850 : i1 to vector<16xi1>
    %ne3A_852 = vector.broadcast %ne3A_851 : vector<16xi1> to vector<16xi1>
    %ne3A_853 = arith.xori %lt3A_848, %ne3A_852 : vector<16xi1>
    %and3A_854 = arith.andi %ne3A_853, %ne3A_845 : vector<16xi1>
    %add3A_855 = vector.broadcast %select_n3A_840 : i32 to vector<16xi32>
    %add3A_856 = arith.addi %rem3A_842, %add3A_855 : vector<16xi32>
    %select_n3A_857 = arith.select %and3A_854, %add3A_856, %rem3A_842 : vector<16xi1>, vector<16xi32>
    %add3A_858 = arith.constant 10000 : i32
    %add3A_859 = vector.broadcast %add3A_858 : i32 to vector<16xi32>
    %add3A_860 = arith.addi %add3A_859, %select_n3A_857 : vector<16xi32>
    %swap3A_861 = arith.constant 10176 : index
    %swap3A_862 = tpu.vector_load %arg7[%swap3A_861] {strides = array<i32>} : memref<10240xi32, #tpu.memory_space<vmem>>, vector<16xi32>,
    %swap3A_863 = vector.shape_cast %swap3A_862 : vector<16xi32> to vector<16xi32>
    %swap3A_864 = vector.shape_cast %add3A_860 : vector<16xi32> to vector<16xi32>
    tpu.vector_store %arg7[%swap3A_861], %swap3A_864 {strides = array<i32>} : memref<10240xi32, #tpu.memory_space<vmem>>, vector<16xi32>,
    %add3A_865 = arith.constant 192 : i32
    %add3A_866 = vector.broadcast %add3A_865 : i32 to vector<16xi32>
    %add3A_867 = arith.addi %add3A_866, %iota3A_480 : vector<16xi32>
    %jit3A_868 = arith.constant 112 : i32
    %eq3A_869 = arith.constant 0 : i32
    %eq3A_870 = arith.cmpi eq, %jit3A_868, %eq3A_869 : i32
    %jit3A_871 = arith.constant 1 : i32
    %select_n3A_872 = arith.select %eq3A_870, %jit3A_871, %jit3A_868 : i32
    %rem3A_873 = vector.broadcast %select_n3A_872 : i32 to vector<16xi32>
    %rem3A_874 = arith.remsi %add3A_867, %rem3A_873 : vector<16xi32>
    %ne3A_875 = arith.constant 0 : i32
    %ne3A_876 = vector.broadcast %ne3A_875 : i32 to vector<16xi32>
    %ne3A_877 = arith.cmpi ne, %rem3A_874, %ne3A_876 : vector<16xi32>
    %lt3A_878 = arith.constant 0 : i32
    %lt3A_879 = vector.broadcast %lt3A_878 : i32 to vector<16xi32>
    %lt3A_880 = arith.cmpi slt, %rem3A_874, %lt3A_879 : vector<16xi32>
    %lt3A_881 = arith.constant 0 : i32
    %lt3A_882 = arith.cmpi slt, %select_n3A_872, %lt3A_881 : i32
    %ne3A_883 = vector.broadcast %lt3A_882 : i1 to vector<16xi1>
    %ne3A_884 = vector.broadcast %ne3A_883 : vector<16xi1> to vector<16xi1>
    %ne3A_885 = arith.xori %lt3A_880, %ne3A_884 : vector<16xi1>
    %and3A_886 = arith.andi %ne3A_885, %ne3A_877 : vector<16xi1>
    %add3A_887 = vector.broadcast %select_n3A_872 : i32 to vector<16xi32>
    %add3A_888 = arith.addi %rem3A_874, %add3A_887 : vector<16xi32>
    %select_n3A_889 = arith.select %and3A_886, %add3A_888, %rem3A_874 : vector<16xi1>, vector<16xi32>
    %add3A_890 = arith.constant 10000 : i32
    %add3A_891 = vector.broadcast %add3A_890 : i32 to vector<16xi32>
    %add3A_892 = arith.addi %add3A_891, %select_n3A_889 : vector<16xi32>
    %swap3A_893 = arith.constant 10192 : index
    %swap3A_894 = tpu.vector_load %arg7[%swap3A_893] {strides = array<i32>} : memref<10240xi32, #tpu.memory_space<vmem>>, vector<16xi32>,
    %swap3A_895 = vector.shape_cast %swap3A_894 : vector<16xi32> to vector<16xi32>
    %swap3A_896 = vector.shape_cast %add3A_892 : vector<16xi32> to vector<16xi32>
    tpu.vector_store %arg7[%swap3A_893], %swap3A_896 {strides = array<i32>} : memref<10240xi32, #tpu.memory_space<vmem>>, vector<16xi32>,
    %add3A_897 = arith.constant 208 : i32
    %add3A_898 = vector.broadcast %add3A_897 : i32 to vector<16xi32>
    %add3A_899 = arith.addi %add3A_898, %iota3A_480 : vector<16xi32>
    %jit3A_900 = arith.constant 112 : i32
    %eq3A_901 = arith.constant 0 : i32
    %eq3A_902 = arith.cmpi eq, %jit3A_900, %eq3A_901 : i32
    %jit3A_903 = arith.constant 1 : i32
    %select_n3A_904 = arith.select %eq3A_902, %jit3A_903, %jit3A_900 : i32
    %rem3A_905 = vector.broadcast %select_n3A_904 : i32 to vector<16xi32>
    %rem3A_906 = arith.remsi %add3A_899, %rem3A_905 : vector<16xi32>
    %ne3A_907 = arith.constant 0 : i32
    %ne3A_908 = vector.broadcast %ne3A_907 : i32 to vector<16xi32>
    %ne3A_909 = arith.cmpi ne, %rem3A_906, %ne3A_908 : vector<16xi32>
    %lt3A_910 = arith.constant 0 : i32
    %lt3A_911 = vector.broadcast %lt3A_910 : i32 to vector<16xi32>
    %lt3A_912 = arith.cmpi slt, %rem3A_906, %lt3A_911 : vector<16xi32>
    %lt3A_913 = arith.constant 0 : i32
    %lt3A_914 = arith.cmpi slt, %select_n3A_904, %lt3A_913 : i32
    %ne3A_915 = vector.broadcast %lt3A_914 : i1 to vector<16xi1>
    %ne3A_916 = vector.broadcast %ne3A_915 : vector<16xi1> to vector<16xi1>
    %ne3A_917 = arith.xori %lt3A_912, %ne3A_916 : vector<16xi1>
    %and3A_918 = arith.andi %ne3A_917, %ne3A_909 : vector<16xi1>
    %add3A_919 = vector.broadcast %select_n3A_904 : i32 to vector<16xi32>
    %add3A_920 = arith.addi %rem3A_906, %add3A_919 : vector<16xi32>
    %select_n3A_921 = arith.select %and3A_918, %add3A_920, %rem3A_906 : vector<16xi1>, vector<16xi32>
    %add3A_922 = arith.constant 10000 : i32
    %add3A_923 = vector.broadcast %add3A_922 : i32 to vector<16xi32>
    %add3A_924 = arith.addi %add3A_923, %select_n3A_921 : vector<16xi32>
    %swap3A_925 = arith.constant 10208 : index
    %swap3A_926 = tpu.vector_load %arg7[%swap3A_925] {strides = array<i32>} : memref<10240xi32, #tpu.memory_space<vmem>>, vector<16xi32>,
    %swap3A_927 = vector.shape_cast %swap3A_926 : vector<16xi32> to vector<16xi32>
    %swap3A_928 = vector.shape_cast %add3A_924 : vector<16xi32> to vector<16xi32>
    tpu.vector_store %arg7[%swap3A_925], %swap3A_928 {strides = array<i32>} : memref<10240xi32, #tpu.memory_space<vmem>>, vector<16xi32>,
    %add3A_929 = arith.constant 224 : i32
    %add3A_930 = vector.broadcast %add3A_929 : i32 to vector<16xi32>
    %add3A_931 = arith.addi %add3A_930, %iota3A_480 : vector<16xi32>
    %jit3A_932 = arith.constant 112 : i32
    %eq3A_933 = arith.constant 0 : i32
    %eq3A_934 = arith.cmpi eq, %jit3A_932, %eq3A_933 : i32
    %jit3A_935 = arith.constant 1 : i32
    %select_n3A_936 = arith.select %eq3A_934, %jit3A_935, %jit3A_932 : i32
    %rem3A_937 = vector.broadcast %select_n3A_936 : i32 to vector<16xi32>
    %rem3A_938 = arith.remsi %add3A_931, %rem3A_937 : vector<16xi32>
    %ne3A_939 = arith.constant 0 : i32
    %ne3A_940 = vector.broadcast %ne3A_939 : i32 to vector<16xi32>
    %ne3A_941 = arith.cmpi ne, %rem3A_938, %ne3A_940 : vector<16xi32>
    %lt3A_942 = arith.constant 0 : i32
    %lt3A_943 = vector.broadcast %lt3A_942 : i32 to vector<16xi32>
    %lt3A_944 = arith.cmpi slt, %rem3A_938, %lt3A_943 : vector<16xi32>
    %lt3A_945 = arith.constant 0 : i32
    %lt3A_946 = arith.cmpi slt, %select_n3A_936, %lt3A_945 : i32
    %ne3A_947 = vector.broadcast %lt3A_946 : i1 to vector<16xi1>
    %ne3A_948 = vector.broadcast %ne3A_947 : vector<16xi1> to vector<16xi1>
    %ne3A_949 = arith.xori %lt3A_944, %ne3A_948 : vector<16xi1>
    %and3A_950 = arith.andi %ne3A_949, %ne3A_941 : vector<16xi1>
    %add3A_951 = vector.broadcast %select_n3A_936 : i32 to vector<16xi32>
    %add3A_952 = arith.addi %rem3A_938, %add3A_951 : vector<16xi32>
    %select_n3A_953 = arith.select %and3A_950, %add3A_952, %rem3A_938 : vector<16xi1>, vector<16xi32>
    %add3A_954 = arith.constant 10000 : i32
    %add3A_955 = vector.broadcast %add3A_954 : i32 to vector<16xi32>
    %add3A_956 = arith.addi %add3A_955, %select_n3A_953 : vector<16xi32>
    %swap3A_957 = arith.constant 10224 : index
    %swap3A_958 = tpu.vector_load %arg7[%swap3A_957] {strides = array<i32>} : memref<10240xi32, #tpu.memory_space<vmem>>, vector<16xi32>,
    %swap3A_959 = vector.shape_cast %swap3A_958 : vector<16xi32> to vector<16xi32>
    %swap3A_960 = vector.shape_cast %add3A_956 : vector<16xi32> to vector<16xi32>
    tpu.vector_store %arg7[%swap3A_957], %swap3A_960 {strides = array<i32>} : memref<10240xi32, #tpu.memory_space<vmem>>, vector<16xi32>,
    %barrier3A = arith.constant 0 : index
    tpu.barrier barrier_id(%barrier3A)
    %dma_start3A = arith.constant 0 : i32
    %dma_start3A_961 = tpu.memref_slice %arg6[%dma_start3A] : memref<10240xi32, #tpu.memory_space<vmem>> -> memref<128xi32, #tpu.memory_space<vmem>>
    %dma_start3A_962 = arith.constant 0 : i32
    %dma_start3A_963 = arith.constant 0 : i32
    %dma_start3A_964 = tpu.memref_slice %arg2[%dma_start3A_962, %dma_start3A_963] : memref<10112x64xf32, #tpu.memory_space<hbm>> -> memref<10112x64xf32, #tpu.memory_space<hbm>>
    tpu.enqueue_indirect_dma source(%dma_start3A_964 : memref<10112x64xf32, #tpu.memory_space<hbm>>) target(%arg8 : memref<128x64xf32, #tpu.memory_space<vmem>>) offsets(%dma_start3A_961 : memref<128xi32, #tpu.memory_space<vmem>>) semaphore(%arg17 : memref<!tpu.dma_semaphore, #tpu.memory_space<semaphore_mem>>)
    %dma_start3A_965 = arith.constant 128 : i32
    %dma_start3A_966 = tpu.memref_slice %arg6[%dma_start3A_965] : memref<10240xi32, #tpu.memory_space<vmem>> -> memref<128xi32, #tpu.memory_space<vmem>>
    %dma_start3A_967 = arith.constant 0 : i32
    %dma_start3A_968 = arith.constant 0 : i32
    %dma_start3A_969 = tpu.memref_slice %arg2[%dma_start3A_967, %dma_start3A_968] : memref<10112x64xf32, #tpu.memory_space<hbm>> -> memref<10112x64xf32, #tpu.memory_space<hbm>>
    tpu.enqueue_indirect_dma source(%dma_start3A_969 : memref<10112x64xf32, #tpu.memory_space<hbm>>) target(%arg9 : memref<128x64xf32, #tpu.memory_space<vmem>>) offsets(%dma_start3A_966 : memref<128xi32, #tpu.memory_space<vmem>>) semaphore(%arg18 : memref<!tpu.dma_semaphore, #tpu.memory_space<semaphore_mem>>)
    %dma_start3A_970 = arith.constant 256 : i32
    %dma_start3A_971 = tpu.memref_slice %arg6[%dma_start3A_970] : memref<10240xi32, #tpu.memory_space<vmem>> -> memref<128xi32, #tpu.memory_space<vmem>>
    %dma_start3A_972 = arith.constant 0 : i32
    %dma_start3A_973 = arith.constant 0 : i32
    %dma_start3A_974 = tpu.memref_slice %arg2[%dma_start3A_972, %dma_start3A_973] : memref<10112x64xf32, #tpu.memory_space<hbm>> -> memref<10112x64xf32, #tpu.memory_space<hbm>>
    tpu.enqueue_indirect_dma source(%dma_start3A_974 : memref<10112x64xf32, #tpu.memory_space<hbm>>) target(%arg10 : memref<128x64xf32, #tpu.memory_space<vmem>>) offsets(%dma_start3A_971 : memref<128xi32, #tpu.memory_space<vmem>>) semaphore(%arg19 : memref<!tpu.dma_semaphore, #tpu.memory_space<semaphore_mem>>)
    %dma_start3A_975 = arith.constant 384 : i32
    %dma_start3A_976 = tpu.memref_slice %arg6[%dma_start3A_975] : memref<10240xi32, #tpu.memory_space<vmem>> -> memref<128xi32, #tpu.memory_space<vmem>>
    %dma_start3A_977 = arith.constant 0 : i32
    %dma_start3A_978 = arith.constant 0 : i32
    %dma_start3A_979 = tpu.memref_slice %arg2[%dma_start3A_977, %dma_start3A_978] : memref<10112x64xf32, #tpu.memory_space<hbm>> -> memref<10112x64xf32, #tpu.memory_space<hbm>>
    tpu.enqueue_indirect_dma source(%dma_start3A_979 : memref<10112x64xf32, #tpu.memory_space<hbm>>) target(%arg11 : memref<128x64xf32, #tpu.memory_space<vmem>>) offsets(%dma_start3A_976 : memref<128xi32, #tpu.memory_space<vmem>>) semaphore(%arg20 : memref<!tpu.dma_semaphore, #tpu.memory_space<semaphore_mem>>)
    %scan3A = arith.constant 0 : i32
    %scan3A_980 = arith.constant 10 : i32
    %scan3A_981 = arith.addi %scan3A, %scan3A_980 : i32
    %scan3A_982 = arith.constant 1 : i32
    scf.for %scan3A_1004 = %scan3A to %scan3A_981 step %scan3A_982  : i32 {
      %mul3A_1005 = arith.constant 8 : i32
      %mul3A_1006 = arith.muli %scan3A_1004, %mul3A_1005 : i32
      %add3A_1007 = arith.constant 0 : i32
      %add3A_1008 = arith.addi %add3A_1007, %mul3A_1006 : i32
      %add3A_1009 = arith.constant 0 : i32
      %add3A_1010 = arith.addi %add3A_1008, %add3A_1009 : i32
      %ge3A = arith.constant 4 : i32
      %ge3A_1011 = arith.cmpi sge, %add3A_1010, %ge3A : i32
      %convert_element_type3A = arith.extui %ge3A_1011 : i1 to i32
      %cond3A = arith.constant 0 : i32
      %cond3A_1012 = arith.cmpi ne, %convert_element_type3A, %cond3A : i32
      scf.if %cond3A_1012 {
        %sub3A = arith.constant 4 : i32
        %sub3A_1214 = arith.subi %add3A_1010, %sub3A : i32
        %mul3A_1215 = arith.constant 128 : i32
        %mul3A_1216 = arith.muli %sub3A_1214, %mul3A_1215 : i32
        %dma_wait3A_1217 = tpu.memref_slice %arg7[%mul3A_1216] : memref<10240xi32, #tpu.memory_space<vmem>> -> memref<128xi32, #tpu.memory_space<vmem>>
        %dma_wait3A_1218 = arith.constant 0 : i32
        %dma_wait3A_1219 = arith.constant 0 : i32
        %dma_wait3A_1220 = tpu.memref_slice %arg16[%dma_wait3A_1218, %dma_wait3A_1219] : memref<10112x64xf32, #tpu.memory_space<vmem_shared>> -> memref<10112x64xf32, #tpu.memory_space<vmem_shared>>
        tpu.wait_indirect_dma semaphore(%arg29 : memref<!tpu.dma_semaphore, #tpu.memory_space<semaphore_mem>>) src(%arg12 : memref<128x64xf32, #tpu.memory_space<vmem>>) dst(%dma_wait3A_1220 : memref<10112x64xf32, #tpu.memory_space<vmem_shared>>)
      } else {
      }
      %add3A_1013 = arith.constant 4 : i32
      %add3A_1014 = arith.addi %add3A_1010, %add3A_1013 : i32
      %lt3A_1015 = arith.constant 80 : i32
      %lt3A_1016 = arith.cmpi slt, %add3A_1014, %lt3A_1015 : i32
      %convert_element_type3A_1017 = arith.extui %lt3A_1016 : i1 to i32
      %cond3A_1018 = arith.constant 0 : i32
      %cond3A_1019 = arith.cmpi ne, %convert_element_type3A_1017, %cond3A_1018 : i32
      scf.if %cond3A_1019 {
        %add3A_1214 = arith.constant 4 : i32
        %add3A_1215 = arith.addi %add3A_1010, %add3A_1214 : i32
        %mul3A_1216 = arith.constant 128 : i32
        %mul3A_1217 = arith.muli %add3A_1215, %mul3A_1216 : i32
        %dma_start3A_1218 = tpu.memref_slice %arg6[%mul3A_1217] : memref<10240xi32, #tpu.memory_space<vmem>> -> memref<128xi32, #tpu.memory_space<vmem>>
        %dma_start3A_1219 = arith.constant 0 : i32
        %dma_start3A_1220 = arith.constant 0 : i32
        %dma_start3A_1221 = tpu.memref_slice %arg2[%dma_start3A_1219, %dma_start3A_1220] : memref<10112x64xf32, #tpu.memory_space<hbm>> -> memref<10112x64xf32, #tpu.memory_space<hbm>>
        tpu.enqueue_indirect_dma source(%dma_start3A_1221 : memref<10112x64xf32, #tpu.memory_space<hbm>>) target(%arg12 : memref<128x64xf32, #tpu.memory_space<vmem>>) offsets(%dma_start3A_1218 : memref<128xi32, #tpu.memory_space<vmem>>) semaphore(%arg21 : memref<!tpu.dma_semaphore, #tpu.memory_space<semaphore_mem>>)
      } else {
      }
      %mul3A_1020 = arith.constant 128 : i32
      %mul3A_1021 = arith.muli %add3A_1010, %mul3A_1020 : i32
      %dma_wait3A_1022 = tpu.memref_slice %arg6[%mul3A_1021] : memref<10240xi32, #tpu.memory_space<vmem>> -> memref<128xi32, #tpu.memory_space<vmem>>
      %dma_wait3A_1023 = arith.constant 0 : i32
      %dma_wait3A_1024 = arith.constant 0 : i32
      %dma_wait3A_1025 = tpu.memref_slice %arg2[%dma_wait3A_1023, %dma_wait3A_1024] : memref<10112x64xf32, #tpu.memory_space<hbm>> -> memref<10112x64xf32, #tpu.memory_space<hbm>>
      tpu.wait_indirect_dma semaphore(%arg17 : memref<!tpu.dma_semaphore, #tpu.memory_space<semaphore_mem>>) src(%dma_wait3A_1025 : memref<10112x64xf32, #tpu.memory_space<hbm>>) dst(%arg8 : memref<128x64xf32, #tpu.memory_space<vmem>>)
      %mul3A_1026 = arith.constant 128 : i32
      %mul3A_1027 = arith.muli %add3A_1010, %mul3A_1026 : i32
      %dma_start3A_1028 = tpu.memref_slice %arg7[%mul3A_1027] : memref<10240xi32, #tpu.memory_space<vmem>> -> memref<128xi32, #tpu.memory_space<vmem>>
      %dma_start3A_1029 = arith.constant 0 : i32
      %dma_start3A_1030 = arith.constant 0 : i32
      %dma_start3A_1031 = tpu.memref_slice %arg16[%dma_start3A_1029, %dma_start3A_1030] : memref<10112x64xf32, #tpu.memory_space<vmem_shared>> -> memref<10112x64xf32, #tpu.memory_space<vmem_shared>>
      tpu.enqueue_indirect_dma source(%arg8 : memref<128x64xf32, #tpu.memory_space<vmem>>) target(%dma_start3A_1031 : memref<10112x64xf32, #tpu.memory_space<vmem_shared>>) offsets(%dma_start3A_1028 : memref<128xi32, #tpu.memory_space<vmem>>) semaphore(%arg25 : memref<!tpu.dma_semaphore, #tpu.memory_space<semaphore_mem>>) {add = true}
      %add3A_1032 = arith.constant 1 : i32
      %add3A_1033 = arith.addi %add3A_1008, %add3A_1032 : i32
      %ge3A_1034 = arith.constant 4 : i32
      %ge3A_1035 = arith.cmpi sge, %add3A_1033, %ge3A_1034 : i32
      %convert_element_type3A_1036 = arith.extui %ge3A_1035 : i1 to i32
      %cond3A_1037 = arith.constant 0 : i32
      %cond3A_1038 = arith.cmpi ne, %convert_element_type3A_1036, %cond3A_1037 : i32
      scf.if %cond3A_1038 {
        %sub3A = arith.constant 4 : i32
        %sub3A_1214 = arith.subi %add3A_1033, %sub3A : i32
        %mul3A_1215 = arith.constant 128 : i32
        %mul3A_1216 = arith.muli %sub3A_1214, %mul3A_1215 : i32
        %dma_wait3A_1217 = tpu.memref_slice %arg7[%mul3A_1216] : memref<10240xi32, #tpu.memory_space<vmem>> -> memref<128xi32, #tpu.memory_space<vmem>>
        %dma_wait3A_1218 = arith.constant 0 : i32
        %dma_wait3A_1219 = arith.constant 0 : i32
        %dma_wait3A_1220 = tpu.memref_slice %arg16[%dma_wait3A_1218, %dma_wait3A_1219] : memref<10112x64xf32, #tpu.memory_space<vmem_shared>> -> memref<10112x64xf32, #tpu.memory_space<vmem_shared>>
        tpu.wait_indirect_dma semaphore(%arg30 : memref<!tpu.dma_semaphore, #tpu.memory_space<semaphore_mem>>) src(%arg13 : memref<128x64xf32, #tpu.memory_space<vmem>>) dst(%dma_wait3A_1220 : memref<10112x64xf32, #tpu.memory_space<vmem_shared>>)
      } else {
      }
      %add3A_1039 = arith.constant 4 : i32
      %add3A_1040 = arith.addi %add3A_1033, %add3A_1039 : i32
      %lt3A_1041 = arith.constant 80 : i32
      %lt3A_1042 = arith.cmpi slt, %add3A_1040, %lt3A_1041 : i32
      %convert_element_type3A_1043 = arith.extui %lt3A_1042 : i1 to i32
      %cond3A_1044 = arith.constant 0 : i32
      %cond3A_1045 = arith.cmpi ne, %convert_element_type3A_1043, %cond3A_1044 : i32
      scf.if %cond3A_1045 {
        %add3A_1214 = arith.constant 4 : i32
        %add3A_1215 = arith.addi %add3A_1033, %add3A_1214 : i32
        %mul3A_1216 = arith.constant 128 : i32
        %mul3A_1217 = arith.muli %add3A_1215, %mul3A_1216 : i32
        %dma_start3A_1218 = tpu.memref_slice %arg6[%mul3A_1217] : memref<10240xi32, #tpu.memory_space<vmem>> -> memref<128xi32, #tpu.memory_space<vmem>>
        %dma_start3A_1219 = arith.constant 0 : i32
        %dma_start3A_1220 = arith.constant 0 : i32
        %dma_start3A_1221 = tpu.memref_slice %arg2[%dma_start3A_1219, %dma_start3A_1220] : memref<10112x64xf32, #tpu.memory_space<hbm>> -> memref<10112x64xf32, #tpu.memory_space<hbm>>
        tpu.enqueue_indirect_dma source(%dma_start3A_1221 : memref<10112x64xf32, #tpu.memory_space<hbm>>) target(%arg13 : memref<128x64xf32, #tpu.memory_space<vmem>>) offsets(%dma_start3A_1218 : memref<128xi32, #tpu.memory_space<vmem>>) semaphore(%arg22 : memref<!tpu.dma_semaphore, #tpu.memory_space<semaphore_mem>>)
      } else {
      }
      %mul3A_1046 = arith.constant 128 : i32
      %mul3A_1047 = arith.muli %add3A_1033, %mul3A_1046 : i32
      %dma_wait3A_1048 = tpu.memref_slice %arg6[%mul3A_1047] : memref<10240xi32, #tpu.memory_space<vmem>> -> memref<128xi32, #tpu.memory_space<vmem>>
      %dma_wait3A_1049 = arith.constant 0 : i32
      %dma_wait3A_1050 = arith.constant 0 : i32
      %dma_wait3A_1051 = tpu.memref_slice %arg2[%dma_wait3A_1049, %dma_wait3A_1050] : memref<10112x64xf32, #tpu.memory_space<hbm>> -> memref<10112x64xf32, #tpu.memory_space<hbm>>
      tpu.wait_indirect_dma semaphore(%arg18 : memref<!tpu.dma_semaphore, #tpu.memory_space<semaphore_mem>>) src(%dma_wait3A_1051 : memref<10112x64xf32, #tpu.memory_space<hbm>>) dst(%arg9 : memref<128x64xf32, #tpu.memory_space<vmem>>)
      %mul3A_1052 = arith.constant 128 : i32
      %mul3A_1053 = arith.muli %add3A_1033, %mul3A_1052 : i32
      %dma_start3A_1054 = tpu.memref_slice %arg7[%mul3A_1053] : memref<10240xi32, #tpu.memory_space<vmem>> -> memref<128xi32, #tpu.memory_space<vmem>>
      %dma_start3A_1055 = arith.constant 0 : i32
      %dma_start3A_1056 = arith.constant 0 : i32
      %dma_start3A_1057 = tpu.memref_slice %arg16[%dma_start3A_1055, %dma_start3A_1056] : memref<10112x64xf32, #tpu.memory_space<vmem_shared>> -> memref<10112x64xf32, #tpu.memory_space<vmem_shared>>
      tpu.enqueue_indirect_dma source(%arg9 : memref<128x64xf32, #tpu.memory_space<vmem>>) target(%dma_start3A_1057 : memref<10112x64xf32, #tpu.memory_space<vmem_shared>>) offsets(%dma_start3A_1054 : memref<128xi32, #tpu.memory_space<vmem>>) semaphore(%arg26 : memref<!tpu.dma_semaphore, #tpu.memory_space<semaphore_mem>>) {add = true}
      %add3A_1058 = arith.constant 2 : i32
      %add3A_1059 = arith.addi %add3A_1008, %add3A_1058 : i32
      %ge3A_1060 = arith.constant 4 : i32
      %ge3A_1061 = arith.cmpi sge, %add3A_1059, %ge3A_1060 : i32
      %convert_element_type3A_1062 = arith.extui %ge3A_1061 : i1 to i32
      %cond3A_1063 = arith.constant 0 : i32
      %cond3A_1064 = arith.cmpi ne, %convert_element_type3A_1062, %cond3A_1063 : i32
      scf.if %cond3A_1064 {
        %sub3A = arith.constant 4 : i32
        %sub3A_1214 = arith.subi %add3A_1059, %sub3A : i32
        %mul3A_1215 = arith.constant 128 : i32
        %mul3A_1216 = arith.muli %sub3A_1214, %mul3A_1215 : i32
        %dma_wait3A_1217 = tpu.memref_slice %arg7[%mul3A_1216] : memref<10240xi32, #tpu.memory_space<vmem>> -> memref<128xi32, #tpu.memory_space<vmem>>
        %dma_wait3A_1218 = arith.constant 0 : i32
        %dma_wait3A_1219 = arith.constant 0 : i32
        %dma_wait3A_1220 = tpu.memref_slice %arg16[%dma_wait3A_1218, %dma_wait3A_1219] : memref<10112x64xf32, #tpu.memory_space<vmem_shared>> -> memref<10112x64xf32, #tpu.memory_space<vmem_shared>>
        tpu.wait_indirect_dma semaphore(%arg31 : memref<!tpu.dma_semaphore, #tpu.memory_space<semaphore_mem>>) src(%arg14 : memref<128x64xf32, #tpu.memory_space<vmem>>) dst(%dma_wait3A_1220 : memref<10112x64xf32, #tpu.memory_space<vmem_shared>>)
      } else {
      }
      %add3A_1065 = arith.constant 4 : i32
      %add3A_1066 = arith.addi %add3A_1059, %add3A_1065 : i32
      %lt3A_1067 = arith.constant 80 : i32
      %lt3A_1068 = arith.cmpi slt, %add3A_1066, %lt3A_1067 : i32
      %convert_element_type3A_1069 = arith.extui %lt3A_1068 : i1 to i32
      %cond3A_1070 = arith.constant 0 : i32
      %cond3A_1071 = arith.cmpi ne, %convert_element_type3A_1069, %cond3A_1070 : i32
      scf.if %cond3A_1071 {
        %add3A_1214 = arith.constant 4 : i32
        %add3A_1215 = arith.addi %add3A_1059, %add3A_1214 : i32
        %mul3A_1216 = arith.constant 128 : i32
        %mul3A_1217 = arith.muli %add3A_1215, %mul3A_1216 : i32
        %dma_start3A_1218 = tpu.memref_slice %arg6[%mul3A_1217] : memref<10240xi32, #tpu.memory_space<vmem>> -> memref<128xi32, #tpu.memory_space<vmem>>
        %dma_start3A_1219 = arith.constant 0 : i32
        %dma_start3A_1220 = arith.constant 0 : i32
        %dma_start3A_1221 = tpu.memref_slice %arg2[%dma_start3A_1219, %dma_start3A_1220] : memref<10112x64xf32, #tpu.memory_space<hbm>> -> memref<10112x64xf32, #tpu.memory_space<hbm>>
        tpu.enqueue_indirect_dma source(%dma_start3A_1221 : memref<10112x64xf32, #tpu.memory_space<hbm>>) target(%arg14 : memref<128x64xf32, #tpu.memory_space<vmem>>) offsets(%dma_start3A_1218 : memref<128xi32, #tpu.memory_space<vmem>>) semaphore(%arg23 : memref<!tpu.dma_semaphore, #tpu.memory_space<semaphore_mem>>)
      } else {
      }
      %mul3A_1072 = arith.constant 128 : i32
      %mul3A_1073 = arith.muli %add3A_1059, %mul3A_1072 : i32
      %dma_wait3A_1074 = tpu.memref_slice %arg6[%mul3A_1073] : memref<10240xi32, #tpu.memory_space<vmem>> -> memref<128xi32, #tpu.memory_space<vmem>>
      %dma_wait3A_1075 = arith.constant 0 : i32
      %dma_wait3A_1076 = arith.constant 0 : i32
      %dma_wait3A_1077 = tpu.memref_slice %arg2[%dma_wait3A_1075, %dma_wait3A_1076] : memref<10112x64xf32, #tpu.memory_space<hbm>> -> memref<10112x64xf32, #tpu.memory_space<hbm>>
      tpu.wait_indirect_dma semaphore(%arg19 : memref<!tpu.dma_semaphore, #tpu.memory_space<semaphore_mem>>) src(%dma_wait3A_1077 : memref<10112x64xf32, #tpu.memory_space<hbm>>) dst(%arg10 : memref<128x64xf32, #tpu.memory_space<vmem>>)
      %mul3A_1078 = arith.constant 128 : i32
      %mul3A_1079 = arith.muli %add3A_1059, %mul3A_1078 : i32
      %dma_start3A_1080 = tpu.memref_slice %arg7[%mul3A_1079] : memref<10240xi32, #tpu.memory_space<vmem>> -> memref<128xi32, #tpu.memory_space<vmem>>
      %dma_start3A_1081 = arith.constant 0 : i32
      %dma_start3A_1082 = arith.constant 0 : i32
      %dma_start3A_1083 = tpu.memref_slice %arg16[%dma_start3A_1081, %dma_start3A_1082] : memref<10112x64xf32, #tpu.memory_space<vmem_shared>> -> memref<10112x64xf32, #tpu.memory_space<vmem_shared>>
      tpu.enqueue_indirect_dma source(%arg10 : memref<128x64xf32, #tpu.memory_space<vmem>>) target(%dma_start3A_1083 : memref<10112x64xf32, #tpu.memory_space<vmem_shared>>) offsets(%dma_start3A_1080 : memref<128xi32, #tpu.memory_space<vmem>>) semaphore(%arg27 : memref<!tpu.dma_semaphore, #tpu.memory_space<semaphore_mem>>) {add = true}
      %add3A_1084 = arith.constant 3 : i32
      %add3A_1085 = arith.addi %add3A_1008, %add3A_1084 : i32
      %ge3A_1086 = arith.constant 4 : i32
      %ge3A_1087 = arith.cmpi sge, %add3A_1085, %ge3A_1086 : i32
      %convert_element_type3A_1088 = arith.extui %ge3A_1087 : i1 to i32
      %cond3A_1089 = arith.constant 0 : i32
      %cond3A_1090 = arith.cmpi ne, %convert_element_type3A_1088, %cond3A_1089 : i32
      scf.if %cond3A_1090 {
        %sub3A = arith.constant 4 : i32
        %sub3A_1214 = arith.subi %add3A_1085, %sub3A : i32
        %mul3A_1215 = arith.constant 128 : i32
        %mul3A_1216 = arith.muli %sub3A_1214, %mul3A_1215 : i32
        %dma_wait3A_1217 = tpu.memref_slice %arg7[%mul3A_1216] : memref<10240xi32, #tpu.memory_space<vmem>> -> memref<128xi32, #tpu.memory_space<vmem>>
        %dma_wait3A_1218 = arith.constant 0 : i32
        %dma_wait3A_1219 = arith.constant 0 : i32
        %dma_wait3A_1220 = tpu.memref_slice %arg16[%dma_wait3A_1218, %dma_wait3A_1219] : memref<10112x64xf32, #tpu.memory_space<vmem_shared>> -> memref<10112x64xf32, #tpu.memory_space<vmem_shared>>
        tpu.wait_indirect_dma semaphore(%arg32 : memref<!tpu.dma_semaphore, #tpu.memory_space<semaphore_mem>>) src(%arg15 : memref<128x64xf32, #tpu.memory_space<vmem>>) dst(%dma_wait3A_1220 : memref<10112x64xf32, #tpu.memory_space<vmem_shared>>)
      } else {
      }
      %add3A_1091 = arith.constant 4 : i32
      %add3A_1092 = arith.addi %add3A_1085, %add3A_1091 : i32
      %lt3A_1093 = arith.constant 80 : i32
      %lt3A_1094 = arith.cmpi slt, %add3A_1092, %lt3A_1093 : i32
      %convert_element_type3A_1095 = arith.extui %lt3A_1094 : i1 to i32
      %cond3A_1096 = arith.constant 0 : i32
      %cond3A_1097 = arith.cmpi ne, %convert_element_type3A_1095, %cond3A_1096 : i32
      scf.if %cond3A_1097 {
        %add3A_1214 = arith.constant 4 : i32
        %add3A_1215 = arith.addi %add3A_1085, %add3A_1214 : i32
        %mul3A_1216 = arith.constant 128 : i32
        %mul3A_1217 = arith.muli %add3A_1215, %mul3A_1216 : i32
        %dma_start3A_1218 = tpu.memref_slice %arg6[%mul3A_1217] : memref<10240xi32, #tpu.memory_space<vmem>> -> memref<128xi32, #tpu.memory_space<vmem>>
        %dma_start3A_1219 = arith.constant 0 : i32
        %dma_start3A_1220 = arith.constant 0 : i32
        %dma_start3A_1221 = tpu.memref_slice %arg2[%dma_start3A_1219, %dma_start3A_1220] : memref<10112x64xf32, #tpu.memory_space<hbm>> -> memref<10112x64xf32, #tpu.memory_space<hbm>>
        tpu.enqueue_indirect_dma source(%dma_start3A_1221 : memref<10112x64xf32, #tpu.memory_space<hbm>>) target(%arg15 : memref<128x64xf32, #tpu.memory_space<vmem>>) offsets(%dma_start3A_1218 : memref<128xi32, #tpu.memory_space<vmem>>) semaphore(%arg24 : memref<!tpu.dma_semaphore, #tpu.memory_space<semaphore_mem>>)
      } else {
      }
      %mul3A_1098 = arith.constant 128 : i32
      %mul3A_1099 = arith.muli %add3A_1085, %mul3A_1098 : i32
      %dma_wait3A_1100 = tpu.memref_slice %arg6[%mul3A_1099] : memref<10240xi32, #tpu.memory_space<vmem>> -> memref<128xi32, #tpu.memory_space<vmem>>
      %dma_wait3A_1101 = arith.constant 0 : i32
      %dma_wait3A_1102 = arith.constant 0 : i32
      %dma_wait3A_1103 = tpu.memref_slice %arg2[%dma_wait3A_1101, %dma_wait3A_1102] : memref<10112x64xf32, #tpu.memory_space<hbm>> -> memref<10112x64xf32, #tpu.memory_space<hbm>>
      tpu.wait_indirect_dma semaphore(%arg20 : memref<!tpu.dma_semaphore, #tpu.memory_space<semaphore_mem>>) src(%dma_wait3A_1103 : memref<10112x64xf32, #tpu.memory_space<hbm>>) dst(%arg11 : memref<128x64xf32, #tpu.memory_space<vmem>>)
      %mul3A_1104 = arith.constant 128 : i32
      %mul3A_1105 = arith.muli %add3A_1085, %mul3A_1104 : i32
      %dma_start3A_1106 = tpu.memref_slice %arg7[%mul3A_1105] : memref<10240xi32, #tpu.memory_space<vmem>> -> memref<128xi32, #tpu.memory_space<vmem>>
      %dma_start3A_1107 = arith.constant 0 : i32
      %dma_start3A_1108 = arith.constant 0 : i32
      %dma_start3A_1109 = tpu.memref_slice %arg16[%dma_start3A_1107, %dma_start3A_1108] : memref<10112x64xf32, #tpu.memory_space<vmem_shared>> -> memref<10112x64xf32, #tpu.memory_space<vmem_shared>>
      tpu.enqueue_indirect_dma source(%arg11 : memref<128x64xf32, #tpu.memory_space<vmem>>) target(%dma_start3A_1109 : memref<10112x64xf32, #tpu.memory_space<vmem_shared>>) offsets(%dma_start3A_1106 : memref<128xi32, #tpu.memory_space<vmem>>) semaphore(%arg28 : memref<!tpu.dma_semaphore, #tpu.memory_space<semaphore_mem>>) {add = true}
      %add3A_1110 = arith.constant 4 : i32
      %add3A_1111 = arith.addi %add3A_1008, %add3A_1110 : i32
      %ge3A_1112 = arith.constant 4 : i32
      %ge3A_1113 = arith.cmpi sge, %add3A_1111, %ge3A_1112 : i32
      %convert_element_type3A_1114 = arith.extui %ge3A_1113 : i1 to i32
      %cond3A_1115 = arith.constant 0 : i32
      %cond3A_1116 = arith.cmpi ne, %convert_element_type3A_1114, %cond3A_1115 : i32
      scf.if %cond3A_1116 {
        %sub3A = arith.constant 4 : i32
        %sub3A_1214 = arith.subi %add3A_1111, %sub3A : i32
        %mul3A_1215 = arith.constant 128 : i32
        %mul3A_1216 = arith.muli %sub3A_1214, %mul3A_1215 : i32
        %dma_wait3A_1217 = tpu.memref_slice %arg7[%mul3A_1216] : memref<10240xi32, #tpu.memory_space<vmem>> -> memref<128xi32, #tpu.memory_space<vmem>>
        %dma_wait3A_1218 = arith.constant 0 : i32
        %dma_wait3A_1219 = arith.constant 0 : i32
        %dma_wait3A_1220 = tpu.memref_slice %arg16[%dma_wait3A_1218, %dma_wait3A_1219] : memref<10112x64xf32, #tpu.memory_space<vmem_shared>> -> memref<10112x64xf32, #tpu.memory_space<vmem_shared>>
        tpu.wait_indirect_dma semaphore(%arg25 : memref<!tpu.dma_semaphore, #tpu.memory_space<semaphore_mem>>) src(%arg8 : memref<128x64xf32, #tpu.memory_space<vmem>>) dst(%dma_wait3A_1220 : memref<10112x64xf32, #tpu.memory_space<vmem_shared>>)
      } else {
      }
      %add3A_1117 = arith.constant 4 : i32
      %add3A_1118 = arith.addi %add3A_1111, %add3A_1117 : i32
      %lt3A_1119 = arith.constant 80 : i32
      %lt3A_1120 = arith.cmpi slt, %add3A_1118, %lt3A_1119 : i32
      %convert_element_type3A_1121 = arith.extui %lt3A_1120 : i1 to i32
      %cond3A_1122 = arith.constant 0 : i32
      %cond3A_1123 = arith.cmpi ne, %convert_element_type3A_1121, %cond3A_1122 : i32
      scf.if %cond3A_1123 {
        %add3A_1214 = arith.constant 4 : i32
        %add3A_1215 = arith.addi %add3A_1111, %add3A_1214 : i32
        %mul3A_1216 = arith.constant 128 : i32
        %mul3A_1217 = arith.muli %add3A_1215, %mul3A_1216 : i32
        %dma_start3A_1218 = tpu.memref_slice %arg6[%mul3A_1217] : memref<10240xi32, #tpu.memory_space<vmem>> -> memref<128xi32, #tpu.memory_space<vmem>>
        %dma_start3A_1219 = arith.constant 0 : i32
        %dma_start3A_1220 = arith.constant 0 : i32
        %dma_start3A_1221 = tpu.memref_slice %arg2[%dma_start3A_1219, %dma_start3A_1220] : memref<10112x64xf32, #tpu.memory_space<hbm>> -> memref<10112x64xf32, #tpu.memory_space<hbm>>
        tpu.enqueue_indirect_dma source(%dma_start3A_1221 : memref<10112x64xf32, #tpu.memory_space<hbm>>) target(%arg8 : memref<128x64xf32, #tpu.memory_space<vmem>>) offsets(%dma_start3A_1218 : memref<128xi32, #tpu.memory_space<vmem>>) semaphore(%arg17 : memref<!tpu.dma_semaphore, #tpu.memory_space<semaphore_mem>>)
      } else {
      }
      %mul3A_1124 = arith.constant 128 : i32
      %mul3A_1125 = arith.muli %add3A_1111, %mul3A_1124 : i32
      %dma_wait3A_1126 = tpu.memref_slice %arg6[%mul3A_1125] : memref<10240xi32, #tpu.memory_space<vmem>> -> memref<128xi32, #tpu.memory_space<vmem>>
      %dma_wait3A_1127 = arith.constant 0 : i32
      %dma_wait3A_1128 = arith.constant 0 : i32
      %dma_wait3A_1129 = tpu.memref_slice %arg2[%dma_wait3A_1127, %dma_wait3A_1128] : memref<10112x64xf32, #tpu.memory_space<hbm>> -> memref<10112x64xf32, #tpu.memory_space<hbm>>
      tpu.wait_indirect_dma semaphore(%arg21 : memref<!tpu.dma_semaphore, #tpu.memory_space<semaphore_mem>>) src(%dma_wait3A_1129 : memref<10112x64xf32, #tpu.memory_space<hbm>>) dst(%arg12 : memref<128x64xf32, #tpu.memory_space<vmem>>)
      %mul3A_1130 = arith.constant 128 : i32
      %mul3A_1131 = arith.muli %add3A_1111, %mul3A_1130 : i32
      %dma_start3A_1132 = tpu.memref_slice %arg7[%mul3A_1131] : memref<10240xi32, #tpu.memory_space<vmem>> -> memref<128xi32, #tpu.memory_space<vmem>>
      %dma_start3A_1133 = arith.constant 0 : i32
      %dma_start3A_1134 = arith.constant 0 : i32
      %dma_start3A_1135 = tpu.memref_slice %arg16[%dma_start3A_1133, %dma_start3A_1134] : memref<10112x64xf32, #tpu.memory_space<vmem_shared>> -> memref<10112x64xf32, #tpu.memory_space<vmem_shared>>
      tpu.enqueue_indirect_dma source(%arg12 : memref<128x64xf32, #tpu.memory_space<vmem>>) target(%dma_start3A_1135 : memref<10112x64xf32, #tpu.memory_space<vmem_shared>>) offsets(%dma_start3A_1132 : memref<128xi32, #tpu.memory_space<vmem>>) semaphore(%arg29 : memref<!tpu.dma_semaphore, #tpu.memory_space<semaphore_mem>>) {add = true}
      %add3A_1136 = arith.constant 5 : i32
      %add3A_1137 = arith.addi %add3A_1008, %add3A_1136 : i32
      %ge3A_1138 = arith.constant 4 : i32
      %ge3A_1139 = arith.cmpi sge, %add3A_1137, %ge3A_1138 : i32
      %convert_element_type3A_1140 = arith.extui %ge3A_1139 : i1 to i32
      %cond3A_1141 = arith.constant 0 : i32
      %cond3A_1142 = arith.cmpi ne, %convert_element_type3A_1140, %cond3A_1141 : i32
      scf.if %cond3A_1142 {
        %sub3A = arith.constant 4 : i32
        %sub3A_1214 = arith.subi %add3A_1137, %sub3A : i32
        %mul3A_1215 = arith.constant 128 : i32
        %mul3A_1216 = arith.muli %sub3A_1214, %mul3A_1215 : i32
        %dma_wait3A_1217 = tpu.memref_slice %arg7[%mul3A_1216] : memref<10240xi32, #tpu.memory_space<vmem>> -> memref<128xi32, #tpu.memory_space<vmem>>
        %dma_wait3A_1218 = arith.constant 0 : i32
        %dma_wait3A_1219 = arith.constant 0 : i32
        %dma_wait3A_1220 = tpu.memref_slice %arg16[%dma_wait3A_1218, %dma_wait3A_1219] : memref<10112x64xf32, #tpu.memory_space<vmem_shared>> -> memref<10112x64xf32, #tpu.memory_space<vmem_shared>>
        tpu.wait_indirect_dma semaphore(%arg26 : memref<!tpu.dma_semaphore, #tpu.memory_space<semaphore_mem>>) src(%arg9 : memref<128x64xf32, #tpu.memory_space<vmem>>) dst(%dma_wait3A_1220 : memref<10112x64xf32, #tpu.memory_space<vmem_shared>>)
      } else {
      }
      %add3A_1143 = arith.constant 4 : i32
      %add3A_1144 = arith.addi %add3A_1137, %add3A_1143 : i32
      %lt3A_1145 = arith.constant 80 : i32
      %lt3A_1146 = arith.cmpi slt, %add3A_1144, %lt3A_1145 : i32
      %convert_element_type3A_1147 = arith.extui %lt3A_1146 : i1 to i32
      %cond3A_1148 = arith.constant 0 : i32
      %cond3A_1149 = arith.cmpi ne, %convert_element_type3A_1147, %cond3A_1148 : i32
      scf.if %cond3A_1149 {
        %add3A_1214 = arith.constant 4 : i32
        %add3A_1215 = arith.addi %add3A_1137, %add3A_1214 : i32
        %mul3A_1216 = arith.constant 128 : i32
        %mul3A_1217 = arith.muli %add3A_1215, %mul3A_1216 : i32
        %dma_start3A_1218 = tpu.memref_slice %arg6[%mul3A_1217] : memref<10240xi32, #tpu.memory_space<vmem>> -> memref<128xi32, #tpu.memory_space<vmem>>
        %dma_start3A_1219 = arith.constant 0 : i32
        %dma_start3A_1220 = arith.constant 0 : i32
        %dma_start3A_1221 = tpu.memref_slice %arg2[%dma_start3A_1219, %dma_start3A_1220] : memref<10112x64xf32, #tpu.memory_space<hbm>> -> memref<10112x64xf32, #tpu.memory_space<hbm>>
        tpu.enqueue_indirect_dma source(%dma_start3A_1221 : memref<10112x64xf32, #tpu.memory_space<hbm>>) target(%arg9 : memref<128x64xf32, #tpu.memory_space<vmem>>) offsets(%dma_start3A_1218 : memref<128xi32, #tpu.memory_space<vmem>>) semaphore(%arg18 : memref<!tpu.dma_semaphore, #tpu.memory_space<semaphore_mem>>)
      } else {
      }
      %mul3A_1150 = arith.constant 128 : i32
      %mul3A_1151 = arith.muli %add3A_1137, %mul3A_1150 : i32
      %dma_wait3A_1152 = tpu.memref_slice %arg6[%mul3A_1151] : memref<10240xi32, #tpu.memory_space<vmem>> -> memref<128xi32, #tpu.memory_space<vmem>>
      %dma_wait3A_1153 = arith.constant 0 : i32
      %dma_wait3A_1154 = arith.constant 0 : i32
      %dma_wait3A_1155 = tpu.memref_slice %arg2[%dma_wait3A_1153, %dma_wait3A_1154] : memref<10112x64xf32, #tpu.memory_space<hbm>> -> memref<10112x64xf32, #tpu.memory_space<hbm>>
      tpu.wait_indirect_dma semaphore(%arg22 : memref<!tpu.dma_semaphore, #tpu.memory_space<semaphore_mem>>) src(%dma_wait3A_1155 : memref<10112x64xf32, #tpu.memory_space<hbm>>) dst(%arg13 : memref<128x64xf32, #tpu.memory_space<vmem>>)
      %mul3A_1156 = arith.constant 128 : i32
      %mul3A_1157 = arith.muli %add3A_1137, %mul3A_1156 : i32
      %dma_start3A_1158 = tpu.memref_slice %arg7[%mul3A_1157] : memref<10240xi32, #tpu.memory_space<vmem>> -> memref<128xi32, #tpu.memory_space<vmem>>
      %dma_start3A_1159 = arith.constant 0 : i32
      %dma_start3A_1160 = arith.constant 0 : i32
      %dma_start3A_1161 = tpu.memref_slice %arg16[%dma_start3A_1159, %dma_start3A_1160] : memref<10112x64xf32, #tpu.memory_space<vmem_shared>> -> memref<10112x64xf32, #tpu.memory_space<vmem_shared>>
      tpu.enqueue_indirect_dma source(%arg13 : memref<128x64xf32, #tpu.memory_space<vmem>>) target(%dma_start3A_1161 : memref<10112x64xf32, #tpu.memory_space<vmem_shared>>) offsets(%dma_start3A_1158 : memref<128xi32, #tpu.memory_space<vmem>>) semaphore(%arg30 : memref<!tpu.dma_semaphore, #tpu.memory_space<semaphore_mem>>) {add = true}
      %add3A_1162 = arith.constant 6 : i32
      %add3A_1163 = arith.addi %add3A_1008, %add3A_1162 : i32
      %ge3A_1164 = arith.constant 4 : i32
      %ge3A_1165 = arith.cmpi sge, %add3A_1163, %ge3A_1164 : i32
      %convert_element_type3A_1166 = arith.extui %ge3A_1165 : i1 to i32
      %cond3A_1167 = arith.constant 0 : i32
      %cond3A_1168 = arith.cmpi ne, %convert_element_type3A_1166, %cond3A_1167 : i32
      scf.if %cond3A_1168 {
        %sub3A = arith.constant 4 : i32
        %sub3A_1214 = arith.subi %add3A_1163, %sub3A : i32
        %mul3A_1215 = arith.constant 128 : i32
        %mul3A_1216 = arith.muli %sub3A_1214, %mul3A_1215 : i32
        %dma_wait3A_1217 = tpu.memref_slice %arg7[%mul3A_1216] : memref<10240xi32, #tpu.memory_space<vmem>> -> memref<128xi32, #tpu.memory_space<vmem>>
        %dma_wait3A_1218 = arith.constant 0 : i32
        %dma_wait3A_1219 = arith.constant 0 : i32
        %dma_wait3A_1220 = tpu.memref_slice %arg16[%dma_wait3A_1218, %dma_wait3A_1219] : memref<10112x64xf32, #tpu.memory_space<vmem_shared>> -> memref<10112x64xf32, #tpu.memory_space<vmem_shared>>
        tpu.wait_indirect_dma semaphore(%arg27 : memref<!tpu.dma_semaphore, #tpu.memory_space<semaphore_mem>>) src(%arg10 : memref<128x64xf32, #tpu.memory_space<vmem>>) dst(%dma_wait3A_1220 : memref<10112x64xf32, #tpu.memory_space<vmem_shared>>)
      } else {
      }
      %add3A_1169 = arith.constant 4 : i32
      %add3A_1170 = arith.addi %add3A_1163, %add3A_1169 : i32
      %lt3A_1171 = arith.constant 80 : i32
      %lt3A_1172 = arith.cmpi slt, %add3A_1170, %lt3A_1171 : i32
      %convert_element_type3A_1173 = arith.extui %lt3A_1172 : i1 to i32
      %cond3A_1174 = arith.constant 0 : i32
      %cond3A_1175 = arith.cmpi ne, %convert_element_type3A_1173, %cond3A_1174 : i32
      scf.if %cond3A_1175 {
        %add3A_1214 = arith.constant 4 : i32
        %add3A_1215 = arith.addi %add3A_1163, %add3A_1214 : i32
        %mul3A_1216 = arith.constant 128 : i32
        %mul3A_1217 = arith.muli %add3A_1215, %mul3A_1216 : i32
        %dma_start3A_1218 = tpu.memref_slice %arg6[%mul3A_1217] : memref<10240xi32, #tpu.memory_space<vmem>> -> memref<128xi32, #tpu.memory_space<vmem>>
        %dma_start3A_1219 = arith.constant 0 : i32
        %dma_start3A_1220 = arith.constant 0 : i32
        %dma_start3A_1221 = tpu.memref_slice %arg2[%dma_start3A_1219, %dma_start3A_1220] : memref<10112x64xf32, #tpu.memory_space<hbm>> -> memref<10112x64xf32, #tpu.memory_space<hbm>>
        tpu.enqueue_indirect_dma source(%dma_start3A_1221 : memref<10112x64xf32, #tpu.memory_space<hbm>>) target(%arg10 : memref<128x64xf32, #tpu.memory_space<vmem>>) offsets(%dma_start3A_1218 : memref<128xi32, #tpu.memory_space<vmem>>) semaphore(%arg19 : memref<!tpu.dma_semaphore, #tpu.memory_space<semaphore_mem>>)
      } else {
      }
      %mul3A_1176 = arith.constant 128 : i32
      %mul3A_1177 = arith.muli %add3A_1163, %mul3A_1176 : i32
      %dma_wait3A_1178 = tpu.memref_slice %arg6[%mul3A_1177] : memref<10240xi32, #tpu.memory_space<vmem>> -> memref<128xi32, #tpu.memory_space<vmem>>
      %dma_wait3A_1179 = arith.constant 0 : i32
      %dma_wait3A_1180 = arith.constant 0 : i32
      %dma_wait3A_1181 = tpu.memref_slice %arg2[%dma_wait3A_1179, %dma_wait3A_1180] : memref<10112x64xf32, #tpu.memory_space<hbm>> -> memref<10112x64xf32, #tpu.memory_space<hbm>>
      tpu.wait_indirect_dma semaphore(%arg23 : memref<!tpu.dma_semaphore, #tpu.memory_space<semaphore_mem>>) src(%dma_wait3A_1181 : memref<10112x64xf32, #tpu.memory_space<hbm>>) dst(%arg14 : memref<128x64xf32, #tpu.memory_space<vmem>>)
      %mul3A_1182 = arith.constant 128 : i32
      %mul3A_1183 = arith.muli %add3A_1163, %mul3A_1182 : i32
      %dma_start3A_1184 = tpu.memref_slice %arg7[%mul3A_1183] : memref<10240xi32, #tpu.memory_space<vmem>> -> memref<128xi32, #tpu.memory_space<vmem>>
      %dma_start3A_1185 = arith.constant 0 : i32
      %dma_start3A_1186 = arith.constant 0 : i32
      %dma_start3A_1187 = tpu.memref_slice %arg16[%dma_start3A_1185, %dma_start3A_1186] : memref<10112x64xf32, #tpu.memory_space<vmem_shared>> -> memref<10112x64xf32, #tpu.memory_space<vmem_shared>>
      tpu.enqueue_indirect_dma source(%arg14 : memref<128x64xf32, #tpu.memory_space<vmem>>) target(%dma_start3A_1187 : memref<10112x64xf32, #tpu.memory_space<vmem_shared>>) offsets(%dma_start3A_1184 : memref<128xi32, #tpu.memory_space<vmem>>) semaphore(%arg31 : memref<!tpu.dma_semaphore, #tpu.memory_space<semaphore_mem>>) {add = true}
      %add3A_1188 = arith.constant 7 : i32
      %add3A_1189 = arith.addi %add3A_1008, %add3A_1188 : i32
      %ge3A_1190 = arith.constant 4 : i32
      %ge3A_1191 = arith.cmpi sge, %add3A_1189, %ge3A_1190 : i32
      %convert_element_type3A_1192 = arith.extui %ge3A_1191 : i1 to i32
      %cond3A_1193 = arith.constant 0 : i32
      %cond3A_1194 = arith.cmpi ne, %convert_element_type3A_1192, %cond3A_1193 : i32
      scf.if %cond3A_1194 {
        %sub3A = arith.constant 4 : i32
        %sub3A_1214 = arith.subi %add3A_1189, %sub3A : i32
        %mul3A_1215 = arith.constant 128 : i32
        %mul3A_1216 = arith.muli %sub3A_1214, %mul3A_1215 : i32
        %dma_wait3A_1217 = tpu.memref_slice %arg7[%mul3A_1216] : memref<10240xi32, #tpu.memory_space<vmem>> -> memref<128xi32, #tpu.memory_space<vmem>>
        %dma_wait3A_1218 = arith.constant 0 : i32
        %dma_wait3A_1219 = arith.constant 0 : i32
        %dma_wait3A_1220 = tpu.memref_slice %arg16[%dma_wait3A_1218, %dma_wait3A_1219] : memref<10112x64xf32, #tpu.memory_space<vmem_shared>> -> memref<10112x64xf32, #tpu.memory_space<vmem_shared>>
        tpu.wait_indirect_dma semaphore(%arg28 : memref<!tpu.dma_semaphore, #tpu.memory_space<semaphore_mem>>) src(%arg11 : memref<128x64xf32, #tpu.memory_space<vmem>>) dst(%dma_wait3A_1220 : memref<10112x64xf32, #tpu.memory_space<vmem_shared>>)
      } else {
      }
      %add3A_1195 = arith.constant 4 : i32
      %add3A_1196 = arith.addi %add3A_1189, %add3A_1195 : i32
      %lt3A_1197 = arith.constant 80 : i32
      %lt3A_1198 = arith.cmpi slt, %add3A_1196, %lt3A_1197 : i32
      %convert_element_type3A_1199 = arith.extui %lt3A_1198 : i1 to i32
      %cond3A_1200 = arith.constant 0 : i32
      %cond3A_1201 = arith.cmpi ne, %convert_element_type3A_1199, %cond3A_1200 : i32
      scf.if %cond3A_1201 {
        %add3A_1214 = arith.constant 4 : i32
        %add3A_1215 = arith.addi %add3A_1189, %add3A_1214 : i32
        %mul3A_1216 = arith.constant 128 : i32
        %mul3A_1217 = arith.muli %add3A_1215, %mul3A_1216 : i32
        %dma_start3A_1218 = tpu.memref_slice %arg6[%mul3A_1217] : memref<10240xi32, #tpu.memory_space<vmem>> -> memref<128xi32, #tpu.memory_space<vmem>>
        %dma_start3A_1219 = arith.constant 0 : i32
        %dma_start3A_1220 = arith.constant 0 : i32
        %dma_start3A_1221 = tpu.memref_slice %arg2[%dma_start3A_1219, %dma_start3A_1220] : memref<10112x64xf32, #tpu.memory_space<hbm>> -> memref<10112x64xf32, #tpu.memory_space<hbm>>
        tpu.enqueue_indirect_dma source(%dma_start3A_1221 : memref<10112x64xf32, #tpu.memory_space<hbm>>) target(%arg11 : memref<128x64xf32, #tpu.memory_space<vmem>>) offsets(%dma_start3A_1218 : memref<128xi32, #tpu.memory_space<vmem>>) semaphore(%arg20 : memref<!tpu.dma_semaphore, #tpu.memory_space<semaphore_mem>>)
      } else {
      }
      %mul3A_1202 = arith.constant 128 : i32
      %mul3A_1203 = arith.muli %add3A_1189, %mul3A_1202 : i32
      %dma_wait3A_1204 = tpu.memref_slice %arg6[%mul3A_1203] : memref<10240xi32, #tpu.memory_space<vmem>> -> memref<128xi32, #tpu.memory_space<vmem>>
      %dma_wait3A_1205 = arith.constant 0 : i32
      %dma_wait3A_1206 = arith.constant 0 : i32
      %dma_wait3A_1207 = tpu.memref_slice %arg2[%dma_wait3A_1205, %dma_wait3A_1206] : memref<10112x64xf32, #tpu.memory_space<hbm>> -> memref<10112x64xf32, #tpu.memory_space<hbm>>
      tpu.wait_indirect_dma semaphore(%arg24 : memref<!tpu.dma_semaphore, #tpu.memory_space<semaphore_mem>>) src(%dma_wait3A_1207 : memref<10112x64xf32, #tpu.memory_space<hbm>>) dst(%arg15 : memref<128x64xf32, #tpu.memory_space<vmem>>)
      %mul3A_1208 = arith.constant 128 : i32
      %mul3A_1209 = arith.muli %add3A_1189, %mul3A_1208 : i32
      %dma_start3A_1210 = tpu.memref_slice %arg7[%mul3A_1209] : memref<10240xi32, #tpu.memory_space<vmem>> -> memref<128xi32, #tpu.memory_space<vmem>>
      %dma_start3A_1211 = arith.constant 0 : i32
      %dma_start3A_1212 = arith.constant 0 : i32
      %dma_start3A_1213 = tpu.memref_slice %arg16[%dma_start3A_1211, %dma_start3A_1212] : memref<10112x64xf32, #tpu.memory_space<vmem_shared>> -> memref<10112x64xf32, #tpu.memory_space<vmem_shared>>
      tpu.enqueue_indirect_dma source(%arg15 : memref<128x64xf32, #tpu.memory_space<vmem>>) target(%dma_start3A_1213 : memref<10112x64xf32, #tpu.memory_space<vmem_shared>>) offsets(%dma_start3A_1210 : memref<128xi32, #tpu.memory_space<vmem>>) semaphore(%arg32 : memref<!tpu.dma_semaphore, #tpu.memory_space<semaphore_mem>>) {add = true}
    }
    %scan3A_983 = arith.constant 10 : i32
    %dma_wait3A = arith.constant 9728 : i32
    %dma_wait3A_984 = tpu.memref_slice %arg7[%dma_wait3A] : memref<10240xi32, #tpu.memory_space<vmem>> -> memref<128xi32, #tpu.memory_space<vmem>>
    %dma_wait3A_985 = arith.constant 0 : i32
    %dma_wait3A_986 = arith.constant 0 : i32
    %dma_wait3A_987 = tpu.memref_slice %arg16[%dma_wait3A_985, %dma_wait3A_986] : memref<10112x64xf32, #tpu.memory_space<vmem_shared>> -> memref<10112x64xf32, #tpu.memory_space<vmem_shared>>
    tpu.wait_indirect_dma semaphore(%arg29 : memref<!tpu.dma_semaphore, #tpu.memory_space<semaphore_mem>>) src(%arg12 : memref<128x64xf32, #tpu.memory_space<vmem>>) dst(%dma_wait3A_987 : memref<10112x64xf32, #tpu.memory_space<vmem_shared>>)
    %dma_wait3A_988 = arith.constant 9856 : i32
    %dma_wait3A_989 = tpu.memref_slice %arg7[%dma_wait3A_988] : memref<10240xi32, #tpu.memory_space<vmem>> -> memref<128xi32, #tpu.memory_space<vmem>>
    %dma_wait3A_990 = arith.constant 0 : i32
    %dma_wait3A_991 = arith.constant 0 : i32
    %dma_wait3A_992 = tpu.memref_slice %arg16[%dma_wait3A_990, %dma_wait3A_991] : memref<10112x64xf32, #tpu.memory_space<vmem_shared>> -> memref<10112x64xf32, #tpu.memory_space<vmem_shared>>
    tpu.wait_indirect_dma semaphore(%arg30 : memref<!tpu.dma_semaphore, #tpu.memory_space<semaphore_mem>>) src(%arg13 : memref<128x64xf32, #tpu.memory_space<vmem>>) dst(%dma_wait3A_992 : memref<10112x64xf32, #tpu.memory_space<vmem_shared>>)
    %dma_wait3A_993 = arith.constant 9984 : i32
    %dma_wait3A_994 = tpu.memref_slice %arg7[%dma_wait3A_993] : memref<10240xi32, #tpu.memory_space<vmem>> -> memref<128xi32, #tpu.memory_space<vmem>>
    %dma_wait3A_995 = arith.constant 0 : i32
    %dma_wait3A_996 = arith.constant 0 : i32
    %dma_wait3A_997 = tpu.memref_slice %arg16[%dma_wait3A_995, %dma_wait3A_996] : memref<10112x64xf32, #tpu.memory_space<vmem_shared>> -> memref<10112x64xf32, #tpu.memory_space<vmem_shared>>
    tpu.wait_indirect_dma semaphore(%arg31 : memref<!tpu.dma_semaphore, #tpu.memory_space<semaphore_mem>>) src(%arg14 : memref<128x64xf32, #tpu.memory_space<vmem>>) dst(%dma_wait3A_997 : memref<10112x64xf32, #tpu.memory_space<vmem_shared>>)
    %dma_wait3A_998 = arith.constant 10112 : i32
    %dma_wait3A_999 = tpu.memref_slice %arg7[%dma_wait3A_998] : memref<10240xi32, #tpu.memory_space<vmem>> -> memref<128xi32, #tpu.memory_space<vmem>>
    %dma_wait3A_1000 = arith.constant 0 : i32
    %dma_wait3A_1001 = arith.constant 0 : i32
    %dma_wait3A_1002 = tpu.memref_slice %arg16[%dma_wait3A_1000, %dma_wait3A_1001] : memref<10112x64xf32, #tpu.memory_space<vmem_shared>> -> memref<10112x64xf32, #tpu.memory_space<vmem_shared>>
    tpu.wait_indirect_dma semaphore(%arg32 : memref<!tpu.dma_semaphore, #tpu.memory_space<semaphore_mem>>) src(%arg15 : memref<128x64xf32, #tpu.memory_space<vmem>>) dst(%dma_wait3A_1002 : memref<10112x64xf32, #tpu.memory_space<vmem_shared>>)
    %barrier3A_1003 = arith.constant 0 : index
    tpu.barrier barrier_id(%barrier3A_1003)
    "tpu.region"() ({
      %run_scoped3A_1004 = tpu.sem_alloc : memref<!tpu.dma_semaphore, #tpu.memory_space<semaphore_mem>>
      %dma_start3A_1005 = arith.constant 0 : i32
      %dma_start3A_1006 = tpu.memref_slice %arg5[%arg0, %mul3A_2, %dma_start3A_1005] : memref<2x10112x64xf32, #tpu.memory_space<hbm>> -> memref<1x632x64xf32, #tpu.memory_space<hbm>>
      %dma_start3A_1007 = tpu.memref_squeeze %dma_start3A_1006 : memref<1x632x64xf32, #tpu.memory_space<hbm>> -> memref<632x64xf32, #tpu.memory_space<hbm>>
      %dma_start3A_1008 = arith.constant 0 : i32
      %dma_start3A_1009 = tpu.memref_slice %arg16[%mul3A_2, %dma_start3A_1008] : memref<10112x64xf32, #tpu.memory_space<vmem_shared>> -> memref<632x64xf32, #tpu.memory_space<vmem_shared>>
      tpu.enqueue_dma source(%dma_start3A_1009 : memref<632x64xf32, #tpu.memory_space<vmem_shared>>) target(%dma_start3A_1007 : memref<632x64xf32, #tpu.memory_space<hbm>>) target_semaphore(%run_scoped3A_1004 : memref<!tpu.dma_semaphore, #tpu.memory_space<semaphore_mem>>)
      %dma_wait3A_1010 = arith.constant 0 : i32
      %dma_wait3A_1011 = tpu.memref_slice %arg5[%arg0, %mul3A_2, %dma_wait3A_1010] : memref<2x10112x64xf32, #tpu.memory_space<hbm>> -> memref<1x632x64xf32, #tpu.memory_space<hbm>>
      %dma_wait3A_1012 = tpu.memref_squeeze %dma_wait3A_1011 : memref<1x632x64xf32, #tpu.memory_space<hbm>> -> memref<632x64xf32, #tpu.memory_space<hbm>>
      %dma_wait3A_1013 = arith.constant 0 : i32
      %dma_wait3A_1014 = tpu.memref_slice %arg16[%mul3A_2, %dma_wait3A_1013] : memref<10112x64xf32, #tpu.memory_space<vmem_shared>> -> memref<632x64xf32, #tpu.memory_space<vmem_shared>>
      tpu.wait_dma2 semaphore(%run_scoped3A_1004 : memref<!tpu.dma_semaphore, #tpu.memory_space<semaphore_mem>>) src(%dma_wait3A_1014 : memref<632x64xf32, #tpu.memory_space<vmem_shared>>) dst(%dma_wait3A_1012 : memref<632x64xf32, #tpu.memory_space<hbm>>)
      tpu.yield
    }) : () -> ()
    return
  }
}

module attributes {stable_mosaic.version = 14 : i64} {
  func.func @_tc1_body(%arg0: memref<2x1264x128xf32, #tpu.memory_space<vmem>>, %arg1: memref<5000x128xf32, #tpu.memory_space<vmem>>, %arg2: memref<5000x128xf32, #tpu.memory_space<vmem>>, %arg3: memref<128x64xf32, #tpu.memory_space<vmem>>, %arg4: memref<5056x128xf32, #tpu.memory_space<vmem>>) attributes {dimension_semantics = [], scalar_prefetch = 0 : i64, scratch_operands = 0 : i64, tpu.core_type = #tpu.core_type<tc>} {
    %get3A = arith.constant 0 : index
    %get3A_0 = arith.constant 0 : index
    %get3A_1 = arith.constant 0 : index
    %get3A_2 = vector.load %arg0[%get3A, %get3A_0, %get3A_1] : memref<2x1264x128xf32, #tpu.memory_space<vmem>>, vector<1x1264x128xf32>
    %get3A_3 = vector.shape_cast %get3A_2 : vector<1x1264x128xf32> to vector<1264x128xf32>
    %get3A_4 = arith.constant 1 : index
    %get3A_5 = arith.constant 0 : index
    %get3A_6 = arith.constant 0 : index
    %get3A_7 = vector.load %arg0[%get3A_4, %get3A_5, %get3A_6] : memref<2x1264x128xf32, #tpu.memory_space<vmem>>, vector<1x1264x128xf32>
    %get3A_8 = vector.shape_cast %get3A_7 : vector<1x1264x128xf32> to vector<1264x128xf32>
    %add3A = arith.addf %get3A_3, %get3A_8 : vector<1264x128xf32>
    %broadcast_in_dim3A = vector.shape_cast %add3A : vector<1264x128xf32> to vector<1264x1x128xf32>
    %broadcast_in_dim3A_9 = vector.shape_cast %broadcast_in_dim3A : vector<1264x1x128xf32> to vector<1264x1x128xf32>
    %broadcast_in_dim3A_10 = vector.broadcast %broadcast_in_dim3A_9 : vector<1264x1x128xf32> to vector<1264x4x128xf32>
    %reshape3A = vector.shape_cast %broadcast_in_dim3A_10 : vector<1264x4x128xf32> to vector<5056x128xf32>
    %iota3A = tpu.iota {dimensions = array<i32: 0>} : vector<5056x128xi32>
    %jit3A = arith.constant 4 : i32
    %eq3A = arith.constant 0 : i32
    %eq3A_11 = arith.cmpi eq, %jit3A, %eq3A : i32
    %jit3A_12 = arith.constant 1 : i32
    %select_n3A = arith.select %eq3A_11, %jit3A_12, %jit3A : i32
    %rem3A = vector.broadcast %select_n3A : i32 to vector<5056x128xi32>
    %rem3A_13 = arith.remsi %iota3A, %rem3A : vector<5056x128xi32>
    %ne3A = arith.constant 0 : i32
    %ne3A_14 = vector.broadcast %ne3A : i32 to vector<5056x128xi32>
    %ne3A_15 = arith.cmpi ne, %rem3A_13, %ne3A_14 : vector<5056x128xi32>
    %lt3A = arith.constant 0 : i32
    %lt3A_16 = vector.broadcast %lt3A : i32 to vector<5056x128xi32>
    %lt3A_17 = arith.cmpi slt, %rem3A_13, %lt3A_16 : vector<5056x128xi32>
    %lt3A_18 = arith.constant 0 : i32
    %lt3A_19 = arith.cmpi slt, %select_n3A, %lt3A_18 : i32
    %ne3A_20 = vector.broadcast %lt3A_19 : i1 to vector<5056x128xi1>
    %ne3A_21 = vector.broadcast %ne3A_20 : vector<5056x128xi1> to vector<5056x128xi1>
    %ne3A_22 = arith.xori %lt3A_17, %ne3A_21 : vector<5056x128xi1>
    %and3A = arith.andi %ne3A_22, %ne3A_15 : vector<5056x128xi1>
    %add3A_23 = vector.broadcast %select_n3A : i32 to vector<5056x128xi32>
    %add3A_24 = arith.addi %rem3A_13, %add3A_23 : vector<5056x128xi32>
    %select_n3A_25 = arith.select %and3A, %add3A_24, %rem3A_13 : vector<5056x128xi1>, vector<5056x128xi32>
    %iota3A_26 = tpu.iota {dimensions = array<i32: 1>} : vector<5056x128xi32>
    %mul3A = arith.constant 32 : i32
    %mul3A_27 = vector.broadcast %mul3A : i32 to vector<5056x128xi32>
    %mul3A_28 = arith.muli %mul3A_27, %select_n3A_25 : vector<5056x128xi32>
    %eq3A_29 = arith.cmpi eq, %iota3A_26, %mul3A_28 : vector<5056x128xi32>
    %jit3A_30 = arith.constant 0.000000e+00 : f32
    %broadcast_in_dim3A_31 = vector.broadcast %jit3A_30 : f32 to vector<5056x128xf32>
    %select_n3A_32 = arith.select %eq3A_29, %reshape3A, %broadcast_in_dim3A_31 : vector<5056x128xi1>, vector<5056x128xf32>
    %reduce_sum3A = arith.constant dense<0.000000e+00> : vector<5056xf32>
    %reduce_sum3A_33 = vector.multi_reduction <add>, %select_n3A_32, %reduce_sum3A [1] : vector<5056x128xf32> to vector<5056xf32>
    %broadcast_in_dim3A_34 = vector.shape_cast %reduce_sum3A_33 : vector<5056xf32> to vector<5056x1xf32>
    %mul3A_35 = arith.constant 32 : i32
    %mul3A_36 = vector.broadcast %mul3A_35 : i32 to vector<5056x128xi32>
    %mul3A_37 = arith.muli %mul3A_36, %select_n3A_25 : vector<5056x128xi32>
    %add3A_38 = arith.constant 16 : i32
    %add3A_39 = vector.broadcast %add3A_38 : i32 to vector<5056x128xi32>
    %add3A_40 = arith.addi %mul3A_37, %add3A_39 : vector<5056x128xi32>
    %eq3A_41 = arith.cmpi eq, %iota3A_26, %add3A_40 : vector<5056x128xi32>
    %jit3A_42 = arith.constant 0.000000e+00 : f32
    %broadcast_in_dim3A_43 = vector.broadcast %jit3A_42 : f32 to vector<5056x128xf32>
    %select_n3A_44 = arith.select %eq3A_41, %reshape3A, %broadcast_in_dim3A_43 : vector<5056x128xi1>, vector<5056x128xf32>
    %reduce_sum3A_45 = arith.constant dense<0.000000e+00> : vector<5056xf32>
    %reduce_sum3A_46 = vector.multi_reduction <add>, %select_n3A_44, %reduce_sum3A_45 [1] : vector<5056x128xf32> to vector<5056xf32>
    %broadcast_in_dim3A_47 = vector.shape_cast %reduce_sum3A_46 : vector<5056xf32> to vector<5056x1xf32>
    %add3A_48 = arith.constant 1.000000e+00 : f32
    %add3A_49 = vector.broadcast %add3A_48 : f32 to vector<5056x1xf32>
    %add3A_50 = arith.addf %broadcast_in_dim3A_34, %add3A_49 : vector<5056x1xf32>
    %rsqrt3A = math.rsqrt %add3A_50 : vector<5056x1xf32>
    %add3A_51 = arith.constant 1.000000e+00 : f32
    %add3A_52 = vector.broadcast %add3A_51 : f32 to vector<5056x1xf32>
    %add3A_53 = arith.addf %broadcast_in_dim3A_47, %add3A_52 : vector<5056x1xf32>
    %rsqrt3A_54 = math.rsqrt %add3A_53 : vector<5056x1xf32>
    %lt3A_55 = arith.constant 64 : i32
    %lt3A_56 = vector.broadcast %lt3A_55 : i32 to vector<5056x128xi32>
    %lt3A_57 = arith.cmpi slt, %iota3A_26, %lt3A_56 : vector<5056x128xi32>
    %broadcast_in_dim3A_58 = vector.shape_cast %rsqrt3A : vector<5056x1xf32> to vector<5056x1xf32>
    %broadcast_in_dim3A_59 = vector.broadcast %broadcast_in_dim3A_58 : vector<5056x1xf32> to vector<5056x128xf32>
    %broadcast_in_dim3A_60 = vector.shape_cast %rsqrt3A_54 : vector<5056x1xf32> to vector<5056x1xf32>
    %broadcast_in_dim3A_61 = vector.broadcast %broadcast_in_dim3A_60 : vector<5056x1xf32> to vector<5056x128xf32>
    %select_n3A_62 = arith.select %lt3A_57, %broadcast_in_dim3A_59, %broadcast_in_dim3A_61 : vector<5056x128xi1>, vector<5056x128xf32>
    %get3A_63 = arith.constant 0 : index
    %get3A_64 = arith.constant 0 : index
    %get3A_65 = vector.load %arg1[%get3A_63, %get3A_64] : memref<5000x128xf32, #tpu.memory_space<vmem>>, vector<5000x128xf32>
    %get3A_66 = arith.constant 0 : index
    %get3A_67 = arith.constant 0 : index
    %get3A_68 = vector.load %arg3[%get3A_66, %get3A_67] : memref<128x64xf32, #tpu.memory_space<vmem>>, vector<128x64xf32>
    %dot_general3A = arith.constant dense<0.000000e+00> : vector<5000x64xf32>
    %dot_general3A_69 = tpu.matmul %get3A_65, %get3A_68, %dot_general3A {dimension_numbers = #tpu.dot_dimension_numbers<[1], [0], [0], [1], [0, 0, 1, 1], [], []>, transpose_lhs_hint = false} : vector<5000x128xf32>, vector<128x64xf32>, vector<5000x64xf32> -> vector<5000x64xf32>
    %get3A_70 = arith.constant 0 : index
    %get3A_71 = arith.constant 0 : index
    %get3A_72 = vector.load %arg2[%get3A_70, %get3A_71] : memref<5000x128xf32, #tpu.memory_space<vmem>>, vector<5000x128xf32>
    %get3A_73 = arith.constant 0 : index
    %get3A_74 = arith.constant 0 : index
    %get3A_75 = vector.load %arg3[%get3A_73, %get3A_74] : memref<128x64xf32, #tpu.memory_space<vmem>>, vector<128x64xf32>
    %dot_general3A_76 = arith.constant dense<0.000000e+00> : vector<5000x64xf32>
    %dot_general3A_77 = tpu.matmul %get3A_72, %get3A_75, %dot_general3A_76 {dimension_numbers = #tpu.dot_dimension_numbers<[1], [0], [0], [1], [0, 0, 1, 1], [], []>, transpose_lhs_hint = false} : vector<5000x128xf32>, vector<128x64xf32>, vector<5000x64xf32> -> vector<5000x64xf32>
    %concatenate3A = tpu.concatenate %dot_general3A_69, %dot_general3A_77 in 1 : vector<5000x64xf32>, vector<5000x64xf32> -> vector<5000x128xf32>
    %broadcast_in_dim3A_78 = arith.constant 0.000000e+00 : f32
    %broadcast_in_dim3A_79 = vector.broadcast %broadcast_in_dim3A_78 : f32 to vector<56x128xf32>
    %concatenate3A_80 = tpu.concatenate %concatenate3A, %broadcast_in_dim3A_79 in 0 : vector<5000x128xf32>, vector<56x128xf32> -> vector<5056x128xf32>
    %mul3A_81 = arith.mulf %concatenate3A_80, %select_n3A_62 : vector<5056x128xf32>
    %swap3A = arith.constant 0 : index
    %swap3A_82 = arith.constant 0 : index
    %swap3A_83 = vector.load %arg4[%swap3A, %swap3A_82] : memref<5056x128xf32, #tpu.memory_space<vmem>>, vector<5056x128xf32>
    tpu.vector_store %arg4[%swap3A, %swap3A_82], %mul3A_81 {strides = array<i32>} : memref<5056x128xf32, #tpu.memory_space<vmem>>, vector<5056x128xf32>,
    return
  }
}

module attributes {stable_mosaic.version = 14 : i64} {
  func.func @_tc2_body(%arg0: memref<2x5056x128xf32, #tpu.memory_space<vmem>>, %arg1: memref<5056x128xf32, #tpu.memory_space<vmem>>, %arg2: memref<2x1264x128xf32, #tpu.memory_space<vmem>>, %arg3: memref<1x128xf32, #tpu.memory_space<vmem>>, %arg4: memref<128x128xf32, #tpu.memory_space<vmem>>, %arg5: memref<5056x128xf32, #tpu.memory_space<vmem>>) attributes {dimension_semantics = [], scalar_prefetch = 0 : i64, scratch_operands = 0 : i64, tpu.core_type = #tpu.core_type<tc>} {
    %get3A = arith.constant 0 : index
    %get3A_0 = arith.constant 0 : index
    %get3A_1 = arith.constant 0 : index
    %get3A_2 = vector.load %arg2[%get3A, %get3A_0, %get3A_1] : memref<2x1264x128xf32, #tpu.memory_space<vmem>>, vector<1x1264x128xf32>
    %get3A_3 = vector.shape_cast %get3A_2 : vector<1x1264x128xf32> to vector<1264x128xf32>
    %get3A_4 = arith.constant 1 : index
    %get3A_5 = arith.constant 0 : index
    %get3A_6 = arith.constant 0 : index
    %get3A_7 = vector.load %arg2[%get3A_4, %get3A_5, %get3A_6] : memref<2x1264x128xf32, #tpu.memory_space<vmem>>, vector<1x1264x128xf32>
    %get3A_8 = vector.shape_cast %get3A_7 : vector<1x1264x128xf32> to vector<1264x128xf32>
    %add3A = arith.addf %get3A_3, %get3A_8 : vector<1264x128xf32>
    %broadcast_in_dim3A = vector.shape_cast %add3A : vector<1264x128xf32> to vector<1264x1x128xf32>
    %broadcast_in_dim3A_9 = vector.shape_cast %broadcast_in_dim3A : vector<1264x1x128xf32> to vector<1264x1x128xf32>
    %broadcast_in_dim3A_10 = vector.broadcast %broadcast_in_dim3A_9 : vector<1264x1x128xf32> to vector<1264x4x128xf32>
    %reshape3A = vector.shape_cast %broadcast_in_dim3A_10 : vector<1264x4x128xf32> to vector<5056x128xf32>
    %iota3A = tpu.iota {dimensions = array<i32: 0>} : vector<5056x128xi32>
    %jit3A = arith.constant 4 : i32
    %eq3A = arith.constant 0 : i32
    %eq3A_11 = arith.cmpi eq, %jit3A, %eq3A : i32
    %jit3A_12 = arith.constant 1 : i32
    %select_n3A = arith.select %eq3A_11, %jit3A_12, %jit3A : i32
    %rem3A = vector.broadcast %select_n3A : i32 to vector<5056x128xi32>
    %rem3A_13 = arith.remsi %iota3A, %rem3A : vector<5056x128xi32>
    %ne3A = arith.constant 0 : i32
    %ne3A_14 = vector.broadcast %ne3A : i32 to vector<5056x128xi32>
    %ne3A_15 = arith.cmpi ne, %rem3A_13, %ne3A_14 : vector<5056x128xi32>
    %lt3A = arith.constant 0 : i32
    %lt3A_16 = vector.broadcast %lt3A : i32 to vector<5056x128xi32>
    %lt3A_17 = arith.cmpi slt, %rem3A_13, %lt3A_16 : vector<5056x128xi32>
    %lt3A_18 = arith.constant 0 : i32
    %lt3A_19 = arith.cmpi slt, %select_n3A, %lt3A_18 : i32
    %ne3A_20 = vector.broadcast %lt3A_19 : i1 to vector<5056x128xi1>
    %ne3A_21 = vector.broadcast %ne3A_20 : vector<5056x128xi1> to vector<5056x128xi1>
    %ne3A_22 = arith.xori %lt3A_17, %ne3A_21 : vector<5056x128xi1>
    %and3A = arith.andi %ne3A_22, %ne3A_15 : vector<5056x128xi1>
    %add3A_23 = vector.broadcast %select_n3A : i32 to vector<5056x128xi32>
    %add3A_24 = arith.addi %rem3A_13, %add3A_23 : vector<5056x128xi32>
    %select_n3A_25 = arith.select %and3A, %add3A_24, %rem3A_13 : vector<5056x128xi1>, vector<5056x128xi32>
    %iota3A_26 = tpu.iota {dimensions = array<i32: 1>} : vector<5056x128xi32>
    %mul3A = arith.constant 32 : i32
    %mul3A_27 = vector.broadcast %mul3A : i32 to vector<5056x128xi32>
    %mul3A_28 = arith.muli %mul3A_27, %select_n3A_25 : vector<5056x128xi32>
    %eq3A_29 = arith.cmpi eq, %iota3A_26, %mul3A_28 : vector<5056x128xi32>
    %jit3A_30 = arith.constant 0.000000e+00 : f32
    %broadcast_in_dim3A_31 = vector.broadcast %jit3A_30 : f32 to vector<5056x128xf32>
    %select_n3A_32 = arith.select %eq3A_29, %reshape3A, %broadcast_in_dim3A_31 : vector<5056x128xi1>, vector<5056x128xf32>
    %reduce_sum3A = arith.constant dense<0.000000e+00> : vector<5056xf32>
    %reduce_sum3A_33 = vector.multi_reduction <add>, %select_n3A_32, %reduce_sum3A [1] : vector<5056x128xf32> to vector<5056xf32>
    %broadcast_in_dim3A_34 = vector.shape_cast %reduce_sum3A_33 : vector<5056xf32> to vector<5056x1xf32>
    %mul3A_35 = arith.constant 32 : i32
    %mul3A_36 = vector.broadcast %mul3A_35 : i32 to vector<5056x128xi32>
    %mul3A_37 = arith.muli %mul3A_36, %select_n3A_25 : vector<5056x128xi32>
    %add3A_38 = arith.constant 16 : i32
    %add3A_39 = vector.broadcast %add3A_38 : i32 to vector<5056x128xi32>
    %add3A_40 = arith.addi %mul3A_37, %add3A_39 : vector<5056x128xi32>
    %eq3A_41 = arith.cmpi eq, %iota3A_26, %add3A_40 : vector<5056x128xi32>
    %jit3A_42 = arith.constant 0.000000e+00 : f32
    %broadcast_in_dim3A_43 = vector.broadcast %jit3A_42 : f32 to vector<5056x128xf32>
    %select_n3A_44 = arith.select %eq3A_41, %reshape3A, %broadcast_in_dim3A_43 : vector<5056x128xi1>, vector<5056x128xf32>
    %reduce_sum3A_45 = arith.constant dense<0.000000e+00> : vector<5056xf32>
    %reduce_sum3A_46 = vector.multi_reduction <add>, %select_n3A_44, %reduce_sum3A_45 [1] : vector<5056x128xf32> to vector<5056xf32>
    %broadcast_in_dim3A_47 = vector.shape_cast %reduce_sum3A_46 : vector<5056xf32> to vector<5056x1xf32>
    %add3A_48 = arith.constant 1.000000e+00 : f32
    %add3A_49 = vector.broadcast %add3A_48 : f32 to vector<5056x1xf32>
    %add3A_50 = arith.addf %broadcast_in_dim3A_34, %add3A_49 : vector<5056x1xf32>
    %rsqrt3A = math.rsqrt %add3A_50 : vector<5056x1xf32>
    %add3A_51 = arith.constant 1.000000e+00 : f32
    %add3A_52 = vector.broadcast %add3A_51 : f32 to vector<5056x1xf32>
    %add3A_53 = arith.addf %broadcast_in_dim3A_47, %add3A_52 : vector<5056x1xf32>
    %rsqrt3A_54 = math.rsqrt %add3A_53 : vector<5056x1xf32>
    %lt3A_55 = arith.constant 64 : i32
    %lt3A_56 = vector.broadcast %lt3A_55 : i32 to vector<5056x128xi32>
    %lt3A_57 = arith.cmpi slt, %iota3A_26, %lt3A_56 : vector<5056x128xi32>
    %broadcast_in_dim3A_58 = vector.shape_cast %rsqrt3A : vector<5056x1xf32> to vector<5056x1xf32>
    %broadcast_in_dim3A_59 = vector.broadcast %broadcast_in_dim3A_58 : vector<5056x1xf32> to vector<5056x128xf32>
    %broadcast_in_dim3A_60 = vector.shape_cast %rsqrt3A_54 : vector<5056x1xf32> to vector<5056x1xf32>
    %broadcast_in_dim3A_61 = vector.broadcast %broadcast_in_dim3A_60 : vector<5056x1xf32> to vector<5056x128xf32>
    %select_n3A_62 = arith.select %lt3A_57, %broadcast_in_dim3A_59, %broadcast_in_dim3A_61 : vector<5056x128xi1>, vector<5056x128xf32>
    %get3A_63 = arith.constant 0 : index
    %get3A_64 = arith.constant 0 : index
    %get3A_65 = arith.constant 0 : index
    %get3A_66 = vector.load %arg0[%get3A_63, %get3A_64, %get3A_65] : memref<2x5056x128xf32, #tpu.memory_space<vmem>>, vector<1x5056x128xf32>
    %get3A_67 = vector.shape_cast %get3A_66 : vector<1x5056x128xf32> to vector<5056x128xf32>
    %get3A_68 = arith.constant 1 : index
    %get3A_69 = arith.constant 0 : index
    %get3A_70 = arith.constant 0 : index
    %get3A_71 = vector.load %arg0[%get3A_68, %get3A_69, %get3A_70] : memref<2x5056x128xf32, #tpu.memory_space<vmem>>, vector<1x5056x128xf32>
    %get3A_72 = vector.shape_cast %get3A_71 : vector<1x5056x128xf32> to vector<5056x128xf32>
    %add3A_73 = arith.addf %get3A_67, %get3A_72 : vector<5056x128xf32>
    %get3A_74 = arith.constant 0 : index
    %get3A_75 = arith.constant 0 : index
    %get3A_76 = vector.load %arg1[%get3A_74, %get3A_75] : memref<5056x128xf32, #tpu.memory_space<vmem>>, vector<5056x128xf32>
    %add3A_77 = arith.addf %add3A_73, %get3A_76 : vector<5056x128xf32>
    %mul3A_78 = arith.mulf %select_n3A_62, %add3A_77 : vector<5056x128xf32>
    %get3A_79 = arith.constant 0 : index
    %get3A_80 = arith.constant 0 : index
    %get3A_81 = vector.load %arg3[%get3A_79, %get3A_80] : memref<1x128xf32, #tpu.memory_space<vmem>>, vector<1x128xf32>
    %add3A_82 = vector.broadcast %get3A_81 : vector<1x128xf32> to vector<5056x128xf32>
    %add3A_83 = arith.addf %mul3A_78, %add3A_82 : vector<5056x128xf32>
    %max3A = arith.constant 0.000000e+00 : f32
    %max3A_84 = vector.broadcast %max3A : f32 to vector<5056x128xf32>
    %max3A_85 = arith.maximumf %add3A_83, %max3A_84 : vector<5056x128xf32>
    %get3A_86 = arith.constant 0 : index
    %get3A_87 = arith.constant 0 : index
    %get3A_88 = vector.load %arg4[%get3A_86, %get3A_87] : memref<128x128xf32, #tpu.memory_space<vmem>>, vector<128x128xf32>
    %dot_general3A = arith.constant dense<0.000000e+00> : vector<5056x128xf32>
    %dot_general3A_89 = tpu.matmul %max3A_85, %get3A_88, %dot_general3A {dimension_numbers = #tpu.dot_dimension_numbers<[1], [0], [0], [1], [0, 0, 1, 1], [], []>, transpose_lhs_hint = false} : vector<5056x128xf32>, vector<128x128xf32>, vector<5056x128xf32> -> vector<5056x128xf32>
    %mul3A_90 = arith.mulf %dot_general3A_89, %select_n3A_62 : vector<5056x128xf32>
    %swap3A = arith.constant 0 : index
    %swap3A_91 = arith.constant 0 : index
    %swap3A_92 = vector.load %arg5[%swap3A, %swap3A_91] : memref<5056x128xf32, #tpu.memory_space<vmem>>, vector<5056x128xf32>
    tpu.vector_store %arg5[%swap3A, %swap3A_91], %mul3A_90 {strides = array<i32>} : memref<5056x128xf32, #tpu.memory_space<vmem>>, vector<5056x128xf32>,
    return
  }
}

module attributes {stable_mosaic.version = 14 : i64} {
  func.func @_tc3_body(%arg0: memref<2x5056x128xf32, #tpu.memory_space<vmem>>, %arg1: memref<5056x128xf32, #tpu.memory_space<vmem>>, %arg2: memref<2x1264x128xf32, #tpu.memory_space<vmem>>, %arg3: memref<1x128xf32, #tpu.memory_space<vmem>>, %arg4: memref<1x5056xi32, #tpu.memory_space<vmem>>, %arg5: memref<1x5056xi32, #tpu.memory_space<vmem>>, %arg6: memref<64x2xf32, #tpu.memory_space<vmem>>, %arg7: memref<1x2xf32, #tpu.memory_space<vmem>>, %arg8: memref<64x2xf32, #tpu.memory_space<vmem>>) attributes {dimension_semantics = [], scalar_prefetch = 0 : i64, scratch_operands = 0 : i64, tpu.core_type = #tpu.core_type<tc>} {
    %get3A = arith.constant 0 : index
    %get3A_0 = arith.constant 0 : index
    %get3A_1 = arith.constant 0 : index
    %get3A_2 = vector.load %arg2[%get3A, %get3A_0, %get3A_1] : memref<2x1264x128xf32, #tpu.memory_space<vmem>>, vector<1x1264x128xf32>
    %get3A_3 = vector.shape_cast %get3A_2 : vector<1x1264x128xf32> to vector<1264x128xf32>
    %get3A_4 = arith.constant 1 : index
    %get3A_5 = arith.constant 0 : index
    %get3A_6 = arith.constant 0 : index
    %get3A_7 = vector.load %arg2[%get3A_4, %get3A_5, %get3A_6] : memref<2x1264x128xf32, #tpu.memory_space<vmem>>, vector<1x1264x128xf32>
    %get3A_8 = vector.shape_cast %get3A_7 : vector<1x1264x128xf32> to vector<1264x128xf32>
    %add3A = arith.addf %get3A_3, %get3A_8 : vector<1264x128xf32>
    %broadcast_in_dim3A = vector.shape_cast %add3A : vector<1264x128xf32> to vector<1264x1x128xf32>
    %broadcast_in_dim3A_9 = vector.shape_cast %broadcast_in_dim3A : vector<1264x1x128xf32> to vector<1264x1x128xf32>
    %broadcast_in_dim3A_10 = vector.broadcast %broadcast_in_dim3A_9 : vector<1264x1x128xf32> to vector<1264x4x128xf32>
    %reshape3A = vector.shape_cast %broadcast_in_dim3A_10 : vector<1264x4x128xf32> to vector<5056x128xf32>
    %iota3A = tpu.iota {dimensions = array<i32: 0>} : vector<5056x128xi32>
    %jit3A = arith.constant 4 : i32
    %eq3A = arith.constant 0 : i32
    %eq3A_11 = arith.cmpi eq, %jit3A, %eq3A : i32
    %jit3A_12 = arith.constant 1 : i32
    %select_n3A = arith.select %eq3A_11, %jit3A_12, %jit3A : i32
    %rem3A = vector.broadcast %select_n3A : i32 to vector<5056x128xi32>
    %rem3A_13 = arith.remsi %iota3A, %rem3A : vector<5056x128xi32>
    %ne3A = arith.constant 0 : i32
    %ne3A_14 = vector.broadcast %ne3A : i32 to vector<5056x128xi32>
    %ne3A_15 = arith.cmpi ne, %rem3A_13, %ne3A_14 : vector<5056x128xi32>
    %lt3A = arith.constant 0 : i32
    %lt3A_16 = vector.broadcast %lt3A : i32 to vector<5056x128xi32>
    %lt3A_17 = arith.cmpi slt, %rem3A_13, %lt3A_16 : vector<5056x128xi32>
    %lt3A_18 = arith.constant 0 : i32
    %lt3A_19 = arith.cmpi slt, %select_n3A, %lt3A_18 : i32
    %ne3A_20 = vector.broadcast %lt3A_19 : i1 to vector<5056x128xi1>
    %ne3A_21 = vector.broadcast %ne3A_20 : vector<5056x128xi1> to vector<5056x128xi1>
    %ne3A_22 = arith.xori %lt3A_17, %ne3A_21 : vector<5056x128xi1>
    %and3A = arith.andi %ne3A_22, %ne3A_15 : vector<5056x128xi1>
    %add3A_23 = vector.broadcast %select_n3A : i32 to vector<5056x128xi32>
    %add3A_24 = arith.addi %rem3A_13, %add3A_23 : vector<5056x128xi32>
    %select_n3A_25 = arith.select %and3A, %add3A_24, %rem3A_13 : vector<5056x128xi1>, vector<5056x128xi32>
    %iota3A_26 = tpu.iota {dimensions = array<i32: 1>} : vector<5056x128xi32>
    %mul3A = arith.constant 32 : i32
    %mul3A_27 = vector.broadcast %mul3A : i32 to vector<5056x128xi32>
    %mul3A_28 = arith.muli %mul3A_27, %select_n3A_25 : vector<5056x128xi32>
    %eq3A_29 = arith.cmpi eq, %iota3A_26, %mul3A_28 : vector<5056x128xi32>
    %jit3A_30 = arith.constant 0.000000e+00 : f32
    %broadcast_in_dim3A_31 = vector.broadcast %jit3A_30 : f32 to vector<5056x128xf32>
    %select_n3A_32 = arith.select %eq3A_29, %reshape3A, %broadcast_in_dim3A_31 : vector<5056x128xi1>, vector<5056x128xf32>
    %reduce_sum3A = arith.constant dense<0.000000e+00> : vector<5056xf32>
    %reduce_sum3A_33 = vector.multi_reduction <add>, %select_n3A_32, %reduce_sum3A [1] : vector<5056x128xf32> to vector<5056xf32>
    %broadcast_in_dim3A_34 = vector.shape_cast %reduce_sum3A_33 : vector<5056xf32> to vector<5056x1xf32>
    %mul3A_35 = arith.constant 32 : i32
    %mul3A_36 = vector.broadcast %mul3A_35 : i32 to vector<5056x128xi32>
    %mul3A_37 = arith.muli %mul3A_36, %select_n3A_25 : vector<5056x128xi32>
    %add3A_38 = arith.constant 16 : i32
    %add3A_39 = vector.broadcast %add3A_38 : i32 to vector<5056x128xi32>
    %add3A_40 = arith.addi %mul3A_37, %add3A_39 : vector<5056x128xi32>
    %eq3A_41 = arith.cmpi eq, %iota3A_26, %add3A_40 : vector<5056x128xi32>
    %jit3A_42 = arith.constant 0.000000e+00 : f32
    %broadcast_in_dim3A_43 = vector.broadcast %jit3A_42 : f32 to vector<5056x128xf32>
    %select_n3A_44 = arith.select %eq3A_41, %reshape3A, %broadcast_in_dim3A_43 : vector<5056x128xi1>, vector<5056x128xf32>
    %reduce_sum3A_45 = arith.constant dense<0.000000e+00> : vector<5056xf32>
    %reduce_sum3A_46 = vector.multi_reduction <add>, %select_n3A_44, %reduce_sum3A_45 [1] : vector<5056x128xf32> to vector<5056xf32>
    %broadcast_in_dim3A_47 = vector.shape_cast %reduce_sum3A_46 : vector<5056xf32> to vector<5056x1xf32>
    %add3A_48 = arith.constant 1.000000e+00 : f32
    %add3A_49 = vector.broadcast %add3A_48 : f32 to vector<5056x1xf32>
    %add3A_50 = arith.addf %broadcast_in_dim3A_34, %add3A_49 : vector<5056x1xf32>
    %rsqrt3A = math.rsqrt %add3A_50 : vector<5056x1xf32>
    %add3A_51 = arith.constant 1.000000e+00 : f32
    %add3A_52 = vector.broadcast %add3A_51 : f32 to vector<5056x1xf32>
    %add3A_53 = arith.addf %broadcast_in_dim3A_47, %add3A_52 : vector<5056x1xf32>
    %rsqrt3A_54 = math.rsqrt %add3A_53 : vector<5056x1xf32>
    %lt3A_55 = arith.constant 64 : i32
    %lt3A_56 = vector.broadcast %lt3A_55 : i32 to vector<5056x128xi32>
    %lt3A_57 = arith.cmpi slt, %iota3A_26, %lt3A_56 : vector<5056x128xi32>
    %broadcast_in_dim3A_58 = vector.shape_cast %rsqrt3A : vector<5056x1xf32> to vector<5056x1xf32>
    %broadcast_in_dim3A_59 = vector.broadcast %broadcast_in_dim3A_58 : vector<5056x1xf32> to vector<5056x128xf32>
    %broadcast_in_dim3A_60 = vector.shape_cast %rsqrt3A_54 : vector<5056x1xf32> to vector<5056x1xf32>
    %broadcast_in_dim3A_61 = vector.broadcast %broadcast_in_dim3A_60 : vector<5056x1xf32> to vector<5056x128xf32>
    %select_n3A_62 = arith.select %lt3A_57, %broadcast_in_dim3A_59, %broadcast_in_dim3A_61 : vector<5056x128xi1>, vector<5056x128xf32>
    %get3A_63 = arith.constant 0 : index
    %get3A_64 = arith.constant 0 : index
    %get3A_65 = arith.constant 0 : index
    %get3A_66 = vector.load %arg0[%get3A_63, %get3A_64, %get3A_65] : memref<2x5056x128xf32, #tpu.memory_space<vmem>>, vector<1x5056x128xf32>
    %get3A_67 = vector.shape_cast %get3A_66 : vector<1x5056x128xf32> to vector<5056x128xf32>
    %get3A_68 = arith.constant 1 : index
    %get3A_69 = arith.constant 0 : index
    %get3A_70 = arith.constant 0 : index
    %get3A_71 = vector.load %arg0[%get3A_68, %get3A_69, %get3A_70] : memref<2x5056x128xf32, #tpu.memory_space<vmem>>, vector<1x5056x128xf32>
    %get3A_72 = vector.shape_cast %get3A_71 : vector<1x5056x128xf32> to vector<5056x128xf32>
    %add3A_73 = arith.addf %get3A_67, %get3A_72 : vector<5056x128xf32>
    %get3A_74 = arith.constant 0 : index
    %get3A_75 = arith.constant 0 : index
    %get3A_76 = vector.load %arg1[%get3A_74, %get3A_75] : memref<5056x128xf32, #tpu.memory_space<vmem>>, vector<5056x128xf32>
    %add3A_77 = arith.addf %add3A_73, %get3A_76 : vector<5056x128xf32>
    %mul3A_78 = arith.mulf %select_n3A_62, %add3A_77 : vector<5056x128xf32>
    %get3A_79 = arith.constant 0 : index
    %get3A_80 = arith.constant 0 : index
    %get3A_81 = vector.load %arg3[%get3A_79, %get3A_80] : memref<1x128xf32, #tpu.memory_space<vmem>>, vector<1x128xf32>
    %add3A_82 = vector.broadcast %get3A_81 : vector<1x128xf32> to vector<5056x128xf32>
    %add3A_83 = arith.addf %mul3A_78, %add3A_82 : vector<5056x128xf32>
    %max3A = arith.constant 0.000000e+00 : f32
    %max3A_84 = vector.broadcast %max3A : f32 to vector<5056x128xf32>
    %max3A_85 = arith.maximumf %add3A_83, %max3A_84 : vector<5056x128xf32>
    %iota3A_86 = tpu.iota {dimensions = array<i32: 0>} : vector<64x5056xi32>
    %get3A_87 = arith.constant 0 : index
    %get3A_88 = arith.constant 0 : index
    %get3A_89 = vector.load %arg4[%get3A_87, %get3A_88] : memref<1x5056xi32, #tpu.memory_space<vmem>>, vector<1x5056xi32>
    %eq3A_90 = vector.broadcast %get3A_89 : vector<1x5056xi32> to vector<64x5056xi32>
    %eq3A_91 = arith.cmpi eq, %iota3A_86, %eq3A_90 : vector<64x5056xi32>
    %convert_element_type3A = arith.extui %eq3A_91 : vector<64x5056xi1> to vector<64x5056xi32>
    %convert_element_type3A_92 = arith.sitofp %convert_element_type3A : vector<64x5056xi32> to vector<64x5056xf32>
    %get3A_93 = arith.constant 0 : index
    %get3A_94 = arith.constant 0 : index
    %get3A_95 = vector.load %arg5[%get3A_93, %get3A_94] : memref<1x5056xi32, #tpu.memory_space<vmem>>, vector<1x5056xi32>
    %eq3A_96 = vector.broadcast %get3A_95 : vector<1x5056xi32> to vector<64x5056xi32>
    %eq3A_97 = arith.cmpi eq, %iota3A_86, %eq3A_96 : vector<64x5056xi32>
    %convert_element_type3A_98 = arith.extui %eq3A_97 : vector<64x5056xi1> to vector<64x5056xi32>
    %convert_element_type3A_99 = arith.sitofp %convert_element_type3A_98 : vector<64x5056xi32> to vector<64x5056xf32>
    %slice3A = vector.extract_strided_slice %max3A_85 {offsets = [0, 0], sizes = [5056, 64], strides = [1, 1]} : vector<5056x128xf32> to vector<5056x64xf32>
    %dot_general3A = arith.constant dense<0.000000e+00> : vector<64x64xf32>
    %dot_general3A_100 = tpu.matmul %convert_element_type3A_92, %slice3A, %dot_general3A {dimension_numbers = #tpu.dot_dimension_numbers<[1], [0], [0], [1], [0, 0, 1, 1], [], []>, transpose_lhs_hint = false} : vector<64x5056xf32>, vector<5056x64xf32>, vector<64x64xf32> -> vector<64x64xf32>
    %slice3A_101 = vector.extract_strided_slice %max3A_85 {offsets = [0, 64], sizes = [5056, 64], strides = [1, 1]} : vector<5056x128xf32> to vector<5056x64xf32>
    %dot_general3A_102 = arith.constant dense<0.000000e+00> : vector<64x64xf32>
    %dot_general3A_103 = tpu.matmul %convert_element_type3A_99, %slice3A_101, %dot_general3A_102 {dimension_numbers = #tpu.dot_dimension_numbers<[1], [0], [0], [1], [0, 0, 1, 1], [], []>, transpose_lhs_hint = false} : vector<64x5056xf32>, vector<5056x64xf32>, vector<64x64xf32> -> vector<64x64xf32>
    %add3A_104 = arith.addf %dot_general3A_100, %dot_general3A_103 : vector<64x64xf32>
    %reduce_sum3A_105 = arith.constant dense<0.000000e+00> : vector<64xf32>
    %reduce_sum3A_106 = vector.multi_reduction <add>, %convert_element_type3A_92, %reduce_sum3A_105 [1] : vector<64x5056xf32> to vector<64xf32>
    %broadcast_in_dim3A_107 = vector.shape_cast %reduce_sum3A_106 : vector<64xf32> to vector<64x1xf32>
    %reduce_sum3A_108 = arith.constant dense<0.000000e+00> : vector<64xf32>
    %reduce_sum3A_109 = vector.multi_reduction <add>, %convert_element_type3A_99, %reduce_sum3A_108 [1] : vector<64x5056xf32> to vector<64xf32>
    %broadcast_in_dim3A_110 = vector.shape_cast %reduce_sum3A_109 : vector<64xf32> to vector<64x1xf32>
    %add3A_111 = arith.addf %broadcast_in_dim3A_107, %broadcast_in_dim3A_110 : vector<64x1xf32>
    %max3A_112 = arith.constant 1.000000e+00 : f32
    %max3A_113 = vector.broadcast %max3A_112 : f32 to vector<64x1xf32>
    %max3A_114 = arith.maximumf %add3A_111, %max3A_113 : vector<64x1xf32>
    %div3A = vector.broadcast %max3A_114 : vector<64x1xf32> to vector<64x64xf32>
    %div3A_115 = arith.divf %add3A_104, %div3A : vector<64x64xf32>
    %get3A_116 = arith.constant 0 : index
    %get3A_117 = arith.constant 0 : index
    %get3A_118 = vector.load %arg6[%get3A_116, %get3A_117] : memref<64x2xf32, #tpu.memory_space<vmem>>, vector<64x2xf32>
    %dot_general3A_119 = arith.constant dense<0.000000e+00> : vector<64x2xf32>
    %dot_general3A_120 = tpu.matmul %div3A_115, %get3A_118, %dot_general3A_119 {dimension_numbers = #tpu.dot_dimension_numbers<[1], [0], [0], [1], [0, 0, 1, 1], [], []>, transpose_lhs_hint = false} : vector<64x64xf32>, vector<64x2xf32>, vector<64x2xf32> -> vector<64x2xf32>
    %get3A_121 = arith.constant 0 : index
    %get3A_122 = arith.constant 0 : index
    %get3A_123 = vector.load %arg7[%get3A_121, %get3A_122] : memref<1x2xf32, #tpu.memory_space<vmem>>, vector<1x2xf32>
    %add3A_124 = vector.broadcast %get3A_123 : vector<1x2xf32> to vector<64x2xf32>
    %add3A_125 = arith.addf %dot_general3A_120, %add3A_124 : vector<64x2xf32>
    %swap3A = arith.constant 0 : index
    %swap3A_126 = arith.constant 0 : index
    %swap3A_127 = vector.load %arg8[%swap3A, %swap3A_126] : memref<64x2xf32, #tpu.memory_space<vmem>>, vector<64x2xf32>
    tpu.vector_store %arg8[%swap3A, %swap3A_126], %add3A_125 {strides = array<i32>} : memref<64x2xf32, #tpu.memory_space<vmem>>, vector<64x2xf32>,
    return
  }
}

</mosaic_0001>

<sc_bundles>
// kernel: kernel.11.cloned.1.call-start
scs
__scs_entry_jumppad:
0x0: {  	(pc) =	sbr.rel $0x88, $3  }
0x1: {  	(tag) =	ssettag $0x0;
	lr =	simm.s32 $0x1  }
0x2: {  	[smem:$0x3F98] =	sst lr;
	_ =	strace $0xD0000000  }
0x3: {  	_ = 	snop  }
0x4: {  	_ = 	snop  }
0x5: {  	_ = 	snop  }
0x6: {  	_ = 	snop  }
0x7: {  	_ = 	snop  }
__scs_overlays_trampoline_lowered:
0x8: {  	[smem:$0x3FA7] =	sst s0  }
0x9: {  	[smem:$0x3FA8] =	sst s1  }
0xa: {  	[smem:$0x3FA9] =	sst s2  }
0xb: {  	[smem:$0x3FAA] =	sst s3  }
0xc: {  	[smem:$0x3FAB] =	sst s4  }
0xd: {  	[smem:$0x3FAC] =	sst s5  }
0xe: {  	[smem:$0x3FAD] =	sst s6  }
0xf: {  	[smem:$0x3FAE] =	sst s7  }
0x10: {  	[smem:$0x3FAF] =	sst s8  }
0x11: {  	[smem:$0x3FB0] =	sst s9;
	s0 =	simm.s32 @!p0 $0x0  }
0x12: {  	s1 =	sld [smem:$0x3F96];
	s0 =	simm.s32 @p0 $0x1  }
0x13: {  	[smem:$0x3FB1] =	sst s0;
	s0 =	simm.s32 @!p1 $0x0  }
0x14: {  	s2 =	sld [smem:$0x3F95];
	s0 =	simm.s32 @p1 $0x1  }
0x15: {  	[smem:$0x3FB2] =	sst s0;
	s0 =	simm.s32 @!p2 $0x0  }
0x16: {  	s3 =	sld [smem:$0x3FDB];
	s0 =	simm.s32 @p2 $0x1  }
0x17: {  	s4 =	simm.s32 $0x1BF5;
	[smem:$0x3FB4] =	sst s0  }
0x18: {  	s0 =	sld [smem:$0x3F97];
	_ =	swait.ge [sflag:s4], $0x0  }
0x19: {  	s7 =	sld [smem:$0x3F98]  }
0x1a: {  	s8 =	sadd.s32 $0xFFFFE003, lr  }
0x1b: {  	s9 =	sadd.s32 $0xFFFFFEF7, lr;
	s5 =	simm.s32 $0xFFFFFFFF;
	p2 =	slt.u32 s8, $0xFFFFF086  }
0x1c: {  	p1 =	slt.u32 s9, $0xF7A;
	s5 =	simm.s32 @!p2 $0x0  }
0x1d: {  	s5 =	simm.s32 @p1 $0x1;
	p0 =	seq.s32 s7, s2  }
0x1e: {  	s7 =	smul.u32 @!p0 $0xF7A, s2;
	p2 =	seq.s32 @!p0 s5, $0x0  }
0x1f: {  	s9 =	smul.u32 $0xF7A, s1;
	s8 =	simm.s32 @!p0 $0x1BF5;
	p2 =	por !p2, p0  }
0x20: {  	[sflag:s8] =	ssyncset.s32 @!p0 $0xFFFFF086;
	s6 =	sadd.s32 @!p0 s3, s7;
	s7 =	simm.s32 @!p0 $0x108  }
0x21: {  	s3 =	sadd.s32 s3, s9;
	s6 =	sadd.s32 @!p0 $0x88, s6;
	s7 =	simm.s32 @p2 $0x1082  }
0x22: {  	[simem:s7], [sflag:s8] =	dma.local @!p0 [hbm:s6], $0xF7A  }
0x23: {  	s9 =	sor.u32 $0xD0000000, s2;
	s6 =	simm.s32 $0x108;
	_ =	swait.ge @!p0 [sflag:s8], $0x0  }
0x24: {  	s3 =	sadd.s32 $0x88, s3;
	s6 =	simm.s32 @!p1 $0x1082;
	[sflag:s4] =	ssyncset.s32 $0xFFFFF086  }
0x25: {  	[simem:s6], [sflag:s4] =	dma.local [hbm:s3], $0xF7A  }
0x26: {  	[smem:$0x3F98] =	sst s1;
	(tag) =	ssettag s2;
	_ =	strace s9  }
0x27: {  	s1 =	sld [smem:$0x3FA8]  }
0x28: {  	s2 =	sld [smem:$0x3FA9]  }
0x29: {  	s4 =	sld [smem:$0x3FAB]  }
0x2a: {  	p0 =	seq.s32 s5, $0x0;
	s5 =	sld [smem:$0x3FAC]  }
0x2b: {  	s6 =	sld [smem:$0x3FAD]  }
0x2c: {  	s7 =	sld [smem:$0x3FAE]  }
0x2d: {  	s3 =	simm.s32 $0x108;
	s8 =	sld [smem:$0x3FAF]  }
0x2e: {  	s3 =	simm.s32 @!p0 $0x1082;
	s9 =	sld [smem:$0x3FB0]  }
0x2f: {  	lr =	sadd.s32 s0, s3;
	s0 =	sld [smem:$0x3FA7]  }
0x30: {  	s3 =	sld [smem:$0x3FAA]  }
0x31: {  	[smem:$0x3FB3] =	sst s10  }
0x32: {  	s10 =	sld [smem:$0x3FB1];
	_ =	sdelay $0x3  }
0x33: {  	p0 =	seq.s32 s10, $0x1;
	s10 =	sld [smem:$0x3FB3];
	_ =	sdelay $0x3  }
0x34: {  	[smem:$0x3FB3] =	sst s10  }
0x35: {  	s10 =	sld [smem:$0x3FB2];
	_ =	sdelay $0x3  }
0x36: {  	p1 =	seq.s32 s10, $0x1;
	s10 =	sld [smem:$0x3FB3];
	_ =	sdelay $0x3  }
0x37: {  	[smem:$0x3FB3] =	sst s10  }
0x38: {  	s10 =	sld [smem:$0x3FB4]  }
0x39: {  	_ = 	snop;
	(pc) =	sbr.ind lr, $3  }
0x3a: {  	_ = 	snop  }
0x3b: {  	_ = 	snop  }
0x3c: {  	p2 =	seq.s32 s10, $0x1;
	s10 =	sld [smem:$0x3FB3]  }
0x3d: {  	_ =	shalt  }
0x3e: {  	_ =	shalt  }
0x3f: {  	_ =	shalt  }
0x40: {  	_ =	shalt  }
0x41: {  	_ =	shalt  }
0x42: {  	_ =	shalt  }
0x43: {  	_ =	shalt  }
0x44: {  	_ =	shalt  }
0x45: {  	_ =	shalt  }
0x46: {  	_ =	shalt  }
0x47: {  	_ =	shalt  }
0x48: {  	_ =	shalt  }
0x49: {  	_ =	shalt  }
0x4a: {  	_ =	shalt  }
0x4b: {  	_ =	shalt  }
0x4c: {  	_ =	shalt  }
0x4d: {  	_ =	shalt  }
0x4e: {  	_ =	shalt  }
0x4f: {  	_ =	shalt  }
0x50: {  	_ =	shalt  }
0x51: {  	_ =	shalt  }
0x52: {  	_ =	shalt  }
0x53: {  	_ =	shalt  }
0x54: {  	_ =	shalt  }
0x55: {  	_ =	shalt  }
0x56: {  	_ =	shalt  }
0x57: {  	_ =	shalt  }
0x58: {  	_ =	shalt  }
0x59: {  	_ =	shalt  }
0x5a: {  	_ =	shalt  }
0x5b: {  	_ =	shalt  }
0x5c: {  	_ =	shalt  }
0x5d: {  	_ =	shalt  }
0x5e: {  	_ =	shalt  }
0x5f: {  	_ =	shalt  }
0x60: {  	_ =	shalt  }
0x61: {  	_ =	shalt  }
0x62: {  	_ =	shalt  }
0x63: {  	_ =	shalt  }
0x64: {  	_ =	shalt  }
0x65: {  	_ =	shalt  }
0x66: {  	_ =	shalt  }
0x67: {  	_ =	shalt  }
0x68: {  	_ =	shalt  }
0x69: {  	_ =	shalt  }
0x6a: {  	_ =	shalt  }
0x6b: {  	_ =	shalt  }
0x6c: {  	_ =	shalt  }
0x6d: {  	_ =	shalt  }
0x6e: {  	_ =	shalt  }
0x6f: {  	_ =	shalt  }
0x70: {  	_ =	shalt  }
0x71: {  	_ =	shalt  }
0x72: {  	_ =	shalt  }
0x73: {  	_ =	shalt  }
0x74: {  	_ =	shalt  }
0x75: {  	_ =	shalt  }
0x76: {  	_ =	shalt  }
0x77: {  	_ =	shalt  }
0x78: {  	_ =	shalt  }
0x79: {  	_ =	shalt  }
0x7a: {  	_ =	shalt  }
0x7b: {  	_ =	shalt  }
0x7c: {  	_ =	shalt  }
0x7d: {  	_ =	shalt  }
0x7e: {  	_ =	shalt  }
0x7f: {  	_ =	shalt  }
0x80: {  	_ =	shalt  }
0x81: {  	_ =	shalt  }
0x82: {  	_ =	shalt  }
0x83: {  	_ =	shalt  }
0x84: {  	_ =	shalt  }
0x85: {  	_ =	shalt  }
0x86: {  	_ =	shalt  }
0x87: {  	_ =	shalt  }
.Lfunc_end0:
.L_simem_size_0:
called_computation.1_lowered:
.L_overlay_start_0:
0x88: {  	s2 =	sld [smem:$0x3FD9]  }
0x89: {  	s3 =	sld [smem:$0x3FFE];
	_ =	sdelay $0x1  }
0x8a: {  	s1 =	srdreg.scid  }
0x8b: {  	s0 =	sand.u32 $0x1, s1  }
0x8c: {  	s16 =	sshll.u32 s0, $0xA;
	s2 =	sadd.s32 s3, s2  }
0x8d: {  	s2 =	sadd.s32 s2, s16  }
0x8e: {  	[smem:$0x3FBF] =	sst s2  }
0x8f: {  	_ = 	snop  }
0x90: {  	(tm) =	ssettm $0x1  }
0x91: {  	s17 =	sld [smem:$0x3FFB];
	_ =	sdelay $0x3  }
0x92: {  	_ =	strace s17  }
0x93: {  	s2 =	sld [smem:$0x3FFC];
	_ =	sdelay $0x3  }
0x94: {  	_ =	strace s2  }
0x95: {  	s2 =	sld [smem:$0x3FFD];
	_ =	sdelay $0x3  }
0x96: {  	_ =	strace s2  }
0x97: {  	_ =	strace $0x8FFFFFFF  }
0x98: {  	s18 =	sld [smem:$0x3FDB];
	_ =	sdelay $0x1  }
0x99: {  	s19 =	simm.s32 $_scs_section_size  }
0x9a: {  	s4 =	simm.s32 $_size__tile_overlayer_lowered;
	s5 =	simm.s32 $_tile_overlayer_lowered  }
0x9b: {  	s22 =	simm.s32 $0x1BFF;
	s21 =	sshll.u32 s5, $0x1;
	s2 =	sadd.s32 s19, s18  }
0x9c: {  	s6 =	simm.s32 $0x0;
	s20 =	sshll.u32 s4, $0x1;
	s4 =	sadd.s32 s21, s2  }
0x9d: {  	[timem:s6], [sflag:s22] =	dma.local [hbm:s4], s20  }
0x9e: {  	_ =	swait.ge [sflag:s22], s20  }
0x9f: {  	s3 =	ssub.s32 $0x0, s20;
	[sflag:s22] =	ssyncset.done $0x0  }
0xa0: {  	[sflag:s22] =	ssyncadd.s32 s3;
	_ =	sdelay $0x1  }
0xa1: {  	s23 =	simm.s32 $0x1B8B  }
0xa2: {  	_ =	swait.ge [sflag:s23], $0x1  }
0xa3: {  	[sflag:s23] =	ssyncset.done $0x0  }
0xa4: {  	s25 =	simm.s32 $0x1B8E;
	s24 =	sld [smem:$0x3FFE];
	[sflag:s23] =	ssyncadd.s32 $0xFFFFFFFF  }
0xa5: {  	s26 =	simm.s32 $execute0_lowered;
	[smem:$0x3FD2] =	sst s25  }
0xa6: {  	s4 =	sshll.u32 s26, $0x1;
	_ =	strace $0x80000049;
	[dreg:$0x1] =	wrdreg $0xFFFFFFFF  }
0xa7: {  	s28 =	simm.s32 $_size_execute0_lowered;
	s2 =	sadd.s32 s2, s4;
	[dreg:$0x0] =	wrdreg $0x0  }
0xa8: {  	s4 =	sshll.u32 s28, $0x1;
	[dreg:$0x2] =	wrdreg s2  }
0xa9: {  	[dreg:$0x3] =	wrdreg s4  }
0xaa: {  	[dreg:$0x4] =	wrdreg $0xC0  }
0xab: {  	_ =	task [dreg:s6], $0x5FFFF  }
0xac: {  	[dreg:$0x1] =	wrdreg $0xFFFFFFFF  }
0xad: {  	[dreg:$0x0] =	wrdreg $0x60  }
0xae: {  	[dreg:$0x2] =	wrdreg s24  }
0xaf: {  	[dreg:$0x3] =	wrdreg $0x150000  }
0xb0: {  	[dreg:$0x4] =	wrdreg $0x9  }
0xb1: {  	_ =	task.clear_ibuf [dreg:s6], $0x5FFFF;
	_ =	strace $0x90000049  }
0xb2: {  	s29 =	simm.s32 $0x9;
	_ =	strace $0x8000004B  }
0xb3: {  	_ =	swait.ge [sflag:s29], $0x1  }
0xb4: {  	[sflag:s29] =	ssyncadd.s32 $0xFFFFFFFF  }
0xb5: {  	_ =	strace $0x9000004B  }
0xb6: {  	_ =	sfence  }
0xb7: {  	s30 =	sld [smem:$0x0];
	_ =	sdelay $0x2  }
0xb8: {  	s31 =	sshll.u32 s1, $0xD;
	s1 =	sshrl.u32 s1, $0x2  }
0xb9: {  	s3 =	sand.u32 $0x4000, s31;
	s1 =	sadd.s32 s1, s30  }
0xba: {  	s0 =	sor.u32 s3, s0;
	s1 =	sshll.u32 s1, $0x11  }
0xbb: {  	s0 =	sor.u32 s1, s0  }
0xbc: {  	s0 =	sadd.s32 $0x8F2B, s0  }
0xbd: {  	[sflag:s0] =	ssyncadd.remote.s32 $0x1  }
0xbe: {  	_ =	sfence.sel $0xFFFF  }
0xbf: {  	[dreg:$0x0] =	wrdreg $0xFFFFFFFF;
	(pc) =	sbr.abs _section_cstart, $3  }
0xc0: {  	[dreg:$0x1] =	wrdreg $0xFFFFFFFF  }
0xc1: {  	_ =	task.clear_ibuf [dreg:s6], $0x2FFFF;
	_ =	strace $0x9FFFFFFF  }
0xc2: {  	(tm) =	ssettm $0x7FFFFFFF  }
0xc3: {  	_ =	shalt  }
tec
execute0_lowered:
.L_overlay_start_1:
0x0: {  	(tag) =	ssettag $0x1  }
0x1: {  	s0 =	srdreg.scid;
	s3 =	rddreg [dreg:$0x0]  }
0x2: {  	s9 =	stileid.u32;
	s2 =	rddreg [dreg:$0x1]  }
0x3: {  	s4 =	simm.s32 $0x0;
	s14 =	simm.s32 $0x80;
	s15 =	simm.s32 $0x5000  }
0x4: {  	s16 =	simm.s32 $0x7000;
	s18 =	simm.s32 $0x9000;
	s20 =	simm.s32 $0xB000  }
0x5: {  	s25 =	simm.s32 $0xD000;
	s21 =	simm.s32 $0x1;
	s26 =	simm.s32 $0x11000  }
0x6: {  	s28 =	simm.s32 $0x9;
	s29 =	simm.s32 $0x6;
	s30 =	simm.s32 $0xB  }
0x7: {  	s31 =	simm.s32 $0x8;
	s0 =	sand.u32 $0x1, s0;
	s5 =	smul.u32 $0x9E00, s9  }
0x8: {  	[smem:$0x7FF] =	sst s4;
	s4 =	sadd.s32 $0x16A00, s3;
	s22 =	sshll.u32 s9, $0x6  }
0x9: {  	s1 =	sshll.u32 s0, $0x4;
	_ =	strace $0x8000004A;
	[dreg:$0x3] =	wrdreg s25  }
0xa: {  	s6 =	smul.u32 $0x9E000, s0;
	s0 =	ssub.s32 $0x2, s0;
	[dreg:$0x4] =	wrdreg s26  }
0xb: {  	s25 =	simm.s32 $0x13000;
	s26 =	simm.s32 $0x4;
	s7 =	sshrl.u32 s5, $0x3  }
0xc: {  	s1 =	sor.u32 s9, s1;
	s8 =	sshrl.u32 s0, $0x1;
	s7 =	sadd.s32 s7, s3  }
0xd: {  	s1 =	smul.u32 $0x2710, s1;
	s0 =	ssub.s32 s0, s8;
	s7 =	sadd.s32 $0x2A600, s7  }
0xe: {  	s6 =	sadd.s32 s5, s6;
	s0 =	smax.u32 s0, $0x1;
	[dreg:$0x5] =	wrdreg s7  }
0xf: {  	s6 =	sshrl.u32 s6, $0x3;
	s1 =	sshrl.u32 s1, $0x3;
	[dreg:$0xa] =	wrdreg s0  }
0x10: {  	s1 =	sadd.s32 s1, s3;
	s3 =	sadd.s32 s6, s3;
	s6 =	sor.u32 $0x1C11, s22  }
0x11: {  	s5 =	sadd.s32 s5, s2;
	s23 =	sadd.s32 $0x3000, s1;
	[dreg:$0x6] =	wrdreg s6  }
0x12: {  	v6 =	vlaneseq.u32;
	s22 =	simm.s32 $0xF000;
	s1 =	sadd.s32 $0xCC40, s1;
	[dreg:$0x7] =	wrdreg s23  }
0x13: {  	v0 =	vor.u32 $0x2710, v6;
	s24 =	sadd.s32 $0x3E200, s3;
	s3 =	simm.s32 $0x11;
	[dreg:$0x8] =	wrdreg s1  }
0x14: {  	v1 =	vor.u32 $0x2720, v6;
	v2 =	vor.u32 $0x2730, v6;
	v3 =	vor.u32 $0x2740, v6;
	[dreg:$0x9] =	wrdreg s24;
	s1 =	sshrl.u32 s5, $0x3;
	s23 =	simm.s32 $0x2  }
0x15: {  	v4 =	vor.u32 $0x2750, v6;
	v5 =	vor.u32 $0x2760, v6;
	v6 =	vor.u32 $0x2770, v6;
	s24 =	simm.s32 $0x3;
	s5 =	simm.s32 $0x0;
	[dreg:$0xb] =	wrdreg s1  }
.LBB2_1:
0x16: {  	[dreg:$0xc] =	wrdreg s5  }
0x17: {  	s0 =	rddreg [dreg:$0x5]  }
0x18: {  	[spmem:s1], [sflag:s6] =	dma.local [hbm:s0], $0x13C0  }
0x19: {  	_ =	swait.ge [sflag:s3], $0x13C0  }
0x1a: {  	[sflag:s3] =	ssyncset.done $0x0  }
0x1b: {  	s12 =	simm.s32 $0x0;
	s13 =	rddreg [dreg:$0x7];
	[sflag:s3] =	ssyncadd.s32 $0xFFFFEC40  }
0x1c: {  	[tilespmem:s12], [sflag:$0x11] =	stream.linear.gather [hbm4b:s13+s12], $0x2710, $0x38;
	[tilespmem:$0x1EE00] =	vst v63  }
0x1d: {  	_ =	swait.ge [sflag:s3], $0x2710  }
0x1e: {  	[sflag:s3] =	ssyncset.done $0x0  }
0x1f: {  	s19 =	simm.s32 $0x2800;
	s17 =	rddreg [dreg:$0x8];
	[sflag:s3] =	ssyncadd.s32 $0xFFFFD8F0  }
0x20: {  	[tilespmem:s19], [sflag:$0x11] =	stream.linear.gather [hbm4b:s17+s12], $0x2710, $0x38;
	[tilespmem:$0x1EE00] =	vst v63  }
0x21: {  	_ =	swait.ge [sflag:s3], $0x2710  }
0x22: {  	[sflag:s3] =	ssyncset.done $0x0  }
0x23: {  	[sflag:s3] =	ssyncadd.s32 $0xFFFFD8F0  }
0x24: {  	[tilespmem:$0x2710] =	vst v0  }
0x25: {  	[tilespmem:$0x2720] =	vst v1  }
0x26: {  	[tilespmem:$0x2730] =	vst v2  }
0x27: {  	[tilespmem:$0x2740] =	vst v3  }
0x28: {  	[tilespmem:$0x2750] =	vst v4  }
0x29: {  	[tilespmem:$0x2760] =	vst v5  }
0x2a: {  	[tilespmem:$0x2770] =	vst v6  }
0x2b: {  	[tilespmem:$0x2780] =	vst v0  }
0x2c: {  	[tilespmem:$0x2790] =	vst v1  }
0x2d: {  	[tilespmem:$0x27A0] =	vst v2  }
0x2e: {  	[tilespmem:$0x27B0] =	vst v3  }
0x2f: {  	[tilespmem:$0x27C0] =	vst v4  }
0x30: {  	[tilespmem:$0x27D0] =	vst v5  }
0x31: {  	[tilespmem:$0x27E0] =	vst v6  }
0x32: {  	[tilespmem:$0x27F0] =	vst v0  }
0x33: {  	[tilespmem:$0x4F10] =	vst v0  }
0x34: {  	[tilespmem:$0x4F20] =	vst v1  }
0x35: {  	[tilespmem:$0x4F30] =	vst v2  }
0x36: {  	[tilespmem:$0x4F40] =	vst v3  }
0x37: {  	[tilespmem:$0x4F50] =	vst v4  }
0x38: {  	[tilespmem:$0x4F60] =	vst v5  }
0x39: {  	[tilespmem:$0x4F70] =	vst v6  }
0x3a: {  	[tilespmem:$0x4F80] =	vst v0  }
0x3b: {  	[tilespmem:$0x4F90] =	vst v1  }
0x3c: {  	[tilespmem:$0x4FA0] =	vst v2  }
0x3d: {  	[tilespmem:$0x4FB0] =	vst v3  }
0x3e: {  	[tilespmem:$0x4FC0] =	vst v4  }
0x3f: {  	[tilespmem:$0x4FD0] =	vst v5  }
0x40: {  	[tilespmem:$0x4FE0] =	vst v6  }
0x41: {  	[tilespmem:$0x4FF0] =	vst v0  }
0x42: {  	[bflag:$0x0] =	sbarrier.arrive $0xFFFF  }
0x43: {  	[tilespmem:s15], [sflag:$0x1] =	stream.indirect.gather [hbm4b:s4+s14], $0x40, s12, s14, $0xb8;
	[tilespmem:$0x1EE00] =	vst v63  }
0x44: {  	_ = 	snop  }
0x45: {  	[tilespmem:s16], [sflag:$0x2] =	stream.indirect.gather [hbm4b:s4+s14], $0x40, s14, s14, $0xb8;
	[tilespmem:$0x1EE00] =	vst v63  }
0x46: {  	p0 =	por $0x1, $0x1;
	s1 =	simm.s32 $0x100  }
0x47: {  	[tilespmem:s18], [sflag:$0x3] =	stream.indirect.gather [hbm4b:s4+s14], $0x40, s1, s14, $0xb8;
	[tilespmem:$0x1EE00] =	vst v63  }
0x48: {  	s0 =	simm.s32 @!p0 $0xD;
	s3 =	simm.s32 $0x180  }
0x49: {  	[tilespmem:s20], [sflag:$0x4] =	stream.indirect.gather [hbm4b:s4+s14], $0x40, s3, s14, $0xb8;
	[tilespmem:$0x1EE00] =	vst v63  }
0x4a: {  	_ =	swait.ge @!p0 [sflag:s0], $0x2000  }
0x4b: {  	[sflag:s0] =	ssyncset.done @!p0 $0x0  }
0x4c: {  	s6 =	simm.s32 $0x200;
	s5 =	rddreg [dreg:$0x3];
	[sflag:s0] =	ssyncadd.s32 @!p0 $0xFFFFE000  }
0x4d: {  	[tilespmem:s5], [sflag:$0x5] =	stream.indirect.gather [hbm4b:s4+s14], $0x40, s6, s14, $0xb8;
	[tilespmem:$0x1EE00] =	vst v63  }
0x4e: {  	_ =	swait.ge [sflag:s21], $0x2000  }
0x4f: {  	[sflag:s21] =	ssyncset.done $0x0  }
0x50: {  	s7 =	simm.s32 $0x2800;
	s1 =	simm.s32 @!p0 $0xE;
	[sflag:s21] =	ssyncadd.s32 $0xFFFFE000  }
0x51: {  	[spmem:s2] =	stream.indirect.scatter.add.f32 [tilespmem:s15], [sflag:$0x9], $0x40, s7, s14, $0xb8;
	[tilespmem:$0x1EE00] =	vst v63  }
0x52: {  	_ =	swait.ge @!p0 [sflag:s1], $0x2000  }
0x53: {  	[sflag:s1] =	ssyncset.done @!p0 $0x0  }
0x54: {  	s8 =	simm.s32 $0x280;
	[sflag:s1] =	ssyncadd.s32 @!p0 $0xFFFFE000  }
0x55: {  	[tilespmem:s22], [sflag:$0x6] =	stream.indirect.gather [hbm4b:s4+s14], $0x40, s8, s14, $0xb8;
	[tilespmem:$0x1EE00] =	vst v63  }
0x56: {  	_ =	swait.ge [sflag:s23], $0x2000  }
0x57: {  	[sflag:s23] =	ssyncset.done $0x0  }
0x58: {  	s9 =	simm.s32 $0x2880;
	s1 =	simm.s32 @!p0 $0xF;
	[sflag:s23] =	ssyncadd.s32 $0xFFFFE000  }
0x59: {  	[spmem:s2] =	stream.indirect.scatter.add.f32 [tilespmem:s16], [sflag:$0xA], $0x40, s9, s14, $0xb8;
	[tilespmem:$0x1EE00] =	vst v63  }
0x5a: {  	_ =	swait.ge @!p0 [sflag:s1], $0x2000  }
0x5b: {  	[sflag:s1] =	ssyncset.done @!p0 $0x0  }
0x5c: {  	s11 =	simm.s32 $0x300;
	s10 =	rddreg [dreg:$0x4];
	[sflag:s1] =	ssyncadd.s32 @!p0 $0xFFFFE000  }
0x5d: {  	[tilespmem:s10], [sflag:$0x7] =	stream.indirect.gather [hbm4b:s4+s14], $0x40, s11, s14, $0xb8;
	[tilespmem:$0x1EE00] =	vst v63  }
0x5e: {  	_ =	swait.ge [sflag:s24], $0x2000  }
0x5f: {  	[sflag:s24] =	ssyncset.done $0x0  }
0x60: {  	s12 =	simm.s32 $0x2900;
	s1 =	simm.s32 @!p0 $0x10;
	[sflag:s24] =	ssyncadd.s32 $0xFFFFE000  }
0x61: {  	[spmem:s2] =	stream.indirect.scatter.add.f32 [tilespmem:s18], [sflag:$0xB], $0x40, s12, s14, $0xb8;
	[tilespmem:$0x1EE00] =	vst v63  }
0x62: {  	_ =	swait.ge @!p0 [sflag:s1], $0x2000  }
0x63: {  	[sflag:s1] =	ssyncset.done @!p0 $0x0  }
0x64: {  	s13 =	simm.s32 $0x380;
	[sflag:s1] =	ssyncadd.s32 @!p0 $0xFFFFE000  }
0x65: {  	[tilespmem:s25], [sflag:$0x8] =	stream.indirect.gather [hbm4b:s4+s14], $0x40, s13, s14, $0xb8;
	[tilespmem:$0x1EE00] =	vst v63  }
0x66: {  	_ =	swait.ge [sflag:s26], $0x2000  }
0x67: {  	[sflag:s26] =	ssyncset.done $0x0  }
0x68: {  	s17 =	simm.s32 $0x2980;
	[sflag:s26] =	ssyncadd.s32 $0xFFFFE000  }
0x69: {  	[spmem:s2] =	stream.indirect.scatter.add.f32 [tilespmem:s20], [sflag:$0xC], $0x40, s17, s14, $0xb8;
	[tilespmem:$0x1EE00] =	vst v63  }
0x6a: {  	_ =	swait.ge [sflag:s28], $0x2000  }
0x6b: {  	p0 =	por $0x0, $0x0;
	[sflag:s28] =	ssyncset.done $0x0  }
0x6c: {  	s0 =	simm.s32 @p0 $0x5;
	[sflag:s28] =	ssyncadd.s32 $0xFFFFE000  }
0x6d: {  	_ =	swait.ge @p0 [sflag:s0], $0x2000  }
0x6e: {  	s1 =	simm.s32 @p0 $0x2A00;
	s3 =	simm.s32 @p0 $0xA;
	[sflag:s0] =	ssyncset.done @p0 $0x0  }
0x6f: {  	s5 =	simm.s32 @p0 $0xD000;
	[sflag:s0] =	ssyncadd.s32 @p0 $0xFFFFE000;
	s0 =	simm.s32 @p0 $0x80  }
0x70: {  	[spmem:s2] =	stream.indirect.scatter.add.f32 @p0 [tilespmem:s5], [sflag:$0xD], $0x40, s1, s0, $0xb8;
	[tilespmem:$0x1EE00] =	vst v63  }
0x71: {  	_ =	swait.ge @p0 [sflag:s3], $0x2000  }
0x72: {  	s1 =	simm.s32 @!p0 $0x400;
	[sflag:s3] =	ssyncset.done @p0 $0x0  }
0x73: {  	s5 =	simm.s32 @!p0 $0x5000;
	[sflag:s3] =	ssyncadd.s32 @p0 $0xFFFFE000;
	s3 =	simm.s32 @!p0 $0x80  }
0x74: {  	[tilespmem:s5], [sflag:$0x1] =	stream.indirect.gather @!p0 [hbm4b:s4+s3], $0x40, s1, s3, $0xb8;
	[tilespmem:$0x1EE00] =	vst v63  }
0x75: {  	s1 =	simm.s32 @!p0 $0x5  }
0x76: {  	_ =	swait.ge @!p0 [sflag:s1], $0x2000  }
0x77: {  	[sflag:s1] =	ssyncset.done @!p0 $0x0  }
0x78: {  	s5 =	simm.s32 @!p0 $0x2A00;
	[sflag:s1] =	ssyncadd.s32 @!p0 $0xFFFFE000;
	s1 =	simm.s32 @!p0 $0xD000  }
0x79: {  	[spmem:s2] =	stream.indirect.scatter.add.f32 @!p0 [tilespmem:s1], [sflag:$0xD], $0x40, s5, s3, $0xb8;
	[tilespmem:$0x1EE00] =	vst v63  }
0x7a: {  	s1 =	simm.s32 @!p0 $0xA  }
0x7b: {  	_ =	swait.ge @!p0 [sflag:s1], $0x2000  }
0x7c: {  	[sflag:s1] =	ssyncset.done @!p0 $0x0  }
0x7d: {  	s5 =	simm.s32 @!p0 $0x480;
	[sflag:s1] =	ssyncadd.s32 @!p0 $0xFFFFE000;
	s1 =	simm.s32 @!p0 $0x7000  }
0x7e: {  	[tilespmem:s1], [sflag:$0x2] =	stream.indirect.gather @!p0 [hbm4b:s4+s3], $0x40, s5, s3, $0xb8;
	[tilespmem:$0x1EE00] =	vst v63  }
0x7f: {  	_ =	swait.ge [sflag:s29], $0x2000  }
0x80: {  	[sflag:s29] =	ssyncset.done $0x0  }
0x81: {  	s19 =	simm.s32 $0x2A80;
	[sflag:s29] =	ssyncadd.s32 $0xFFFFE000  }
0x82: {  	[spmem:s2] =	stream.indirect.scatter.add.f32 [tilespmem:s22], [sflag:$0xE], $0x40, s19, s14, $0xb8;
	[tilespmem:$0x1EE00] =	vst v63  }
0x83: {  	_ =	swait.ge [sflag:s30], $0x2000  }
0x84: {  	[sflag:s30] =	ssyncset.done $0x0  }
0x85: {  	s1 =	simm.s32 @p0 $0x7;
	[sflag:s30] =	ssyncadd.s32 $0xFFFFE000  }
0x86: {  	_ =	swait.ge @p0 [sflag:s1], $0x2000  }
0x87: {  	[sflag:s1] =	ssyncset.done @p0 $0x0  }
0x88: {  	s5 =	simm.s32 @p0 $0x2B00;
	[sflag:s1] =	ssyncadd.s32 @p0 $0xFFFFE000;
	s1 =	simm.s32 @p0 $0x11000  }
0x89: {  	[spmem:s2] =	stream.indirect.scatter.add.f32 @p0 [tilespmem:s1], [sflag:$0xF], $0x40, s5, s0, $0xb8;
	[tilespmem:$0x1EE00] =	vst v63  }
0x8a: {  	s0 =	simm.s32 @p0 $0xC  }
0x8b: {  	_ =	swait.ge @p0 [sflag:s0], $0x2000  }
0x8c: {  	[sflag:s0] =	ssyncset.done @p0 $0x0  }
0x8d: {  	s1 =	simm.s32 @!p0 $0x500;
	[sflag:s0] =	ssyncadd.s32 @p0 $0xFFFFE000;
	s0 =	simm.s32 @!p0 $0x9000  }
0x8e: {  	[tilespmem:s0], [sflag:$0x3] =	stream.indirect.gather @!p0 [hbm4b:s4+s3], $0x40, s1, s3, $0xb8;
	[tilespmem:$0x1EE00] =	vst v63  }
0x8f: {  	s0 =	simm.s32 @!p0 $0x7  }
0x90: {  	_ =	swait.ge @!p0 [sflag:s0], $0x2000  }
0x91: {  	[sflag:s0] =	ssyncset.done @!p0 $0x0  }
0x92: {  	s1 =	simm.s32 @!p0 $0x2B00;
	[sflag:s0] =	ssyncadd.s32 @!p0 $0xFFFFE000;
	s0 =	simm.s32 @!p0 $0x11000  }
0x93: {  	[spmem:s2] =	stream.indirect.scatter.add.f32 @!p0 [tilespmem:s0], [sflag:$0xF], $0x40, s1, s3, $0xb8;
	[tilespmem:$0x1EE00] =	vst v63  }
0x94: {  	s0 =	simm.s32 @!p0 $0xC  }
0x95: {  	_ =	swait.ge @!p0 [sflag:s0], $0x2000  }
0x96: {  	[sflag:s0] =	ssyncset.done @!p0 $0x0  }
0x97: {  	s1 =	simm.s32 @!p0 $0x580;
	[sflag:s0] =	ssyncadd.s32 @!p0 $0xFFFFE000;
	s0 =	simm.s32 @!p0 $0xB000  }
0x98: {  	[tilespmem:s0], [sflag:$0x4] =	stream.indirect.gather @!p0 [hbm4b:s4+s3], $0x40, s1, s3, $0xb8;
	[tilespmem:$0x1EE00] =	vst v63  }
0x99: {  	p1 =	por $0x0, $0x0;
	s7 =	simm.s32 $0x2000;
	_ =	swait.ge [sflag:s31], $0x2000  }
0x9a: {  	s5 =	simm.s32 $0x1000;
	s0 =	simm.s32 $0x2B80;
	[sflag:s31] =	ssyncset.done $0x0  }
.LBB2_2:
0x9b: {  	s1 =	simm.s32 @!p1 $0xD;
	[sflag:s31] =	ssyncadd.s32 $0xFFFFE000  }
0x9c: {  	[spmem:s2] =	stream.indirect.scatter.add.f32 [tilespmem:s25], [sflag:$0x10], $0x40, s0, s14, $0xb8;
	[tilespmem:$0x1EE00] =	vst v63  }
0x9d: {  	_ =	swait.ge @!p1 [sflag:s1], $0x2000  }
0x9e: {  	s8 =	sshra.s32 s5, $0x2;
	[sflag:s1] =	ssyncset.done @!p1 $0x0  }
0x9f: {  	s17 =	sadd.s32 $0x200, s8;
	s13 =	rddreg [dreg:$0x3];
	[sflag:s1] =	ssyncadd.s32 @!p1 $0xFFFFE000  }
0xa0: {  	[tilespmem:s13], [sflag:$0x5] =	stream.indirect.gather [hbm4b:s4+s14], $0x40, s17, s14, $0xb8;
	[tilespmem:$0x1EE00] =	vst v63  }
0xa1: {  	_ =	swait.ge [sflag:s21], $0x2000  }
0xa2: {  	[sflag:s21] =	ssyncset.done $0x0  }
0xa3: {  	s19 =	sadd.s32 $0x2800, s8;
	s1 =	simm.s32 @!p1 $0xE;
	[sflag:s21] =	ssyncadd.s32 $0xFFFFE000  }
0xa4: {  	[spmem:s2] =	stream.indirect.scatter.add.f32 [tilespmem:s15], [sflag:$0x9], $0x40, s19, s14, $0xb8;
	[tilespmem:$0x1EE00] =	vst v63  }
0xa5: {  	_ =	swait.ge @!p1 [sflag:s1], $0x2000  }
0xa6: {  	[sflag:s1] =	ssyncset.done @!p1 $0x0  }
0xa7: {  	[sflag:s1] =	ssyncadd.s32 @!p1 $0xFFFFE000;
	s1 =	sadd.s32 $0x280, s8  }
0xa8: {  	[tilespmem:s22], [sflag:$0x6] =	stream.indirect.gather [hbm4b:s4+s14], $0x40, s1, s14, $0xb8;
	[tilespmem:$0x1EE00] =	vst v63  }
0xa9: {  	_ =	swait.ge [sflag:s23], $0x2000  }
0xaa: {  	[sflag:s23] =	ssyncset.done $0x0  }
0xab: {  	s3 =	sadd.s32 $0x2880, s8;
	s1 =	simm.s32 @!p1 $0xF;
	[sflag:s23] =	ssyncadd.s32 $0xFFFFE000  }
0xac: {  	[spmem:s2] =	stream.indirect.scatter.add.f32 [tilespmem:s16], [sflag:$0xA], $0x40, s3, s14, $0xb8;
	[tilespmem:$0x1EE00] =	vst v63  }
0xad: {  	_ =	swait.ge @!p1 [sflag:s1], $0x2000  }
0xae: {  	[sflag:s1] =	ssyncset.done @!p1 $0x0  }
0xaf: {  	s10 =	sadd.s32 $0x300, s8;
	s6 =	rddreg [dreg:$0x4];
	[sflag:s1] =	ssyncadd.s32 @!p1 $0xFFFFE000  }
0xb0: {  	[tilespmem:s6], [sflag:$0x7] =	stream.indirect.gather [hbm4b:s4+s14], $0x40, s10, s14, $0xb8;
	[tilespmem:$0x1EE00] =	vst v63  }
0xb1: {  	_ =	swait.ge [sflag:s24], $0x2000  }
0xb2: {  	[sflag:s24] =	ssyncset.done $0x0  }
0xb3: {  	s11 =	sadd.s32 $0x2900, s8;
	s1 =	simm.s32 @!p1 $0x10;
	[sflag:s24] =	ssyncadd.s32 $0xFFFFE000  }
0xb4: {  	[spmem:s2] =	stream.indirect.scatter.add.f32 [tilespmem:s18], [sflag:$0xB], $0x40, s11, s14, $0xb8;
	[tilespmem:$0x1EE00] =	vst v63  }
0xb5: {  	_ =	swait.ge @!p1 [sflag:s1], $0x2000  }
0xb6: {  	[sflag:s1] =	ssyncset.done @!p1 $0x0  }
0xb7: {  	s12 =	sadd.s32 $0x380, s8;
	[sflag:s1] =	ssyncadd.s32 @!p1 $0xFFFFE000  }
0xb8: {  	[tilespmem:s25], [sflag:$0x8] =	stream.indirect.gather [hbm4b:s4+s14], $0x40, s12, s14, $0xb8;
	[tilespmem:$0x1EE00] =	vst v63  }
0xb9: {  	_ =	swait.ge [sflag:s26], $0x2000  }
0xba: {  	[sflag:s26] =	ssyncset.done $0x0  }
0xbb: {  	s13 =	sadd.s32 $0x2980, s8;
	[sflag:s26] =	ssyncadd.s32 $0xFFFFE000  }
0xbc: {  	[spmem:s2] =	stream.indirect.scatter.add.f32 [tilespmem:s20], [sflag:$0xC], $0x40, s13, s14, $0xb8;
	[tilespmem:$0x1EE00] =	vst v63  }
0xbd: {  	_ =	swait.ge [sflag:s28], $0x2000  }
0xbe: {  	s9 =	smov.u32 s7;
	p1 =	seq.s32 s5, $0x9000;
	[sflag:s28] =	ssyncset.done $0x0  }
0xbf: {  	s0 =	simm.s32 @p1 $0x5;
	s3 =	sshra.s32 @p1 s5, $0x2;
	[sflag:s28] =	ssyncadd.s32 $0xFFFFE000  }
0xc0: {  	s5 =	sshra.s32 @!p1 s5, $0x2;
	s1 =	simm.s32 @p1 $0x80;
	_ =	swait.ge @p1 [sflag:s0], $0x2000  }
0xc1: {  	s12 =	simm.s32 @!p1 $0x5;
	s10 =	sadd.s32 @p1 $0x2A00, s3;
	[sflag:s0] =	ssyncset.done @p1 $0x0  }
0xc2: {  	s13 =	simm.s32 @p1 $0xA;
	[sflag:s0] =	ssyncadd.s32 @p1 $0xFFFFE000;
	s0 =	simm.s32 @p1 $0xD000  }
0xc3: {  	[spmem:s2] =	stream.indirect.scatter.add.f32 @p1 [tilespmem:s0], [sflag:$0xD], $0x40, s10, s1, $0xb8;
	[tilespmem:$0x1EE00] =	vst v63  }
0xc4: {  	s17 =	sadd.s32 @!p1 $0x400, s5;
	s6 =	sadd.s32 @!p1 $0x2A00, s5;
	_ =	swait.ge @p1 [sflag:s13], $0x2000  }
0xc5: {  	s11 =	sadd.s32 @!p1 $0x480, s5;
	s19 =	sadd.s32 @p1 $0x2B00, s3;
	[sflag:s13] =	ssyncset.done @p1 $0x0  }
0xc6: {  	s10 =	simm.s32 @!p1 $0x80;
	s0 =	simm.s32 @!p1 $0x5000;
	[sflag:s13] =	ssyncadd.s32 @p1 $0xFFFFE000  }
0xc7: {  	[tilespmem:s0], [sflag:$0x1] =	stream.indirect.gather @!p1 [hbm4b:s4+s10], $0x40, s17, s10, $0xb8;
	[tilespmem:$0x1EE00] =	vst v63  }
0xc8: {  	s3 =	sadd.s32 @!p1 $0x580, s5;
	s13 =	sadd.s32 @!p1 $0x500, s5;
	_ =	swait.ge @!p1 [sflag:s12], $0x2000  }
0xc9: {  	s0 =	sadd.s32 @!p1 $0x2B00, s5;
	s5 =	smov.u32 s9;
	[sflag:s12] =	ssyncset.done @!p1 $0x0  }
0xca: {  	s9 =	simm.s32 @!p1 $0xD000;
	[sflag:s12] =	ssyncadd.s32 @!p1 $0xFFFFE000;
	s12 =	simm.s32 @!p1 $0xA  }
0xcb: {  	[spmem:s2] =	stream.indirect.scatter.add.f32 @!p1 [tilespmem:s9], [sflag:$0xD], $0x40, s6, s10, $0xb8;
	[tilespmem:$0x1EE00] =	vst v63  }
0xcc: {  	_ =	swait.ge @!p1 [sflag:s12], $0x2000  }
0xcd: {  	[sflag:s12] =	ssyncset.done @!p1 $0x0  }
0xce: {  	s6 =	simm.s32 @!p1 $0x7000;
	[sflag:s12] =	ssyncadd.s32 @!p1 $0xFFFFE000  }
0xcf: {  	[tilespmem:s6], [sflag:$0x2] =	stream.indirect.gather @!p1 [hbm4b:s4+s10], $0x40, s11, s10, $0xb8;
	[tilespmem:$0x1EE00] =	vst v63  }
0xd0: {  	_ =	swait.ge [sflag:s29], $0x2000  }
0xd1: {  	[sflag:s29] =	ssyncset.done $0x0  }
0xd2: {  	s17 =	sadd.s32 $0x2A80, s8;
	[sflag:s29] =	ssyncadd.s32 $0xFFFFE000  }
0xd3: {  	[spmem:s2] =	stream.indirect.scatter.add.f32 [tilespmem:s22], [sflag:$0xE], $0x40, s17, s14, $0xb8;
	[tilespmem:$0x1EE00] =	vst v63  }
0xd4: {  	_ =	swait.ge [sflag:s30], $0x2000  }
0xd5: {  	[sflag:s30] =	ssyncset.done $0x0  }
0xd6: {  	s6 =	simm.s32 @p1 $0x7;
	[sflag:s30] =	ssyncadd.s32 $0xFFFFE000  }
0xd7: {  	_ =	swait.ge @p1 [sflag:s6], $0x2000  }
0xd8: {  	[sflag:s6] =	ssyncset.done @p1 $0x0  }
0xd9: {  	s9 =	simm.s32 @p1 $0xC;
	[sflag:s6] =	ssyncadd.s32 @p1 $0xFFFFE000;
	s6 =	simm.s32 @p1 $0x11000  }
0xda: {  	[spmem:s2] =	stream.indirect.scatter.add.f32 @p1 [tilespmem:s6], [sflag:$0xF], $0x40, s19, s1, $0xb8;
	[tilespmem:$0x1EE00] =	vst v63  }
0xdb: {  	_ =	swait.ge @p1 [sflag:s9], $0x2000  }
0xdc: {  	[sflag:s9] =	ssyncset.done @p1 $0x0  }
0xdd: {  	s1 =	simm.s32 @!p1 $0x9000;
	s6 =	simm.s32 @!p1 $0x7;
	[sflag:s9] =	ssyncadd.s32 @p1 $0xFFFFE000  }
0xde: {  	[tilespmem:s1], [sflag:$0x3] =	stream.indirect.gather @!p1 [hbm4b:s4+s10], $0x40, s13, s10, $0xb8;
	[tilespmem:$0x1EE00] =	vst v63  }
0xdf: {  	_ =	swait.ge @!p1 [sflag:s6], $0x2000  }
0xe0: {  	s7 =	sadd.s32 $0x1000, s7;
	[sflag:s6] =	ssyncset.done @!p1 $0x0  }
0xe1: {  	s1 =	simm.s32 @!p1 $0x11000;
	[sflag:s6] =	ssyncadd.s32 @!p1 $0xFFFFE000;
	s6 =	simm.s32 @!p1 $0xC  }
0xe2: {  	[spmem:s2] =	stream.indirect.scatter.add.f32 @!p1 [tilespmem:s1], [sflag:$0xF], $0x40, s0, s10, $0xb8;
	[tilespmem:$0x1EE00] =	vst v63  }
0xe3: {  	p0 =	sne.s32 s7, $0xA000;
	_ =	swait.ge @!p1 [sflag:s6], $0x2000  }
.Ltmp0:
0xe4: {  	[sflag:s6] =	ssyncset.done @!p1 $0x0;
	(pc) =	sbr.rel @p0 .LBB2_2-.Ltmp0, $4  }
0xe5: {  	s0 =	simm.s32 @!p1 $0xB000;
	[sflag:s6] =	ssyncadd.s32 @!p1 $0xFFFFE000  }
0xe6: {  	[tilespmem:s0], [sflag:$0x4] =	stream.indirect.gather @!p1 [hbm4b:s4+s10], $0x40, s3, s10, $0xb8;
	[tilespmem:$0x1EE00] =	vst v63  }
0xe7: {  	_ =	swait.ge [sflag:s31], $0x2000  }
0xe8: {  	p1 =	seq.s32 s5, $0x0;
	s0 =	sadd.s32 $0x2B80, s8;
	[sflag:s31] =	ssyncset.done $0x0  }
0xe9: {  	s1 =	simm.s32 @!p1 $0xD;
	[sflag:s31] =	ssyncadd.s32 $0xFFFFE000  }
0xea: {  	[spmem:s2] =	stream.indirect.scatter.add.f32 [tilespmem:s25], [sflag:$0x10], $0x40, s0, s14, $0xb8;
	[tilespmem:$0x1EE00] =	vst v63  }
0xeb: {  	_ =	swait.ge @!p1 [sflag:s1], $0x2000  }
0xec: {  	s7 =	sshra.s32 s5, $0x2;
	[sflag:s1] =	ssyncset.done @!p1 $0x0  }
0xed: {  	s3 =	sadd.s32 $0x200, s7;
	s19 =	rddreg [dreg:$0x3];
	[sflag:s1] =	ssyncadd.s32 @!p1 $0xFFFFE000  }
0xee: {  	[tilespmem:s19], [sflag:$0x5] =	stream.indirect.gather [hbm4b:s4+s14], $0x40, s3, s14, $0xb8;
	[tilespmem:$0x1EE00] =	vst v63  }
0xef: {  	_ =	swait.ge [sflag:s21], $0x2000  }
0xf0: {  	[sflag:s21] =	ssyncset.done $0x0  }
0xf1: {  	s6 =	sadd.s32 $0x2800, s7;
	s1 =	simm.s32 @!p1 $0xE;
	[sflag:s21] =	ssyncadd.s32 $0xFFFFE000  }
0xf2: {  	[spmem:s2] =	stream.indirect.scatter.add.f32 [tilespmem:s15], [sflag:$0x9], $0x40, s6, s14, $0xb8;
	[tilespmem:$0x1EE00] =	vst v63  }
0xf3: {  	_ =	swait.ge @!p1 [sflag:s1], $0x2000  }
0xf4: {  	[sflag:s1] =	ssyncset.done @!p1 $0x0  }
0xf5: {  	s8 =	sadd.s32 $0x280, s7;
	[sflag:s1] =	ssyncadd.s32 @!p1 $0xFFFFE000  }
0xf6: {  	[tilespmem:s22], [sflag:$0x6] =	stream.indirect.gather [hbm4b:s4+s14], $0x40, s8, s14, $0xb8;
	[tilespmem:$0x1EE00] =	vst v63  }
0xf7: {  	_ =	swait.ge [sflag:s23], $0x2000  }
0xf8: {  	[sflag:s23] =	ssyncset.done $0x0  }
0xf9: {  	s9 =	sadd.s32 $0x2880, s7;
	s1 =	simm.s32 @!p1 $0xF;
	[sflag:s23] =	ssyncadd.s32 $0xFFFFE000  }
0xfa: {  	[spmem:s2] =	stream.indirect.scatter.add.f32 [tilespmem:s16], [sflag:$0xA], $0x40, s9, s14, $0xb8;
	[tilespmem:$0x1EE00] =	vst v63  }
0xfb: {  	_ =	swait.ge @!p1 [sflag:s1], $0x2000  }
0xfc: {  	[sflag:s1] =	ssyncset.done @!p1 $0x0  }
0xfd: {  	s11 =	sadd.s32 $0x300, s7;
	s10 =	rddreg [dreg:$0x4];
	[sflag:s1] =	ssyncadd.s32 @!p1 $0xFFFFE000  }
0xfe: {  	[tilespmem:s10], [sflag:$0x7] =	stream.indirect.gather [hbm4b:s4+s14], $0x40, s11, s14, $0xb8;
	[tilespmem:$0x1EE00] =	vst v63  }
0xff: {  	_ =	swait.ge [sflag:s24], $0x2000  }
0x100: {  	[sflag:s24] =	ssyncset.done $0x0  }
0x101: {  	s12 =	sadd.s32 $0x2900, s7;
	s1 =	simm.s32 @!p1 $0x10;
	[sflag:s24] =	ssyncadd.s32 $0xFFFFE000  }
0x102: {  	[spmem:s2] =	stream.indirect.scatter.add.f32 [tilespmem:s18], [sflag:$0xB], $0x40, s12, s14, $0xb8;
	[tilespmem:$0x1EE00] =	vst v63  }
0x103: {  	_ =	swait.ge @!p1 [sflag:s1], $0x2000  }
0x104: {  	[sflag:s1] =	ssyncset.done @!p1 $0x0  }
0x105: {  	s13 =	sadd.s32 $0x380, s7;
	[sflag:s1] =	ssyncadd.s32 @!p1 $0xFFFFE000  }
0x106: {  	[tilespmem:s25], [sflag:$0x8] =	stream.indirect.gather [hbm4b:s4+s14], $0x40, s13, s14, $0xb8;
	[tilespmem:$0x1EE00] =	vst v63  }
0x107: {  	_ =	swait.ge [sflag:s26], $0x2000  }
0x108: {  	[sflag:s26] =	ssyncset.done $0x0  }
0x109: {  	s17 =	sadd.s32 $0x2980, s7;
	[sflag:s26] =	ssyncadd.s32 $0xFFFFE000  }
0x10a: {  	[spmem:s2] =	stream.indirect.scatter.add.f32 [tilespmem:s20], [sflag:$0xC], $0x40, s17, s14, $0xb8;
	[tilespmem:$0x1EE00] =	vst v63  }
0x10b: {  	_ =	swait.ge [sflag:s28], $0x2000  }
0x10c: {  	p0 =	seq.s32 s5, $0x9000;
	[sflag:s28] =	ssyncset.done $0x0  }
0x10d: {  	s0 =	simm.s32 @p0 $0x5;
	[sflag:s28] =	ssyncadd.s32 $0xFFFFE000  }
0x10e: {  	s6 =	simm.s32 @p0 $0xA;
	_ =	swait.ge @p0 [sflag:s0], $0x2000  }
0x10f: {  	s8 =	simm.s32 @p0 $0xD000;
	s1 =	sshra.s32 @p0 s5, $0x2;
	[sflag:s0] =	ssyncset.done @p0 $0x0  }
0x110: {  	s3 =	sadd.s32 @p0 $0x2A00, s1;
	[sflag:s0] =	ssyncadd.s32 @p0 $0xFFFFE000;
	s0 =	simm.s32 @p0 $0x80  }
0x111: {  	[spmem:s2] =	stream.indirect.scatter.add.f32 @p0 [tilespmem:s8], [sflag:$0xD], $0x40, s3, s0, $0xb8;
	[tilespmem:$0x1EE00] =	vst v63  }
0x112: {  	_ =	swait.ge @p0 [sflag:s6], $0x2000  }
0x113: {  	s3 =	sshra.s32 @!p0 s5, $0x2;
	s8 =	simm.s32 @!p0 $0x5000;
	[sflag:s6] =	ssyncset.done @p0 $0x0  }
0x114: {  	s5 =	sadd.s32 @!p0 $0x400, s3;
	[sflag:s6] =	ssyncadd.s32 @p0 $0xFFFFE000;
	s6 =	simm.s32 @!p0 $0x80  }
0x115: {  	[tilespmem:s8], [sflag:$0x1] =	stream.indirect.gather @!p0 [hbm4b:s4+s6], $0x40, s5, s6, $0xb8;
	[tilespmem:$0x1EE00] =	vst v63  }
0x116: {  	s5 =	simm.s32 @!p0 $0x5  }
0x117: {  	_ =	swait.ge @!p0 [sflag:s5], $0x2000  }
0x118: {  	[sflag:s5] =	ssyncset.done @!p0 $0x0  }
0x119: {  	s8 =	sadd.s32 @!p0 $0x2A00, s3;
	[sflag:s5] =	ssyncadd.s32 @!p0 $0xFFFFE000;
	s5 =	simm.s32 @!p0 $0xD000  }
0x11a: {  	[spmem:s2] =	stream.indirect.scatter.add.f32 @!p0 [tilespmem:s5], [sflag:$0xD], $0x40, s8, s6, $0xb8;
	[tilespmem:$0x1EE00] =	vst v63  }
0x11b: {  	s5 =	simm.s32 @!p0 $0xA  }
0x11c: {  	_ =	swait.ge @!p0 [sflag:s5], $0x2000  }
0x11d: {  	[sflag:s5] =	ssyncset.done @!p0 $0x0  }
0x11e: {  	s8 =	sadd.s32 @!p0 $0x480, s3;
	[sflag:s5] =	ssyncadd.s32 @!p0 $0xFFFFE000;
	s5 =	simm.s32 @!p0 $0x7000  }
0x11f: {  	[tilespmem:s5], [sflag:$0x2] =	stream.indirect.gather @!p0 [hbm4b:s4+s6], $0x40, s8, s6, $0xb8;
	[tilespmem:$0x1EE00] =	vst v63  }
0x120: {  	_ =	swait.ge [sflag:s29], $0x2000  }
0x121: {  	[sflag:s29] =	ssyncset.done $0x0  }
0x122: {  	s19 =	sadd.s32 $0x2A80, s7;
	[sflag:s29] =	ssyncadd.s32 $0xFFFFE000  }
0x123: {  	[spmem:s2] =	stream.indirect.scatter.add.f32 [tilespmem:s22], [sflag:$0xE], $0x40, s19, s14, $0xb8;
	[tilespmem:$0x1EE00] =	vst v63  }
0x124: {  	_ =	swait.ge [sflag:s30], $0x2000  }
0x125: {  	[sflag:s30] =	ssyncset.done $0x0  }
0x126: {  	s5 =	simm.s32 @p0 $0x7;
	[sflag:s30] =	ssyncadd.s32 $0xFFFFE000  }
0x127: {  	_ =	swait.ge @p0 [sflag:s5], $0x2000  }
0x128: {  	[sflag:s5] =	ssyncset.done @p0 $0x0  }
0x129: {  	s1 =	sadd.s32 @p0 $0x2B00, s1;
	[sflag:s5] =	ssyncadd.s32 @p0 $0xFFFFE000;
	s5 =	simm.s32 @p0 $0x11000  }
0x12a: {  	[spmem:s2] =	stream.indirect.scatter.add.f32 @p0 [tilespmem:s5], [sflag:$0xF], $0x40, s1, s0, $0xb8;
	[tilespmem:$0x1EE00] =	vst v63  }
0x12b: {  	s0 =	simm.s32 @p0 $0xC  }
0x12c: {  	_ =	swait.ge @p0 [sflag:s0], $0x2000  }
0x12d: {  	[sflag:s0] =	ssyncset.done @p0 $0x0  }
0x12e: {  	s1 =	sadd.s32 @!p0 $0x500, s3;
	[sflag:s0] =	ssyncadd.s32 @p0 $0xFFFFE000;
	s0 =	simm.s32 @!p0 $0x9000  }
0x12f: {  	[tilespmem:s0], [sflag:$0x3] =	stream.indirect.gather @!p0 [hbm4b:s4+s6], $0x40, s1, s6, $0xb8;
	[tilespmem:$0x1EE00] =	vst v63  }
0x130: {  	s0 =	simm.s32 @!p0 $0x7  }
0x131: {  	_ =	swait.ge @!p0 [sflag:s0], $0x2000  }
0x132: {  	[sflag:s0] =	ssyncset.done @!p0 $0x0  }
0x133: {  	s1 =	sadd.s32 @!p0 $0x2B00, s3;
	[sflag:s0] =	ssyncadd.s32 @!p0 $0xFFFFE000;
	s0 =	simm.s32 @!p0 $0x11000  }
0x134: {  	[spmem:s2] =	stream.indirect.scatter.add.f32 @!p0 [tilespmem:s0], [sflag:$0xF], $0x40, s1, s6, $0xb8;
	[tilespmem:$0x1EE00] =	vst v63  }
0x135: {  	s0 =	simm.s32 @!p0 $0xC  }
0x136: {  	_ =	swait.ge @!p0 [sflag:s0], $0x2000  }
0x137: {  	[sflag:s0] =	ssyncset.done @!p0 $0x0  }
0x138: {  	s1 =	sadd.s32 @!p0 $0x580, s3;
	[sflag:s0] =	ssyncadd.s32 @!p0 $0xFFFFE000;
	s0 =	simm.s32 @!p0 $0xB000  }
0x139: {  	[tilespmem:s0], [sflag:$0x4] =	stream.indirect.gather @!p0 [hbm4b:s4+s6], $0x40, s1, s6, $0xb8;
	[tilespmem:$0x1EE00] =	vst v63  }
0x13a: {  	_ =	swait.ge [sflag:s31], $0x2000  }
0x13b: {  	[sflag:s31] =	ssyncset.done $0x0  }
0x13c: {  	s9 =	simm.s32 $0xD;
	s8 =	sadd.s32 $0x2B80, s7;
	[sflag:s31] =	ssyncadd.s32 $0xFFFFE000  }
0x13d: {  	[spmem:s2] =	stream.indirect.scatter.add.f32 [tilespmem:s25], [sflag:$0x10], $0x40, s8, s14, $0xb8;
	[tilespmem:$0x1EE00] =	vst v63  }
0x13e: {  	_ =	swait.ge [sflag:s9], $0x2000  }
0x13f: {  	[sflag:s9] =	ssyncset.done $0x0  }
0x140: {  	s10 =	simm.s32 $0xE;
	[sflag:s9] =	ssyncadd.s32 $0xFFFFE000  }
0x141: {  	_ =	swait.ge [sflag:s10], $0x2000  }
0x142: {  	[sflag:s10] =	ssyncset.done $0x0  }
0x143: {  	s11 =	simm.s32 $0xF;
	[sflag:s10] =	ssyncadd.s32 $0xFFFFE000  }
0x144: {  	_ =	swait.ge [sflag:s11], $0x2000  }
0x145: {  	[sflag:s11] =	ssyncset.done $0x0  }
0x146: {  	s12 =	simm.s32 $0x10;
	[sflag:s11] =	ssyncadd.s32 $0xFFFFE000  }
0x147: {  	_ =	swait.ge [sflag:s12], $0x2000  }
0x148: {  	[sflag:s12] =	ssyncset.done $0x0  }
0x149: {  	[sflag:s12] =	ssyncadd.s32 $0xFFFFE000  }
0x14a: {  	[bflag:$0x0] =	sbarrier.arrive $0xFFFF  }
0x14b: {  	s6 =	rddreg [dreg:$0x6]  }
0x14c: {  	s13 =	rddreg [dreg:$0x9]  }
0x14d: {  	s3 =	simm.s32 $0x11;
	s1 =	rddreg [dreg:$0xb]  }
0x14e: {  	[hbm:s13], [sflag:s6] =	dma.local [spmem:s1], $0x13C0  }
0x14f: {  	_ =	swait.ge [sflag:s3], $0x13C0  }
0x150: {  	s17 =	rddreg [dreg:$0xc]  }
0x151: {  	s19 =	rddreg [dreg:$0xa];
	s5 =	sadd.s32 $0x1, s17  }
0x152: {  	p0 =	sne.s32 s5, s19  }
.Ltmp1:
0x153: {  	_ = 	snop;
	(pc) =	sbr.rel @p0 .LBB2_1-.Ltmp1, $3  }
0x154: {  	_ =	sdelay $0x1  }
0x155: {  	[sflag:s3] =	ssyncset.done $0x0  }
0x156: {  	[sflag:s3] =	ssyncadd.s32 $0xFFFFEC40  }
0x157: {  	_ =	sfence.sel $0x180000  }
0x158: {  	[bflag:$0x0] =	sbarrier.arrive $0xFFFF  }
0x159: {  	_ =	strace $0x9000004A  }
0x15a: {  	s0 =	stileid.u32;
	[bflag:$0x2] =	sbarrier.arrive $0xFFFF  }
0x15b: {  	p0 =	sne.s32 s0, $0x0;
	s0 =	rddreg [dreg:$0x2]  }
0x15c: {  	s0 =	sadd.s32 @!p0 $0x100000, s0  }
0x15d: {  	[sflag:s0] =	ssyncadd.tile.s32 @!p0 $0x1;
	_ =	shalt  }
.Lfunc_end2:
_tile_overlayer_lowered:
.L_overlay_start_2:
0x15e: {  	(tag) =	ssettag $0x2  }
0x15f: {  	s0 =	rddreg [dreg:$0x0];
	s2 =	stileid.u32  }
0x160: {  	s1 =	rddreg [dreg:$0x1];
	p0 =	sne.s32 s2, $0x0  }
0x161: {  	s3 =	rddreg [dreg:$0x2];
	[bflag:$0x3] =	sbarrier.arrive $0xFFFF;
	s2 =	simm.s32 @!p0 $0x1C11  }
0x162: {  	[timem:s3], [sflag:s2] =	dma.local @!p0 [hbm:s0], s1  }
0x163: {  	s0 =	simm.s32 @!p0 $0x11  }
0x164: {  	_ =	swait.ge @!p0 [sflag:s0], s1  }
0x165: {  	s1 =	ssub.s32 @!p0 $0x0, s1;
	[sflag:s0] =	ssyncset.done @!p0 $0x0  }
0x166: {  	[sflag:s0] =	ssyncadd.s32 @!p0 s1  }
0x167: {  	[bflag:$0x3] =	sbarrier.arrive $0xFFFF  }
0x168: {  	_ =	shalt  }

// kernel: kernel.14.cloned.1.call-start
scs
__scs_entry_jumppad:
0x0: {  	(pc) =	sbr.rel $0x88, $3  }
0x1: {  	(tag) =	ssettag $0x0;
	lr =	simm.s32 $0x1  }
0x2: {  	[smem:$0x3F98] =	sst lr;
	_ =	strace $0xD0000000  }
0x3: {  	_ = 	snop  }
0x4: {  	_ = 	snop  }
0x5: {  	_ = 	snop  }
0x6: {  	_ = 	snop  }
0x7: {  	_ = 	snop  }
__scs_overlays_trampoline_lowered:
0x8: {  	[smem:$0x3FA7] =	sst s0  }
0x9: {  	[smem:$0x3FA8] =	sst s1  }
0xa: {  	[smem:$0x3FA9] =	sst s2  }
0xb: {  	[smem:$0x3FAA] =	sst s3  }
0xc: {  	[smem:$0x3FAB] =	sst s4  }
0xd: {  	[smem:$0x3FAC] =	sst s5  }
0xe: {  	[smem:$0x3FAD] =	sst s6  }
0xf: {  	[smem:$0x3FAE] =	sst s7  }
0x10: {  	[smem:$0x3FAF] =	sst s8  }
0x11: {  	[smem:$0x3FB0] =	sst s9;
	s0 =	simm.s32 @!p0 $0x0  }
0x12: {  	s1 =	sld [smem:$0x3F96];
	s0 =	simm.s32 @p0 $0x1  }
0x13: {  	[smem:$0x3FB1] =	sst s0;
	s0 =	simm.s32 @!p1 $0x0  }
0x14: {  	s2 =	sld [smem:$0x3F95];
	s0 =	simm.s32 @p1 $0x1  }
0x15: {  	[smem:$0x3FB2] =	sst s0;
	s0 =	simm.s32 @!p2 $0x0  }
0x16: {  	s3 =	sld [smem:$0x3FDB];
	s0 =	simm.s32 @p2 $0x1  }
0x17: {  	s4 =	simm.s32 $0x1BF5;
	[smem:$0x3FB4] =	sst s0  }
0x18: {  	s0 =	sld [smem:$0x3F97];
	_ =	swait.ge [sflag:s4], $0x0  }
0x19: {  	s7 =	sld [smem:$0x3F98]  }
0x1a: {  	s8 =	sadd.s32 $0xFFFFE003, lr  }
0x1b: {  	s9 =	sadd.s32 $0xFFFFFEF7, lr;
	s5 =	simm.s32 $0xFFFFFFFF;
	p2 =	slt.u32 s8, $0xFFFFF086  }
0x1c: {  	p1 =	slt.u32 s9, $0xF7A;
	s5 =	simm.s32 @!p2 $0x0  }
0x1d: {  	s5 =	simm.s32 @p1 $0x1;
	p0 =	seq.s32 s7, s2  }
0x1e: {  	s7 =	smul.u32 @!p0 $0xF7A, s2;
	p2 =	seq.s32 @!p0 s5, $0x0  }
0x1f: {  	s9 =	smul.u32 $0xF7A, s1;
	s8 =	simm.s32 @!p0 $0x1BF5;
	p2 =	por !p2, p0  }
0x20: {  	[sflag:s8] =	ssyncset.s32 @!p0 $0xFFFFF086;
	s6 =	sadd.s32 @!p0 s3, s7;
	s7 =	simm.s32 @!p0 $0x108  }
0x21: {  	s3 =	sadd.s32 s3, s9;
	s6 =	sadd.s32 @!p0 $0x88, s6;
	s7 =	simm.s32 @p2 $0x1082  }
0x22: {  	[simem:s7], [sflag:s8] =	dma.local @!p0 [hbm:s6], $0xF7A  }
0x23: {  	s9 =	sor.u32 $0xD0000000, s2;
	s6 =	simm.s32 $0x108;
	_ =	swait.ge @!p0 [sflag:s8], $0x0  }
0x24: {  	s3 =	sadd.s32 $0x88, s3;
	s6 =	simm.s32 @!p1 $0x1082;
	[sflag:s4] =	ssyncset.s32 $0xFFFFF086  }
0x25: {  	[simem:s6], [sflag:s4] =	dma.local [hbm:s3], $0xF7A  }
0x26: {  	[smem:$0x3F98] =	sst s1;
	(tag) =	ssettag s2;
	_ =	strace s9  }
0x27: {  	s1 =	sld [smem:$0x3FA8]  }
0x28: {  	s2 =	sld [smem:$0x3FA9]  }
0x29: {  	s4 =	sld [smem:$0x3FAB]  }
0x2a: {  	p0 =	seq.s32 s5, $0x0;
	s5 =	sld [smem:$0x3FAC]  }
0x2b: {  	s6 =	sld [smem:$0x3FAD]  }
0x2c: {  	s7 =	sld [smem:$0x3FAE]  }
0x2d: {  	s3 =	simm.s32 $0x108;
	s8 =	sld [smem:$0x3FAF]  }
0x2e: {  	s3 =	simm.s32 @!p0 $0x1082;
	s9 =	sld [smem:$0x3FB0]  }
0x2f: {  	lr =	sadd.s32 s0, s3;
	s0 =	sld [smem:$0x3FA7]  }
0x30: {  	s3 =	sld [smem:$0x3FAA]  }
0x31: {  	[smem:$0x3FB3] =	sst s10  }
0x32: {  	s10 =	sld [smem:$0x3FB1];
	_ =	sdelay $0x3  }
0x33: {  	p0 =	seq.s32 s10, $0x1;
	s10 =	sld [smem:$0x3FB3];
	_ =	sdelay $0x3  }
0x34: {  	[smem:$0x3FB3] =	sst s10  }
0x35: {  	s10 =	sld [smem:$0x3FB2];
	_ =	sdelay $0x3  }
0x36: {  	p1 =	seq.s32 s10, $0x1;
	s10 =	sld [smem:$0x3FB3];
	_ =	sdelay $0x3  }
0x37: {  	[smem:$0x3FB3] =	sst s10  }
0x38: {  	s10 =	sld [smem:$0x3FB4]  }
0x39: {  	_ = 	snop;
	(pc) =	sbr.ind lr, $3  }
0x3a: {  	_ = 	snop  }
0x3b: {  	_ = 	snop  }
0x3c: {  	p2 =	seq.s32 s10, $0x1;
	s10 =	sld [smem:$0x3FB3]  }
0x3d: {  	_ =	shalt  }
0x3e: {  	_ =	shalt  }
0x3f: {  	_ =	shalt  }
0x40: {  	_ =	shalt  }
0x41: {  	_ =	shalt  }
0x42: {  	_ =	shalt  }
0x43: {  	_ =	shalt  }
0x44: {  	_ =	shalt  }
0x45: {  	_ =	shalt  }
0x46: {  	_ =	shalt  }
0x47: {  	_ =	shalt  }
0x48: {  	_ =	shalt  }
0x49: {  	_ =	shalt  }
0x4a: {  	_ =	shalt  }
0x4b: {  	_ =	shalt  }
0x4c: {  	_ =	shalt  }
0x4d: {  	_ =	shalt  }
0x4e: {  	_ =	shalt  }
0x4f: {  	_ =	shalt  }
0x50: {  	_ =	shalt  }
0x51: {  	_ =	shalt  }
0x52: {  	_ =	shalt  }
0x53: {  	_ =	shalt  }
0x54: {  	_ =	shalt  }
0x55: {  	_ =	shalt  }
0x56: {  	_ =	shalt  }
0x57: {  	_ =	shalt  }
0x58: {  	_ =	shalt  }
0x59: {  	_ =	shalt  }
0x5a: {  	_ =	shalt  }
0x5b: {  	_ =	shalt  }
0x5c: {  	_ =	shalt  }
0x5d: {  	_ =	shalt  }
0x5e: {  	_ =	shalt  }
0x5f: {  	_ =	shalt  }
0x60: {  	_ =	shalt  }
0x61: {  	_ =	shalt  }
0x62: {  	_ =	shalt  }
0x63: {  	_ =	shalt  }
0x64: {  	_ =	shalt  }
0x65: {  	_ =	shalt  }
0x66: {  	_ =	shalt  }
0x67: {  	_ =	shalt  }
0x68: {  	_ =	shalt  }
0x69: {  	_ =	shalt  }
0x6a: {  	_ =	shalt  }
0x6b: {  	_ =	shalt  }
0x6c: {  	_ =	shalt  }
0x6d: {  	_ =	shalt  }
0x6e: {  	_ =	shalt  }
0x6f: {  	_ =	shalt  }
0x70: {  	_ =	shalt  }
0x71: {  	_ =	shalt  }
0x72: {  	_ =	shalt  }
0x73: {  	_ =	shalt  }
0x74: {  	_ =	shalt  }
0x75: {  	_ =	shalt  }
0x76: {  	_ =	shalt  }
0x77: {  	_ =	shalt  }
0x78: {  	_ =	shalt  }
0x79: {  	_ =	shalt  }
0x7a: {  	_ =	shalt  }
0x7b: {  	_ =	shalt  }
0x7c: {  	_ =	shalt  }
0x7d: {  	_ =	shalt  }
0x7e: {  	_ =	shalt  }
0x7f: {  	_ =	shalt  }
0x80: {  	_ =	shalt  }
0x81: {  	_ =	shalt  }
0x82: {  	_ =	shalt  }
0x83: {  	_ =	shalt  }
0x84: {  	_ =	shalt  }
0x85: {  	_ =	shalt  }
0x86: {  	_ =	shalt  }
0x87: {  	_ =	shalt  }
.Lfunc_end0:
.L_simem_size_0:
called_computation.2_lowered:
.L_overlay_start_0:
0x88: {  	s2 =	sld [smem:$0x3FD9]  }
0x89: {  	s3 =	sld [smem:$0x3FFE];
	_ =	sdelay $0x1  }
0x8a: {  	s1 =	srdreg.scid  }
0x8b: {  	s0 =	sand.u32 $0x1, s1  }
0x8c: {  	s16 =	sshll.u32 s0, $0xA;
	s2 =	sadd.s32 s3, s2  }
0x8d: {  	s2 =	sadd.s32 s2, s16  }
0x8e: {  	[smem:$0x3FBF] =	sst s2  }
0x8f: {  	_ = 	snop  }
0x90: {  	(tm) =	ssettm $0x1  }
0x91: {  	s17 =	sld [smem:$0x3FFB];
	_ =	sdelay $0x3  }
0x92: {  	_ =	strace s17  }
0x93: {  	s2 =	sld [smem:$0x3FFC];
	_ =	sdelay $0x3  }
0x94: {  	_ =	strace s2  }
0x95: {  	s2 =	sld [smem:$0x3FFD];
	_ =	sdelay $0x3  }
0x96: {  	_ =	strace s2  }
0x97: {  	_ =	strace $0x8FFFFFFF  }
0x98: {  	s18 =	sld [smem:$0x3FDB];
	_ =	sdelay $0x1  }
0x99: {  	s19 =	simm.s32 $_scs_section_size  }
0x9a: {  	s4 =	simm.s32 $_size__tile_overlayer_lowered;
	s5 =	simm.s32 $_tile_overlayer_lowered  }
0x9b: {  	s22 =	simm.s32 $0x1BFF;
	s21 =	sshll.u32 s5, $0x1;
	s2 =	sadd.s32 s19, s18  }
0x9c: {  	s6 =	simm.s32 $0x0;
	s20 =	sshll.u32 s4, $0x1;
	s4 =	sadd.s32 s21, s2  }
0x9d: {  	[timem:s6], [sflag:s22] =	dma.local [hbm:s4], s20  }
0x9e: {  	_ =	swait.ge [sflag:s22], s20  }
0x9f: {  	s3 =	ssub.s32 $0x0, s20;
	[sflag:s22] =	ssyncset.done $0x0  }
0xa0: {  	[sflag:s22] =	ssyncadd.s32 s3;
	_ =	sdelay $0x1  }
0xa1: {  	s23 =	simm.s32 $0x1B8B  }
0xa2: {  	_ =	swait.ge [sflag:s23], $0x1  }
0xa3: {  	[sflag:s23] =	ssyncset.done $0x0  }
0xa4: {  	s25 =	simm.s32 $0x1B8E;
	s24 =	sld [smem:$0x3FFE];
	[sflag:s23] =	ssyncadd.s32 $0xFFFFFFFF  }
0xa5: {  	s26 =	simm.s32 $execute0_lowered;
	[smem:$0x3FD2] =	sst s25  }
0xa6: {  	s4 =	sshll.u32 s26, $0x1;
	_ =	strace $0x8000004C;
	[dreg:$0x1] =	wrdreg $0xFFFFFFFF  }
0xa7: {  	s28 =	simm.s32 $_size_execute0_lowered;
	s2 =	sadd.s32 s2, s4;
	[dreg:$0x0] =	wrdreg $0x0  }
0xa8: {  	s4 =	sshll.u32 s28, $0x1;
	[dreg:$0x2] =	wrdreg s2  }
0xa9: {  	[dreg:$0x3] =	wrdreg s4  }
0xaa: {  	[dreg:$0x4] =	wrdreg $0xC0  }
0xab: {  	_ =	task [dreg:s6], $0x5FFFF  }
0xac: {  	[dreg:$0x1] =	wrdreg $0xFFFFFFFF  }
0xad: {  	[dreg:$0x0] =	wrdreg $0x60  }
0xae: {  	[dreg:$0x2] =	wrdreg s24  }
0xaf: {  	[dreg:$0x3] =	wrdreg $0x150000  }
0xb0: {  	[dreg:$0x4] =	wrdreg $0x9  }
0xb1: {  	_ =	task.clear_ibuf [dreg:s6], $0x5FFFF;
	_ =	strace $0x9000004C  }
0xb2: {  	s29 =	simm.s32 $0x9;
	_ =	strace $0x8000004E  }
0xb3: {  	_ =	swait.ge [sflag:s29], $0x1  }
0xb4: {  	[sflag:s29] =	ssyncadd.s32 $0xFFFFFFFF  }
0xb5: {  	_ =	strace $0x9000004E  }
0xb6: {  	_ =	sfence  }
0xb7: {  	s30 =	sld [smem:$0x0];
	_ =	sdelay $0x2  }
0xb8: {  	s31 =	sshll.u32 s1, $0xD;
	s1 =	sshrl.u32 s1, $0x2  }
0xb9: {  	s3 =	sand.u32 $0x4000, s31;
	s1 =	sadd.s32 s1, s30  }
0xba: {  	s0 =	sor.u32 s3, s0;
	s1 =	sshll.u32 s1, $0x11  }
0xbb: {  	s0 =	sor.u32 s1, s0  }
0xbc: {  	s0 =	sadd.s32 $0x8F2B, s0  }
0xbd: {  	[sflag:s0] =	ssyncadd.remote.s32 $0x1  }
0xbe: {  	_ =	sfence.sel $0xFFFF  }
0xbf: {  	[dreg:$0x0] =	wrdreg $0xFFFFFFFF;
	(pc) =	sbr.abs _section_cstart, $3  }
0xc0: {  	[dreg:$0x1] =	wrdreg $0xFFFFFFFF  }
0xc1: {  	_ =	task.clear_ibuf [dreg:s6], $0x2FFFF;
	_ =	strace $0x9FFFFFFF  }
0xc2: {  	(tm) =	ssettm $0x7FFFFFFF  }
0xc3: {  	_ =	shalt  }
tec
execute0_lowered:
.L_overlay_start_1:
0x0: {  	(tag) =	ssettag $0x1  }
0x1: {  	s0 =	srdreg.scid;
	s3 =	rddreg [dreg:$0x0]  }
0x2: {  	s9 =	stileid.u32;
	s2 =	rddreg [dreg:$0x1]  }
0x3: {  	s4 =	simm.s32 $0x0;
	s14 =	simm.s32 $0x80;
	s15 =	simm.s32 $0x5000  }
0x4: {  	s16 =	simm.s32 $0x7000;
	s18 =	simm.s32 $0x9000;
	s20 =	simm.s32 $0xB000  }
0x5: {  	s25 =	simm.s32 $0xD000;
	s21 =	simm.s32 $0x1;
	s26 =	simm.s32 $0x11000  }
0x6: {  	s28 =	simm.s32 $0x9;
	s29 =	simm.s32 $0x6;
	s30 =	simm.s32 $0xB  }
0x7: {  	s31 =	simm.s32 $0x8;
	s0 =	sand.u32 $0x1, s0;
	s5 =	smul.u32 $0x9E00, s9  }
0x8: {  	[smem:$0x7FF] =	sst s4;
	s4 =	sadd.s32 $0x16A00, s3;
	s22 =	sshll.u32 s9, $0x6  }
0x9: {  	s1 =	sshll.u32 s0, $0x4;
	_ =	strace $0x8000004D;
	[dreg:$0x3] =	wrdreg s25  }
0xa: {  	s6 =	smul.u32 $0x9E000, s0;
	s0 =	ssub.s32 $0x2, s0;
	[dreg:$0x4] =	wrdreg s26  }
0xb: {  	s25 =	simm.s32 $0x13000;
	s26 =	simm.s32 $0x4;
	s7 =	sshrl.u32 s5, $0x3  }
0xc: {  	s1 =	sor.u32 s9, s1;
	s8 =	sshrl.u32 s0, $0x1;
	s7 =	sadd.s32 s7, s3  }
0xd: {  	s1 =	smul.u32 $0x2710, s1;
	s0 =	ssub.s32 s0, s8;
	s7 =	sadd.s32 $0x2A600, s7  }
0xe: {  	s6 =	sadd.s32 s5, s6;
	s0 =	smax.u32 s0, $0x1;
	[dreg:$0x5] =	wrdreg s7  }
0xf: {  	s6 =	sshrl.u32 s6, $0x3;
	s1 =	sshrl.u32 s1, $0x3;
	[dreg:$0xa] =	wrdreg s0  }
0x10: {  	s1 =	sadd.s32 s1, s3;
	s3 =	sadd.s32 s6, s3;
	s6 =	sor.u32 $0x1C11, s22  }
0x11: {  	s5 =	sadd.s32 s5, s2;
	s23 =	sadd.s32 $0x3000, s1;
	[dreg:$0x6] =	wrdreg s6  }
0x12: {  	v6 =	vlaneseq.u32;
	s22 =	simm.s32 $0xF000;
	s1 =	sadd.s32 $0xCC40, s1;
	[dreg:$0x7] =	wrdreg s23  }
0x13: {  	v0 =	vor.u32 $0x2710, v6;
	s24 =	sadd.s32 $0x3E200, s3;
	s3 =	simm.s32 $0x11;
	[dreg:$0x8] =	wrdreg s1  }
0x14: {  	v1 =	vor.u32 $0x2720, v6;
	v2 =	vor.u32 $0x2730, v6;
	v3 =	vor.u32 $0x2740, v6;
	[dreg:$0x9] =	wrdreg s24;
	s1 =	sshrl.u32 s5, $0x3;
	s23 =	simm.s32 $0x2  }
0x15: {  	v4 =	vor.u32 $0x2750, v6;
	v5 =	vor.u32 $0x2760, v6;
	v6 =	vor.u32 $0x2770, v6;
	s24 =	simm.s32 $0x3;
	s5 =	simm.s32 $0x0;
	[dreg:$0xb] =	wrdreg s1  }
.LBB2_1:
0x16: {  	[dreg:$0xc] =	wrdreg s5  }
0x17: {  	s0 =	rddreg [dreg:$0x5]  }
0x18: {  	[spmem:s1], [sflag:s6] =	dma.local [hbm:s0], $0x13C0  }
0x19: {  	_ =	swait.ge [sflag:s3], $0x13C0  }
0x1a: {  	[sflag:s3] =	ssyncset.done $0x0  }
0x1b: {  	s12 =	simm.s32 $0x0;
	s13 =	rddreg [dreg:$0x7];
	[sflag:s3] =	ssyncadd.s32 $0xFFFFEC40  }
0x1c: {  	[tilespmem:s12], [sflag:$0x11] =	stream.linear.gather [hbm4b:s13+s12], $0x2710, $0x38;
	[tilespmem:$0x1EE00] =	vst v63  }
0x1d: {  	_ =	swait.ge [sflag:s3], $0x2710  }
0x1e: {  	[sflag:s3] =	ssyncset.done $0x0  }
0x1f: {  	s19 =	simm.s32 $0x2800;
	s17 =	rddreg [dreg:$0x8];
	[sflag:s3] =	ssyncadd.s32 $0xFFFFD8F0  }
0x20: {  	[tilespmem:s19], [sflag:$0x11] =	stream.linear.gather [hbm4b:s17+s12], $0x2710, $0x38;
	[tilespmem:$0x1EE00] =	vst v63  }
0x21: {  	_ =	swait.ge [sflag:s3], $0x2710  }
0x22: {  	[sflag:s3] =	ssyncset.done $0x0  }
0x23: {  	[sflag:s3] =	ssyncadd.s32 $0xFFFFD8F0  }
0x24: {  	[tilespmem:$0x2710] =	vst v0  }
0x25: {  	[tilespmem:$0x2720] =	vst v1  }
0x26: {  	[tilespmem:$0x2730] =	vst v2  }
0x27: {  	[tilespmem:$0x2740] =	vst v3  }
0x28: {  	[tilespmem:$0x2750] =	vst v4  }
0x29: {  	[tilespmem:$0x2760] =	vst v5  }
0x2a: {  	[tilespmem:$0x2770] =	vst v6  }
0x2b: {  	[tilespmem:$0x2780] =	vst v0  }
0x2c: {  	[tilespmem:$0x2790] =	vst v1  }
0x2d: {  	[tilespmem:$0x27A0] =	vst v2  }
0x2e: {  	[tilespmem:$0x27B0] =	vst v3  }
0x2f: {  	[tilespmem:$0x27C0] =	vst v4  }
0x30: {  	[tilespmem:$0x27D0] =	vst v5  }
0x31: {  	[tilespmem:$0x27E0] =	vst v6  }
0x32: {  	[tilespmem:$0x27F0] =	vst v0  }
0x33: {  	[tilespmem:$0x4F10] =	vst v0  }
0x34: {  	[tilespmem:$0x4F20] =	vst v1  }
0x35: {  	[tilespmem:$0x4F30] =	vst v2  }
0x36: {  	[tilespmem:$0x4F40] =	vst v3  }
0x37: {  	[tilespmem:$0x4F50] =	vst v4  }
0x38: {  	[tilespmem:$0x4F60] =	vst v5  }
0x39: {  	[tilespmem:$0x4F70] =	vst v6  }
0x3a: {  	[tilespmem:$0x4F80] =	vst v0  }
0x3b: {  	[tilespmem:$0x4F90] =	vst v1  }
0x3c: {  	[tilespmem:$0x4FA0] =	vst v2  }
0x3d: {  	[tilespmem:$0x4FB0] =	vst v3  }
0x3e: {  	[tilespmem:$0x4FC0] =	vst v4  }
0x3f: {  	[tilespmem:$0x4FD0] =	vst v5  }
0x40: {  	[tilespmem:$0x4FE0] =	vst v6  }
0x41: {  	[tilespmem:$0x4FF0] =	vst v0  }
0x42: {  	[bflag:$0x0] =	sbarrier.arrive $0xFFFF  }
0x43: {  	[tilespmem:s15], [sflag:$0x1] =	stream.indirect.gather [hbm4b:s4+s14], $0x40, s12, s14, $0xb8;
	[tilespmem:$0x1EE00] =	vst v63  }
0x44: {  	_ = 	snop  }
0x45: {  	[tilespmem:s16], [sflag:$0x2] =	stream.indirect.gather [hbm4b:s4+s14], $0x40, s14, s14, $0xb8;
	[tilespmem:$0x1EE00] =	vst v63  }
0x46: {  	p0 =	por $0x1, $0x1;
	s1 =	simm.s32 $0x100  }
0x47: {  	[tilespmem:s18], [sflag:$0x3] =	stream.indirect.gather [hbm4b:s4+s14], $0x40, s1, s14, $0xb8;
	[tilespmem:$0x1EE00] =	vst v63  }
0x48: {  	s0 =	simm.s32 @!p0 $0xD;
	s3 =	simm.s32 $0x180  }
0x49: {  	[tilespmem:s20], [sflag:$0x4] =	stream.indirect.gather [hbm4b:s4+s14], $0x40, s3, s14, $0xb8;
	[tilespmem:$0x1EE00] =	vst v63  }
0x4a: {  	_ =	swait.ge @!p0 [sflag:s0], $0x2000  }
0x4b: {  	[sflag:s0] =	ssyncset.done @!p0 $0x0  }
0x4c: {  	s6 =	simm.s32 $0x200;
	s5 =	rddreg [dreg:$0x3];
	[sflag:s0] =	ssyncadd.s32 @!p0 $0xFFFFE000  }
0x4d: {  	[tilespmem:s5], [sflag:$0x5] =	stream.indirect.gather [hbm4b:s4+s14], $0x40, s6, s14, $0xb8;
	[tilespmem:$0x1EE00] =	vst v63  }
0x4e: {  	_ =	swait.ge [sflag:s21], $0x2000  }
0x4f: {  	[sflag:s21] =	ssyncset.done $0x0  }
0x50: {  	s7 =	simm.s32 $0x2800;
	s1 =	simm.s32 @!p0 $0xE;
	[sflag:s21] =	ssyncadd.s32 $0xFFFFE000  }
0x51: {  	[spmem:s2] =	stream.indirect.scatter.add.f32 [tilespmem:s15], [sflag:$0x9], $0x40, s7, s14, $0xb8;
	[tilespmem:$0x1EE00] =	vst v63  }
0x52: {  	_ =	swait.ge @!p0 [sflag:s1], $0x2000  }
0x53: {  	[sflag:s1] =	ssyncset.done @!p0 $0x0  }
0x54: {  	s8 =	simm.s32 $0x280;
	[sflag:s1] =	ssyncadd.s32 @!p0 $0xFFFFE000  }
0x55: {  	[tilespmem:s22], [sflag:$0x6] =	stream.indirect.gather [hbm4b:s4+s14], $0x40, s8, s14, $0xb8;
	[tilespmem:$0x1EE00] =	vst v63  }
0x56: {  	_ =	swait.ge [sflag:s23], $0x2000  }
0x57: {  	[sflag:s23] =	ssyncset.done $0x0  }
0x58: {  	s9 =	simm.s32 $0x2880;
	s1 =	simm.s32 @!p0 $0xF;
	[sflag:s23] =	ssyncadd.s32 $0xFFFFE000  }
0x59: {  	[spmem:s2] =	stream.indirect.scatter.add.f32 [tilespmem:s16], [sflag:$0xA], $0x40, s9, s14, $0xb8;
	[tilespmem:$0x1EE00] =	vst v63  }
0x5a: {  	_ =	swait.ge @!p0 [sflag:s1], $0x2000  }
0x5b: {  	[sflag:s1] =	ssyncset.done @!p0 $0x0  }
0x5c: {  	s11 =	simm.s32 $0x300;
	s10 =	rddreg [dreg:$0x4];
	[sflag:s1] =	ssyncadd.s32 @!p0 $0xFFFFE000  }
0x5d: {  	[tilespmem:s10], [sflag:$0x7] =	stream.indirect.gather [hbm4b:s4+s14], $0x40, s11, s14, $0xb8;
	[tilespmem:$0x1EE00] =	vst v63  }
0x5e: {  	_ =	swait.ge [sflag:s24], $0x2000  }
0x5f: {  	[sflag:s24] =	ssyncset.done $0x0  }
0x60: {  	s12 =	simm.s32 $0x2900;
	s1 =	simm.s32 @!p0 $0x10;
	[sflag:s24] =	ssyncadd.s32 $0xFFFFE000  }
0x61: {  	[spmem:s2] =	stream.indirect.scatter.add.f32 [tilespmem:s18], [sflag:$0xB], $0x40, s12, s14, $0xb8;
	[tilespmem:$0x1EE00] =	vst v63  }
0x62: {  	_ =	swait.ge @!p0 [sflag:s1], $0x2000  }
0x63: {  	[sflag:s1] =	ssyncset.done @!p0 $0x0  }
0x64: {  	s13 =	simm.s32 $0x380;
	[sflag:s1] =	ssyncadd.s32 @!p0 $0xFFFFE000  }
0x65: {  	[tilespmem:s25], [sflag:$0x8] =	stream.indirect.gather [hbm4b:s4+s14], $0x40, s13, s14, $0xb8;
	[tilespmem:$0x1EE00] =	vst v63  }
0x66: {  	_ =	swait.ge [sflag:s26], $0x2000  }
0x67: {  	[sflag:s26] =	ssyncset.done $0x0  }
0x68: {  	s17 =	simm.s32 $0x2980;
	[sflag:s26] =	ssyncadd.s32 $0xFFFFE000  }
0x69: {  	[spmem:s2] =	stream.indirect.scatter.add.f32 [tilespmem:s20], [sflag:$0xC], $0x40, s17, s14, $0xb8;
	[tilespmem:$0x1EE00] =	vst v63  }
0x6a: {  	_ =	swait.ge [sflag:s28], $0x2000  }
0x6b: {  	p0 =	por $0x0, $0x0;
	[sflag:s28] =	ssyncset.done $0x0  }
0x6c: {  	s0 =	simm.s32 @p0 $0x5;
	[sflag:s28] =	ssyncadd.s32 $0xFFFFE000  }
0x6d: {  	_ =	swait.ge @p0 [sflag:s0], $0x2000  }
0x6e: {  	s1 =	simm.s32 @p0 $0x2A00;
	s3 =	simm.s32 @p0 $0xA;
	[sflag:s0] =	ssyncset.done @p0 $0x0  }
0x6f: {  	s5 =	simm.s32 @p0 $0xD000;
	[sflag:s0] =	ssyncadd.s32 @p0 $0xFFFFE000;
	s0 =	simm.s32 @p0 $0x80  }
0x70: {  	[spmem:s2] =	stream.indirect.scatter.add.f32 @p0 [tilespmem:s5], [sflag:$0xD], $0x40, s1, s0, $0xb8;
	[tilespmem:$0x1EE00] =	vst v63  }
0x71: {  	_ =	swait.ge @p0 [sflag:s3], $0x2000  }
0x72: {  	s1 =	simm.s32 @!p0 $0x400;
	[sflag:s3] =	ssyncset.done @p0 $0x0  }
0x73: {  	s5 =	simm.s32 @!p0 $0x5000;
	[sflag:s3] =	ssyncadd.s32 @p0 $0xFFFFE000;
	s3 =	simm.s32 @!p0 $0x80  }
0x74: {  	[tilespmem:s5], [sflag:$0x1] =	stream.indirect.gather @!p0 [hbm4b:s4+s3], $0x40, s1, s3, $0xb8;
	[tilespmem:$0x1EE00] =	vst v63  }
0x75: {  	s1 =	simm.s32 @!p0 $0x5  }
0x76: {  	_ =	swait.ge @!p0 [sflag:s1], $0x2000  }
0x77: {  	[sflag:s1] =	ssyncset.done @!p0 $0x0  }
0x78: {  	s5 =	simm.s32 @!p0 $0x2A00;
	[sflag:s1] =	ssyncadd.s32 @!p0 $0xFFFFE000;
	s1 =	simm.s32 @!p0 $0xD000  }
0x79: {  	[spmem:s2] =	stream.indirect.scatter.add.f32 @!p0 [tilespmem:s1], [sflag:$0xD], $0x40, s5, s3, $0xb8;
	[tilespmem:$0x1EE00] =	vst v63  }
0x7a: {  	s1 =	simm.s32 @!p0 $0xA  }
0x7b: {  	_ =	swait.ge @!p0 [sflag:s1], $0x2000  }
0x7c: {  	[sflag:s1] =	ssyncset.done @!p0 $0x0  }
0x7d: {  	s5 =	simm.s32 @!p0 $0x480;
	[sflag:s1] =	ssyncadd.s32 @!p0 $0xFFFFE000;
	s1 =	simm.s32 @!p0 $0x7000  }
0x7e: {  	[tilespmem:s1], [sflag:$0x2] =	stream.indirect.gather @!p0 [hbm4b:s4+s3], $0x40, s5, s3, $0xb8;
	[tilespmem:$0x1EE00] =	vst v63  }
0x7f: {  	_ =	swait.ge [sflag:s29], $0x2000  }
0x80: {  	[sflag:s29] =	ssyncset.done $0x0  }
0x81: {  	s19 =	simm.s32 $0x2A80;
	[sflag:s29] =	ssyncadd.s32 $0xFFFFE000  }
0x82: {  	[spmem:s2] =	stream.indirect.scatter.add.f32 [tilespmem:s22], [sflag:$0xE], $0x40, s19, s14, $0xb8;
	[tilespmem:$0x1EE00] =	vst v63  }
0x83: {  	_ =	swait.ge [sflag:s30], $0x2000  }
0x84: {  	[sflag:s30] =	ssyncset.done $0x0  }
0x85: {  	s1 =	simm.s32 @p0 $0x7;
	[sflag:s30] =	ssyncadd.s32 $0xFFFFE000  }
0x86: {  	_ =	swait.ge @p0 [sflag:s1], $0x2000  }
0x87: {  	[sflag:s1] =	ssyncset.done @p0 $0x0  }
0x88: {  	s5 =	simm.s32 @p0 $0x2B00;
	[sflag:s1] =	ssyncadd.s32 @p0 $0xFFFFE000;
	s1 =	simm.s32 @p0 $0x11000  }
0x89: {  	[spmem:s2] =	stream.indirect.scatter.add.f32 @p0 [tilespmem:s1], [sflag:$0xF], $0x40, s5, s0, $0xb8;
	[tilespmem:$0x1EE00] =	vst v63  }
0x8a: {  	s0 =	simm.s32 @p0 $0xC  }
0x8b: {  	_ =	swait.ge @p0 [sflag:s0], $0x2000  }
0x8c: {  	[sflag:s0] =	ssyncset.done @p0 $0x0  }
0x8d: {  	s1 =	simm.s32 @!p0 $0x500;
	[sflag:s0] =	ssyncadd.s32 @p0 $0xFFFFE000;
	s0 =	simm.s32 @!p0 $0x9000  }
0x8e: {  	[tilespmem:s0], [sflag:$0x3] =	stream.indirect.gather @!p0 [hbm4b:s4+s3], $0x40, s1, s3, $0xb8;
	[tilespmem:$0x1EE00] =	vst v63  }
0x8f: {  	s0 =	simm.s32 @!p0 $0x7  }
0x90: {  	_ =	swait.ge @!p0 [sflag:s0], $0x2000  }
0x91: {  	[sflag:s0] =	ssyncset.done @!p0 $0x0  }
0x92: {  	s1 =	simm.s32 @!p0 $0x2B00;
	[sflag:s0] =	ssyncadd.s32 @!p0 $0xFFFFE000;
	s0 =	simm.s32 @!p0 $0x11000  }
0x93: {  	[spmem:s2] =	stream.indirect.scatter.add.f32 @!p0 [tilespmem:s0], [sflag:$0xF], $0x40, s1, s3, $0xb8;
	[tilespmem:$0x1EE00] =	vst v63  }
0x94: {  	s0 =	simm.s32 @!p0 $0xC  }
0x95: {  	_ =	swait.ge @!p0 [sflag:s0], $0x2000  }
0x96: {  	[sflag:s0] =	ssyncset.done @!p0 $0x0  }
0x97: {  	s1 =	simm.s32 @!p0 $0x580;
	[sflag:s0] =	ssyncadd.s32 @!p0 $0xFFFFE000;
	s0 =	simm.s32 @!p0 $0xB000  }
0x98: {  	[tilespmem:s0], [sflag:$0x4] =	stream.indirect.gather @!p0 [hbm4b:s4+s3], $0x40, s1, s3, $0xb8;
	[tilespmem:$0x1EE00] =	vst v63  }
0x99: {  	p1 =	por $0x0, $0x0;
	s7 =	simm.s32 $0x2000;
	_ =	swait.ge [sflag:s31], $0x2000  }
0x9a: {  	s5 =	simm.s32 $0x1000;
	s0 =	simm.s32 $0x2B80;
	[sflag:s31] =	ssyncset.done $0x0  }
.LBB2_2:
0x9b: {  	s1 =	simm.s32 @!p1 $0xD;
	[sflag:s31] =	ssyncadd.s32 $0xFFFFE000  }
0x9c: {  	[spmem:s2] =	stream.indirect.scatter.add.f32 [tilespmem:s25], [sflag:$0x10], $0x40, s0, s14, $0xb8;
	[tilespmem:$0x1EE00] =	vst v63  }
0x9d: {  	_ =	swait.ge @!p1 [sflag:s1], $0x2000  }
0x9e: {  	s8 =	sshra.s32 s5, $0x2;
	[sflag:s1] =	ssyncset.done @!p1 $0x0  }
0x9f: {  	s17 =	sadd.s32 $0x200, s8;
	s13 =	rddreg [dreg:$0x3];
	[sflag:s1] =	ssyncadd.s32 @!p1 $0xFFFFE000  }
0xa0: {  	[tilespmem:s13], [sflag:$0x5] =	stream.indirect.gather [hbm4b:s4+s14], $0x40, s17, s14, $0xb8;
	[tilespmem:$0x1EE00] =	vst v63  }
0xa1: {  	_ =	swait.ge [sflag:s21], $0x2000  }
0xa2: {  	[sflag:s21] =	ssyncset.done $0x0  }
0xa3: {  	s19 =	sadd.s32 $0x2800, s8;
	s1 =	simm.s32 @!p1 $0xE;
	[sflag:s21] =	ssyncadd.s32 $0xFFFFE000  }
0xa4: {  	[spmem:s2] =	stream.indirect.scatter.add.f32 [tilespmem:s15], [sflag:$0x9], $0x40, s19, s14, $0xb8;
	[tilespmem:$0x1EE00] =	vst v63  }
0xa5: {  	_ =	swait.ge @!p1 [sflag:s1], $0x2000  }
0xa6: {  	[sflag:s1] =	ssyncset.done @!p1 $0x0  }
0xa7: {  	[sflag:s1] =	ssyncadd.s32 @!p1 $0xFFFFE000;
	s1 =	sadd.s32 $0x280, s8  }
0xa8: {  	[tilespmem:s22], [sflag:$0x6] =	stream.indirect.gather [hbm4b:s4+s14], $0x40, s1, s14, $0xb8;
	[tilespmem:$0x1EE00] =	vst v63  }
0xa9: {  	_ =	swait.ge [sflag:s23], $0x2000  }
0xaa: {  	[sflag:s23] =	ssyncset.done $0x0  }
0xab: {  	s3 =	sadd.s32 $0x2880, s8;
	s1 =	simm.s32 @!p1 $0xF;
	[sflag:s23] =	ssyncadd.s32 $0xFFFFE000  }
0xac: {  	[spmem:s2] =	stream.indirect.scatter.add.f32 [tilespmem:s16], [sflag:$0xA], $0x40, s3, s14, $0xb8;
	[tilespmem:$0x1EE00] =	vst v63  }
0xad: {  	_ =	swait.ge @!p1 [sflag:s1], $0x2000  }
0xae: {  	[sflag:s1] =	ssyncset.done @!p1 $0x0  }
0xaf: {  	s10 =	sadd.s32 $0x300, s8;
	s6 =	rddreg [dreg:$0x4];
	[sflag:s1] =	ssyncadd.s32 @!p1 $0xFFFFE000  }
0xb0: {  	[tilespmem:s6], [sflag:$0x7] =	stream.indirect.gather [hbm4b:s4+s14], $0x40, s10, s14, $0xb8;
	[tilespmem:$0x1EE00] =	vst v63  }
0xb1: {  	_ =	swait.ge [sflag:s24], $0x2000  }
0xb2: {  	[sflag:s24] =	ssyncset.done $0x0  }
0xb3: {  	s11 =	sadd.s32 $0x2900, s8;
	s1 =	simm.s32 @!p1 $0x10;
	[sflag:s24] =	ssyncadd.s32 $0xFFFFE000  }
0xb4: {  	[spmem:s2] =	stream.indirect.scatter.add.f32 [tilespmem:s18], [sflag:$0xB], $0x40, s11, s14, $0xb8;
	[tilespmem:$0x1EE00] =	vst v63  }
0xb5: {  	_ =	swait.ge @!p1 [sflag:s1], $0x2000  }
0xb6: {  	[sflag:s1] =	ssyncset.done @!p1 $0x0  }
0xb7: {  	s12 =	sadd.s32 $0x380, s8;
	[sflag:s1] =	ssyncadd.s32 @!p1 $0xFFFFE000  }
0xb8: {  	[tilespmem:s25], [sflag:$0x8] =	stream.indirect.gather [hbm4b:s4+s14], $0x40, s12, s14, $0xb8;
	[tilespmem:$0x1EE00] =	vst v63  }
0xb9: {  	_ =	swait.ge [sflag:s26], $0x2000  }
0xba: {  	[sflag:s26] =	ssyncset.done $0x0  }
0xbb: {  	s13 =	sadd.s32 $0x2980, s8;
	[sflag:s26] =	ssyncadd.s32 $0xFFFFE000  }
0xbc: {  	[spmem:s2] =	stream.indirect.scatter.add.f32 [tilespmem:s20], [sflag:$0xC], $0x40, s13, s14, $0xb8;
	[tilespmem:$0x1EE00] =	vst v63  }
0xbd: {  	_ =	swait.ge [sflag:s28], $0x2000  }
0xbe: {  	s9 =	smov.u32 s7;
	p1 =	seq.s32 s5, $0x9000;
	[sflag:s28] =	ssyncset.done $0x0  }
0xbf: {  	s0 =	simm.s32 @p1 $0x5;
	s3 =	sshra.s32 @p1 s5, $0x2;
	[sflag:s28] =	ssyncadd.s32 $0xFFFFE000  }
0xc0: {  	s5 =	sshra.s32 @!p1 s5, $0x2;
	s1 =	simm.s32 @p1 $0x80;
	_ =	swait.ge @p1 [sflag:s0], $0x2000  }
0xc1: {  	s12 =	simm.s32 @!p1 $0x5;
	s10 =	sadd.s32 @p1 $0x2A00, s3;
	[sflag:s0] =	ssyncset.done @p1 $0x0  }
0xc2: {  	s13 =	simm.s32 @p1 $0xA;
	[sflag:s0] =	ssyncadd.s32 @p1 $0xFFFFE000;
	s0 =	simm.s32 @p1 $0xD000  }
0xc3: {  	[spmem:s2] =	stream.indirect.scatter.add.f32 @p1 [tilespmem:s0], [sflag:$0xD], $0x40, s10, s1, $0xb8;
	[tilespmem:$0x1EE00] =	vst v63  }
0xc4: {  	s17 =	sadd.s32 @!p1 $0x400, s5;
	s6 =	sadd.s32 @!p1 $0x2A00, s5;
	_ =	swait.ge @p1 [sflag:s13], $0x2000  }
0xc5: {  	s11 =	sadd.s32 @!p1 $0x480, s5;
	s19 =	sadd.s32 @p1 $0x2B00, s3;
	[sflag:s13] =	ssyncset.done @p1 $0x0  }
0xc6: {  	s10 =	simm.s32 @!p1 $0x80;
	s0 =	simm.s32 @!p1 $0x5000;
	[sflag:s13] =	ssyncadd.s32 @p1 $0xFFFFE000  }
0xc7: {  	[tilespmem:s0], [sflag:$0x1] =	stream.indirect.gather @!p1 [hbm4b:s4+s10], $0x40, s17, s10, $0xb8;
	[tilespmem:$0x1EE00] =	vst v63  }
0xc8: {  	s3 =	sadd.s32 @!p1 $0x580, s5;
	s13 =	sadd.s32 @!p1 $0x500, s5;
	_ =	swait.ge @!p1 [sflag:s12], $0x2000  }
0xc9: {  	s0 =	sadd.s32 @!p1 $0x2B00, s5;
	s5 =	smov.u32 s9;
	[sflag:s12] =	ssyncset.done @!p1 $0x0  }
0xca: {  	s9 =	simm.s32 @!p1 $0xD000;
	[sflag:s12] =	ssyncadd.s32 @!p1 $0xFFFFE000;
	s12 =	simm.s32 @!p1 $0xA  }
0xcb: {  	[spmem:s2] =	stream.indirect.scatter.add.f32 @!p1 [tilespmem:s9], [sflag:$0xD], $0x40, s6, s10, $0xb8;
	[tilespmem:$0x1EE00] =	vst v63  }
0xcc: {  	_ =	swait.ge @!p1 [sflag:s12], $0x2000  }
0xcd: {  	[sflag:s12] =	ssyncset.done @!p1 $0x0  }
0xce: {  	s6 =	simm.s32 @!p1 $0x7000;
	[sflag:s12] =	ssyncadd.s32 @!p1 $0xFFFFE000  }
0xcf: {  	[tilespmem:s6], [sflag:$0x2] =	stream.indirect.gather @!p1 [hbm4b:s4+s10], $0x40, s11, s10, $0xb8;
	[tilespmem:$0x1EE00] =	vst v63  }
0xd0: {  	_ =	swait.ge [sflag:s29], $0x2000  }
0xd1: {  	[sflag:s29] =	ssyncset.done $0x0  }
0xd2: {  	s17 =	sadd.s32 $0x2A80, s8;
	[sflag:s29] =	ssyncadd.s32 $0xFFFFE000  }
0xd3: {  	[spmem:s2] =	stream.indirect.scatter.add.f32 [tilespmem:s22], [sflag:$0xE], $0x40, s17, s14, $0xb8;
	[tilespmem:$0x1EE00] =	vst v63  }
0xd4: {  	_ =	swait.ge [sflag:s30], $0x2000  }
0xd5: {  	[sflag:s30] =	ssyncset.done $0x0  }
0xd6: {  	s6 =	simm.s32 @p1 $0x7;
	[sflag:s30] =	ssyncadd.s32 $0xFFFFE000  }
0xd7: {  	_ =	swait.ge @p1 [sflag:s6], $0x2000  }
0xd8: {  	[sflag:s6] =	ssyncset.done @p1 $0x0  }
0xd9: {  	s9 =	simm.s32 @p1 $0xC;
	[sflag:s6] =	ssyncadd.s32 @p1 $0xFFFFE000;
	s6 =	simm.s32 @p1 $0x11000  }
0xda: {  	[spmem:s2] =	stream.indirect.scatter.add.f32 @p1 [tilespmem:s6], [sflag:$0xF], $0x40, s19, s1, $0xb8;
	[tilespmem:$0x1EE00] =	vst v63  }
0xdb: {  	_ =	swait.ge @p1 [sflag:s9], $0x2000  }
0xdc: {  	[sflag:s9] =	ssyncset.done @p1 $0x0  }
0xdd: {  	s1 =	simm.s32 @!p1 $0x9000;
	s6 =	simm.s32 @!p1 $0x7;
	[sflag:s9] =	ssyncadd.s32 @p1 $0xFFFFE000  }
0xde: {  	[tilespmem:s1], [sflag:$0x3] =	stream.indirect.gather @!p1 [hbm4b:s4+s10], $0x40, s13, s10, $0xb8;
	[tilespmem:$0x1EE00] =	vst v63  }
0xdf: {  	_ =	swait.ge @!p1 [sflag:s6], $0x2000  }
0xe0: {  	s7 =	sadd.s32 $0x1000, s7;
	[sflag:s6] =	ssyncset.done @!p1 $0x0  }
0xe1: {  	s1 =	simm.s32 @!p1 $0x11000;
	[sflag:s6] =	ssyncadd.s32 @!p1 $0xFFFFE000;
	s6 =	simm.s32 @!p1 $0xC  }
0xe2: {  	[spmem:s2] =	stream.indirect.scatter.add.f32 @!p1 [tilespmem:s1], [sflag:$0xF], $0x40, s0, s10, $0xb8;
	[tilespmem:$0x1EE00] =	vst v63  }
0xe3: {  	p0 =	sne.s32 s7, $0xA000;
	_ =	swait.ge @!p1 [sflag:s6], $0x2000  }
.Ltmp0:
0xe4: {  	[sflag:s6] =	ssyncset.done @!p1 $0x0;
	(pc) =	sbr.rel @p0 .LBB2_2-.Ltmp0, $4  }
0xe5: {  	s0 =	simm.s32 @!p1 $0xB000;
	[sflag:s6] =	ssyncadd.s32 @!p1 $0xFFFFE000  }
0xe6: {  	[tilespmem:s0], [sflag:$0x4] =	stream.indirect.gather @!p1 [hbm4b:s4+s10], $0x40, s3, s10, $0xb8;
	[tilespmem:$0x1EE00] =	vst v63  }
0xe7: {  	_ =	swait.ge [sflag:s31], $0x2000  }
0xe8: {  	p1 =	seq.s32 s5, $0x0;
	s0 =	sadd.s32 $0x2B80, s8;
	[sflag:s31] =	ssyncset.done $0x0  }
0xe9: {  	s1 =	simm.s32 @!p1 $0xD;
	[sflag:s31] =	ssyncadd.s32 $0xFFFFE000  }
0xea: {  	[spmem:s2] =	stream.indirect.scatter.add.f32 [tilespmem:s25], [sflag:$0x10], $0x40, s0, s14, $0xb8;
	[tilespmem:$0x1EE00] =	vst v63  }
0xeb: {  	_ =	swait.ge @!p1 [sflag:s1], $0x2000  }
0xec: {  	s7 =	sshra.s32 s5, $0x2;
	[sflag:s1] =	ssyncset.done @!p1 $0x0  }
0xed: {  	s3 =	sadd.s32 $0x200, s7;
	s19 =	rddreg [dreg:$0x3];
	[sflag:s1] =	ssyncadd.s32 @!p1 $0xFFFFE000  }
0xee: {  	[tilespmem:s19], [sflag:$0x5] =	stream.indirect.gather [hbm4b:s4+s14], $0x40, s3, s14, $0xb8;
	[tilespmem:$0x1EE00] =	vst v63  }
0xef: {  	_ =	swait.ge [sflag:s21], $0x2000  }
0xf0: {  	[sflag:s21] =	ssyncset.done $0x0  }
0xf1: {  	s6 =	sadd.s32 $0x2800, s7;
	s1 =	simm.s32 @!p1 $0xE;
	[sflag:s21] =	ssyncadd.s32 $0xFFFFE000  }
0xf2: {  	[spmem:s2] =	stream.indirect.scatter.add.f32 [tilespmem:s15], [sflag:$0x9], $0x40, s6, s14, $0xb8;
	[tilespmem:$0x1EE00] =	vst v63  }
0xf3: {  	_ =	swait.ge @!p1 [sflag:s1], $0x2000  }
0xf4: {  	[sflag:s1] =	ssyncset.done @!p1 $0x0  }
0xf5: {  	s8 =	sadd.s32 $0x280, s7;
	[sflag:s1] =	ssyncadd.s32 @!p1 $0xFFFFE000  }
0xf6: {  	[tilespmem:s22], [sflag:$0x6] =	stream.indirect.gather [hbm4b:s4+s14], $0x40, s8, s14, $0xb8;
	[tilespmem:$0x1EE00] =	vst v63  }
0xf7: {  	_ =	swait.ge [sflag:s23], $0x2000  }
0xf8: {  	[sflag:s23] =	ssyncset.done $0x0  }
0xf9: {  	s9 =	sadd.s32 $0x2880, s7;
	s1 =	simm.s32 @!p1 $0xF;
	[sflag:s23] =	ssyncadd.s32 $0xFFFFE000  }
0xfa: {  	[spmem:s2] =	stream.indirect.scatter.add.f32 [tilespmem:s16], [sflag:$0xA], $0x40, s9, s14, $0xb8;
	[tilespmem:$0x1EE00] =	vst v63  }
0xfb: {  	_ =	swait.ge @!p1 [sflag:s1], $0x2000  }
0xfc: {  	[sflag:s1] =	ssyncset.done @!p1 $0x0  }
0xfd: {  	s11 =	sadd.s32 $0x300, s7;
	s10 =	rddreg [dreg:$0x4];
	[sflag:s1] =	ssyncadd.s32 @!p1 $0xFFFFE000  }
0xfe: {  	[tilespmem:s10], [sflag:$0x7] =	stream.indirect.gather [hbm4b:s4+s14], $0x40, s11, s14, $0xb8;
	[tilespmem:$0x1EE00] =	vst v63  }
0xff: {  	_ =	swait.ge [sflag:s24], $0x2000  }
0x100: {  	[sflag:s24] =	ssyncset.done $0x0  }
0x101: {  	s12 =	sadd.s32 $0x2900, s7;
	s1 =	simm.s32 @!p1 $0x10;
	[sflag:s24] =	ssyncadd.s32 $0xFFFFE000  }
0x102: {  	[spmem:s2] =	stream.indirect.scatter.add.f32 [tilespmem:s18], [sflag:$0xB], $0x40, s12, s14, $0xb8;
	[tilespmem:$0x1EE00] =	vst v63  }
0x103: {  	_ =	swait.ge @!p1 [sflag:s1], $0x2000  }
0x104: {  	[sflag:s1] =	ssyncset.done @!p1 $0x0  }
0x105: {  	s13 =	sadd.s32 $0x380, s7;
	[sflag:s1] =	ssyncadd.s32 @!p1 $0xFFFFE000  }
0x106: {  	[tilespmem:s25], [sflag:$0x8] =	stream.indirect.gather [hbm4b:s4+s14], $0x40, s13, s14, $0xb8;
	[tilespmem:$0x1EE00] =	vst v63  }
0x107: {  	_ =	swait.ge [sflag:s26], $0x2000  }
0x108: {  	[sflag:s26] =	ssyncset.done $0x0  }
0x109: {  	s17 =	sadd.s32 $0x2980, s7;
	[sflag:s26] =	ssyncadd.s32 $0xFFFFE000  }
0x10a: {  	[spmem:s2] =	stream.indirect.scatter.add.f32 [tilespmem:s20], [sflag:$0xC], $0x40, s17, s14, $0xb8;
	[tilespmem:$0x1EE00] =	vst v63  }
0x10b: {  	_ =	swait.ge [sflag:s28], $0x2000  }
0x10c: {  	p0 =	seq.s32 s5, $0x9000;
	[sflag:s28] =	ssyncset.done $0x0  }
0x10d: {  	s0 =	simm.s32 @p0 $0x5;
	[sflag:s28] =	ssyncadd.s32 $0xFFFFE000  }
0x10e: {  	s6 =	simm.s32 @p0 $0xA;
	_ =	swait.ge @p0 [sflag:s0], $0x2000  }
0x10f: {  	s8 =	simm.s32 @p0 $0xD000;
	s1 =	sshra.s32 @p0 s5, $0x2;
	[sflag:s0] =	ssyncset.done @p0 $0x0  }
0x110: {  	s3 =	sadd.s32 @p0 $0x2A00, s1;
	[sflag:s0] =	ssyncadd.s32 @p0 $0xFFFFE000;
	s0 =	simm.s32 @p0 $0x80  }
0x111: {  	[spmem:s2] =	stream.indirect.scatter.add.f32 @p0 [tilespmem:s8], [sflag:$0xD], $0x40, s3, s0, $0xb8;
	[tilespmem:$0x1EE00] =	vst v63  }
0x112: {  	_ =	swait.ge @p0 [sflag:s6], $0x2000  }
0x113: {  	s3 =	sshra.s32 @!p0 s5, $0x2;
	s8 =	simm.s32 @!p0 $0x5000;
	[sflag:s6] =	ssyncset.done @p0 $0x0  }
0x114: {  	s5 =	sadd.s32 @!p0 $0x400, s3;
	[sflag:s6] =	ssyncadd.s32 @p0 $0xFFFFE000;
	s6 =	simm.s32 @!p0 $0x80  }
0x115: {  	[tilespmem:s8], [sflag:$0x1] =	stream.indirect.gather @!p0 [hbm4b:s4+s6], $0x40, s5, s6, $0xb8;
	[tilespmem:$0x1EE00] =	vst v63  }
0x116: {  	s5 =	simm.s32 @!p0 $0x5  }
0x117: {  	_ =	swait.ge @!p0 [sflag:s5], $0x2000  }
0x118: {  	[sflag:s5] =	ssyncset.done @!p0 $0x0  }
0x119: {  	s8 =	sadd.s32 @!p0 $0x2A00, s3;
	[sflag:s5] =	ssyncadd.s32 @!p0 $0xFFFFE000;
	s5 =	simm.s32 @!p0 $0xD000  }
0x11a: {  	[spmem:s2] =	stream.indirect.scatter.add.f32 @!p0 [tilespmem:s5], [sflag:$0xD], $0x40, s8, s6, $0xb8;
	[tilespmem:$0x1EE00] =	vst v63  }
0x11b: {  	s5 =	simm.s32 @!p0 $0xA  }
0x11c: {  	_ =	swait.ge @!p0 [sflag:s5], $0x2000  }
0x11d: {  	[sflag:s5] =	ssyncset.done @!p0 $0x0  }
0x11e: {  	s8 =	sadd.s32 @!p0 $0x480, s3;
	[sflag:s5] =	ssyncadd.s32 @!p0 $0xFFFFE000;
	s5 =	simm.s32 @!p0 $0x7000  }
0x11f: {  	[tilespmem:s5], [sflag:$0x2] =	stream.indirect.gather @!p0 [hbm4b:s4+s6], $0x40, s8, s6, $0xb8;
	[tilespmem:$0x1EE00] =	vst v63  }
0x120: {  	_ =	swait.ge [sflag:s29], $0x2000  }
0x121: {  	[sflag:s29] =	ssyncset.done $0x0  }
0x122: {  	s19 =	sadd.s32 $0x2A80, s7;
	[sflag:s29] =	ssyncadd.s32 $0xFFFFE000  }
0x123: {  	[spmem:s2] =	stream.indirect.scatter.add.f32 [tilespmem:s22], [sflag:$0xE], $0x40, s19, s14, $0xb8;
	[tilespmem:$0x1EE00] =	vst v63  }
0x124: {  	_ =	swait.ge [sflag:s30], $0x2000  }
0x125: {  	[sflag:s30] =	ssyncset.done $0x0  }
0x126: {  	s5 =	simm.s32 @p0 $0x7;
	[sflag:s30] =	ssyncadd.s32 $0xFFFFE000  }
0x127: {  	_ =	swait.ge @p0 [sflag:s5], $0x2000  }
0x128: {  	[sflag:s5] =	ssyncset.done @p0 $0x0  }
0x129: {  	s1 =	sadd.s32 @p0 $0x2B00, s1;
	[sflag:s5] =	ssyncadd.s32 @p0 $0xFFFFE000;
	s5 =	simm.s32 @p0 $0x11000  }
0x12a: {  	[spmem:s2] =	stream.indirect.scatter.add.f32 @p0 [tilespmem:s5], [sflag:$0xF], $0x40, s1, s0, $0xb8;
	[tilespmem:$0x1EE00] =	vst v63  }
0x12b: {  	s0 =	simm.s32 @p0 $0xC  }
0x12c: {  	_ =	swait.ge @p0 [sflag:s0], $0x2000  }
0x12d: {  	[sflag:s0] =	ssyncset.done @p0 $0x0  }
0x12e: {  	s1 =	sadd.s32 @!p0 $0x500, s3;
	[sflag:s0] =	ssyncadd.s32 @p0 $0xFFFFE000;
	s0 =	simm.s32 @!p0 $0x9000  }
0x12f: {  	[tilespmem:s0], [sflag:$0x3] =	stream.indirect.gather @!p0 [hbm4b:s4+s6], $0x40, s1, s6, $0xb8;
	[tilespmem:$0x1EE00] =	vst v63  }
0x130: {  	s0 =	simm.s32 @!p0 $0x7  }
0x131: {  	_ =	swait.ge @!p0 [sflag:s0], $0x2000  }
0x132: {  	[sflag:s0] =	ssyncset.done @!p0 $0x0  }
0x133: {  	s1 =	sadd.s32 @!p0 $0x2B00, s3;
	[sflag:s0] =	ssyncadd.s32 @!p0 $0xFFFFE000;
	s0 =	simm.s32 @!p0 $0x11000  }
0x134: {  	[spmem:s2] =	stream.indirect.scatter.add.f32 @!p0 [tilespmem:s0], [sflag:$0xF], $0x40, s1, s6, $0xb8;
	[tilespmem:$0x1EE00] =	vst v63  }
0x135: {  	s0 =	simm.s32 @!p0 $0xC  }
0x136: {  	_ =	swait.ge @!p0 [sflag:s0], $0x2000  }
0x137: {  	[sflag:s0] =	ssyncset.done @!p0 $0x0  }
0x138: {  	s1 =	sadd.s32 @!p0 $0x580, s3;
	[sflag:s0] =	ssyncadd.s32 @!p0 $0xFFFFE000;
	s0 =	simm.s32 @!p0 $0xB000  }
0x139: {  	[tilespmem:s0], [sflag:$0x4] =	stream.indirect.gather @!p0 [hbm4b:s4+s6], $0x40, s1, s6, $0xb8;
	[tilespmem:$0x1EE00] =	vst v63  }
0x13a: {  	_ =	swait.ge [sflag:s31], $0x2000  }
0x13b: {  	[sflag:s31] =	ssyncset.done $0x0  }
0x13c: {  	s9 =	simm.s32 $0xD;
	s8 =	sadd.s32 $0x2B80, s7;
	[sflag:s31] =	ssyncadd.s32 $0xFFFFE000  }
0x13d: {  	[spmem:s2] =	stream.indirect.scatter.add.f32 [tilespmem:s25], [sflag:$0x10], $0x40, s8, s14, $0xb8;
	[tilespmem:$0x1EE00] =	vst v63  }
0x13e: {  	_ =	swait.ge [sflag:s9], $0x2000  }
0x13f: {  	[sflag:s9] =	ssyncset.done $0x0  }
0x140: {  	s10 =	simm.s32 $0xE;
	[sflag:s9] =	ssyncadd.s32 $0xFFFFE000  }
0x141: {  	_ =	swait.ge [sflag:s10], $0x2000  }
0x142: {  	[sflag:s10] =	ssyncset.done $0x0  }
0x143: {  	s11 =	simm.s32 $0xF;
	[sflag:s10] =	ssyncadd.s32 $0xFFFFE000  }
0x144: {  	_ =	swait.ge [sflag:s11], $0x2000  }
0x145: {  	[sflag:s11] =	ssyncset.done $0x0  }
0x146: {  	s12 =	simm.s32 $0x10;
	[sflag:s11] =	ssyncadd.s32 $0xFFFFE000  }
0x147: {  	_ =	swait.ge [sflag:s12], $0x2000  }
0x148: {  	[sflag:s12] =	ssyncset.done $0x0  }
0x149: {  	[sflag:s12] =	ssyncadd.s32 $0xFFFFE000  }
0x14a: {  	[bflag:$0x0] =	sbarrier.arrive $0xFFFF  }
0x14b: {  	s6 =	rddreg [dreg:$0x6]  }
0x14c: {  	s13 =	rddreg [dreg:$0x9]  }
0x14d: {  	s3 =	simm.s32 $0x11;
	s1 =	rddreg [dreg:$0xb]  }
0x14e: {  	[hbm:s13], [sflag:s6] =	dma.local [spmem:s1], $0x13C0  }
0x14f: {  	_ =	swait.ge [sflag:s3], $0x13C0  }
0x150: {  	s17 =	rddreg [dreg:$0xc]  }
0x151: {  	s19 =	rddreg [dreg:$0xa];
	s5 =	sadd.s32 $0x1, s17  }
0x152: {  	p0 =	sne.s32 s5, s19  }
.Ltmp1:
0x153: {  	_ = 	snop;
	(pc) =	sbr.rel @p0 .LBB2_1-.Ltmp1, $3  }
0x154: {  	_ =	sdelay $0x1  }
0x155: {  	[sflag:s3] =	ssyncset.done $0x0  }
0x156: {  	[sflag:s3] =	ssyncadd.s32 $0xFFFFEC40  }
0x157: {  	_ =	sfence.sel $0x180000  }
0x158: {  	[bflag:$0x0] =	sbarrier.arrive $0xFFFF  }
0x159: {  	_ =	strace $0x9000004D  }
0x15a: {  	s0 =	stileid.u32;
	[bflag:$0x2] =	sbarrier.arrive $0xFFFF  }
0x15b: {  	p0 =	sne.s32 s0, $0x0;
	s0 =	rddreg [dreg:$0x2]  }
0x15c: {  	s0 =	sadd.s32 @!p0 $0x100000, s0  }
0x15d: {  	[sflag:s0] =	ssyncadd.tile.s32 @!p0 $0x1;
	_ =	shalt  }
.Lfunc_end2:
_tile_overlayer_lowered:
.L_overlay_start_2:
0x15e: {  	(tag) =	ssettag $0x2  }
0x15f: {  	s0 =	rddreg [dreg:$0x0];
	s2 =	stileid.u32  }
0x160: {  	s1 =	rddreg [dreg:$0x1];
	p0 =	sne.s32 s2, $0x0  }
0x161: {  	s3 =	rddreg [dreg:$0x2];
	[bflag:$0x3] =	sbarrier.arrive $0xFFFF;
	s2 =	simm.s32 @!p0 $0x1C11  }
0x162: {  	[timem:s3], [sflag:s2] =	dma.local @!p0 [hbm:s0], s1  }
0x163: {  	s0 =	simm.s32 @!p0 $0x11  }
0x164: {  	_ =	swait.ge @!p0 [sflag:s0], s1  }
0x165: {  	s1 =	ssub.s32 @!p0 $0x0, s1;
	[sflag:s0] =	ssyncset.done @!p0 $0x0  }
0x166: {  	[sflag:s0] =	ssyncadd.s32 @!p0 s1  }
0x167: {  	[bflag:$0x3] =	sbarrier.arrive $0xFFFF  }
0x168: {  	_ =	shalt  }

// kernel: kernel.8.cloned.1.call-start
scs
__scs_entry_jumppad:
0x0: {  	(pc) =	sbr.rel $0x88, $3  }
0x1: {  	(tag) =	ssettag $0x0;
	lr =	simm.s32 $0x1  }
0x2: {  	[smem:$0x3F98] =	sst lr;
	_ =	strace $0xD0000000  }
0x3: {  	_ = 	snop  }
0x4: {  	_ = 	snop  }
0x5: {  	_ = 	snop  }
0x6: {  	_ = 	snop  }
0x7: {  	_ = 	snop  }
__scs_overlays_trampoline_lowered:
0x8: {  	[smem:$0x3FA7] =	sst s0  }
0x9: {  	[smem:$0x3FA8] =	sst s1  }
0xa: {  	[smem:$0x3FA9] =	sst s2  }
0xb: {  	[smem:$0x3FAA] =	sst s3  }
0xc: {  	[smem:$0x3FAB] =	sst s4  }
0xd: {  	[smem:$0x3FAC] =	sst s5  }
0xe: {  	[smem:$0x3FAD] =	sst s6  }
0xf: {  	[smem:$0x3FAE] =	sst s7  }
0x10: {  	[smem:$0x3FAF] =	sst s8  }
0x11: {  	[smem:$0x3FB0] =	sst s9;
	s0 =	simm.s32 @!p0 $0x0  }
0x12: {  	s1 =	sld [smem:$0x3F96];
	s0 =	simm.s32 @p0 $0x1  }
0x13: {  	[smem:$0x3FB1] =	sst s0;
	s0 =	simm.s32 @!p1 $0x0  }
0x14: {  	s2 =	sld [smem:$0x3F95];
	s0 =	simm.s32 @p1 $0x1  }
0x15: {  	[smem:$0x3FB2] =	sst s0;
	s0 =	simm.s32 @!p2 $0x0  }
0x16: {  	s3 =	sld [smem:$0x3FDB];
	s0 =	simm.s32 @p2 $0x1  }
0x17: {  	s4 =	simm.s32 $0x1BF5;
	[smem:$0x3FB4] =	sst s0  }
0x18: {  	s0 =	sld [smem:$0x3F97];
	_ =	swait.ge [sflag:s4], $0x0  }
0x19: {  	s7 =	sld [smem:$0x3F98]  }
0x1a: {  	s8 =	sadd.s32 $0xFFFFE003, lr  }
0x1b: {  	s9 =	sadd.s32 $0xFFFFFEF7, lr;
	s5 =	simm.s32 $0xFFFFFFFF;
	p2 =	slt.u32 s8, $0xFFFFF086  }
0x1c: {  	p1 =	slt.u32 s9, $0xF7A;
	s5 =	simm.s32 @!p2 $0x0  }
0x1d: {  	s5 =	simm.s32 @p1 $0x1;
	p0 =	seq.s32 s7, s2  }
0x1e: {  	s7 =	smul.u32 @!p0 $0xF7A, s2;
	p2 =	seq.s32 @!p0 s5, $0x0  }
0x1f: {  	s9 =	smul.u32 $0xF7A, s1;
	s8 =	simm.s32 @!p0 $0x1BF5;
	p2 =	por !p2, p0  }
0x20: {  	[sflag:s8] =	ssyncset.s32 @!p0 $0xFFFFF086;
	s6 =	sadd.s32 @!p0 s3, s7;
	s7 =	simm.s32 @!p0 $0x108  }
0x21: {  	s3 =	sadd.s32 s3, s9;
	s6 =	sadd.s32 @!p0 $0x88, s6;
	s7 =	simm.s32 @p2 $0x1082  }
0x22: {  	[simem:s7], [sflag:s8] =	dma.local @!p0 [hbm:s6], $0xF7A  }
0x23: {  	s9 =	sor.u32 $0xD0000000, s2;
	s6 =	simm.s32 $0x108;
	_ =	swait.ge @!p0 [sflag:s8], $0x0  }
0x24: {  	s3 =	sadd.s32 $0x88, s3;
	s6 =	simm.s32 @!p1 $0x1082;
	[sflag:s4] =	ssyncset.s32 $0xFFFFF086  }
0x25: {  	[simem:s6], [sflag:s4] =	dma.local [hbm:s3], $0xF7A  }
0x26: {  	[smem:$0x3F98] =	sst s1;
	(tag) =	ssettag s2;
	_ =	strace s9  }
0x27: {  	s1 =	sld [smem:$0x3FA8]  }
0x28: {  	s2 =	sld [smem:$0x3FA9]  }
0x29: {  	s4 =	sld [smem:$0x3FAB]  }
0x2a: {  	p0 =	seq.s32 s5, $0x0;
	s5 =	sld [smem:$0x3FAC]  }
0x2b: {  	s6 =	sld [smem:$0x3FAD]  }
0x2c: {  	s7 =	sld [smem:$0x3FAE]  }
0x2d: {  	s3 =	simm.s32 $0x108;
	s8 =	sld [smem:$0x3FAF]  }
0x2e: {  	s3 =	simm.s32 @!p0 $0x1082;
	s9 =	sld [smem:$0x3FB0]  }
0x2f: {  	lr =	sadd.s32 s0, s3;
	s0 =	sld [smem:$0x3FA7]  }
0x30: {  	s3 =	sld [smem:$0x3FAA]  }
0x31: {  	[smem:$0x3FB3] =	sst s10  }
0x32: {  	s10 =	sld [smem:$0x3FB1];
	_ =	sdelay $0x3  }
0x33: {  	p0 =	seq.s32 s10, $0x1;
	s10 =	sld [smem:$0x3FB3];
	_ =	sdelay $0x3  }
0x34: {  	[smem:$0x3FB3] =	sst s10  }
0x35: {  	s10 =	sld [smem:$0x3FB2];
	_ =	sdelay $0x3  }
0x36: {  	p1 =	seq.s32 s10, $0x1;
	s10 =	sld [smem:$0x3FB3];
	_ =	sdelay $0x3  }
0x37: {  	[smem:$0x3FB3] =	sst s10  }
0x38: {  	s10 =	sld [smem:$0x3FB4]  }
0x39: {  	_ = 	snop;
	(pc) =	sbr.ind lr, $3  }
0x3a: {  	_ = 	snop  }
0x3b: {  	_ = 	snop  }
0x3c: {  	p2 =	seq.s32 s10, $0x1;
	s10 =	sld [smem:$0x3FB3]  }
0x3d: {  	_ =	shalt  }
0x3e: {  	_ =	shalt  }
0x3f: {  	_ =	shalt  }
0x40: {  	_ =	shalt  }
0x41: {  	_ =	shalt  }
0x42: {  	_ =	shalt  }
0x43: {  	_ =	shalt  }
0x44: {  	_ =	shalt  }
0x45: {  	_ =	shalt  }
0x46: {  	_ =	shalt  }
0x47: {  	_ =	shalt  }
0x48: {  	_ =	shalt  }
0x49: {  	_ =	shalt  }
0x4a: {  	_ =	shalt  }
0x4b: {  	_ =	shalt  }
0x4c: {  	_ =	shalt  }
0x4d: {  	_ =	shalt  }
0x4e: {  	_ =	shalt  }
0x4f: {  	_ =	shalt  }
0x50: {  	_ =	shalt  }
0x51: {  	_ =	shalt  }
0x52: {  	_ =	shalt  }
0x53: {  	_ =	shalt  }
0x54: {  	_ =	shalt  }
0x55: {  	_ =	shalt  }
0x56: {  	_ =	shalt  }
0x57: {  	_ =	shalt  }
0x58: {  	_ =	shalt  }
0x59: {  	_ =	shalt  }
0x5a: {  	_ =	shalt  }
0x5b: {  	_ =	shalt  }
0x5c: {  	_ =	shalt  }
0x5d: {  	_ =	shalt  }
0x5e: {  	_ =	shalt  }
0x5f: {  	_ =	shalt  }
0x60: {  	_ =	shalt  }
0x61: {  	_ =	shalt  }
0x62: {  	_ =	shalt  }
0x63: {  	_ =	shalt  }
0x64: {  	_ =	shalt  }
0x65: {  	_ =	shalt  }
0x66: {  	_ =	shalt  }
0x67: {  	_ =	shalt  }
0x68: {  	_ =	shalt  }
0x69: {  	_ =	shalt  }
0x6a: {  	_ =	shalt  }
0x6b: {  	_ =	shalt  }
0x6c: {  	_ =	shalt  }
0x6d: {  	_ =	shalt  }
0x6e: {  	_ =	shalt  }
0x6f: {  	_ =	shalt  }
0x70: {  	_ =	shalt  }
0x71: {  	_ =	shalt  }
0x72: {  	_ =	shalt  }
0x73: {  	_ =	shalt  }
0x74: {  	_ =	shalt  }
0x75: {  	_ =	shalt  }
0x76: {  	_ =	shalt  }
0x77: {  	_ =	shalt  }
0x78: {  	_ =	shalt  }
0x79: {  	_ =	shalt  }
0x7a: {  	_ =	shalt  }
0x7b: {  	_ =	shalt  }
0x7c: {  	_ =	shalt  }
0x7d: {  	_ =	shalt  }
0x7e: {  	_ =	shalt  }
0x7f: {  	_ =	shalt  }
0x80: {  	_ =	shalt  }
0x81: {  	_ =	shalt  }
0x82: {  	_ =	shalt  }
0x83: {  	_ =	shalt  }
0x84: {  	_ =	shalt  }
0x85: {  	_ =	shalt  }
0x86: {  	_ =	shalt  }
0x87: {  	_ =	shalt  }
.Lfunc_end0:
.L_simem_size_0:
called_computation_lowered:
.L_overlay_start_0:
0x88: {  	s2 =	sld [smem:$0x3FD9]  }
0x89: {  	s3 =	sld [smem:$0x3FFE];
	_ =	sdelay $0x1  }
0x8a: {  	s1 =	srdreg.scid  }
0x8b: {  	s0 =	sand.u32 $0x1, s1  }
0x8c: {  	s16 =	sshll.u32 s0, $0xA;
	s2 =	sadd.s32 s3, s2  }
0x8d: {  	s2 =	sadd.s32 s2, s16  }
0x8e: {  	[smem:$0x3FBF] =	sst s2  }
0x8f: {  	_ = 	snop  }
0x90: {  	(tm) =	ssettm $0x1  }
0x91: {  	s17 =	sld [smem:$0x3FFB];
	_ =	sdelay $0x3  }
0x92: {  	_ =	strace s17  }
0x93: {  	s2 =	sld [smem:$0x3FFC];
	_ =	sdelay $0x3  }
0x94: {  	_ =	strace s2  }
0x95: {  	s2 =	sld [smem:$0x3FFD];
	_ =	sdelay $0x3  }
0x96: {  	_ =	strace s2  }
0x97: {  	_ =	strace $0x8FFFFFFF  }
0x98: {  	s18 =	sld [smem:$0x3FDB];
	_ =	sdelay $0x1  }
0x99: {  	s19 =	simm.s32 $_scs_section_size  }
0x9a: {  	s4 =	simm.s32 $_size__tile_overlayer_lowered;
	s5 =	simm.s32 $_tile_overlayer_lowered  }
0x9b: {  	s22 =	simm.s32 $0x1BFF;
	s21 =	sshll.u32 s5, $0x1;
	s2 =	sadd.s32 s19, s18  }
0x9c: {  	s6 =	simm.s32 $0x0;
	s20 =	sshll.u32 s4, $0x1;
	s4 =	sadd.s32 s21, s2  }
0x9d: {  	[timem:s6], [sflag:s22] =	dma.local [hbm:s4], s20  }
0x9e: {  	_ =	swait.ge [sflag:s22], s20  }
0x9f: {  	s3 =	ssub.s32 $0x0, s20;
	[sflag:s22] =	ssyncset.done $0x0  }
0xa0: {  	[sflag:s22] =	ssyncadd.s32 s3;
	_ =	sdelay $0x1  }
0xa1: {  	s23 =	simm.s32 $0x1B8B  }
0xa2: {  	_ =	swait.ge [sflag:s23], $0x1  }
0xa3: {  	[sflag:s23] =	ssyncset.done $0x0  }
0xa4: {  	s25 =	simm.s32 $0x1B8E;
	s24 =	sld [smem:$0x3FFE];
	[sflag:s23] =	ssyncadd.s32 $0xFFFFFFFF  }
0xa5: {  	s26 =	simm.s32 $execute0_lowered;
	[smem:$0x3FD2] =	sst s25  }
0xa6: {  	s4 =	sshll.u32 s26, $0x1;
	_ =	strace $0x80000046;
	[dreg:$0x1] =	wrdreg $0xFFFFFFFF  }
0xa7: {  	s28 =	simm.s32 $_size_execute0_lowered;
	s2 =	sadd.s32 s2, s4;
	[dreg:$0x0] =	wrdreg $0x0  }
0xa8: {  	s4 =	sshll.u32 s28, $0x1;
	[dreg:$0x2] =	wrdreg s2  }
0xa9: {  	[dreg:$0x3] =	wrdreg s4  }
0xaa: {  	[dreg:$0x4] =	wrdreg $0xC0  }
0xab: {  	_ =	task [dreg:s6], $0x5FFFF  }
0xac: {  	[dreg:$0x1] =	wrdreg $0xFFFFFFFF  }
0xad: {  	[dreg:$0x0] =	wrdreg $0x60  }
0xae: {  	[dreg:$0x2] =	wrdreg s24  }
0xaf: {  	[dreg:$0x3] =	wrdreg $0x30000  }
0xb0: {  	[dreg:$0x4] =	wrdreg $0x9  }
0xb1: {  	_ =	task.clear_ibuf [dreg:s6], $0x5FFFF;
	_ =	strace $0x90000046  }
0xb2: {  	s29 =	simm.s32 $0x9;
	_ =	strace $0x80000048  }
0xb3: {  	_ =	swait.ge [sflag:s29], $0x1  }
0xb4: {  	[sflag:s29] =	ssyncadd.s32 $0xFFFFFFFF  }
0xb5: {  	_ =	strace $0x90000048  }
0xb6: {  	_ =	sfence  }
0xb7: {  	s30 =	sld [smem:$0x0];
	_ =	sdelay $0x2  }
0xb8: {  	s31 =	sshll.u32 s1, $0xD;
	s1 =	sshrl.u32 s1, $0x2  }
0xb9: {  	s3 =	sand.u32 $0x4000, s31;
	s1 =	sadd.s32 s1, s30  }
0xba: {  	s0 =	sor.u32 s3, s0;
	s1 =	sshll.u32 s1, $0x11  }
0xbb: {  	s0 =	sor.u32 s1, s0  }
0xbc: {  	s0 =	sadd.s32 $0x8F2B, s0  }
0xbd: {  	[sflag:s0] =	ssyncadd.remote.s32 $0x1  }
0xbe: {  	_ =	sfence.sel $0xFFFF  }
0xbf: {  	[dreg:$0x0] =	wrdreg $0xFFFFFFFF;
	(pc) =	sbr.abs _section_cstart, $3  }
0xc0: {  	[dreg:$0x1] =	wrdreg $0xFFFFFFFF  }
0xc1: {  	_ =	task.clear_ibuf [dreg:s6], $0x2FFFF;
	_ =	strace $0x9FFFFFFF  }
0xc2: {  	(tm) =	ssettm $0x7FFFFFFF  }
0xc3: {  	_ =	shalt  }
tec
execute0_lowered:
.L_overlay_start_1:
0x0: {  	(tag) =	ssettag $0x1  }
0x1: {  	s7 =	rddreg [dreg:$0x0]  }
0x2: {  	s2 =	rddreg [dreg:$0x1]  }
0x3: {  	s0 =	rddreg [dreg:$0x2];
	s3 =	simm.s32 $0x0;
	s1 =	stileid.u32  }
0x4: {  	s4 =	srdreg.scid;
	s13 =	simm.s32 $0x80;
	s14 =	simm.s32 $0x1  }
0x5: {  	s15 =	simm.s32 $0x0;
	[smem:$0x7FF] =	sst s3;
	s5 =	smul.u32 $0x2780, s1  }
0x6: {  	s6 =	sand.u32 $0x1, s4;
	s4 =	sadd.s32 $0x1BA00, s7;
	s31 =	sshll.u32 s1, $0x6  }
0x7: {  	_ =	strace $0x80000047;
	s8 =	smul.u32 $0x27800, s6;
	s10 =	sshll.u32 s6, $0x4  }
0x8: {  	s6 =	ssub.s32 $0x2, s6;
	s9 =	sshrl.u32 s5, $0x3;
	s10 =	sor.u32 s1, s10  }
0x9: {  	s11 =	sshrl.u32 s6, $0x1;
	s12 =	sadd.s32 s5, s2;
	s8 =	sadd.s32 s5, s8  }
0xa: {  	s10 =	smul.u32 $0x2710, s10;
	s9 =	sadd.s32 s9, s7;
	s11 =	ssub.s32 s6, s11  }
0xb: {  	v6 =	vlaneseq.u32;
	s6 =	sor.u32 $0x1C02, s31;
	s8 =	sshrl.u32 s8, $0x3;
	s5 =	sadd.s32 $0x16A00, s9  }
0xc: {  	v0 =	vor.u32 $0x2710, v6;
	s9 =	smax.u32 s11, $0x1;
	s8 =	sadd.s32 s8, s7;
	s10 =	sshrl.u32 s10, $0x3  }
0xd: {  	v1 =	vor.u32 $0x2720, v6;
	v2 =	vor.u32 $0x2730, v6;
	v3 =	vor.u32 $0x2740, v6;
	s11 =	simm.s32 $0x2;
	s7 =	sadd.s32 s7, s10;
	s8 =	sadd.s32 $0x1BC00, s8  }
0xe: {  	v4 =	vor.u32 $0x2750, v6;
	v5 =	vor.u32 $0x2760, v6;
	v6 =	vor.u32 $0x2770, v6;
	s10 =	sshrl.u32 s12, $0x3;
	s12 =	simm.s32 $0x800;
	s7 =	sadd.s32 $0xCC40, s7  }
.LBB2_1:
0xf: {  	[spmem:s10], [sflag:s6] =	dma.local [hbm:s5], $0x4F0  }
0x10: {  	_ =	swait.ge [sflag:s11], $0x4F0  }
0x11: {  	[sflag:s11] =	ssyncset.done $0x0  }
0x12: {  	[sflag:s11] =	ssyncadd.s32 $0xFFFFFB10  }
0x13: {  	[tilespmem:s3], [sflag:$0x2] =	stream.linear.gather [hbm4b:s4+s3], $0x800, $0x38;
	[tilespmem:$0x5780] =	vst v63  }
0x14: {  	_ =	swait.ge [sflag:s11], $0x800  }
0x15: {  	[sflag:s11] =	ssyncset.done $0x0  }
0x16: {  	[sflag:s11] =	ssyncadd.s32 $0xFFFFF800  }
0x17: {  	[tilespmem:s12], [sflag:$0x2] =	stream.linear.gather [hbm4b:s7+s3], $0x2710, $0x38;
	[tilespmem:$0x5780] =	vst v63  }
0x18: {  	_ =	swait.ge [sflag:s11], $0x2710  }
0x19: {  	[sflag:s11] =	ssyncset.done $0x0  }
0x1a: {  	[sflag:s11] =	ssyncadd.s32 $0xFFFFD8F0  }
0x1b: {  	[tilespmem:$0x2F10] =	vst v0  }
0x1c: {  	[tilespmem:$0x2F20] =	vst v1  }
0x1d: {  	[tilespmem:$0x2F30] =	vst v2  }
0x1e: {  	[tilespmem:$0x2F40] =	vst v3  }
0x1f: {  	[tilespmem:$0x2F50] =	vst v4  }
0x20: {  	[tilespmem:$0x2F60] =	vst v5  }
0x21: {  	[tilespmem:$0x2F70] =	vst v6  }
0x22: {  	[tilespmem:$0x2F80] =	vst v0  }
0x23: {  	[tilespmem:$0x2F90] =	vst v1  }
0x24: {  	[tilespmem:$0x2FA0] =	vst v2  }
0x25: {  	[tilespmem:$0x2FB0] =	vst v3  }
0x26: {  	[tilespmem:$0x2FC0] =	vst v4  }
0x27: {  	[tilespmem:$0x2FD0] =	vst v5  }
0x28: {  	[tilespmem:$0x2FE0] =	vst v6  }
0x29: {  	[tilespmem:$0x2FF0] =	vst v0  }
0x2a: {  	s16 =	simm.s32 $0x0;
	[bflag:$0x0] =	sbarrier.arrive $0xFFFF  }
.LBB2_2:
0x2b: {  	p0 =	sne.s32 s16, $0x9E00  }
.Ltmp0:
0x2c: {  	_ = 	snop;
	(pc) =	sbr.rel @p0 .LBB2_2-.Ltmp0, $4  }
0x2d: {  	_ = 	snop  }
0x2e: {  	s17 =	sshra.s32 s16, $0x2  }
0x2f: {  	s16 =	sadd.s32 $0x200, s16;
	s17 =	sadd.s32 $0x800, s17  }
0x30: {  	[spmem:s2] =	stream.indirect.scatter.add.f32 [tilespmem:s3], [sflag:$0x1], $0x10, s17, s13, $0xb8;
	[tilespmem:$0x5780] =	vst v63  }
0x31: {  	_ =	swait.ge [sflag:s14], $0x800  }
0x32: {  	s16 =	simm.s32 $0x4F;
	[sflag:s14] =	ssyncset.done $0x0  }
.LBB2_4:
0x33: {  	p0 =	sne.s32 s16, $0x1;
	s16 =	sadd.s32 $0xFFFFFFFF, s16;
	[sflag:s14] =	ssyncadd.s32 $0xFFFFF800  }
.Ltmp1:
0x34: {  	(pc) =	sbr.rel @p0 .LBB2_4-.Ltmp1, $3  }
0x35: {  	_ =	sdelay $0x1  }
0x36: {  	_ =	swait.ge [sflag:s14], $0x800  }
0x37: {  	[sflag:s14] =	ssyncset.done $0x0  }
0x38: {  	s15 =	sadd.s32 $0x1, s15  }
0x39: {  	[sflag:s14] =	ssyncadd.s32 $0xFFFFF800;
	p0 =	sne.s32 s15, s9  }
.Ltmp2:
0x3a: {  	[bflag:$0x0] =	sbarrier.arrive $0xFFFF;
	(pc) =	sbr.rel @p0 .LBB2_1-.Ltmp2, $4  }
0x3b: {  	[hbm:s8], [sflag:s6] =	dma.local [spmem:s10], $0x4F0  }
0x3c: {  	_ =	swait.ge [sflag:s11], $0x4F0  }
0x3d: {  	[sflag:s11] =	ssyncset.done $0x0  }
0x3e: {  	[sflag:s11] =	ssyncadd.s32 $0xFFFFFB10  }
0x3f: {  	_ =	sfence.sel $0x180000  }
0x40: {  	[bflag:$0x0] =	sbarrier.arrive $0xFFFF  }
0x41: {  	p0 =	sne.s32 s1, $0x0;
	_ =	strace $0x90000047  }
0x42: {  	s0 =	sadd.s32 @!p0 $0x100000, s0;
	[bflag:$0x2] =	sbarrier.arrive $0xFFFF  }
0x43: {  	[sflag:s0] =	ssyncadd.tile.s32 @!p0 $0x1;
	_ =	shalt  }
.Lfunc_end2:
_tile_overlayer_lowered:
.L_overlay_start_2:
0x44: {  	(tag) =	ssettag $0x2  }
0x45: {  	s0 =	rddreg [dreg:$0x0];
	s2 =	stileid.u32  }
0x46: {  	s1 =	rddreg [dreg:$0x1];
	p0 =	sne.s32 s2, $0x0  }
0x47: {  	s3 =	rddreg [dreg:$0x2];
	[bflag:$0x3] =	sbarrier.arrive $0xFFFF;
	s2 =	simm.s32 @!p0 $0x1C02  }
0x48: {  	[timem:s3], [sflag:s2] =	dma.local @!p0 [hbm:s0], s1  }
0x49: {  	s0 =	simm.s32 @!p0 $0x2  }
0x4a: {  	_ =	swait.ge @!p0 [sflag:s0], s1  }
0x4b: {  	s1 =	ssub.s32 @!p0 $0x0, s1;
	[sflag:s0] =	ssyncset.done @!p0 $0x0  }
0x4c: {  	[sflag:s0] =	ssyncadd.s32 @!p0 s1  }
0x4d: {  	[bflag:$0x3] =	sbarrier.arrive $0xFFFF  }
0x4e: {  	_ =	shalt  }

</sc_bundles>
